<compile_context>
chip_gen: v7x
topology: tpu7x:2x2x1
jax: 0.10.2.dev20260603
libtpu: 0.0.44.dev20260713+nightly
codegen_flags: <defaults>
</compile_context>

<pallas_src>
import functools

import jax
import jax.numpy as jnp
from jax import lax
from jax.experimental import pallas as pl
from jax.experimental.pallas import tpu as pltpu
from jax.experimental.pallas import tpu_sc as plsc

D = 32
L = 16
TILE_C = 128
WAVE = 16


@functools.lru_cache(maxsize=None)
def _build_sc_kernel(b: int, nc: int, ns: int):
    nw = nc * ns
    b_per_w = b // nw
    n_waves = b_per_w // WAVE
    gi = b_per_w // TILE_C
    mesh = plsc.VectorSubcoreMesh(core_axis_name="c", subcore_axis_name="s")

    @functools.partial(
        pl.kernel,
        mesh=mesh,
        out_type=jax.ShapeDtypeStruct((nw, 8, TILE_C), jnp.float32),
        compiler_params=pltpu.CompilerParams(needs_layout_passes=False,
                                             use_tc_tiling_on_sc=True),
        scratch_types=[
            pltpu.VMEM((8, TILE_C), jnp.float32),
            pltpu.VMEM((2 * gi, TILE_C), jnp.int32),
            pltpu.VMEM((WAVE, D, TILE_C), jnp.float32),
            pltpu.VMEM((D, L), jnp.float32),
            pltpu.VMEM((D, L), jnp.float32),
            pltpu.VMEM((8, TILE_C), jnp.float32),
            pltpu.SemaphoreType.DMA,
        ],
    )
    def sc_kernel(idx_hbm, sppmi_hbm, items_t_hbm, ctxs_t_hbm, out_hbm,
                  sppmi_v, idx_v, buf_v, iblk_v, cblk_v, res_v, sem_a):
        wid = lax.axis_index("s") * nc + lax.axis_index("c")
        pltpu.sync_copy(idx_hbm.at[wid], idx_v)
        pltpu.sync_copy(sppmi_hbm.at[wid], sppmi_v)

        lane = lax.iota(jnp.int32, L)
        dv0 = lane
        dv1 = lane + L

        def extract(slot, l_col, blk, i16):
            slot_v = jnp.full((L,), slot, jnp.int32)
            l_v = jnp.full((L,), l_col, jnp.int32)
            i_v = jnp.full((L,), i16, jnp.int32)
            v0 = plsc.load_gather(buf_v, [slot_v, dv0, l_v])
            v1 = plsc.load_gather(buf_v, [slot_v, dv1, l_v])
            plsc.store_scatter(blk, [dv0, i_v], v0)
            plsc.store_scatter(blk, [dv1, i_v], v1)

        def fetch_extract(table_hbm, jvec, blk):
            copies = []
            for u in range(WAVE):
                cj = pl.multiple_of((jvec[u] // TILE_C) * TILE_C, TILE_C)
                copies.append(pltpu.async_copy(
                    table_hbm.at[:, pl.ds(cj, TILE_C)], buf_v.at[u], sem_a))
            for cp in copies:
                cp.wait()
            for u in range(WAVE):
                extract(u, jvec[u] % TILE_C, blk, u)

        def wave_body(w, acc):
            g = w // (TILE_C // WAVE)
            k = (w * WAVE) % TILE_C
            jvec_i = idx_v[g, pl.ds(k, L)]
            jvec_c = idx_v[gi + g, pl.ds(k, L)]
            fetch_extract(items_t_hbm, jvec_i, iblk_v)
            fetch_extract(ctxs_t_hbm, jvec_c, cblk_v)

            pred = jnp.zeros((L,), jnp.float32)
            for d in range(D):
                pred = pred + iblk_v[d, :] * cblk_v[d, :]
            s = sppmi_v[g, pl.ds(k, L)]
            diff = s - pred
            res_v[0, pl.ds(0, L)] = res_v[0, pl.ds(0, L)] + diff * diff
            return acc

        for k in range(8):
            for m in range(TILE_C // L):
                res_v[k, pl.ds(m * L, L)] = jnp.zeros((L,), jnp.float32)
        lax.fori_loop(0, n_waves, wave_body, 0)
        pltpu.sync_copy(res_v, out_hbm.at[wid])

    return sc_kernel


def kernel(user_id, item_id, rating, users, items, contexts):
    del users
    b = user_id.shape[0]
    info = plsc.get_sparse_core_info()
    nc, ns = info.num_cores, info.num_subcores
    nw = nc * ns
    bw = b // nw
    gi = bw // TILE_C
    item_idx = user_id.astype(jnp.int32).reshape(nw, gi, TILE_C)
    ctx_idx = item_id.astype(jnp.int32).reshape(nw, gi, TILE_C)
    idx = jnp.concatenate([item_idx, ctx_idx], axis=1)
    sppmi = jnp.pad(rating.astype(jnp.float32).reshape(nw, gi, TILE_C),
                    ((0, 0), (0, 8 - gi), (0, 0)))
    partial = _build_sc_kernel(b, nc, ns)(idx, sppmi, items.T, contexts.T)
    return jnp.sum(partial) / b

# --- scband reference (transcript-rebuilt; emitter-appended) ---
"""Pipeline reference for scband-joint-mf-90177133347674 (READ-ONLY COPY).

The authoritative reference and input builder live on the scoring server;
editing this copy changes nothing except your own understanding.
"""

import jax, jax.numpy as jnp
import numpy as np

USER_COUNT = 1000000
ITEM_COUNT = 1000000
D = 32
B = 16384

def setup_inputs(seed: int = 0) -> dict:
    key = jax.random.key(seed)
    k1, k2, k3, k4, k5, k6 = jax.random.split(key, 6)
    user_id = jax.random.randint(k1, (B,), 0, USER_COUNT)
    item_id = jax.random.randint(k2, (B,), 0, ITEM_COUNT)
    rating = jax.random.normal(k3, (B,), dtype=jnp.float32)
    users = jax.random.normal(k4, (USER_COUNT, D), dtype=jnp.float32) * 0.01
    items = jax.random.normal(k5, (ITEM_COUNT, D), dtype=jnp.float32) * 0.01
    contexts = jax.random.normal(k6, (ITEM_COUNT, D), dtype=jnp.float32) * 0.01
    return {"user_id": user_id, "item_id": item_id, "rating": rating,
            "users": users, "items": items, "contexts": contexts}

def reference(user_id, item_id, rating, users, items, contexts):
    # Default branch: is_rating=False, so the args are reinterpreted as
    # (item_id, context_id, sppmi) and the items/contexts tables are used.
    item_idx = user_id
    context_idx = item_id
    sppmi = rating
    predictions = jnp.sum(jnp.take(items, item_idx, axis=0) * jnp.take(contexts, context_idx, axis=0), axis=1)
    # nn.MSELoss()(sppmi, predictions) == mean((sppmi - predictions)**2)
    return jnp.mean((sppmi - predictions) ** 2)

if __name__ == "__main__":
    import jax
    _d = setup_inputs()
    print(jax.jit(kernel)(*tuple(_d.values())))

</pallas_src>

<mosaic_0001>
#map = affine_map<(d0, d1) -> (0, 0, 0)>
#map1 = affine_map<(d0, d1) -> (0, 0)>
module attributes {stable_mosaic.version = 14 : i64} {
  func.func @sc_kernel(%arg0: i32, %arg1: i32, %arg2: memref<32x8x128xi32, #tpu.memory_space<hbm>>, %arg3: memref<32x8x128xf32, #tpu.memory_space<hbm>>, %arg4: memref<32x1000000xf32, #tpu.memory_space<hbm>>, %arg5: memref<32x1000000xf32, #tpu.memory_space<hbm>>, %arg6: memref<32x8x128xf32, #tpu.memory_space<hbm>>, %arg7: memref<8x128xf32, #tpu.memory_space<vmem>>, %arg8: memref<8x128xi32, #tpu.memory_space<vmem>>, %arg9: memref<16x32x128xf32, #tpu.memory_space<vmem>>, %arg10: memref<32x16xf32, #tpu.memory_space<vmem>>, %arg11: memref<32x16xf32, #tpu.memory_space<vmem>>, %arg12: memref<8x128xf32, #tpu.memory_space<vmem>>, %arg13: memref<!tpu.dma_semaphore, #tpu.memory_space<semaphore_mem>>) attributes {dimension_semantics = [#tpu.dimension_semantics<core_parallel>, #tpu.dimension_semantics<subcore_parallel>], iteration_bounds = array<i64: 2, 16>, scalar_prefetch = 0 : i64, scratch_operands = 7 : i64, tpu.core_type = #tpu.core_type<sc_vector_subcore>, window_params = [{transform_indices = #map}, {transform_indices = #map}, {transform_indices = #map1}, {transform_indices = #map1}, {transform_indices = #map}]} {
    %mul3A = arith.constant 2 : i32
    %mul3A_0 = arith.muli %arg1, %mul3A : i32
    %add3A = arith.addi %mul3A_0, %arg0 : i32
    "tpu.region"() ({
      %run_scoped3A = tpu.sem_alloc : memref<!tpu.dma_semaphore, #tpu.memory_space<semaphore_mem>>
      %dma_start3A = arith.constant 0 : i32
      %dma_start3A_391 = arith.constant 0 : i32
      %dma_start3A_392 = tpu.memref_slice %arg2[%add3A, %dma_start3A, %dma_start3A_391] : memref<32x8x128xi32, #tpu.memory_space<hbm>> -> memref<1x8x128xi32, #tpu.memory_space<hbm>>
      %dma_start3A_393 = tpu.memref_squeeze %dma_start3A_392 : memref<1x8x128xi32, #tpu.memory_space<hbm>> -> memref<8x128xi32, #tpu.memory_space<hbm>>
      %dma_start3A_394 = arith.constant 0 : i32
      %dma_start3A_395 = arith.constant 0 : i32
      %dma_start3A_396 = tpu.memref_slice %arg2[%add3A, %dma_start3A_394, %dma_start3A_395] : memref<32x8x128xi32, #tpu.memory_space<hbm>> -> memref<1x8x128xi32, #tpu.memory_space<hbm>>
      %dma_start3A_397 = tpu.memref_squeeze %dma_start3A_396 : memref<1x8x128xi32, #tpu.memory_space<hbm>> -> memref<8x128xi32, #tpu.memory_space<hbm>>
      tpu.enqueue_dma source(%dma_start3A_397 : memref<8x128xi32, #tpu.memory_space<hbm>>) target(%arg8 : memref<8x128xi32, #tpu.memory_space<vmem>>) target_semaphore(%run_scoped3A : memref<!tpu.dma_semaphore, #tpu.memory_space<semaphore_mem>>)
      %dma_wait3A = arith.constant 0 : i32
      %dma_wait3A_398 = arith.constant 0 : i32
      %dma_wait3A_399 = tpu.memref_slice %arg2[%add3A, %dma_wait3A, %dma_wait3A_398] : memref<32x8x128xi32, #tpu.memory_space<hbm>> -> memref<1x8x128xi32, #tpu.memory_space<hbm>>
      %dma_wait3A_400 = tpu.memref_squeeze %dma_wait3A_399 : memref<1x8x128xi32, #tpu.memory_space<hbm>> -> memref<8x128xi32, #tpu.memory_space<hbm>>
      %dma_wait3A_401 = arith.constant 0 : i32
      %dma_wait3A_402 = arith.constant 0 : i32
      %dma_wait3A_403 = tpu.memref_slice %arg2[%add3A, %dma_wait3A_401, %dma_wait3A_402] : memref<32x8x128xi32, #tpu.memory_space<hbm>> -> memref<1x8x128xi32, #tpu.memory_space<hbm>>
      %dma_wait3A_404 = tpu.memref_squeeze %dma_wait3A_403 : memref<1x8x128xi32, #tpu.memory_space<hbm>> -> memref<8x128xi32, #tpu.memory_space<hbm>>
      tpu.wait_dma2 semaphore(%run_scoped3A : memref<!tpu.dma_semaphore, #tpu.memory_space<semaphore_mem>>) src(%dma_wait3A_404 : memref<8x128xi32, #tpu.memory_space<hbm>>) dst(%arg8 : memref<8x128xi32, #tpu.memory_space<vmem>>)
      tpu.yield
    }) : () -> ()
    "tpu.region"() ({
      %run_scoped3A = tpu.sem_alloc : memref<!tpu.dma_semaphore, #tpu.memory_space<semaphore_mem>>
      %dma_start3A = arith.constant 0 : i32
      %dma_start3A_391 = arith.constant 0 : i32
      %dma_start3A_392 = tpu.memref_slice %arg3[%add3A, %dma_start3A, %dma_start3A_391] : memref<32x8x128xf32, #tpu.memory_space<hbm>> -> memref<1x8x128xf32, #tpu.memory_space<hbm>>
      %dma_start3A_393 = tpu.memref_squeeze %dma_start3A_392 : memref<1x8x128xf32, #tpu.memory_space<hbm>> -> memref<8x128xf32, #tpu.memory_space<hbm>>
      %dma_start3A_394 = arith.constant 0 : i32
      %dma_start3A_395 = arith.constant 0 : i32
      %dma_start3A_396 = tpu.memref_slice %arg3[%add3A, %dma_start3A_394, %dma_start3A_395] : memref<32x8x128xf32, #tpu.memory_space<hbm>> -> memref<1x8x128xf32, #tpu.memory_space<hbm>>
      %dma_start3A_397 = tpu.memref_squeeze %dma_start3A_396 : memref<1x8x128xf32, #tpu.memory_space<hbm>> -> memref<8x128xf32, #tpu.memory_space<hbm>>
      tpu.enqueue_dma source(%dma_start3A_397 : memref<8x128xf32, #tpu.memory_space<hbm>>) target(%arg7 : memref<8x128xf32, #tpu.memory_space<vmem>>) target_semaphore(%run_scoped3A : memref<!tpu.dma_semaphore, #tpu.memory_space<semaphore_mem>>)
      %dma_wait3A = arith.constant 0 : i32
      %dma_wait3A_398 = arith.constant 0 : i32
      %dma_wait3A_399 = tpu.memref_slice %arg3[%add3A, %dma_wait3A, %dma_wait3A_398] : memref<32x8x128xf32, #tpu.memory_space<hbm>> -> memref<1x8x128xf32, #tpu.memory_space<hbm>>
      %dma_wait3A_400 = tpu.memref_squeeze %dma_wait3A_399 : memref<1x8x128xf32, #tpu.memory_space<hbm>> -> memref<8x128xf32, #tpu.memory_space<hbm>>
      %dma_wait3A_401 = arith.constant 0 : i32
      %dma_wait3A_402 = arith.constant 0 : i32
      %dma_wait3A_403 = tpu.memref_slice %arg3[%add3A, %dma_wait3A_401, %dma_wait3A_402] : memref<32x8x128xf32, #tpu.memory_space<hbm>> -> memref<1x8x128xf32, #tpu.memory_space<hbm>>
      %dma_wait3A_404 = tpu.memref_squeeze %dma_wait3A_403 : memref<1x8x128xf32, #tpu.memory_space<hbm>> -> memref<8x128xf32, #tpu.memory_space<hbm>>
      tpu.wait_dma2 semaphore(%run_scoped3A : memref<!tpu.dma_semaphore, #tpu.memory_space<semaphore_mem>>) src(%dma_wait3A_404 : memref<8x128xf32, #tpu.memory_space<hbm>>) dst(%arg7 : memref<8x128xf32, #tpu.memory_space<vmem>>)
      tpu.yield
    }) : () -> ()
    %iota3A = tpu.iota {dimensions = array<i32: 0>} : vector<16xi32>
    %add3A_1 = arith.constant 16 : i32
    %add3A_2 = vector.broadcast %add3A_1 : i32 to vector<16xi32>
    %add3A_3 = arith.addi %iota3A, %add3A_2 : vector<16xi32>
    %broadcast_in_dim3A = arith.constant 0.000000e+00 : f32
    %broadcast_in_dim3A_4 = vector.broadcast %broadcast_in_dim3A : f32 to vector<16xf32>
    %swap3A = arith.constant 0 : i32
    %swap3A_5 = arith.index_cast %swap3A : i32 to index
    %swap3A_6 = arith.constant 0 : index
    %swap3A_7 = tpu.vector_load %arg12[%swap3A_5, %swap3A_6] {strides = array<i32>} : memref<8x128xf32, #tpu.memory_space<vmem>>, vector<16xf32>,
    tpu.vector_store %arg12[%swap3A_5, %swap3A_6], %broadcast_in_dim3A_4 {strides = array<i32>} : memref<8x128xf32, #tpu.memory_space<vmem>>, vector<16xf32>,
    %broadcast_in_dim3A_8 = arith.constant 0.000000e+00 : f32
    %broadcast_in_dim3A_9 = vector.broadcast %broadcast_in_dim3A_8 : f32 to vector<16xf32>
    %swap3A_10 = arith.constant 0 : i32
    %swap3A_11 = arith.index_cast %swap3A_10 : i32 to index
    %swap3A_12 = arith.constant 16 : index
    %swap3A_13 = tpu.vector_load %arg12[%swap3A_11, %swap3A_12] {strides = array<i32>} : memref<8x128xf32, #tpu.memory_space<vmem>>, vector<16xf32>,
    tpu.vector_store %arg12[%swap3A_11, %swap3A_12], %broadcast_in_dim3A_9 {strides = array<i32>} : memref<8x128xf32, #tpu.memory_space<vmem>>, vector<16xf32>,
    %broadcast_in_dim3A_14 = arith.constant 0.000000e+00 : f32
    %broadcast_in_dim3A_15 = vector.broadcast %broadcast_in_dim3A_14 : f32 to vector<16xf32>
    %swap3A_16 = arith.constant 0 : i32
    %swap3A_17 = arith.index_cast %swap3A_16 : i32 to index
    %swap3A_18 = arith.constant 32 : index
    %swap3A_19 = tpu.vector_load %arg12[%swap3A_17, %swap3A_18] {strides = array<i32>} : memref<8x128xf32, #tpu.memory_space<vmem>>, vector<16xf32>,
    tpu.vector_store %arg12[%swap3A_17, %swap3A_18], %broadcast_in_dim3A_15 {strides = array<i32>} : memref<8x128xf32, #tpu.memory_space<vmem>>, vector<16xf32>,
    %broadcast_in_dim3A_20 = arith.constant 0.000000e+00 : f32
    %broadcast_in_dim3A_21 = vector.broadcast %broadcast_in_dim3A_20 : f32 to vector<16xf32>
    %swap3A_22 = arith.constant 0 : i32
    %swap3A_23 = arith.index_cast %swap3A_22 : i32 to index
    %swap3A_24 = arith.constant 48 : index
    %swap3A_25 = tpu.vector_load %arg12[%swap3A_23, %swap3A_24] {strides = array<i32>} : memref<8x128xf32, #tpu.memory_space<vmem>>, vector<16xf32>,
    tpu.vector_store %arg12[%swap3A_23, %swap3A_24], %broadcast_in_dim3A_21 {strides = array<i32>} : memref<8x128xf32, #tpu.memory_space<vmem>>, vector<16xf32>,
    %broadcast_in_dim3A_26 = arith.constant 0.000000e+00 : f32
    %broadcast_in_dim3A_27 = vector.broadcast %broadcast_in_dim3A_26 : f32 to vector<16xf32>
    %swap3A_28 = arith.constant 0 : i32
    %swap3A_29 = arith.index_cast %swap3A_28 : i32 to index
    %swap3A_30 = arith.constant 64 : index
    %swap3A_31 = tpu.vector_load %arg12[%swap3A_29, %swap3A_30] {strides = array<i32>} : memref<8x128xf32, #tpu.memory_space<vmem>>, vector<16xf32>,
    tpu.vector_store %arg12[%swap3A_29, %swap3A_30], %broadcast_in_dim3A_27 {strides = array<i32>} : memref<8x128xf32, #tpu.memory_space<vmem>>, vector<16xf32>,
    %broadcast_in_dim3A_32 = arith.constant 0.000000e+00 : f32
    %broadcast_in_dim3A_33 = vector.broadcast %broadcast_in_dim3A_32 : f32 to vector<16xf32>
    %swap3A_34 = arith.constant 0 : i32
    %swap3A_35 = arith.index_cast %swap3A_34 : i32 to index
    %swap3A_36 = arith.constant 80 : index
    %swap3A_37 = tpu.vector_load %arg12[%swap3A_35, %swap3A_36] {strides = array<i32>} : memref<8x128xf32, #tpu.memory_space<vmem>>, vector<16xf32>,
    tpu.vector_store %arg12[%swap3A_35, %swap3A_36], %broadcast_in_dim3A_33 {strides = array<i32>} : memref<8x128xf32, #tpu.memory_space<vmem>>, vector<16xf32>,
    %broadcast_in_dim3A_38 = arith.constant 0.000000e+00 : f32
    %broadcast_in_dim3A_39 = vector.broadcast %broadcast_in_dim3A_38 : f32 to vector<16xf32>
    %swap3A_40 = arith.constant 0 : i32
    %swap3A_41 = arith.index_cast %swap3A_40 : i32 to index
    %swap3A_42 = arith.constant 96 : index
    %swap3A_43 = tpu.vector_load %arg12[%swap3A_41, %swap3A_42] {strides = array<i32>} : memref<8x128xf32, #tpu.memory_space<vmem>>, vector<16xf32>,
    tpu.vector_store %arg12[%swap3A_41, %swap3A_42], %broadcast_in_dim3A_39 {strides = array<i32>} : memref<8x128xf32, #tpu.memory_space<vmem>>, vector<16xf32>,
    %broadcast_in_dim3A_44 = arith.constant 0.000000e+00 : f32
    %broadcast_in_dim3A_45 = vector.broadcast %broadcast_in_dim3A_44 : f32 to vector<16xf32>
    %swap3A_46 = arith.constant 0 : i32
    %swap3A_47 = arith.index_cast %swap3A_46 : i32 to index
    %swap3A_48 = arith.constant 112 : index
    %swap3A_49 = tpu.vector_load %arg12[%swap3A_47, %swap3A_48] {strides = array<i32>} : memref<8x128xf32, #tpu.memory_space<vmem>>, vector<16xf32>,
    tpu.vector_store %arg12[%swap3A_47, %swap3A_48], %broadcast_in_dim3A_45 {strides = array<i32>} : memref<8x128xf32, #tpu.memory_space<vmem>>, vector<16xf32>,
    %broadcast_in_dim3A_50 = arith.constant 0.000000e+00 : f32
    %broadcast_in_dim3A_51 = vector.broadcast %broadcast_in_dim3A_50 : f32 to vector<16xf32>
    %swap3A_52 = arith.constant 1 : i32
    %swap3A_53 = arith.index_cast %swap3A_52 : i32 to index
    %swap3A_54 = arith.constant 0 : index
    %swap3A_55 = tpu.vector_load %arg12[%swap3A_53, %swap3A_54] {strides = array<i32>} : memref<8x128xf32, #tpu.memory_space<vmem>>, vector<16xf32>,
    tpu.vector_store %arg12[%swap3A_53, %swap3A_54], %broadcast_in_dim3A_51 {strides = array<i32>} : memref<8x128xf32, #tpu.memory_space<vmem>>, vector<16xf32>,
    %broadcast_in_dim3A_56 = arith.constant 0.000000e+00 : f32
    %broadcast_in_dim3A_57 = vector.broadcast %broadcast_in_dim3A_56 : f32 to vector<16xf32>
    %swap3A_58 = arith.constant 1 : i32
    %swap3A_59 = arith.index_cast %swap3A_58 : i32 to index
    %swap3A_60 = arith.constant 16 : index
    %swap3A_61 = tpu.vector_load %arg12[%swap3A_59, %swap3A_60] {strides = array<i32>} : memref<8x128xf32, #tpu.memory_space<vmem>>, vector<16xf32>,
    tpu.vector_store %arg12[%swap3A_59, %swap3A_60], %broadcast_in_dim3A_57 {strides = array<i32>} : memref<8x128xf32, #tpu.memory_space<vmem>>, vector<16xf32>,
    %broadcast_in_dim3A_62 = arith.constant 0.000000e+00 : f32
    %broadcast_in_dim3A_63 = vector.broadcast %broadcast_in_dim3A_62 : f32 to vector<16xf32>
    %swap3A_64 = arith.constant 1 : i32
    %swap3A_65 = arith.index_cast %swap3A_64 : i32 to index
    %swap3A_66 = arith.constant 32 : index
    %swap3A_67 = tpu.vector_load %arg12[%swap3A_65, %swap3A_66] {strides = array<i32>} : memref<8x128xf32, #tpu.memory_space<vmem>>, vector<16xf32>,
    tpu.vector_store %arg12[%swap3A_65, %swap3A_66], %broadcast_in_dim3A_63 {strides = array<i32>} : memref<8x128xf32, #tpu.memory_space<vmem>>, vector<16xf32>,
    %broadcast_in_dim3A_68 = arith.constant 0.000000e+00 : f32
    %broadcast_in_dim3A_69 = vector.broadcast %broadcast_in_dim3A_68 : f32 to vector<16xf32>
    %swap3A_70 = arith.constant 1 : i32
    %swap3A_71 = arith.index_cast %swap3A_70 : i32 to index
    %swap3A_72 = arith.constant 48 : index
    %swap3A_73 = tpu.vector_load %arg12[%swap3A_71, %swap3A_72] {strides = array<i32>} : memref<8x128xf32, #tpu.memory_space<vmem>>, vector<16xf32>,
    tpu.vector_store %arg12[%swap3A_71, %swap3A_72], %broadcast_in_dim3A_69 {strides = array<i32>} : memref<8x128xf32, #tpu.memory_space<vmem>>, vector<16xf32>,
    %broadcast_in_dim3A_74 = arith.constant 0.000000e+00 : f32
    %broadcast_in_dim3A_75 = vector.broadcast %broadcast_in_dim3A_74 : f32 to vector<16xf32>
    %swap3A_76 = arith.constant 1 : i32
    %swap3A_77 = arith.index_cast %swap3A_76 : i32 to index
    %swap3A_78 = arith.constant 64 : index
    %swap3A_79 = tpu.vector_load %arg12[%swap3A_77, %swap3A_78] {strides = array<i32>} : memref<8x128xf32, #tpu.memory_space<vmem>>, vector<16xf32>,
    tpu.vector_store %arg12[%swap3A_77, %swap3A_78], %broadcast_in_dim3A_75 {strides = array<i32>} : memref<8x128xf32, #tpu.memory_space<vmem>>, vector<16xf32>,
    %broadcast_in_dim3A_80 = arith.constant 0.000000e+00 : f32
    %broadcast_in_dim3A_81 = vector.broadcast %broadcast_in_dim3A_80 : f32 to vector<16xf32>
    %swap3A_82 = arith.constant 1 : i32
    %swap3A_83 = arith.index_cast %swap3A_82 : i32 to index
    %swap3A_84 = arith.constant 80 : index
    %swap3A_85 = tpu.vector_load %arg12[%swap3A_83, %swap3A_84] {strides = array<i32>} : memref<8x128xf32, #tpu.memory_space<vmem>>, vector<16xf32>,
    tpu.vector_store %arg12[%swap3A_83, %swap3A_84], %broadcast_in_dim3A_81 {strides = array<i32>} : memref<8x128xf32, #tpu.memory_space<vmem>>, vector<16xf32>,
    %broadcast_in_dim3A_86 = arith.constant 0.000000e+00 : f32
    %broadcast_in_dim3A_87 = vector.broadcast %broadcast_in_dim3A_86 : f32 to vector<16xf32>
    %swap3A_88 = arith.constant 1 : i32
    %swap3A_89 = arith.index_cast %swap3A_88 : i32 to index
    %swap3A_90 = arith.constant 96 : index
    %swap3A_91 = tpu.vector_load %arg12[%swap3A_89, %swap3A_90] {strides = array<i32>} : memref<8x128xf32, #tpu.memory_space<vmem>>, vector<16xf32>,
    tpu.vector_store %arg12[%swap3A_89, %swap3A_90], %broadcast_in_dim3A_87 {strides = array<i32>} : memref<8x128xf32, #tpu.memory_space<vmem>>, vector<16xf32>,
    %broadcast_in_dim3A_92 = arith.constant 0.000000e+00 : f32
    %broadcast_in_dim3A_93 = vector.broadcast %broadcast_in_dim3A_92 : f32 to vector<16xf32>
    %swap3A_94 = arith.constant 1 : i32
    %swap3A_95 = arith.index_cast %swap3A_94 : i32 to index
    %swap3A_96 = arith.constant 112 : index
    %swap3A_97 = tpu.vector_load %arg12[%swap3A_95, %swap3A_96] {strides = array<i32>} : memref<8x128xf32, #tpu.memory_space<vmem>>, vector<16xf32>,
    tpu.vector_store %arg12[%swap3A_95, %swap3A_96], %broadcast_in_dim3A_93 {strides = array<i32>} : memref<8x128xf32, #tpu.memory_space<vmem>>, vector<16xf32>,
    %broadcast_in_dim3A_98 = arith.constant 0.000000e+00 : f32
    %broadcast_in_dim3A_99 = vector.broadcast %broadcast_in_dim3A_98 : f32 to vector<16xf32>
    %swap3A_100 = arith.constant 2 : i32
    %swap3A_101 = arith.index_cast %swap3A_100 : i32 to index
    %swap3A_102 = arith.constant 0 : index
    %swap3A_103 = tpu.vector_load %arg12[%swap3A_101, %swap3A_102] {strides = array<i32>} : memref<8x128xf32, #tpu.memory_space<vmem>>, vector<16xf32>,
    tpu.vector_store %arg12[%swap3A_101, %swap3A_102], %broadcast_in_dim3A_99 {strides = array<i32>} : memref<8x128xf32, #tpu.memory_space<vmem>>, vector<16xf32>,
    %broadcast_in_dim3A_104 = arith.constant 0.000000e+00 : f32
    %broadcast_in_dim3A_105 = vector.broadcast %broadcast_in_dim3A_104 : f32 to vector<16xf32>
    %swap3A_106 = arith.constant 2 : i32
    %swap3A_107 = arith.index_cast %swap3A_106 : i32 to index
    %swap3A_108 = arith.constant 16 : index
    %swap3A_109 = tpu.vector_load %arg12[%swap3A_107, %swap3A_108] {strides = array<i32>} : memref<8x128xf32, #tpu.memory_space<vmem>>, vector<16xf32>,
    tpu.vector_store %arg12[%swap3A_107, %swap3A_108], %broadcast_in_dim3A_105 {strides = array<i32>} : memref<8x128xf32, #tpu.memory_space<vmem>>, vector<16xf32>,
    %broadcast_in_dim3A_110 = arith.constant 0.000000e+00 : f32
    %broadcast_in_dim3A_111 = vector.broadcast %broadcast_in_dim3A_110 : f32 to vector<16xf32>
    %swap3A_112 = arith.constant 2 : i32
    %swap3A_113 = arith.index_cast %swap3A_112 : i32 to index
    %swap3A_114 = arith.constant 32 : index
    %swap3A_115 = tpu.vector_load %arg12[%swap3A_113, %swap3A_114] {strides = array<i32>} : memref<8x128xf32, #tpu.memory_space<vmem>>, vector<16xf32>,
    tpu.vector_store %arg12[%swap3A_113, %swap3A_114], %broadcast_in_dim3A_111 {strides = array<i32>} : memref<8x128xf32, #tpu.memory_space<vmem>>, vector<16xf32>,
    %broadcast_in_dim3A_116 = arith.constant 0.000000e+00 : f32
    %broadcast_in_dim3A_117 = vector.broadcast %broadcast_in_dim3A_116 : f32 to vector<16xf32>
    %swap3A_118 = arith.constant 2 : i32
    %swap3A_119 = arith.index_cast %swap3A_118 : i32 to index
    %swap3A_120 = arith.constant 48 : index
    %swap3A_121 = tpu.vector_load %arg12[%swap3A_119, %swap3A_120] {strides = array<i32>} : memref<8x128xf32, #tpu.memory_space<vmem>>, vector<16xf32>,
    tpu.vector_store %arg12[%swap3A_119, %swap3A_120], %broadcast_in_dim3A_117 {strides = array<i32>} : memref<8x128xf32, #tpu.memory_space<vmem>>, vector<16xf32>,
    %broadcast_in_dim3A_122 = arith.constant 0.000000e+00 : f32
    %broadcast_in_dim3A_123 = vector.broadcast %broadcast_in_dim3A_122 : f32 to vector<16xf32>
    %swap3A_124 = arith.constant 2 : i32
    %swap3A_125 = arith.index_cast %swap3A_124 : i32 to index
    %swap3A_126 = arith.constant 64 : index
    %swap3A_127 = tpu.vector_load %arg12[%swap3A_125, %swap3A_126] {strides = array<i32>} : memref<8x128xf32, #tpu.memory_space<vmem>>, vector<16xf32>,
    tpu.vector_store %arg12[%swap3A_125, %swap3A_126], %broadcast_in_dim3A_123 {strides = array<i32>} : memref<8x128xf32, #tpu.memory_space<vmem>>, vector<16xf32>,
    %broadcast_in_dim3A_128 = arith.constant 0.000000e+00 : f32
    %broadcast_in_dim3A_129 = vector.broadcast %broadcast_in_dim3A_128 : f32 to vector<16xf32>
    %swap3A_130 = arith.constant 2 : i32
    %swap3A_131 = arith.index_cast %swap3A_130 : i32 to index
    %swap3A_132 = arith.constant 80 : index
    %swap3A_133 = tpu.vector_load %arg12[%swap3A_131, %swap3A_132] {strides = array<i32>} : memref<8x128xf32, #tpu.memory_space<vmem>>, vector<16xf32>,
    tpu.vector_store %arg12[%swap3A_131, %swap3A_132], %broadcast_in_dim3A_129 {strides = array<i32>} : memref<8x128xf32, #tpu.memory_space<vmem>>, vector<16xf32>,
    %broadcast_in_dim3A_134 = arith.constant 0.000000e+00 : f32
    %broadcast_in_dim3A_135 = vector.broadcast %broadcast_in_dim3A_134 : f32 to vector<16xf32>
    %swap3A_136 = arith.constant 2 : i32
    %swap3A_137 = arith.index_cast %swap3A_136 : i32 to index
    %swap3A_138 = arith.constant 96 : index
    %swap3A_139 = tpu.vector_load %arg12[%swap3A_137, %swap3A_138] {strides = array<i32>} : memref<8x128xf32, #tpu.memory_space<vmem>>, vector<16xf32>,
    tpu.vector_store %arg12[%swap3A_137, %swap3A_138], %broadcast_in_dim3A_135 {strides = array<i32>} : memref<8x128xf32, #tpu.memory_space<vmem>>, vector<16xf32>,
    %broadcast_in_dim3A_140 = arith.constant 0.000000e+00 : f32
    %broadcast_in_dim3A_141 = vector.broadcast %broadcast_in_dim3A_140 : f32 to vector<16xf32>
    %swap3A_142 = arith.constant 2 : i32
    %swap3A_143 = arith.index_cast %swap3A_142 : i32 to index
    %swap3A_144 = arith.constant 112 : index
    %swap3A_145 = tpu.vector_load %arg12[%swap3A_143, %swap3A_144] {strides = array<i32>} : memref<8x128xf32, #tpu.memory_space<vmem>>, vector<16xf32>,
    tpu.vector_store %arg12[%swap3A_143, %swap3A_144], %broadcast_in_dim3A_141 {strides = array<i32>} : memref<8x128xf32, #tpu.memory_space<vmem>>, vector<16xf32>,
    %broadcast_in_dim3A_146 = arith.constant 0.000000e+00 : f32
    %broadcast_in_dim3A_147 = vector.broadcast %broadcast_in_dim3A_146 : f32 to vector<16xf32>
    %swap3A_148 = arith.constant 3 : i32
    %swap3A_149 = arith.index_cast %swap3A_148 : i32 to index
    %swap3A_150 = arith.constant 0 : index
    %swap3A_151 = tpu.vector_load %arg12[%swap3A_149, %swap3A_150] {strides = array<i32>} : memref<8x128xf32, #tpu.memory_space<vmem>>, vector<16xf32>,
    tpu.vector_store %arg12[%swap3A_149, %swap3A_150], %broadcast_in_dim3A_147 {strides = array<i32>} : memref<8x128xf32, #tpu.memory_space<vmem>>, vector<16xf32>,
    %broadcast_in_dim3A_152 = arith.constant 0.000000e+00 : f32
    %broadcast_in_dim3A_153 = vector.broadcast %broadcast_in_dim3A_152 : f32 to vector<16xf32>
    %swap3A_154 = arith.constant 3 : i32
    %swap3A_155 = arith.index_cast %swap3A_154 : i32 to index
    %swap3A_156 = arith.constant 16 : index
    %swap3A_157 = tpu.vector_load %arg12[%swap3A_155, %swap3A_156] {strides = array<i32>} : memref<8x128xf32, #tpu.memory_space<vmem>>, vector<16xf32>,
    tpu.vector_store %arg12[%swap3A_155, %swap3A_156], %broadcast_in_dim3A_153 {strides = array<i32>} : memref<8x128xf32, #tpu.memory_space<vmem>>, vector<16xf32>,
    %broadcast_in_dim3A_158 = arith.constant 0.000000e+00 : f32
    %broadcast_in_dim3A_159 = vector.broadcast %broadcast_in_dim3A_158 : f32 to vector<16xf32>
    %swap3A_160 = arith.constant 3 : i32
    %swap3A_161 = arith.index_cast %swap3A_160 : i32 to index
    %swap3A_162 = arith.constant 32 : index
    %swap3A_163 = tpu.vector_load %arg12[%swap3A_161, %swap3A_162] {strides = array<i32>} : memref<8x128xf32, #tpu.memory_space<vmem>>, vector<16xf32>,
    tpu.vector_store %arg12[%swap3A_161, %swap3A_162], %broadcast_in_dim3A_159 {strides = array<i32>} : memref<8x128xf32, #tpu.memory_space<vmem>>, vector<16xf32>,
    %broadcast_in_dim3A_164 = arith.constant 0.000000e+00 : f32
    %broadcast_in_dim3A_165 = vector.broadcast %broadcast_in_dim3A_164 : f32 to vector<16xf32>
    %swap3A_166 = arith.constant 3 : i32
    %swap3A_167 = arith.index_cast %swap3A_166 : i32 to index
    %swap3A_168 = arith.constant 48 : index
    %swap3A_169 = tpu.vector_load %arg12[%swap3A_167, %swap3A_168] {strides = array<i32>} : memref<8x128xf32, #tpu.memory_space<vmem>>, vector<16xf32>,
    tpu.vector_store %arg12[%swap3A_167, %swap3A_168], %broadcast_in_dim3A_165 {strides = array<i32>} : memref<8x128xf32, #tpu.memory_space<vmem>>, vector<16xf32>,
    %broadcast_in_dim3A_170 = arith.constant 0.000000e+00 : f32
    %broadcast_in_dim3A_171 = vector.broadcast %broadcast_in_dim3A_170 : f32 to vector<16xf32>
    %swap3A_172 = arith.constant 3 : i32
    %swap3A_173 = arith.index_cast %swap3A_172 : i32 to index
    %swap3A_174 = arith.constant 64 : index
    %swap3A_175 = tpu.vector_load %arg12[%swap3A_173, %swap3A_174] {strides = array<i32>} : memref<8x128xf32, #tpu.memory_space<vmem>>, vector<16xf32>,
    tpu.vector_store %arg12[%swap3A_173, %swap3A_174], %broadcast_in_dim3A_171 {strides = array<i32>} : memref<8x128xf32, #tpu.memory_space<vmem>>, vector<16xf32>,
    %broadcast_in_dim3A_176 = arith.constant 0.000000e+00 : f32
    %broadcast_in_dim3A_177 = vector.broadcast %broadcast_in_dim3A_176 : f32 to vector<16xf32>
    %swap3A_178 = arith.constant 3 : i32
    %swap3A_179 = arith.index_cast %swap3A_178 : i32 to index
    %swap3A_180 = arith.constant 80 : index
    %swap3A_181 = tpu.vector_load %arg12[%swap3A_179, %swap3A_180] {strides = array<i32>} : memref<8x128xf32, #tpu.memory_space<vmem>>, vector<16xf32>,
    tpu.vector_store %arg12[%swap3A_179, %swap3A_180], %broadcast_in_dim3A_177 {strides = array<i32>} : memref<8x128xf32, #tpu.memory_space<vmem>>, vector<16xf32>,
    %broadcast_in_dim3A_182 = arith.constant 0.000000e+00 : f32
    %broadcast_in_dim3A_183 = vector.broadcast %broadcast_in_dim3A_182 : f32 to vector<16xf32>
    %swap3A_184 = arith.constant 3 : i32
    %swap3A_185 = arith.index_cast %swap3A_184 : i32 to index
    %swap3A_186 = arith.constant 96 : index
    %swap3A_187 = tpu.vector_load %arg12[%swap3A_185, %swap3A_186] {strides = array<i32>} : memref<8x128xf32, #tpu.memory_space<vmem>>, vector<16xf32>,
    tpu.vector_store %arg12[%swap3A_185, %swap3A_186], %broadcast_in_dim3A_183 {strides = array<i32>} : memref<8x128xf32, #tpu.memory_space<vmem>>, vector<16xf32>,
    %broadcast_in_dim3A_188 = arith.constant 0.000000e+00 : f32
    %broadcast_in_dim3A_189 = vector.broadcast %broadcast_in_dim3A_188 : f32 to vector<16xf32>
    %swap3A_190 = arith.constant 3 : i32
    %swap3A_191 = arith.index_cast %swap3A_190 : i32 to index
    %swap3A_192 = arith.constant 112 : index
    %swap3A_193 = tpu.vector_load %arg12[%swap3A_191, %swap3A_192] {strides = array<i32>} : memref<8x128xf32, #tpu.memory_space<vmem>>, vector<16xf32>,
    tpu.vector_store %arg12[%swap3A_191, %swap3A_192], %broadcast_in_dim3A_189 {strides = array<i32>} : memref<8x128xf32, #tpu.memory_space<vmem>>, vector<16xf32>,
    %broadcast_in_dim3A_194 = arith.constant 0.000000e+00 : f32
    %broadcast_in_dim3A_195 = vector.broadcast %broadcast_in_dim3A_194 : f32 to vector<16xf32>
    %swap3A_196 = arith.constant 4 : i32
    %swap3A_197 = arith.index_cast %swap3A_196 : i32 to index
    %swap3A_198 = arith.constant 0 : index
    %swap3A_199 = tpu.vector_load %arg12[%swap3A_197, %swap3A_198] {strides = array<i32>} : memref<8x128xf32, #tpu.memory_space<vmem>>, vector<16xf32>,
    tpu.vector_store %arg12[%swap3A_197, %swap3A_198], %broadcast_in_dim3A_195 {strides = array<i32>} : memref<8x128xf32, #tpu.memory_space<vmem>>, vector<16xf32>,
    %broadcast_in_dim3A_200 = arith.constant 0.000000e+00 : f32
    %broadcast_in_dim3A_201 = vector.broadcast %broadcast_in_dim3A_200 : f32 to vector<16xf32>
    %swap3A_202 = arith.constant 4 : i32
    %swap3A_203 = arith.index_cast %swap3A_202 : i32 to index
    %swap3A_204 = arith.constant 16 : index
    %swap3A_205 = tpu.vector_load %arg12[%swap3A_203, %swap3A_204] {strides = array<i32>} : memref<8x128xf32, #tpu.memory_space<vmem>>, vector<16xf32>,
    tpu.vector_store %arg12[%swap3A_203, %swap3A_204], %broadcast_in_dim3A_201 {strides = array<i32>} : memref<8x128xf32, #tpu.memory_space<vmem>>, vector<16xf32>,
    %broadcast_in_dim3A_206 = arith.constant 0.000000e+00 : f32
    %broadcast_in_dim3A_207 = vector.broadcast %broadcast_in_dim3A_206 : f32 to vector<16xf32>
    %swap3A_208 = arith.constant 4 : i32
    %swap3A_209 = arith.index_cast %swap3A_208 : i32 to index
    %swap3A_210 = arith.constant 32 : index
    %swap3A_211 = tpu.vector_load %arg12[%swap3A_209, %swap3A_210] {strides = array<i32>} : memref<8x128xf32, #tpu.memory_space<vmem>>, vector<16xf32>,
    tpu.vector_store %arg12[%swap3A_209, %swap3A_210], %broadcast_in_dim3A_207 {strides = array<i32>} : memref<8x128xf32, #tpu.memory_space<vmem>>, vector<16xf32>,
    %broadcast_in_dim3A_212 = arith.constant 0.000000e+00 : f32
    %broadcast_in_dim3A_213 = vector.broadcast %broadcast_in_dim3A_212 : f32 to vector<16xf32>
    %swap3A_214 = arith.constant 4 : i32
    %swap3A_215 = arith.index_cast %swap3A_214 : i32 to index
    %swap3A_216 = arith.constant 48 : index
    %swap3A_217 = tpu.vector_load %arg12[%swap3A_215, %swap3A_216] {strides = array<i32>} : memref<8x128xf32, #tpu.memory_space<vmem>>, vector<16xf32>,
    tpu.vector_store %arg12[%swap3A_215, %swap3A_216], %broadcast_in_dim3A_213 {strides = array<i32>} : memref<8x128xf32, #tpu.memory_space<vmem>>, vector<16xf32>,
    %broadcast_in_dim3A_218 = arith.constant 0.000000e+00 : f32
    %broadcast_in_dim3A_219 = vector.broadcast %broadcast_in_dim3A_218 : f32 to vector<16xf32>
    %swap3A_220 = arith.constant 4 : i32
    %swap3A_221 = arith.index_cast %swap3A_220 : i32 to index
    %swap3A_222 = arith.constant 64 : index
    %swap3A_223 = tpu.vector_load %arg12[%swap3A_221, %swap3A_222] {strides = array<i32>} : memref<8x128xf32, #tpu.memory_space<vmem>>, vector<16xf32>,
    tpu.vector_store %arg12[%swap3A_221, %swap3A_222], %broadcast_in_dim3A_219 {strides = array<i32>} : memref<8x128xf32, #tpu.memory_space<vmem>>, vector<16xf32>,
    %broadcast_in_dim3A_224 = arith.constant 0.000000e+00 : f32
    %broadcast_in_dim3A_225 = vector.broadcast %broadcast_in_dim3A_224 : f32 to vector<16xf32>
    %swap3A_226 = arith.constant 4 : i32
    %swap3A_227 = arith.index_cast %swap3A_226 : i32 to index
    %swap3A_228 = arith.constant 80 : index
    %swap3A_229 = tpu.vector_load %arg12[%swap3A_227, %swap3A_228] {strides = array<i32>} : memref<8x128xf32, #tpu.memory_space<vmem>>, vector<16xf32>,
    tpu.vector_store %arg12[%swap3A_227, %swap3A_228], %broadcast_in_dim3A_225 {strides = array<i32>} : memref<8x128xf32, #tpu.memory_space<vmem>>, vector<16xf32>,
    %broadcast_in_dim3A_230 = arith.constant 0.000000e+00 : f32
    %broadcast_in_dim3A_231 = vector.broadcast %broadcast_in_dim3A_230 : f32 to vector<16xf32>
    %swap3A_232 = arith.constant 4 : i32
    %swap3A_233 = arith.index_cast %swap3A_232 : i32 to index
    %swap3A_234 = arith.constant 96 : index
    %swap3A_235 = tpu.vector_load %arg12[%swap3A_233, %swap3A_234] {strides = array<i32>} : memref<8x128xf32, #tpu.memory_space<vmem>>, vector<16xf32>,
    tpu.vector_store %arg12[%swap3A_233, %swap3A_234], %broadcast_in_dim3A_231 {strides = array<i32>} : memref<8x128xf32, #tpu.memory_space<vmem>>, vector<16xf32>,
    %broadcast_in_dim3A_236 = arith.constant 0.000000e+00 : f32
    %broadcast_in_dim3A_237 = vector.broadcast %broadcast_in_dim3A_236 : f32 to vector<16xf32>
    %swap3A_238 = arith.constant 4 : i32
    %swap3A_239 = arith.index_cast %swap3A_238 : i32 to index
    %swap3A_240 = arith.constant 112 : index
    %swap3A_241 = tpu.vector_load %arg12[%swap3A_239, %swap3A_240] {strides = array<i32>} : memref<8x128xf32, #tpu.memory_space<vmem>>, vector<16xf32>,
    tpu.vector_store %arg12[%swap3A_239, %swap3A_240], %broadcast_in_dim3A_237 {strides = array<i32>} : memref<8x128xf32, #tpu.memory_space<vmem>>, vector<16xf32>,
    %broadcast_in_dim3A_242 = arith.constant 0.000000e+00 : f32
    %broadcast_in_dim3A_243 = vector.broadcast %broadcast_in_dim3A_242 : f32 to vector<16xf32>
    %swap3A_244 = arith.constant 5 : i32
    %swap3A_245 = arith.index_cast %swap3A_244 : i32 to index
    %swap3A_246 = arith.constant 0 : index
    %swap3A_247 = tpu.vector_load %arg12[%swap3A_245, %swap3A_246] {strides = array<i32>} : memref<8x128xf32, #tpu.memory_space<vmem>>, vector<16xf32>,
    tpu.vector_store %arg12[%swap3A_245, %swap3A_246], %broadcast_in_dim3A_243 {strides = array<i32>} : memref<8x128xf32, #tpu.memory_space<vmem>>, vector<16xf32>,
    %broadcast_in_dim3A_248 = arith.constant 0.000000e+00 : f32
    %broadcast_in_dim3A_249 = vector.broadcast %broadcast_in_dim3A_248 : f32 to vector<16xf32>
    %swap3A_250 = arith.constant 5 : i32
    %swap3A_251 = arith.index_cast %swap3A_250 : i32 to index
    %swap3A_252 = arith.constant 16 : index
    %swap3A_253 = tpu.vector_load %arg12[%swap3A_251, %swap3A_252] {strides = array<i32>} : memref<8x128xf32, #tpu.memory_space<vmem>>, vector<16xf32>,
    tpu.vector_store %arg12[%swap3A_251, %swap3A_252], %broadcast_in_dim3A_249 {strides = array<i32>} : memref<8x128xf32, #tpu.memory_space<vmem>>, vector<16xf32>,
    %broadcast_in_dim3A_254 = arith.constant 0.000000e+00 : f32
    %broadcast_in_dim3A_255 = vector.broadcast %broadcast_in_dim3A_254 : f32 to vector<16xf32>
    %swap3A_256 = arith.constant 5 : i32
    %swap3A_257 = arith.index_cast %swap3A_256 : i32 to index
    %swap3A_258 = arith.constant 32 : index
    %swap3A_259 = tpu.vector_load %arg12[%swap3A_257, %swap3A_258] {strides = array<i32>} : memref<8x128xf32, #tpu.memory_space<vmem>>, vector<16xf32>,
    tpu.vector_store %arg12[%swap3A_257, %swap3A_258], %broadcast_in_dim3A_255 {strides = array<i32>} : memref<8x128xf32, #tpu.memory_space<vmem>>, vector<16xf32>,
    %broadcast_in_dim3A_260 = arith.constant 0.000000e+00 : f32
    %broadcast_in_dim3A_261 = vector.broadcast %broadcast_in_dim3A_260 : f32 to vector<16xf32>
    %swap3A_262 = arith.constant 5 : i32
    %swap3A_263 = arith.index_cast %swap3A_262 : i32 to index
    %swap3A_264 = arith.constant 48 : index
    %swap3A_265 = tpu.vector_load %arg12[%swap3A_263, %swap3A_264] {strides = array<i32>} : memref<8x128xf32, #tpu.memory_space<vmem>>, vector<16xf32>,
    tpu.vector_store %arg12[%swap3A_263, %swap3A_264], %broadcast_in_dim3A_261 {strides = array<i32>} : memref<8x128xf32, #tpu.memory_space<vmem>>, vector<16xf32>,
    %broadcast_in_dim3A_266 = arith.constant 0.000000e+00 : f32
    %broadcast_in_dim3A_267 = vector.broadcast %broadcast_in_dim3A_266 : f32 to vector<16xf32>
    %swap3A_268 = arith.constant 5 : i32
    %swap3A_269 = arith.index_cast %swap3A_268 : i32 to index
    %swap3A_270 = arith.constant 64 : index
    %swap3A_271 = tpu.vector_load %arg12[%swap3A_269, %swap3A_270] {strides = array<i32>} : memref<8x128xf32, #tpu.memory_space<vmem>>, vector<16xf32>,
    tpu.vector_store %arg12[%swap3A_269, %swap3A_270], %broadcast_in_dim3A_267 {strides = array<i32>} : memref<8x128xf32, #tpu.memory_space<vmem>>, vector<16xf32>,
    %broadcast_in_dim3A_272 = arith.constant 0.000000e+00 : f32
    %broadcast_in_dim3A_273 = vector.broadcast %broadcast_in_dim3A_272 : f32 to vector<16xf32>
    %swap3A_274 = arith.constant 5 : i32
    %swap3A_275 = arith.index_cast %swap3A_274 : i32 to index
    %swap3A_276 = arith.constant 80 : index
    %swap3A_277 = tpu.vector_load %arg12[%swap3A_275, %swap3A_276] {strides = array<i32>} : memref<8x128xf32, #tpu.memory_space<vmem>>, vector<16xf32>,
    tpu.vector_store %arg12[%swap3A_275, %swap3A_276], %broadcast_in_dim3A_273 {strides = array<i32>} : memref<8x128xf32, #tpu.memory_space<vmem>>, vector<16xf32>,
    %broadcast_in_dim3A_278 = arith.constant 0.000000e+00 : f32
    %broadcast_in_dim3A_279 = vector.broadcast %broadcast_in_dim3A_278 : f32 to vector<16xf32>
    %swap3A_280 = arith.constant 5 : i32
    %swap3A_281 = arith.index_cast %swap3A_280 : i32 to index
    %swap3A_282 = arith.constant 96 : index
    %swap3A_283 = tpu.vector_load %arg12[%swap3A_281, %swap3A_282] {strides = array<i32>} : memref<8x128xf32, #tpu.memory_space<vmem>>, vector<16xf32>,
    tpu.vector_store %arg12[%swap3A_281, %swap3A_282], %broadcast_in_dim3A_279 {strides = array<i32>} : memref<8x128xf32, #tpu.memory_space<vmem>>, vector<16xf32>,
    %broadcast_in_dim3A_284 = arith.constant 0.000000e+00 : f32
    %broadcast_in_dim3A_285 = vector.broadcast %broadcast_in_dim3A_284 : f32 to vector<16xf32>
    %swap3A_286 = arith.constant 5 : i32
    %swap3A_287 = arith.index_cast %swap3A_286 : i32 to index
    %swap3A_288 = arith.constant 112 : index
    %swap3A_289 = tpu.vector_load %arg12[%swap3A_287, %swap3A_288] {strides = array<i32>} : memref<8x128xf32, #tpu.memory_space<vmem>>, vector<16xf32>,
    tpu.vector_store %arg12[%swap3A_287, %swap3A_288], %broadcast_in_dim3A_285 {strides = array<i32>} : memref<8x128xf32, #tpu.memory_space<vmem>>, vector<16xf32>,
    %broadcast_in_dim3A_290 = arith.constant 0.000000e+00 : f32
    %broadcast_in_dim3A_291 = vector.broadcast %broadcast_in_dim3A_290 : f32 to vector<16xf32>
    %swap3A_292 = arith.constant 6 : i32
    %swap3A_293 = arith.index_cast %swap3A_292 : i32 to index
    %swap3A_294 = arith.constant 0 : index
    %swap3A_295 = tpu.vector_load %arg12[%swap3A_293, %swap3A_294] {strides = array<i32>} : memref<8x128xf32, #tpu.memory_space<vmem>>, vector<16xf32>,
    tpu.vector_store %arg12[%swap3A_293, %swap3A_294], %broadcast_in_dim3A_291 {strides = array<i32>} : memref<8x128xf32, #tpu.memory_space<vmem>>, vector<16xf32>,
    %broadcast_in_dim3A_296 = arith.constant 0.000000e+00 : f32
    %broadcast_in_dim3A_297 = vector.broadcast %broadcast_in_dim3A_296 : f32 to vector<16xf32>
    %swap3A_298 = arith.constant 6 : i32
    %swap3A_299 = arith.index_cast %swap3A_298 : i32 to index
    %swap3A_300 = arith.constant 16 : index
    %swap3A_301 = tpu.vector_load %arg12[%swap3A_299, %swap3A_300] {strides = array<i32>} : memref<8x128xf32, #tpu.memory_space<vmem>>, vector<16xf32>,
    tpu.vector_store %arg12[%swap3A_299, %swap3A_300], %broadcast_in_dim3A_297 {strides = array<i32>} : memref<8x128xf32, #tpu.memory_space<vmem>>, vector<16xf32>,
    %broadcast_in_dim3A_302 = arith.constant 0.000000e+00 : f32
    %broadcast_in_dim3A_303 = vector.broadcast %broadcast_in_dim3A_302 : f32 to vector<16xf32>
    %swap3A_304 = arith.constant 6 : i32
    %swap3A_305 = arith.index_cast %swap3A_304 : i32 to index
    %swap3A_306 = arith.constant 32 : index
    %swap3A_307 = tpu.vector_load %arg12[%swap3A_305, %swap3A_306] {strides = array<i32>} : memref<8x128xf32, #tpu.memory_space<vmem>>, vector<16xf32>,
    tpu.vector_store %arg12[%swap3A_305, %swap3A_306], %broadcast_in_dim3A_303 {strides = array<i32>} : memref<8x128xf32, #tpu.memory_space<vmem>>, vector<16xf32>,
    %broadcast_in_dim3A_308 = arith.constant 0.000000e+00 : f32
    %broadcast_in_dim3A_309 = vector.broadcast %broadcast_in_dim3A_308 : f32 to vector<16xf32>
    %swap3A_310 = arith.constant 6 : i32
    %swap3A_311 = arith.index_cast %swap3A_310 : i32 to index
    %swap3A_312 = arith.constant 48 : index
    %swap3A_313 = tpu.vector_load %arg12[%swap3A_311, %swap3A_312] {strides = array<i32>} : memref<8x128xf32, #tpu.memory_space<vmem>>, vector<16xf32>,
    tpu.vector_store %arg12[%swap3A_311, %swap3A_312], %broadcast_in_dim3A_309 {strides = array<i32>} : memref<8x128xf32, #tpu.memory_space<vmem>>, vector<16xf32>,
    %broadcast_in_dim3A_314 = arith.constant 0.000000e+00 : f32
    %broadcast_in_dim3A_315 = vector.broadcast %broadcast_in_dim3A_314 : f32 to vector<16xf32>
    %swap3A_316 = arith.constant 6 : i32
    %swap3A_317 = arith.index_cast %swap3A_316 : i32 to index
    %swap3A_318 = arith.constant 64 : index
    %swap3A_319 = tpu.vector_load %arg12[%swap3A_317, %swap3A_318] {strides = array<i32>} : memref<8x128xf32, #tpu.memory_space<vmem>>, vector<16xf32>,
    tpu.vector_store %arg12[%swap3A_317, %swap3A_318], %broadcast_in_dim3A_315 {strides = array<i32>} : memref<8x128xf32, #tpu.memory_space<vmem>>, vector<16xf32>,
    %broadcast_in_dim3A_320 = arith.constant 0.000000e+00 : f32
    %broadcast_in_dim3A_321 = vector.broadcast %broadcast_in_dim3A_320 : f32 to vector<16xf32>
    %swap3A_322 = arith.constant 6 : i32
    %swap3A_323 = arith.index_cast %swap3A_322 : i32 to index
    %swap3A_324 = arith.constant 80 : index
    %swap3A_325 = tpu.vector_load %arg12[%swap3A_323, %swap3A_324] {strides = array<i32>} : memref<8x128xf32, #tpu.memory_space<vmem>>, vector<16xf32>,
    tpu.vector_store %arg12[%swap3A_323, %swap3A_324], %broadcast_in_dim3A_321 {strides = array<i32>} : memref<8x128xf32, #tpu.memory_space<vmem>>, vector<16xf32>,
    %broadcast_in_dim3A_326 = arith.constant 0.000000e+00 : f32
    %broadcast_in_dim3A_327 = vector.broadcast %broadcast_in_dim3A_326 : f32 to vector<16xf32>
    %swap3A_328 = arith.constant 6 : i32
    %swap3A_329 = arith.index_cast %swap3A_328 : i32 to index
    %swap3A_330 = arith.constant 96 : index
    %swap3A_331 = tpu.vector_load %arg12[%swap3A_329, %swap3A_330] {strides = array<i32>} : memref<8x128xf32, #tpu.memory_space<vmem>>, vector<16xf32>,
    tpu.vector_store %arg12[%swap3A_329, %swap3A_330], %broadcast_in_dim3A_327 {strides = array<i32>} : memref<8x128xf32, #tpu.memory_space<vmem>>, vector<16xf32>,
    %broadcast_in_dim3A_332 = arith.constant 0.000000e+00 : f32
    %broadcast_in_dim3A_333 = vector.broadcast %broadcast_in_dim3A_332 : f32 to vector<16xf32>
    %swap3A_334 = arith.constant 6 : i32
    %swap3A_335 = arith.index_cast %swap3A_334 : i32 to index
    %swap3A_336 = arith.constant 112 : index
    %swap3A_337 = tpu.vector_load %arg12[%swap3A_335, %swap3A_336] {strides = array<i32>} : memref<8x128xf32, #tpu.memory_space<vmem>>, vector<16xf32>,
    tpu.vector_store %arg12[%swap3A_335, %swap3A_336], %broadcast_in_dim3A_333 {strides = array<i32>} : memref<8x128xf32, #tpu.memory_space<vmem>>, vector<16xf32>,
    %broadcast_in_dim3A_338 = arith.constant 0.000000e+00 : f32
    %broadcast_in_dim3A_339 = vector.broadcast %broadcast_in_dim3A_338 : f32 to vector<16xf32>
    %swap3A_340 = arith.constant 7 : i32
    %swap3A_341 = arith.index_cast %swap3A_340 : i32 to index
    %swap3A_342 = arith.constant 0 : index
    %swap3A_343 = tpu.vector_load %arg12[%swap3A_341, %swap3A_342] {strides = array<i32>} : memref<8x128xf32, #tpu.memory_space<vmem>>, vector<16xf32>,
    tpu.vector_store %arg12[%swap3A_341, %swap3A_342], %broadcast_in_dim3A_339 {strides = array<i32>} : memref<8x128xf32, #tpu.memory_space<vmem>>, vector<16xf32>,
    %broadcast_in_dim3A_344 = arith.constant 0.000000e+00 : f32
    %broadcast_in_dim3A_345 = vector.broadcast %broadcast_in_dim3A_344 : f32 to vector<16xf32>
    %swap3A_346 = arith.constant 7 : i32
    %swap3A_347 = arith.index_cast %swap3A_346 : i32 to index
    %swap3A_348 = arith.constant 16 : index
    %swap3A_349 = tpu.vector_load %arg12[%swap3A_347, %swap3A_348] {strides = array<i32>} : memref<8x128xf32, #tpu.memory_space<vmem>>, vector<16xf32>,
    tpu.vector_store %arg12[%swap3A_347, %swap3A_348], %broadcast_in_dim3A_345 {strides = array<i32>} : memref<8x128xf32, #tpu.memory_space<vmem>>, vector<16xf32>,
    %broadcast_in_dim3A_350 = arith.constant 0.000000e+00 : f32
    %broadcast_in_dim3A_351 = vector.broadcast %broadcast_in_dim3A_350 : f32 to vector<16xf32>
    %swap3A_352 = arith.constant 7 : i32
    %swap3A_353 = arith.index_cast %swap3A_352 : i32 to index
    %swap3A_354 = arith.constant 32 : index
    %swap3A_355 = tpu.vector_load %arg12[%swap3A_353, %swap3A_354] {strides = array<i32>} : memref<8x128xf32, #tpu.memory_space<vmem>>, vector<16xf32>,
    tpu.vector_store %arg12[%swap3A_353, %swap3A_354], %broadcast_in_dim3A_351 {strides = array<i32>} : memref<8x128xf32, #tpu.memory_space<vmem>>, vector<16xf32>,
    %broadcast_in_dim3A_356 = arith.constant 0.000000e+00 : f32
    %broadcast_in_dim3A_357 = vector.broadcast %broadcast_in_dim3A_356 : f32 to vector<16xf32>
    %swap3A_358 = arith.constant 7 : i32
    %swap3A_359 = arith.index_cast %swap3A_358 : i32 to index
    %swap3A_360 = arith.constant 48 : index
    %swap3A_361 = tpu.vector_load %arg12[%swap3A_359, %swap3A_360] {strides = array<i32>} : memref<8x128xf32, #tpu.memory_space<vmem>>, vector<16xf32>,
    tpu.vector_store %arg12[%swap3A_359, %swap3A_360], %broadcast_in_dim3A_357 {strides = array<i32>} : memref<8x128xf32, #tpu.memory_space<vmem>>, vector<16xf32>,
    %broadcast_in_dim3A_362 = arith.constant 0.000000e+00 : f32
    %broadcast_in_dim3A_363 = vector.broadcast %broadcast_in_dim3A_362 : f32 to vector<16xf32>
    %swap3A_364 = arith.constant 7 : i32
    %swap3A_365 = arith.index_cast %swap3A_364 : i32 to index
    %swap3A_366 = arith.constant 64 : index
    %swap3A_367 = tpu.vector_load %arg12[%swap3A_365, %swap3A_366] {strides = array<i32>} : memref<8x128xf32, #tpu.memory_space<vmem>>, vector<16xf32>,
    tpu.vector_store %arg12[%swap3A_365, %swap3A_366], %broadcast_in_dim3A_363 {strides = array<i32>} : memref<8x128xf32, #tpu.memory_space<vmem>>, vector<16xf32>,
    %broadcast_in_dim3A_368 = arith.constant 0.000000e+00 : f32
    %broadcast_in_dim3A_369 = vector.broadcast %broadcast_in_dim3A_368 : f32 to vector<16xf32>
    %swap3A_370 = arith.constant 7 : i32
    %swap3A_371 = arith.index_cast %swap3A_370 : i32 to index
    %swap3A_372 = arith.constant 80 : index
    %swap3A_373 = tpu.vector_load %arg12[%swap3A_371, %swap3A_372] {strides = array<i32>} : memref<8x128xf32, #tpu.memory_space<vmem>>, vector<16xf32>,
    tpu.vector_store %arg12[%swap3A_371, %swap3A_372], %broadcast_in_dim3A_369 {strides = array<i32>} : memref<8x128xf32, #tpu.memory_space<vmem>>, vector<16xf32>,
    %broadcast_in_dim3A_374 = arith.constant 0.000000e+00 : f32
    %broadcast_in_dim3A_375 = vector.broadcast %broadcast_in_dim3A_374 : f32 to vector<16xf32>
    %swap3A_376 = arith.constant 7 : i32
    %swap3A_377 = arith.index_cast %swap3A_376 : i32 to index
    %swap3A_378 = arith.constant 96 : index
    %swap3A_379 = tpu.vector_load %arg12[%swap3A_377, %swap3A_378] {strides = array<i32>} : memref<8x128xf32, #tpu.memory_space<vmem>>, vector<16xf32>,
    tpu.vector_store %arg12[%swap3A_377, %swap3A_378], %broadcast_in_dim3A_375 {strides = array<i32>} : memref<8x128xf32, #tpu.memory_space<vmem>>, vector<16xf32>,
    %broadcast_in_dim3A_380 = arith.constant 0.000000e+00 : f32
    %broadcast_in_dim3A_381 = vector.broadcast %broadcast_in_dim3A_380 : f32 to vector<16xf32>
    %swap3A_382 = arith.constant 7 : i32
    %swap3A_383 = arith.index_cast %swap3A_382 : i32 to index
    %swap3A_384 = arith.constant 112 : index
    %swap3A_385 = tpu.vector_load %arg12[%swap3A_383, %swap3A_384] {strides = array<i32>} : memref<8x128xf32, #tpu.memory_space<vmem>>, vector<16xf32>,
    tpu.vector_store %arg12[%swap3A_383, %swap3A_384], %broadcast_in_dim3A_381 {strides = array<i32>} : memref<8x128xf32, #tpu.memory_space<vmem>>, vector<16xf32>,
    %scan3A = arith.constant 0 : i32
    %scan3A_386 = arith.constant 0 : i32
    %scan3A_387 = arith.constant 32 : i32
    %scan3A_388 = arith.addi %scan3A_386, %scan3A_387 : i32
    %scan3A_389 = arith.constant 1 : i32
    scf.for %scan3A_391 = %scan3A_386 to %scan3A_388 step %scan3A_389  : i32 {
      %jit3A = arith.constant 8 : i32
      %div3A = arith.divsi %scan3A_391, %jit3A : i32
      %sign3A = arith.constant 0 : i32
      %sign3A_392 = arith.cmpi sgt, %scan3A_391, %sign3A : i32
      %sign3A_393 = arith.extui %sign3A_392 : i1 to i32
      %sign3A_394 = arith.constant 0 : i32
      %sign3A_395 = arith.cmpi slt, %scan3A_391, %sign3A_394 : i32
      %sign3A_396 = arith.extui %sign3A_395 : i1 to i32
      %sign3A_397 = arith.subi %sign3A_393, %sign3A_396 : i32
      %sign3A_398 = arith.constant 0 : i32
      %sign3A_399 = arith.cmpi sgt, %jit3A, %sign3A_398 : i32
      %sign3A_400 = arith.extui %sign3A_399 : i1 to i32
      %sign3A_401 = arith.constant 0 : i32
      %sign3A_402 = arith.cmpi slt, %jit3A, %sign3A_401 : i32
      %sign3A_403 = arith.extui %sign3A_402 : i1 to i32
      %sign3A_404 = arith.subi %sign3A_400, %sign3A_403 : i32
      %ne3A = arith.cmpi ne, %sign3A_397, %sign3A_404 : i32
      %rem3A = arith.remsi %scan3A_391, %jit3A : i32
      %ne3A_405 = arith.constant 0 : i32
      %ne3A_406 = arith.cmpi ne, %rem3A, %ne3A_405 : i32
      %and3A = arith.andi %ne3A, %ne3A_406 : i1
      %sub3A = arith.constant 1 : i32
      %sub3A_407 = arith.subi %div3A, %sub3A : i32
      %select_n3A = arith.select %and3A, %sub3A_407, %div3A : i32
      %mul3A_408 = arith.constant 16 : i32
      %mul3A_409 = arith.muli %scan3A_391, %mul3A_408 : i32
      %jit3A_410 = arith.constant 128 : i32
      %eq3A = arith.constant 0 : i32
      %eq3A_411 = arith.cmpi eq, %jit3A_410, %eq3A : i32
      %jit3A_412 = arith.constant 1 : i32
      %select_n3A_413 = arith.select %eq3A_411, %jit3A_412, %jit3A_410 : i32
      %rem3A_414 = arith.remsi %mul3A_409, %select_n3A_413 : i32
      %ne3A_415 = arith.constant 0 : i32
      %ne3A_416 = arith.cmpi ne, %rem3A_414, %ne3A_415 : i32
      %lt3A = arith.constant 0 : i32
      %lt3A_417 = arith.cmpi slt, %rem3A_414, %lt3A : i32
      %lt3A_418 = arith.constant 0 : i32
      %lt3A_419 = arith.cmpi slt, %select_n3A_413, %lt3A_418 : i32
      %ne3A_420 = arith.xori %lt3A_417, %lt3A_419 : i1
      %and3A_421 = arith.andi %ne3A_420, %ne3A_416 : i1
      %add3A_422 = arith.addi %rem3A_414, %select_n3A_413 : i32
      %select_n3A_423 = arith.select %and3A_421, %add3A_422, %rem3A_414 : i32
      %get3A = arith.index_cast %select_n3A : i32 to index
      %get3A_424 = arith.index_cast %select_n3A_423 : i32 to index
      %get3A_425 = tpu.vector_load %arg8[%get3A, %get3A_424] {strides = array<i32>} : memref<8x128xi32, #tpu.memory_space<vmem>>, vector<16xi32>,
      %add3A_426 = arith.constant 4 : i32
      %add3A_427 = arith.addi %add3A_426, %select_n3A : i32
      %get3A_428 = arith.index_cast %add3A_427 : i32 to index
      %get3A_429 = arith.index_cast %select_n3A_423 : i32 to index
      %get3A_430 = tpu.vector_load %arg8[%get3A_428, %get3A_429] {strides = array<i32>} : memref<8x128xi32, #tpu.memory_space<vmem>>, vector<16xi32>,
      %slice3A = vector.extract_strided_slice %get3A_425 {offsets = [0], sizes = [1], strides = [1]} : vector<16xi32> to vector<1xi32>
      %squeeze3A = vector.extract %slice3A[0] : i32 from vector<1xi32>
      %jit3A_431 = arith.constant 128 : i32
      %div3A_432 = arith.divsi %squeeze3A, %jit3A_431 : i32
      %sign3A_433 = arith.constant 0 : i32
      %sign3A_434 = arith.cmpi sgt, %squeeze3A, %sign3A_433 : i32
      %sign3A_435 = arith.extui %sign3A_434 : i1 to i32
      %sign3A_436 = arith.constant 0 : i32
      %sign3A_437 = arith.cmpi slt, %squeeze3A, %sign3A_436 : i32
      %sign3A_438 = arith.extui %sign3A_437 : i1 to i32
      %sign3A_439 = arith.subi %sign3A_435, %sign3A_438 : i32
      %sign3A_440 = arith.constant 0 : i32
      %sign3A_441 = arith.cmpi sgt, %jit3A_431, %sign3A_440 : i32
      %sign3A_442 = arith.extui %sign3A_441 : i1 to i32
      %sign3A_443 = arith.constant 0 : i32
      %sign3A_444 = arith.cmpi slt, %jit3A_431, %sign3A_443 : i32
      %sign3A_445 = arith.extui %sign3A_444 : i1 to i32
      %sign3A_446 = arith.subi %sign3A_442, %sign3A_445 : i32
      %ne3A_447 = arith.cmpi ne, %sign3A_439, %sign3A_446 : i32
      %rem3A_448 = arith.remsi %squeeze3A, %jit3A_431 : i32
      %ne3A_449 = arith.constant 0 : i32
      %ne3A_450 = arith.cmpi ne, %rem3A_448, %ne3A_449 : i32
      %and3A_451 = arith.andi %ne3A_447, %ne3A_450 : i1
      %sub3A_452 = arith.constant 1 : i32
      %sub3A_453 = arith.subi %div3A_432, %sub3A_452 : i32
      %select_n3A_454 = arith.select %and3A_451, %sub3A_453, %div3A_432 : i32
      %mul3A_455 = arith.constant 128 : i32
      %mul3A_456 = arith.muli %select_n3A_454, %mul3A_455 : i32
      %multiple_of3A = tpu.assume_multiple %mul3A_456, 128 : i32
      %dma_start3A = arith.constant 0 : i32
      %dma_start3A_457 = arith.constant 0 : i32
      %dma_start3A_458 = arith.constant 0 : i32
      %dma_start3A_459 = tpu.memref_slice %arg9[%dma_start3A, %dma_start3A_457, %dma_start3A_458] : memref<16x32x128xf32, #tpu.memory_space<vmem>> -> memref<1x32x128xf32, #tpu.memory_space<vmem>>
      %dma_start3A_460 = tpu.memref_squeeze %dma_start3A_459 : memref<1x32x128xf32, #tpu.memory_space<vmem>> -> memref<32x128xf32, #tpu.memory_space<vmem>>
      %dma_start3A_461 = arith.constant 0 : i32
      %dma_start3A_462 = tpu.memref_slice %arg4[%dma_start3A_461, %multiple_of3A] : memref<32x1000000xf32, #tpu.memory_space<hbm>> -> memref<32x128xf32, #tpu.memory_space<hbm>>
      %dma_start3A_463 = arith.constant 0 : i32
      %dma_start3A_464 = arith.constant 0 : i32
      %dma_start3A_465 = tpu.memref_slice %arg9[%dma_start3A, %dma_start3A_463, %dma_start3A_464] : memref<16x32x128xf32, #tpu.memory_space<vmem>> -> memref<1x32x128xf32, #tpu.memory_space<vmem>>
      %dma_start3A_466 = tpu.memref_squeeze %dma_start3A_465 : memref<1x32x128xf32, #tpu.memory_space<vmem>> -> memref<32x128xf32, #tpu.memory_space<vmem>>
      %dma_start3A_467 = arith.constant 0 : i32
      %dma_start3A_468 = tpu.memref_slice %arg4[%dma_start3A_467, %multiple_of3A] : memref<32x1000000xf32, #tpu.memory_space<hbm>> -> memref<32x128xf32, #tpu.memory_space<hbm>>
      tpu.enqueue_dma source(%dma_start3A_468 : memref<32x128xf32, #tpu.memory_space<hbm>>) target(%dma_start3A_466 : memref<32x128xf32, #tpu.memory_space<vmem>>) target_semaphore(%arg13 : memref<!tpu.dma_semaphore, #tpu.memory_space<semaphore_mem>>)
      %slice3A_469 = vector.extract_strided_slice %get3A_425 {offsets = [1], sizes = [1], strides = [1]} : vector<16xi32> to vector<1xi32>
      %squeeze3A_470 = vector.extract %slice3A_469[0] : i32 from vector<1xi32>
      %jit3A_471 = arith.constant 128 : i32
      %div3A_472 = arith.divsi %squeeze3A_470, %jit3A_471 : i32
      %sign3A_473 = arith.constant 0 : i32
      %sign3A_474 = arith.cmpi sgt, %squeeze3A_470, %sign3A_473 : i32
      %sign3A_475 = arith.extui %sign3A_474 : i1 to i32
      %sign3A_476 = arith.constant 0 : i32
      %sign3A_477 = arith.cmpi slt, %squeeze3A_470, %sign3A_476 : i32
      %sign3A_478 = arith.extui %sign3A_477 : i1 to i32
      %sign3A_479 = arith.subi %sign3A_475, %sign3A_478 : i32
      %sign3A_480 = arith.constant 0 : i32
      %sign3A_481 = arith.cmpi sgt, %jit3A_471, %sign3A_480 : i32
      %sign3A_482 = arith.extui %sign3A_481 : i1 to i32
      %sign3A_483 = arith.constant 0 : i32
      %sign3A_484 = arith.cmpi slt, %jit3A_471, %sign3A_483 : i32
      %sign3A_485 = arith.extui %sign3A_484 : i1 to i32
      %sign3A_486 = arith.subi %sign3A_482, %sign3A_485 : i32
      %ne3A_487 = arith.cmpi ne, %sign3A_479, %sign3A_486 : i32
      %rem3A_488 = arith.remsi %squeeze3A_470, %jit3A_471 : i32
      %ne3A_489 = arith.constant 0 : i32
      %ne3A_490 = arith.cmpi ne, %rem3A_488, %ne3A_489 : i32
      %and3A_491 = arith.andi %ne3A_487, %ne3A_490 : i1
      %sub3A_492 = arith.constant 1 : i32
      %sub3A_493 = arith.subi %div3A_472, %sub3A_492 : i32
      %select_n3A_494 = arith.select %and3A_491, %sub3A_493, %div3A_472 : i32
      %mul3A_495 = arith.constant 128 : i32
      %mul3A_496 = arith.muli %select_n3A_494, %mul3A_495 : i32
      %multiple_of3A_497 = tpu.assume_multiple %mul3A_496, 128 : i32
      %dma_start3A_498 = arith.constant 1 : i32
      %dma_start3A_499 = arith.constant 0 : i32
      %dma_start3A_500 = arith.constant 0 : i32
      %dma_start3A_501 = tpu.memref_slice %arg9[%dma_start3A_498, %dma_start3A_499, %dma_start3A_500] : memref<16x32x128xf32, #tpu.memory_space<vmem>> -> memref<1x32x128xf32, #tpu.memory_space<vmem>>
      %dma_start3A_502 = tpu.memref_squeeze %dma_start3A_501 : memref<1x32x128xf32, #tpu.memory_space<vmem>> -> memref<32x128xf32, #tpu.memory_space<vmem>>
      %dma_start3A_503 = arith.constant 0 : i32
      %dma_start3A_504 = tpu.memref_slice %arg4[%dma_start3A_503, %multiple_of3A_497] : memref<32x1000000xf32, #tpu.memory_space<hbm>> -> memref<32x128xf32, #tpu.memory_space<hbm>>
      %dma_start3A_505 = arith.constant 0 : i32
      %dma_start3A_506 = arith.constant 0 : i32
      %dma_start3A_507 = tpu.memref_slice %arg9[%dma_start3A_498, %dma_start3A_505, %dma_start3A_506] : memref<16x32x128xf32, #tpu.memory_space<vmem>> -> memref<1x32x128xf32, #tpu.memory_space<vmem>>
      %dma_start3A_508 = tpu.memref_squeeze %dma_start3A_507 : memref<1x32x128xf32, #tpu.memory_space<vmem>> -> memref<32x128xf32, #tpu.memory_space<vmem>>
      %dma_start3A_509 = arith.constant 0 : i32
      %dma_start3A_510 = tpu.memref_slice %arg4[%dma_start3A_509, %multiple_of3A_497] : memref<32x1000000xf32, #tpu.memory_space<hbm>> -> memref<32x128xf32, #tpu.memory_space<hbm>>
      tpu.enqueue_dma source(%dma_start3A_510 : memref<32x128xf32, #tpu.memory_space<hbm>>) target(%dma_start3A_508 : memref<32x128xf32, #tpu.memory_space<vmem>>) target_semaphore(%arg13 : memref<!tpu.dma_semaphore, #tpu.memory_space<semaphore_mem>>)
      %slice3A_511 = vector.extract_strided_slice %get3A_425 {offsets = [2], sizes = [1], strides = [1]} : vector<16xi32> to vector<1xi32>
      %squeeze3A_512 = vector.extract %slice3A_511[0] : i32 from vector<1xi32>
      %jit3A_513 = arith.constant 128 : i32
      %div3A_514 = arith.divsi %squeeze3A_512, %jit3A_513 : i32
      %sign3A_515 = arith.constant 0 : i32
      %sign3A_516 = arith.cmpi sgt, %squeeze3A_512, %sign3A_515 : i32
      %sign3A_517 = arith.extui %sign3A_516 : i1 to i32
      %sign3A_518 = arith.constant 0 : i32
      %sign3A_519 = arith.cmpi slt, %squeeze3A_512, %sign3A_518 : i32
      %sign3A_520 = arith.extui %sign3A_519 : i1 to i32
      %sign3A_521 = arith.subi %sign3A_517, %sign3A_520 : i32
      %sign3A_522 = arith.constant 0 : i32
      %sign3A_523 = arith.cmpi sgt, %jit3A_513, %sign3A_522 : i32
      %sign3A_524 = arith.extui %sign3A_523 : i1 to i32
      %sign3A_525 = arith.constant 0 : i32
      %sign3A_526 = arith.cmpi slt, %jit3A_513, %sign3A_525 : i32
      %sign3A_527 = arith.extui %sign3A_526 : i1 to i32
      %sign3A_528 = arith.subi %sign3A_524, %sign3A_527 : i32
      %ne3A_529 = arith.cmpi ne, %sign3A_521, %sign3A_528 : i32
      %rem3A_530 = arith.remsi %squeeze3A_512, %jit3A_513 : i32
      %ne3A_531 = arith.constant 0 : i32
      %ne3A_532 = arith.cmpi ne, %rem3A_530, %ne3A_531 : i32
      %and3A_533 = arith.andi %ne3A_529, %ne3A_532 : i1
      %sub3A_534 = arith.constant 1 : i32
      %sub3A_535 = arith.subi %div3A_514, %sub3A_534 : i32
      %select_n3A_536 = arith.select %and3A_533, %sub3A_535, %div3A_514 : i32
      %mul3A_537 = arith.constant 128 : i32
      %mul3A_538 = arith.muli %select_n3A_536, %mul3A_537 : i32
      %multiple_of3A_539 = tpu.assume_multiple %mul3A_538, 128 : i32
      %dma_start3A_540 = arith.constant 2 : i32
      %dma_start3A_541 = arith.constant 0 : i32
      %dma_start3A_542 = arith.constant 0 : i32
      %dma_start3A_543 = tpu.memref_slice %arg9[%dma_start3A_540, %dma_start3A_541, %dma_start3A_542] : memref<16x32x128xf32, #tpu.memory_space<vmem>> -> memref<1x32x128xf32, #tpu.memory_space<vmem>>
      %dma_start3A_544 = tpu.memref_squeeze %dma_start3A_543 : memref<1x32x128xf32, #tpu.memory_space<vmem>> -> memref<32x128xf32, #tpu.memory_space<vmem>>
      %dma_start3A_545 = arith.constant 0 : i32
      %dma_start3A_546 = tpu.memref_slice %arg4[%dma_start3A_545, %multiple_of3A_539] : memref<32x1000000xf32, #tpu.memory_space<hbm>> -> memref<32x128xf32, #tpu.memory_space<hbm>>
      %dma_start3A_547 = arith.constant 0 : i32
      %dma_start3A_548 = arith.constant 0 : i32
      %dma_start3A_549 = tpu.memref_slice %arg9[%dma_start3A_540, %dma_start3A_547, %dma_start3A_548] : memref<16x32x128xf32, #tpu.memory_space<vmem>> -> memref<1x32x128xf32, #tpu.memory_space<vmem>>
      %dma_start3A_550 = tpu.memref_squeeze %dma_start3A_549 : memref<1x32x128xf32, #tpu.memory_space<vmem>> -> memref<32x128xf32, #tpu.memory_space<vmem>>
      %dma_start3A_551 = arith.constant 0 : i32
      %dma_start3A_552 = tpu.memref_slice %arg4[%dma_start3A_551, %multiple_of3A_539] : memref<32x1000000xf32, #tpu.memory_space<hbm>> -> memref<32x128xf32, #tpu.memory_space<hbm>>
      tpu.enqueue_dma source(%dma_start3A_552 : memref<32x128xf32, #tpu.memory_space<hbm>>) target(%dma_start3A_550 : memref<32x128xf32, #tpu.memory_space<vmem>>) target_semaphore(%arg13 : memref<!tpu.dma_semaphore, #tpu.memory_space<semaphore_mem>>)
      %slice3A_553 = vector.extract_strided_slice %get3A_425 {offsets = [3], sizes = [1], strides = [1]} : vector<16xi32> to vector<1xi32>
      %squeeze3A_554 = vector.extract %slice3A_553[0] : i32 from vector<1xi32>
      %jit3A_555 = arith.constant 128 : i32
      %div3A_556 = arith.divsi %squeeze3A_554, %jit3A_555 : i32
      %sign3A_557 = arith.constant 0 : i32
      %sign3A_558 = arith.cmpi sgt, %squeeze3A_554, %sign3A_557 : i32
      %sign3A_559 = arith.extui %sign3A_558 : i1 to i32
      %sign3A_560 = arith.constant 0 : i32
      %sign3A_561 = arith.cmpi slt, %squeeze3A_554, %sign3A_560 : i32
      %sign3A_562 = arith.extui %sign3A_561 : i1 to i32
      %sign3A_563 = arith.subi %sign3A_559, %sign3A_562 : i32
      %sign3A_564 = arith.constant 0 : i32
      %sign3A_565 = arith.cmpi sgt, %jit3A_555, %sign3A_564 : i32
      %sign3A_566 = arith.extui %sign3A_565 : i1 to i32
      %sign3A_567 = arith.constant 0 : i32
      %sign3A_568 = arith.cmpi slt, %jit3A_555, %sign3A_567 : i32
      %sign3A_569 = arith.extui %sign3A_568 : i1 to i32
      %sign3A_570 = arith.subi %sign3A_566, %sign3A_569 : i32
      %ne3A_571 = arith.cmpi ne, %sign3A_563, %sign3A_570 : i32
      %rem3A_572 = arith.remsi %squeeze3A_554, %jit3A_555 : i32
      %ne3A_573 = arith.constant 0 : i32
      %ne3A_574 = arith.cmpi ne, %rem3A_572, %ne3A_573 : i32
      %and3A_575 = arith.andi %ne3A_571, %ne3A_574 : i1
      %sub3A_576 = arith.constant 1 : i32
      %sub3A_577 = arith.subi %div3A_556, %sub3A_576 : i32
      %select_n3A_578 = arith.select %and3A_575, %sub3A_577, %div3A_556 : i32
      %mul3A_579 = arith.constant 128 : i32
      %mul3A_580 = arith.muli %select_n3A_578, %mul3A_579 : i32
      %multiple_of3A_581 = tpu.assume_multiple %mul3A_580, 128 : i32
      %dma_start3A_582 = arith.constant 3 : i32
      %dma_start3A_583 = arith.constant 0 : i32
      %dma_start3A_584 = arith.constant 0 : i32
      %dma_start3A_585 = tpu.memref_slice %arg9[%dma_start3A_582, %dma_start3A_583, %dma_start3A_584] : memref<16x32x128xf32, #tpu.memory_space<vmem>> -> memref<1x32x128xf32, #tpu.memory_space<vmem>>
      %dma_start3A_586 = tpu.memref_squeeze %dma_start3A_585 : memref<1x32x128xf32, #tpu.memory_space<vmem>> -> memref<32x128xf32, #tpu.memory_space<vmem>>
      %dma_start3A_587 = arith.constant 0 : i32
      %dma_start3A_588 = tpu.memref_slice %arg4[%dma_start3A_587, %multiple_of3A_581] : memref<32x1000000xf32, #tpu.memory_space<hbm>> -> memref<32x128xf32, #tpu.memory_space<hbm>>
      %dma_start3A_589 = arith.constant 0 : i32
      %dma_start3A_590 = arith.constant 0 : i32
      %dma_start3A_591 = tpu.memref_slice %arg9[%dma_start3A_582, %dma_start3A_589, %dma_start3A_590] : memref<16x32x128xf32, #tpu.memory_space<vmem>> -> memref<1x32x128xf32, #tpu.memory_space<vmem>>
      %dma_start3A_592 = tpu.memref_squeeze %dma_start3A_591 : memref<1x32x128xf32, #tpu.memory_space<vmem>> -> memref<32x128xf32, #tpu.memory_space<vmem>>
      %dma_start3A_593 = arith.constant 0 : i32
      %dma_start3A_594 = tpu.memref_slice %arg4[%dma_start3A_593, %multiple_of3A_581] : memref<32x1000000xf32, #tpu.memory_space<hbm>> -> memref<32x128xf32, #tpu.memory_space<hbm>>
      tpu.enqueue_dma source(%dma_start3A_594 : memref<32x128xf32, #tpu.memory_space<hbm>>) target(%dma_start3A_592 : memref<32x128xf32, #tpu.memory_space<vmem>>) target_semaphore(%arg13 : memref<!tpu.dma_semaphore, #tpu.memory_space<semaphore_mem>>)
      %slice3A_595 = vector.extract_strided_slice %get3A_425 {offsets = [4], sizes = [1], strides = [1]} : vector<16xi32> to vector<1xi32>
      %squeeze3A_596 = vector.extract %slice3A_595[0] : i32 from vector<1xi32>
      %jit3A_597 = arith.constant 128 : i32
      %div3A_598 = arith.divsi %squeeze3A_596, %jit3A_597 : i32
      %sign3A_599 = arith.constant 0 : i32
      %sign3A_600 = arith.cmpi sgt, %squeeze3A_596, %sign3A_599 : i32
      %sign3A_601 = arith.extui %sign3A_600 : i1 to i32
      %sign3A_602 = arith.constant 0 : i32
      %sign3A_603 = arith.cmpi slt, %squeeze3A_596, %sign3A_602 : i32
      %sign3A_604 = arith.extui %sign3A_603 : i1 to i32
      %sign3A_605 = arith.subi %sign3A_601, %sign3A_604 : i32
      %sign3A_606 = arith.constant 0 : i32
      %sign3A_607 = arith.cmpi sgt, %jit3A_597, %sign3A_606 : i32
      %sign3A_608 = arith.extui %sign3A_607 : i1 to i32
      %sign3A_609 = arith.constant 0 : i32
      %sign3A_610 = arith.cmpi slt, %jit3A_597, %sign3A_609 : i32
      %sign3A_611 = arith.extui %sign3A_610 : i1 to i32
      %sign3A_612 = arith.subi %sign3A_608, %sign3A_611 : i32
      %ne3A_613 = arith.cmpi ne, %sign3A_605, %sign3A_612 : i32
      %rem3A_614 = arith.remsi %squeeze3A_596, %jit3A_597 : i32
      %ne3A_615 = arith.constant 0 : i32
      %ne3A_616 = arith.cmpi ne, %rem3A_614, %ne3A_615 : i32
      %and3A_617 = arith.andi %ne3A_613, %ne3A_616 : i1
      %sub3A_618 = arith.constant 1 : i32
      %sub3A_619 = arith.subi %div3A_598, %sub3A_618 : i32
      %select_n3A_620 = arith.select %and3A_617, %sub3A_619, %div3A_598 : i32
      %mul3A_621 = arith.constant 128 : i32
      %mul3A_622 = arith.muli %select_n3A_620, %mul3A_621 : i32
      %multiple_of3A_623 = tpu.assume_multiple %mul3A_622, 128 : i32
      %dma_start3A_624 = arith.constant 4 : i32
      %dma_start3A_625 = arith.constant 0 : i32
      %dma_start3A_626 = arith.constant 0 : i32
      %dma_start3A_627 = tpu.memref_slice %arg9[%dma_start3A_624, %dma_start3A_625, %dma_start3A_626] : memref<16x32x128xf32, #tpu.memory_space<vmem>> -> memref<1x32x128xf32, #tpu.memory_space<vmem>>
      %dma_start3A_628 = tpu.memref_squeeze %dma_start3A_627 : memref<1x32x128xf32, #tpu.memory_space<vmem>> -> memref<32x128xf32, #tpu.memory_space<vmem>>
      %dma_start3A_629 = arith.constant 0 : i32
      %dma_start3A_630 = tpu.memref_slice %arg4[%dma_start3A_629, %multiple_of3A_623] : memref<32x1000000xf32, #tpu.memory_space<hbm>> -> memref<32x128xf32, #tpu.memory_space<hbm>>
      %dma_start3A_631 = arith.constant 0 : i32
      %dma_start3A_632 = arith.constant 0 : i32
      %dma_start3A_633 = tpu.memref_slice %arg9[%dma_start3A_624, %dma_start3A_631, %dma_start3A_632] : memref<16x32x128xf32, #tpu.memory_space<vmem>> -> memref<1x32x128xf32, #tpu.memory_space<vmem>>
      %dma_start3A_634 = tpu.memref_squeeze %dma_start3A_633 : memref<1x32x128xf32, #tpu.memory_space<vmem>> -> memref<32x128xf32, #tpu.memory_space<vmem>>
      %dma_start3A_635 = arith.constant 0 : i32
      %dma_start3A_636 = tpu.memref_slice %arg4[%dma_start3A_635, %multiple_of3A_623] : memref<32x1000000xf32, #tpu.memory_space<hbm>> -> memref<32x128xf32, #tpu.memory_space<hbm>>
      tpu.enqueue_dma source(%dma_start3A_636 : memref<32x128xf32, #tpu.memory_space<hbm>>) target(%dma_start3A_634 : memref<32x128xf32, #tpu.memory_space<vmem>>) target_semaphore(%arg13 : memref<!tpu.dma_semaphore, #tpu.memory_space<semaphore_mem>>)
      %slice3A_637 = vector.extract_strided_slice %get3A_425 {offsets = [5], sizes = [1], strides = [1]} : vector<16xi32> to vector<1xi32>
      %squeeze3A_638 = vector.extract %slice3A_637[0] : i32 from vector<1xi32>
      %jit3A_639 = arith.constant 128 : i32
      %div3A_640 = arith.divsi %squeeze3A_638, %jit3A_639 : i32
      %sign3A_641 = arith.constant 0 : i32
      %sign3A_642 = arith.cmpi sgt, %squeeze3A_638, %sign3A_641 : i32
      %sign3A_643 = arith.extui %sign3A_642 : i1 to i32
      %sign3A_644 = arith.constant 0 : i32
      %sign3A_645 = arith.cmpi slt, %squeeze3A_638, %sign3A_644 : i32
      %sign3A_646 = arith.extui %sign3A_645 : i1 to i32
      %sign3A_647 = arith.subi %sign3A_643, %sign3A_646 : i32
      %sign3A_648 = arith.constant 0 : i32
      %sign3A_649 = arith.cmpi sgt, %jit3A_639, %sign3A_648 : i32
      %sign3A_650 = arith.extui %sign3A_649 : i1 to i32
      %sign3A_651 = arith.constant 0 : i32
      %sign3A_652 = arith.cmpi slt, %jit3A_639, %sign3A_651 : i32
      %sign3A_653 = arith.extui %sign3A_652 : i1 to i32
      %sign3A_654 = arith.subi %sign3A_650, %sign3A_653 : i32
      %ne3A_655 = arith.cmpi ne, %sign3A_647, %sign3A_654 : i32
      %rem3A_656 = arith.remsi %squeeze3A_638, %jit3A_639 : i32
      %ne3A_657 = arith.constant 0 : i32
      %ne3A_658 = arith.cmpi ne, %rem3A_656, %ne3A_657 : i32
      %and3A_659 = arith.andi %ne3A_655, %ne3A_658 : i1
      %sub3A_660 = arith.constant 1 : i32
      %sub3A_661 = arith.subi %div3A_640, %sub3A_660 : i32
      %select_n3A_662 = arith.select %and3A_659, %sub3A_661, %div3A_640 : i32
      %mul3A_663 = arith.constant 128 : i32
      %mul3A_664 = arith.muli %select_n3A_662, %mul3A_663 : i32
      %multiple_of3A_665 = tpu.assume_multiple %mul3A_664, 128 : i32
      %dma_start3A_666 = arith.constant 5 : i32
      %dma_start3A_667 = arith.constant 0 : i32
      %dma_start3A_668 = arith.constant 0 : i32
      %dma_start3A_669 = tpu.memref_slice %arg9[%dma_start3A_666, %dma_start3A_667, %dma_start3A_668] : memref<16x32x128xf32, #tpu.memory_space<vmem>> -> memref<1x32x128xf32, #tpu.memory_space<vmem>>
      %dma_start3A_670 = tpu.memref_squeeze %dma_start3A_669 : memref<1x32x128xf32, #tpu.memory_space<vmem>> -> memref<32x128xf32, #tpu.memory_space<vmem>>
      %dma_start3A_671 = arith.constant 0 : i32
      %dma_start3A_672 = tpu.memref_slice %arg4[%dma_start3A_671, %multiple_of3A_665] : memref<32x1000000xf32, #tpu.memory_space<hbm>> -> memref<32x128xf32, #tpu.memory_space<hbm>>
      %dma_start3A_673 = arith.constant 0 : i32
      %dma_start3A_674 = arith.constant 0 : i32
      %dma_start3A_675 = tpu.memref_slice %arg9[%dma_start3A_666, %dma_start3A_673, %dma_start3A_674] : memref<16x32x128xf32, #tpu.memory_space<vmem>> -> memref<1x32x128xf32, #tpu.memory_space<vmem>>
      %dma_start3A_676 = tpu.memref_squeeze %dma_start3A_675 : memref<1x32x128xf32, #tpu.memory_space<vmem>> -> memref<32x128xf32, #tpu.memory_space<vmem>>
      %dma_start3A_677 = arith.constant 0 : i32
      %dma_start3A_678 = tpu.memref_slice %arg4[%dma_start3A_677, %multiple_of3A_665] : memref<32x1000000xf32, #tpu.memory_space<hbm>> -> memref<32x128xf32, #tpu.memory_space<hbm>>
      tpu.enqueue_dma source(%dma_start3A_678 : memref<32x128xf32, #tpu.memory_space<hbm>>) target(%dma_start3A_676 : memref<32x128xf32, #tpu.memory_space<vmem>>) target_semaphore(%arg13 : memref<!tpu.dma_semaphore, #tpu.memory_space<semaphore_mem>>)
      %slice3A_679 = vector.extract_strided_slice %get3A_425 {offsets = [6], sizes = [1], strides = [1]} : vector<16xi32> to vector<1xi32>
      %squeeze3A_680 = vector.extract %slice3A_679[0] : i32 from vector<1xi32>
      %jit3A_681 = arith.constant 128 : i32
      %div3A_682 = arith.divsi %squeeze3A_680, %jit3A_681 : i32
      %sign3A_683 = arith.constant 0 : i32
      %sign3A_684 = arith.cmpi sgt, %squeeze3A_680, %sign3A_683 : i32
      %sign3A_685 = arith.extui %sign3A_684 : i1 to i32
      %sign3A_686 = arith.constant 0 : i32
      %sign3A_687 = arith.cmpi slt, %squeeze3A_680, %sign3A_686 : i32
      %sign3A_688 = arith.extui %sign3A_687 : i1 to i32
      %sign3A_689 = arith.subi %sign3A_685, %sign3A_688 : i32
      %sign3A_690 = arith.constant 0 : i32
      %sign3A_691 = arith.cmpi sgt, %jit3A_681, %sign3A_690 : i32
      %sign3A_692 = arith.extui %sign3A_691 : i1 to i32
      %sign3A_693 = arith.constant 0 : i32
      %sign3A_694 = arith.cmpi slt, %jit3A_681, %sign3A_693 : i32
      %sign3A_695 = arith.extui %sign3A_694 : i1 to i32
      %sign3A_696 = arith.subi %sign3A_692, %sign3A_695 : i32
      %ne3A_697 = arith.cmpi ne, %sign3A_689, %sign3A_696 : i32
      %rem3A_698 = arith.remsi %squeeze3A_680, %jit3A_681 : i32
      %ne3A_699 = arith.constant 0 : i32
      %ne3A_700 = arith.cmpi ne, %rem3A_698, %ne3A_699 : i32
      %and3A_701 = arith.andi %ne3A_697, %ne3A_700 : i1
      %sub3A_702 = arith.constant 1 : i32
      %sub3A_703 = arith.subi %div3A_682, %sub3A_702 : i32
      %select_n3A_704 = arith.select %and3A_701, %sub3A_703, %div3A_682 : i32
      %mul3A_705 = arith.constant 128 : i32
      %mul3A_706 = arith.muli %select_n3A_704, %mul3A_705 : i32
      %multiple_of3A_707 = tpu.assume_multiple %mul3A_706, 128 : i32
      %dma_start3A_708 = arith.constant 6 : i32
      %dma_start3A_709 = arith.constant 0 : i32
      %dma_start3A_710 = arith.constant 0 : i32
      %dma_start3A_711 = tpu.memref_slice %arg9[%dma_start3A_708, %dma_start3A_709, %dma_start3A_710] : memref<16x32x128xf32, #tpu.memory_space<vmem>> -> memref<1x32x128xf32, #tpu.memory_space<vmem>>
      %dma_start3A_712 = tpu.memref_squeeze %dma_start3A_711 : memref<1x32x128xf32, #tpu.memory_space<vmem>> -> memref<32x128xf32, #tpu.memory_space<vmem>>
      %dma_start3A_713 = arith.constant 0 : i32
      %dma_start3A_714 = tpu.memref_slice %arg4[%dma_start3A_713, %multiple_of3A_707] : memref<32x1000000xf32, #tpu.memory_space<hbm>> -> memref<32x128xf32, #tpu.memory_space<hbm>>
      %dma_start3A_715 = arith.constant 0 : i32
      %dma_start3A_716 = arith.constant 0 : i32
      %dma_start3A_717 = tpu.memref_slice %arg9[%dma_start3A_708, %dma_start3A_715, %dma_start3A_716] : memref<16x32x128xf32, #tpu.memory_space<vmem>> -> memref<1x32x128xf32, #tpu.memory_space<vmem>>
      %dma_start3A_718 = tpu.memref_squeeze %dma_start3A_717 : memref<1x32x128xf32, #tpu.memory_space<vmem>> -> memref<32x128xf32, #tpu.memory_space<vmem>>
      %dma_start3A_719 = arith.constant 0 : i32
      %dma_start3A_720 = tpu.memref_slice %arg4[%dma_start3A_719, %multiple_of3A_707] : memref<32x1000000xf32, #tpu.memory_space<hbm>> -> memref<32x128xf32, #tpu.memory_space<hbm>>
      tpu.enqueue_dma source(%dma_start3A_720 : memref<32x128xf32, #tpu.memory_space<hbm>>) target(%dma_start3A_718 : memref<32x128xf32, #tpu.memory_space<vmem>>) target_semaphore(%arg13 : memref<!tpu.dma_semaphore, #tpu.memory_space<semaphore_mem>>)
      %slice3A_721 = vector.extract_strided_slice %get3A_425 {offsets = [7], sizes = [1], strides = [1]} : vector<16xi32> to vector<1xi32>
      %squeeze3A_722 = vector.extract %slice3A_721[0] : i32 from vector<1xi32>
      %jit3A_723 = arith.constant 128 : i32
      %div3A_724 = arith.divsi %squeeze3A_722, %jit3A_723 : i32
      %sign3A_725 = arith.constant 0 : i32
      %sign3A_726 = arith.cmpi sgt, %squeeze3A_722, %sign3A_725 : i32
      %sign3A_727 = arith.extui %sign3A_726 : i1 to i32
      %sign3A_728 = arith.constant 0 : i32
      %sign3A_729 = arith.cmpi slt, %squeeze3A_722, %sign3A_728 : i32
      %sign3A_730 = arith.extui %sign3A_729 : i1 to i32
      %sign3A_731 = arith.subi %sign3A_727, %sign3A_730 : i32
      %sign3A_732 = arith.constant 0 : i32
      %sign3A_733 = arith.cmpi sgt, %jit3A_723, %sign3A_732 : i32
      %sign3A_734 = arith.extui %sign3A_733 : i1 to i32
      %sign3A_735 = arith.constant 0 : i32
      %sign3A_736 = arith.cmpi slt, %jit3A_723, %sign3A_735 : i32
      %sign3A_737 = arith.extui %sign3A_736 : i1 to i32
      %sign3A_738 = arith.subi %sign3A_734, %sign3A_737 : i32
      %ne3A_739 = arith.cmpi ne, %sign3A_731, %sign3A_738 : i32
      %rem3A_740 = arith.remsi %squeeze3A_722, %jit3A_723 : i32
      %ne3A_741 = arith.constant 0 : i32
      %ne3A_742 = arith.cmpi ne, %rem3A_740, %ne3A_741 : i32
      %and3A_743 = arith.andi %ne3A_739, %ne3A_742 : i1
      %sub3A_744 = arith.constant 1 : i32
      %sub3A_745 = arith.subi %div3A_724, %sub3A_744 : i32
      %select_n3A_746 = arith.select %and3A_743, %sub3A_745, %div3A_724 : i32
      %mul3A_747 = arith.constant 128 : i32
      %mul3A_748 = arith.muli %select_n3A_746, %mul3A_747 : i32
      %multiple_of3A_749 = tpu.assume_multiple %mul3A_748, 128 : i32
      %dma_start3A_750 = arith.constant 7 : i32
      %dma_start3A_751 = arith.constant 0 : i32
      %dma_start3A_752 = arith.constant 0 : i32
      %dma_start3A_753 = tpu.memref_slice %arg9[%dma_start3A_750, %dma_start3A_751, %dma_start3A_752] : memref<16x32x128xf32, #tpu.memory_space<vmem>> -> memref<1x32x128xf32, #tpu.memory_space<vmem>>
      %dma_start3A_754 = tpu.memref_squeeze %dma_start3A_753 : memref<1x32x128xf32, #tpu.memory_space<vmem>> -> memref<32x128xf32, #tpu.memory_space<vmem>>
      %dma_start3A_755 = arith.constant 0 : i32
      %dma_start3A_756 = tpu.memref_slice %arg4[%dma_start3A_755, %multiple_of3A_749] : memref<32x1000000xf32, #tpu.memory_space<hbm>> -> memref<32x128xf32, #tpu.memory_space<hbm>>
      %dma_start3A_757 = arith.constant 0 : i32
      %dma_start3A_758 = arith.constant 0 : i32
      %dma_start3A_759 = tpu.memref_slice %arg9[%dma_start3A_750, %dma_start3A_757, %dma_start3A_758] : memref<16x32x128xf32, #tpu.memory_space<vmem>> -> memref<1x32x128xf32, #tpu.memory_space<vmem>>
      %dma_start3A_760 = tpu.memref_squeeze %dma_start3A_759 : memref<1x32x128xf32, #tpu.memory_space<vmem>> -> memref<32x128xf32, #tpu.memory_space<vmem>>
      %dma_start3A_761 = arith.constant 0 : i32
      %dma_start3A_762 = tpu.memref_slice %arg4[%dma_start3A_761, %multiple_of3A_749] : memref<32x1000000xf32, #tpu.memory_space<hbm>> -> memref<32x128xf32, #tpu.memory_space<hbm>>
      tpu.enqueue_dma source(%dma_start3A_762 : memref<32x128xf32, #tpu.memory_space<hbm>>) target(%dma_start3A_760 : memref<32x128xf32, #tpu.memory_space<vmem>>) target_semaphore(%arg13 : memref<!tpu.dma_semaphore, #tpu.memory_space<semaphore_mem>>)
      %slice3A_763 = vector.extract_strided_slice %get3A_425 {offsets = [8], sizes = [1], strides = [1]} : vector<16xi32> to vector<1xi32>
      %squeeze3A_764 = vector.extract %slice3A_763[0] : i32 from vector<1xi32>
      %jit3A_765 = arith.constant 128 : i32
      %div3A_766 = arith.divsi %squeeze3A_764, %jit3A_765 : i32
      %sign3A_767 = arith.constant 0 : i32
      %sign3A_768 = arith.cmpi sgt, %squeeze3A_764, %sign3A_767 : i32
      %sign3A_769 = arith.extui %sign3A_768 : i1 to i32
      %sign3A_770 = arith.constant 0 : i32
      %sign3A_771 = arith.cmpi slt, %squeeze3A_764, %sign3A_770 : i32
      %sign3A_772 = arith.extui %sign3A_771 : i1 to i32
      %sign3A_773 = arith.subi %sign3A_769, %sign3A_772 : i32
      %sign3A_774 = arith.constant 0 : i32
      %sign3A_775 = arith.cmpi sgt, %jit3A_765, %sign3A_774 : i32
      %sign3A_776 = arith.extui %sign3A_775 : i1 to i32
      %sign3A_777 = arith.constant 0 : i32
      %sign3A_778 = arith.cmpi slt, %jit3A_765, %sign3A_777 : i32
      %sign3A_779 = arith.extui %sign3A_778 : i1 to i32
      %sign3A_780 = arith.subi %sign3A_776, %sign3A_779 : i32
      %ne3A_781 = arith.cmpi ne, %sign3A_773, %sign3A_780 : i32
      %rem3A_782 = arith.remsi %squeeze3A_764, %jit3A_765 : i32
      %ne3A_783 = arith.constant 0 : i32
      %ne3A_784 = arith.cmpi ne, %rem3A_782, %ne3A_783 : i32
      %and3A_785 = arith.andi %ne3A_781, %ne3A_784 : i1
      %sub3A_786 = arith.constant 1 : i32
      %sub3A_787 = arith.subi %div3A_766, %sub3A_786 : i32
      %select_n3A_788 = arith.select %and3A_785, %sub3A_787, %div3A_766 : i32
      %mul3A_789 = arith.constant 128 : i32
      %mul3A_790 = arith.muli %select_n3A_788, %mul3A_789 : i32
      %multiple_of3A_791 = tpu.assume_multiple %mul3A_790, 128 : i32
      %dma_start3A_792 = arith.constant 8 : i32
      %dma_start3A_793 = arith.constant 0 : i32
      %dma_start3A_794 = arith.constant 0 : i32
      %dma_start3A_795 = tpu.memref_slice %arg9[%dma_start3A_792, %dma_start3A_793, %dma_start3A_794] : memref<16x32x128xf32, #tpu.memory_space<vmem>> -> memref<1x32x128xf32, #tpu.memory_space<vmem>>
      %dma_start3A_796 = tpu.memref_squeeze %dma_start3A_795 : memref<1x32x128xf32, #tpu.memory_space<vmem>> -> memref<32x128xf32, #tpu.memory_space<vmem>>
      %dma_start3A_797 = arith.constant 0 : i32
      %dma_start3A_798 = tpu.memref_slice %arg4[%dma_start3A_797, %multiple_of3A_791] : memref<32x1000000xf32, #tpu.memory_space<hbm>> -> memref<32x128xf32, #tpu.memory_space<hbm>>
      %dma_start3A_799 = arith.constant 0 : i32
      %dma_start3A_800 = arith.constant 0 : i32
      %dma_start3A_801 = tpu.memref_slice %arg9[%dma_start3A_792, %dma_start3A_799, %dma_start3A_800] : memref<16x32x128xf32, #tpu.memory_space<vmem>> -> memref<1x32x128xf32, #tpu.memory_space<vmem>>
      %dma_start3A_802 = tpu.memref_squeeze %dma_start3A_801 : memref<1x32x128xf32, #tpu.memory_space<vmem>> -> memref<32x128xf32, #tpu.memory_space<vmem>>
      %dma_start3A_803 = arith.constant 0 : i32
      %dma_start3A_804 = tpu.memref_slice %arg4[%dma_start3A_803, %multiple_of3A_791] : memref<32x1000000xf32, #tpu.memory_space<hbm>> -> memref<32x128xf32, #tpu.memory_space<hbm>>
      tpu.enqueue_dma source(%dma_start3A_804 : memref<32x128xf32, #tpu.memory_space<hbm>>) target(%dma_start3A_802 : memref<32x128xf32, #tpu.memory_space<vmem>>) target_semaphore(%arg13 : memref<!tpu.dma_semaphore, #tpu.memory_space<semaphore_mem>>)
      %slice3A_805 = vector.extract_strided_slice %get3A_425 {offsets = [9], sizes = [1], strides = [1]} : vector<16xi32> to vector<1xi32>
      %squeeze3A_806 = vector.extract %slice3A_805[0] : i32 from vector<1xi32>
      %jit3A_807 = arith.constant 128 : i32
      %div3A_808 = arith.divsi %squeeze3A_806, %jit3A_807 : i32
      %sign3A_809 = arith.constant 0 : i32
      %sign3A_810 = arith.cmpi sgt, %squeeze3A_806, %sign3A_809 : i32
      %sign3A_811 = arith.extui %sign3A_810 : i1 to i32
      %sign3A_812 = arith.constant 0 : i32
      %sign3A_813 = arith.cmpi slt, %squeeze3A_806, %sign3A_812 : i32
      %sign3A_814 = arith.extui %sign3A_813 : i1 to i32
      %sign3A_815 = arith.subi %sign3A_811, %sign3A_814 : i32
      %sign3A_816 = arith.constant 0 : i32
      %sign3A_817 = arith.cmpi sgt, %jit3A_807, %sign3A_816 : i32
      %sign3A_818 = arith.extui %sign3A_817 : i1 to i32
      %sign3A_819 = arith.constant 0 : i32
      %sign3A_820 = arith.cmpi slt, %jit3A_807, %sign3A_819 : i32
      %sign3A_821 = arith.extui %sign3A_820 : i1 to i32
      %sign3A_822 = arith.subi %sign3A_818, %sign3A_821 : i32
      %ne3A_823 = arith.cmpi ne, %sign3A_815, %sign3A_822 : i32
      %rem3A_824 = arith.remsi %squeeze3A_806, %jit3A_807 : i32
      %ne3A_825 = arith.constant 0 : i32
      %ne3A_826 = arith.cmpi ne, %rem3A_824, %ne3A_825 : i32
      %and3A_827 = arith.andi %ne3A_823, %ne3A_826 : i1
      %sub3A_828 = arith.constant 1 : i32
      %sub3A_829 = arith.subi %div3A_808, %sub3A_828 : i32
      %select_n3A_830 = arith.select %and3A_827, %sub3A_829, %div3A_808 : i32
      %mul3A_831 = arith.constant 128 : i32
      %mul3A_832 = arith.muli %select_n3A_830, %mul3A_831 : i32
      %multiple_of3A_833 = tpu.assume_multiple %mul3A_832, 128 : i32
      %dma_start3A_834 = arith.constant 9 : i32
      %dma_start3A_835 = arith.constant 0 : i32
      %dma_start3A_836 = arith.constant 0 : i32
      %dma_start3A_837 = tpu.memref_slice %arg9[%dma_start3A_834, %dma_start3A_835, %dma_start3A_836] : memref<16x32x128xf32, #tpu.memory_space<vmem>> -> memref<1x32x128xf32, #tpu.memory_space<vmem>>
      %dma_start3A_838 = tpu.memref_squeeze %dma_start3A_837 : memref<1x32x128xf32, #tpu.memory_space<vmem>> -> memref<32x128xf32, #tpu.memory_space<vmem>>
      %dma_start3A_839 = arith.constant 0 : i32
      %dma_start3A_840 = tpu.memref_slice %arg4[%dma_start3A_839, %multiple_of3A_833] : memref<32x1000000xf32, #tpu.memory_space<hbm>> -> memref<32x128xf32, #tpu.memory_space<hbm>>
      %dma_start3A_841 = arith.constant 0 : i32
      %dma_start3A_842 = arith.constant 0 : i32
      %dma_start3A_843 = tpu.memref_slice %arg9[%dma_start3A_834, %dma_start3A_841, %dma_start3A_842] : memref<16x32x128xf32, #tpu.memory_space<vmem>> -> memref<1x32x128xf32, #tpu.memory_space<vmem>>
      %dma_start3A_844 = tpu.memref_squeeze %dma_start3A_843 : memref<1x32x128xf32, #tpu.memory_space<vmem>> -> memref<32x128xf32, #tpu.memory_space<vmem>>
      %dma_start3A_845 = arith.constant 0 : i32
      %dma_start3A_846 = tpu.memref_slice %arg4[%dma_start3A_845, %multiple_of3A_833] : memref<32x1000000xf32, #tpu.memory_space<hbm>> -> memref<32x128xf32, #tpu.memory_space<hbm>>
      tpu.enqueue_dma source(%dma_start3A_846 : memref<32x128xf32, #tpu.memory_space<hbm>>) target(%dma_start3A_844 : memref<32x128xf32, #tpu.memory_space<vmem>>) target_semaphore(%arg13 : memref<!tpu.dma_semaphore, #tpu.memory_space<semaphore_mem>>)
      %slice3A_847 = vector.extract_strided_slice %get3A_425 {offsets = [10], sizes = [1], strides = [1]} : vector<16xi32> to vector<1xi32>
      %squeeze3A_848 = vector.extract %slice3A_847[0] : i32 from vector<1xi32>
      %jit3A_849 = arith.constant 128 : i32
      %div3A_850 = arith.divsi %squeeze3A_848, %jit3A_849 : i32
      %sign3A_851 = arith.constant 0 : i32
      %sign3A_852 = arith.cmpi sgt, %squeeze3A_848, %sign3A_851 : i32
      %sign3A_853 = arith.extui %sign3A_852 : i1 to i32
      %sign3A_854 = arith.constant 0 : i32
      %sign3A_855 = arith.cmpi slt, %squeeze3A_848, %sign3A_854 : i32
      %sign3A_856 = arith.extui %sign3A_855 : i1 to i32
      %sign3A_857 = arith.subi %sign3A_853, %sign3A_856 : i32
      %sign3A_858 = arith.constant 0 : i32
      %sign3A_859 = arith.cmpi sgt, %jit3A_849, %sign3A_858 : i32
      %sign3A_860 = arith.extui %sign3A_859 : i1 to i32
      %sign3A_861 = arith.constant 0 : i32
      %sign3A_862 = arith.cmpi slt, %jit3A_849, %sign3A_861 : i32
      %sign3A_863 = arith.extui %sign3A_862 : i1 to i32
      %sign3A_864 = arith.subi %sign3A_860, %sign3A_863 : i32
      %ne3A_865 = arith.cmpi ne, %sign3A_857, %sign3A_864 : i32
      %rem3A_866 = arith.remsi %squeeze3A_848, %jit3A_849 : i32
      %ne3A_867 = arith.constant 0 : i32
      %ne3A_868 = arith.cmpi ne, %rem3A_866, %ne3A_867 : i32
      %and3A_869 = arith.andi %ne3A_865, %ne3A_868 : i1
      %sub3A_870 = arith.constant 1 : i32
      %sub3A_871 = arith.subi %div3A_850, %sub3A_870 : i32
      %select_n3A_872 = arith.select %and3A_869, %sub3A_871, %div3A_850 : i32
      %mul3A_873 = arith.constant 128 : i32
      %mul3A_874 = arith.muli %select_n3A_872, %mul3A_873 : i32
      %multiple_of3A_875 = tpu.assume_multiple %mul3A_874, 128 : i32
      %dma_start3A_876 = arith.constant 10 : i32
      %dma_start3A_877 = arith.constant 0 : i32
      %dma_start3A_878 = arith.constant 0 : i32
      %dma_start3A_879 = tpu.memref_slice %arg9[%dma_start3A_876, %dma_start3A_877, %dma_start3A_878] : memref<16x32x128xf32, #tpu.memory_space<vmem>> -> memref<1x32x128xf32, #tpu.memory_space<vmem>>
      %dma_start3A_880 = tpu.memref_squeeze %dma_start3A_879 : memref<1x32x128xf32, #tpu.memory_space<vmem>> -> memref<32x128xf32, #tpu.memory_space<vmem>>
      %dma_start3A_881 = arith.constant 0 : i32
      %dma_start3A_882 = tpu.memref_slice %arg4[%dma_start3A_881, %multiple_of3A_875] : memref<32x1000000xf32, #tpu.memory_space<hbm>> -> memref<32x128xf32, #tpu.memory_space<hbm>>
      %dma_start3A_883 = arith.constant 0 : i32
      %dma_start3A_884 = arith.constant 0 : i32
      %dma_start3A_885 = tpu.memref_slice %arg9[%dma_start3A_876, %dma_start3A_883, %dma_start3A_884] : memref<16x32x128xf32, #tpu.memory_space<vmem>> -> memref<1x32x128xf32, #tpu.memory_space<vmem>>
      %dma_start3A_886 = tpu.memref_squeeze %dma_start3A_885 : memref<1x32x128xf32, #tpu.memory_space<vmem>> -> memref<32x128xf32, #tpu.memory_space<vmem>>
      %dma_start3A_887 = arith.constant 0 : i32
      %dma_start3A_888 = tpu.memref_slice %arg4[%dma_start3A_887, %multiple_of3A_875] : memref<32x1000000xf32, #tpu.memory_space<hbm>> -> memref<32x128xf32, #tpu.memory_space<hbm>>
      tpu.enqueue_dma source(%dma_start3A_888 : memref<32x128xf32, #tpu.memory_space<hbm>>) target(%dma_start3A_886 : memref<32x128xf32, #tpu.memory_space<vmem>>) target_semaphore(%arg13 : memref<!tpu.dma_semaphore, #tpu.memory_space<semaphore_mem>>)
      %slice3A_889 = vector.extract_strided_slice %get3A_425 {offsets = [11], sizes = [1], strides = [1]} : vector<16xi32> to vector<1xi32>
      %squeeze3A_890 = vector.extract %slice3A_889[0] : i32 from vector<1xi32>
      %jit3A_891 = arith.constant 128 : i32
      %div3A_892 = arith.divsi %squeeze3A_890, %jit3A_891 : i32
      %sign3A_893 = arith.constant 0 : i32
      %sign3A_894 = arith.cmpi sgt, %squeeze3A_890, %sign3A_893 : i32
      %sign3A_895 = arith.extui %sign3A_894 : i1 to i32
      %sign3A_896 = arith.constant 0 : i32
      %sign3A_897 = arith.cmpi slt, %squeeze3A_890, %sign3A_896 : i32
      %sign3A_898 = arith.extui %sign3A_897 : i1 to i32
      %sign3A_899 = arith.subi %sign3A_895, %sign3A_898 : i32
      %sign3A_900 = arith.constant 0 : i32
      %sign3A_901 = arith.cmpi sgt, %jit3A_891, %sign3A_900 : i32
      %sign3A_902 = arith.extui %sign3A_901 : i1 to i32
      %sign3A_903 = arith.constant 0 : i32
      %sign3A_904 = arith.cmpi slt, %jit3A_891, %sign3A_903 : i32
      %sign3A_905 = arith.extui %sign3A_904 : i1 to i32
      %sign3A_906 = arith.subi %sign3A_902, %sign3A_905 : i32
      %ne3A_907 = arith.cmpi ne, %sign3A_899, %sign3A_906 : i32
      %rem3A_908 = arith.remsi %squeeze3A_890, %jit3A_891 : i32
      %ne3A_909 = arith.constant 0 : i32
      %ne3A_910 = arith.cmpi ne, %rem3A_908, %ne3A_909 : i32
      %and3A_911 = arith.andi %ne3A_907, %ne3A_910 : i1
      %sub3A_912 = arith.constant 1 : i32
      %sub3A_913 = arith.subi %div3A_892, %sub3A_912 : i32
      %select_n3A_914 = arith.select %and3A_911, %sub3A_913, %div3A_892 : i32
      %mul3A_915 = arith.constant 128 : i32
      %mul3A_916 = arith.muli %select_n3A_914, %mul3A_915 : i32
      %multiple_of3A_917 = tpu.assume_multiple %mul3A_916, 128 : i32
      %dma_start3A_918 = arith.constant 11 : i32
      %dma_start3A_919 = arith.constant 0 : i32
      %dma_start3A_920 = arith.constant 0 : i32
      %dma_start3A_921 = tpu.memref_slice %arg9[%dma_start3A_918, %dma_start3A_919, %dma_start3A_920] : memref<16x32x128xf32, #tpu.memory_space<vmem>> -> memref<1x32x128xf32, #tpu.memory_space<vmem>>
      %dma_start3A_922 = tpu.memref_squeeze %dma_start3A_921 : memref<1x32x128xf32, #tpu.memory_space<vmem>> -> memref<32x128xf32, #tpu.memory_space<vmem>>
      %dma_start3A_923 = arith.constant 0 : i32
      %dma_start3A_924 = tpu.memref_slice %arg4[%dma_start3A_923, %multiple_of3A_917] : memref<32x1000000xf32, #tpu.memory_space<hbm>> -> memref<32x128xf32, #tpu.memory_space<hbm>>
      %dma_start3A_925 = arith.constant 0 : i32
      %dma_start3A_926 = arith.constant 0 : i32
      %dma_start3A_927 = tpu.memref_slice %arg9[%dma_start3A_918, %dma_start3A_925, %dma_start3A_926] : memref<16x32x128xf32, #tpu.memory_space<vmem>> -> memref<1x32x128xf32, #tpu.memory_space<vmem>>
      %dma_start3A_928 = tpu.memref_squeeze %dma_start3A_927 : memref<1x32x128xf32, #tpu.memory_space<vmem>> -> memref<32x128xf32, #tpu.memory_space<vmem>>
      %dma_start3A_929 = arith.constant 0 : i32
      %dma_start3A_930 = tpu.memref_slice %arg4[%dma_start3A_929, %multiple_of3A_917] : memref<32x1000000xf32, #tpu.memory_space<hbm>> -> memref<32x128xf32, #tpu.memory_space<hbm>>
      tpu.enqueue_dma source(%dma_start3A_930 : memref<32x128xf32, #tpu.memory_space<hbm>>) target(%dma_start3A_928 : memref<32x128xf32, #tpu.memory_space<vmem>>) target_semaphore(%arg13 : memref<!tpu.dma_semaphore, #tpu.memory_space<semaphore_mem>>)
      %slice3A_931 = vector.extract_strided_slice %get3A_425 {offsets = [12], sizes = [1], strides = [1]} : vector<16xi32> to vector<1xi32>
      %squeeze3A_932 = vector.extract %slice3A_931[0] : i32 from vector<1xi32>
      %jit3A_933 = arith.constant 128 : i32
      %div3A_934 = arith.divsi %squeeze3A_932, %jit3A_933 : i32
      %sign3A_935 = arith.constant 0 : i32
      %sign3A_936 = arith.cmpi sgt, %squeeze3A_932, %sign3A_935 : i32
      %sign3A_937 = arith.extui %sign3A_936 : i1 to i32
      %sign3A_938 = arith.constant 0 : i32
      %sign3A_939 = arith.cmpi slt, %squeeze3A_932, %sign3A_938 : i32
      %sign3A_940 = arith.extui %sign3A_939 : i1 to i32
      %sign3A_941 = arith.subi %sign3A_937, %sign3A_940 : i32
      %sign3A_942 = arith.constant 0 : i32
      %sign3A_943 = arith.cmpi sgt, %jit3A_933, %sign3A_942 : i32
      %sign3A_944 = arith.extui %sign3A_943 : i1 to i32
      %sign3A_945 = arith.constant 0 : i32
      %sign3A_946 = arith.cmpi slt, %jit3A_933, %sign3A_945 : i32
      %sign3A_947 = arith.extui %sign3A_946 : i1 to i32
      %sign3A_948 = arith.subi %sign3A_944, %sign3A_947 : i32
      %ne3A_949 = arith.cmpi ne, %sign3A_941, %sign3A_948 : i32
      %rem3A_950 = arith.remsi %squeeze3A_932, %jit3A_933 : i32
      %ne3A_951 = arith.constant 0 : i32
      %ne3A_952 = arith.cmpi ne, %rem3A_950, %ne3A_951 : i32
      %and3A_953 = arith.andi %ne3A_949, %ne3A_952 : i1
      %sub3A_954 = arith.constant 1 : i32
      %sub3A_955 = arith.subi %div3A_934, %sub3A_954 : i32
      %select_n3A_956 = arith.select %and3A_953, %sub3A_955, %div3A_934 : i32
      %mul3A_957 = arith.constant 128 : i32
      %mul3A_958 = arith.muli %select_n3A_956, %mul3A_957 : i32
      %multiple_of3A_959 = tpu.assume_multiple %mul3A_958, 128 : i32
      %dma_start3A_960 = arith.constant 12 : i32
      %dma_start3A_961 = arith.constant 0 : i32
      %dma_start3A_962 = arith.constant 0 : i32
      %dma_start3A_963 = tpu.memref_slice %arg9[%dma_start3A_960, %dma_start3A_961, %dma_start3A_962] : memref<16x32x128xf32, #tpu.memory_space<vmem>> -> memref<1x32x128xf32, #tpu.memory_space<vmem>>
      %dma_start3A_964 = tpu.memref_squeeze %dma_start3A_963 : memref<1x32x128xf32, #tpu.memory_space<vmem>> -> memref<32x128xf32, #tpu.memory_space<vmem>>
      %dma_start3A_965 = arith.constant 0 : i32
      %dma_start3A_966 = tpu.memref_slice %arg4[%dma_start3A_965, %multiple_of3A_959] : memref<32x1000000xf32, #tpu.memory_space<hbm>> -> memref<32x128xf32, #tpu.memory_space<hbm>>
      %dma_start3A_967 = arith.constant 0 : i32
      %dma_start3A_968 = arith.constant 0 : i32
      %dma_start3A_969 = tpu.memref_slice %arg9[%dma_start3A_960, %dma_start3A_967, %dma_start3A_968] : memref<16x32x128xf32, #tpu.memory_space<vmem>> -> memref<1x32x128xf32, #tpu.memory_space<vmem>>
      %dma_start3A_970 = tpu.memref_squeeze %dma_start3A_969 : memref<1x32x128xf32, #tpu.memory_space<vmem>> -> memref<32x128xf32, #tpu.memory_space<vmem>>
      %dma_start3A_971 = arith.constant 0 : i32
      %dma_start3A_972 = tpu.memref_slice %arg4[%dma_start3A_971, %multiple_of3A_959] : memref<32x1000000xf32, #tpu.memory_space<hbm>> -> memref<32x128xf32, #tpu.memory_space<hbm>>
      tpu.enqueue_dma source(%dma_start3A_972 : memref<32x128xf32, #tpu.memory_space<hbm>>) target(%dma_start3A_970 : memref<32x128xf32, #tpu.memory_space<vmem>>) target_semaphore(%arg13 : memref<!tpu.dma_semaphore, #tpu.memory_space<semaphore_mem>>)
      %slice3A_973 = vector.extract_strided_slice %get3A_425 {offsets = [13], sizes = [1], strides = [1]} : vector<16xi32> to vector<1xi32>
      %squeeze3A_974 = vector.extract %slice3A_973[0] : i32 from vector<1xi32>
      %jit3A_975 = arith.constant 128 : i32
      %div3A_976 = arith.divsi %squeeze3A_974, %jit3A_975 : i32
      %sign3A_977 = arith.constant 0 : i32
      %sign3A_978 = arith.cmpi sgt, %squeeze3A_974, %sign3A_977 : i32
      %sign3A_979 = arith.extui %sign3A_978 : i1 to i32
      %sign3A_980 = arith.constant 0 : i32
      %sign3A_981 = arith.cmpi slt, %squeeze3A_974, %sign3A_980 : i32
      %sign3A_982 = arith.extui %sign3A_981 : i1 to i32
      %sign3A_983 = arith.subi %sign3A_979, %sign3A_982 : i32
      %sign3A_984 = arith.constant 0 : i32
      %sign3A_985 = arith.cmpi sgt, %jit3A_975, %sign3A_984 : i32
      %sign3A_986 = arith.extui %sign3A_985 : i1 to i32
      %sign3A_987 = arith.constant 0 : i32
      %sign3A_988 = arith.cmpi slt, %jit3A_975, %sign3A_987 : i32
      %sign3A_989 = arith.extui %sign3A_988 : i1 to i32
      %sign3A_990 = arith.subi %sign3A_986, %sign3A_989 : i32
      %ne3A_991 = arith.cmpi ne, %sign3A_983, %sign3A_990 : i32
      %rem3A_992 = arith.remsi %squeeze3A_974, %jit3A_975 : i32
      %ne3A_993 = arith.constant 0 : i32
      %ne3A_994 = arith.cmpi ne, %rem3A_992, %ne3A_993 : i32
      %and3A_995 = arith.andi %ne3A_991, %ne3A_994 : i1
      %sub3A_996 = arith.constant 1 : i32
      %sub3A_997 = arith.subi %div3A_976, %sub3A_996 : i32
      %select_n3A_998 = arith.select %and3A_995, %sub3A_997, %div3A_976 : i32
      %mul3A_999 = arith.constant 128 : i32
      %mul3A_1000 = arith.muli %select_n3A_998, %mul3A_999 : i32
      %multiple_of3A_1001 = tpu.assume_multiple %mul3A_1000, 128 : i32
      %dma_start3A_1002 = arith.constant 13 : i32
      %dma_start3A_1003 = arith.constant 0 : i32
      %dma_start3A_1004 = arith.constant 0 : i32
      %dma_start3A_1005 = tpu.memref_slice %arg9[%dma_start3A_1002, %dma_start3A_1003, %dma_start3A_1004] : memref<16x32x128xf32, #tpu.memory_space<vmem>> -> memref<1x32x128xf32, #tpu.memory_space<vmem>>
      %dma_start3A_1006 = tpu.memref_squeeze %dma_start3A_1005 : memref<1x32x128xf32, #tpu.memory_space<vmem>> -> memref<32x128xf32, #tpu.memory_space<vmem>>
      %dma_start3A_1007 = arith.constant 0 : i32
      %dma_start3A_1008 = tpu.memref_slice %arg4[%dma_start3A_1007, %multiple_of3A_1001] : memref<32x1000000xf32, #tpu.memory_space<hbm>> -> memref<32x128xf32, #tpu.memory_space<hbm>>
      %dma_start3A_1009 = arith.constant 0 : i32
      %dma_start3A_1010 = arith.constant 0 : i32
      %dma_start3A_1011 = tpu.memref_slice %arg9[%dma_start3A_1002, %dma_start3A_1009, %dma_start3A_1010] : memref<16x32x128xf32, #tpu.memory_space<vmem>> -> memref<1x32x128xf32, #tpu.memory_space<vmem>>
      %dma_start3A_1012 = tpu.memref_squeeze %dma_start3A_1011 : memref<1x32x128xf32, #tpu.memory_space<vmem>> -> memref<32x128xf32, #tpu.memory_space<vmem>>
      %dma_start3A_1013 = arith.constant 0 : i32
      %dma_start3A_1014 = tpu.memref_slice %arg4[%dma_start3A_1013, %multiple_of3A_1001] : memref<32x1000000xf32, #tpu.memory_space<hbm>> -> memref<32x128xf32, #tpu.memory_space<hbm>>
      tpu.enqueue_dma source(%dma_start3A_1014 : memref<32x128xf32, #tpu.memory_space<hbm>>) target(%dma_start3A_1012 : memref<32x128xf32, #tpu.memory_space<vmem>>) target_semaphore(%arg13 : memref<!tpu.dma_semaphore, #tpu.memory_space<semaphore_mem>>)
      %slice3A_1015 = vector.extract_strided_slice %get3A_425 {offsets = [14], sizes = [1], strides = [1]} : vector<16xi32> to vector<1xi32>
      %squeeze3A_1016 = vector.extract %slice3A_1015[0] : i32 from vector<1xi32>
      %jit3A_1017 = arith.constant 128 : i32
      %div3A_1018 = arith.divsi %squeeze3A_1016, %jit3A_1017 : i32
      %sign3A_1019 = arith.constant 0 : i32
      %sign3A_1020 = arith.cmpi sgt, %squeeze3A_1016, %sign3A_1019 : i32
      %sign3A_1021 = arith.extui %sign3A_1020 : i1 to i32
      %sign3A_1022 = arith.constant 0 : i32
      %sign3A_1023 = arith.cmpi slt, %squeeze3A_1016, %sign3A_1022 : i32
      %sign3A_1024 = arith.extui %sign3A_1023 : i1 to i32
      %sign3A_1025 = arith.subi %sign3A_1021, %sign3A_1024 : i32
      %sign3A_1026 = arith.constant 0 : i32
      %sign3A_1027 = arith.cmpi sgt, %jit3A_1017, %sign3A_1026 : i32
      %sign3A_1028 = arith.extui %sign3A_1027 : i1 to i32
      %sign3A_1029 = arith.constant 0 : i32
      %sign3A_1030 = arith.cmpi slt, %jit3A_1017, %sign3A_1029 : i32
      %sign3A_1031 = arith.extui %sign3A_1030 : i1 to i32
      %sign3A_1032 = arith.subi %sign3A_1028, %sign3A_1031 : i32
      %ne3A_1033 = arith.cmpi ne, %sign3A_1025, %sign3A_1032 : i32
      %rem3A_1034 = arith.remsi %squeeze3A_1016, %jit3A_1017 : i32
      %ne3A_1035 = arith.constant 0 : i32
      %ne3A_1036 = arith.cmpi ne, %rem3A_1034, %ne3A_1035 : i32
      %and3A_1037 = arith.andi %ne3A_1033, %ne3A_1036 : i1
      %sub3A_1038 = arith.constant 1 : i32
      %sub3A_1039 = arith.subi %div3A_1018, %sub3A_1038 : i32
      %select_n3A_1040 = arith.select %and3A_1037, %sub3A_1039, %div3A_1018 : i32
      %mul3A_1041 = arith.constant 128 : i32
      %mul3A_1042 = arith.muli %select_n3A_1040, %mul3A_1041 : i32
      %multiple_of3A_1043 = tpu.assume_multiple %mul3A_1042, 128 : i32
      %dma_start3A_1044 = arith.constant 14 : i32
      %dma_start3A_1045 = arith.constant 0 : i32
      %dma_start3A_1046 = arith.constant 0 : i32
      %dma_start3A_1047 = tpu.memref_slice %arg9[%dma_start3A_1044, %dma_start3A_1045, %dma_start3A_1046] : memref<16x32x128xf32, #tpu.memory_space<vmem>> -> memref<1x32x128xf32, #tpu.memory_space<vmem>>
      %dma_start3A_1048 = tpu.memref_squeeze %dma_start3A_1047 : memref<1x32x128xf32, #tpu.memory_space<vmem>> -> memref<32x128xf32, #tpu.memory_space<vmem>>
      %dma_start3A_1049 = arith.constant 0 : i32
      %dma_start3A_1050 = tpu.memref_slice %arg4[%dma_start3A_1049, %multiple_of3A_1043] : memref<32x1000000xf32, #tpu.memory_space<hbm>> -> memref<32x128xf32, #tpu.memory_space<hbm>>
      %dma_start3A_1051 = arith.constant 0 : i32
      %dma_start3A_1052 = arith.constant 0 : i32
      %dma_start3A_1053 = tpu.memref_slice %arg9[%dma_start3A_1044, %dma_start3A_1051, %dma_start3A_1052] : memref<16x32x128xf32, #tpu.memory_space<vmem>> -> memref<1x32x128xf32, #tpu.memory_space<vmem>>
      %dma_start3A_1054 = tpu.memref_squeeze %dma_start3A_1053 : memref<1x32x128xf32, #tpu.memory_space<vmem>> -> memref<32x128xf32, #tpu.memory_space<vmem>>
      %dma_start3A_1055 = arith.constant 0 : i32
      %dma_start3A_1056 = tpu.memref_slice %arg4[%dma_start3A_1055, %multiple_of3A_1043] : memref<32x1000000xf32, #tpu.memory_space<hbm>> -> memref<32x128xf32, #tpu.memory_space<hbm>>
      tpu.enqueue_dma source(%dma_start3A_1056 : memref<32x128xf32, #tpu.memory_space<hbm>>) target(%dma_start3A_1054 : memref<32x128xf32, #tpu.memory_space<vmem>>) target_semaphore(%arg13 : memref<!tpu.dma_semaphore, #tpu.memory_space<semaphore_mem>>)
      %slice3A_1057 = vector.extract_strided_slice %get3A_425 {offsets = [15], sizes = [1], strides = [1]} : vector<16xi32> to vector<1xi32>
      %squeeze3A_1058 = vector.extract %slice3A_1057[0] : i32 from vector<1xi32>
      %jit3A_1059 = arith.constant 128 : i32
      %div3A_1060 = arith.divsi %squeeze3A_1058, %jit3A_1059 : i32
      %sign3A_1061 = arith.constant 0 : i32
      %sign3A_1062 = arith.cmpi sgt, %squeeze3A_1058, %sign3A_1061 : i32
      %sign3A_1063 = arith.extui %sign3A_1062 : i1 to i32
      %sign3A_1064 = arith.constant 0 : i32
      %sign3A_1065 = arith.cmpi slt, %squeeze3A_1058, %sign3A_1064 : i32
      %sign3A_1066 = arith.extui %sign3A_1065 : i1 to i32
      %sign3A_1067 = arith.subi %sign3A_1063, %sign3A_1066 : i32
      %sign3A_1068 = arith.constant 0 : i32
      %sign3A_1069 = arith.cmpi sgt, %jit3A_1059, %sign3A_1068 : i32
      %sign3A_1070 = arith.extui %sign3A_1069 : i1 to i32
      %sign3A_1071 = arith.constant 0 : i32
      %sign3A_1072 = arith.cmpi slt, %jit3A_1059, %sign3A_1071 : i32
      %sign3A_1073 = arith.extui %sign3A_1072 : i1 to i32
      %sign3A_1074 = arith.subi %sign3A_1070, %sign3A_1073 : i32
      %ne3A_1075 = arith.cmpi ne, %sign3A_1067, %sign3A_1074 : i32
      %rem3A_1076 = arith.remsi %squeeze3A_1058, %jit3A_1059 : i32
      %ne3A_1077 = arith.constant 0 : i32
      %ne3A_1078 = arith.cmpi ne, %rem3A_1076, %ne3A_1077 : i32
      %and3A_1079 = arith.andi %ne3A_1075, %ne3A_1078 : i1
      %sub3A_1080 = arith.constant 1 : i32
      %sub3A_1081 = arith.subi %div3A_1060, %sub3A_1080 : i32
      %select_n3A_1082 = arith.select %and3A_1079, %sub3A_1081, %div3A_1060 : i32
      %mul3A_1083 = arith.constant 128 : i32
      %mul3A_1084 = arith.muli %select_n3A_1082, %mul3A_1083 : i32
      %multiple_of3A_1085 = tpu.assume_multiple %mul3A_1084, 128 : i32
      %dma_start3A_1086 = arith.constant 15 : i32
      %dma_start3A_1087 = arith.constant 0 : i32
      %dma_start3A_1088 = arith.constant 0 : i32
      %dma_start3A_1089 = tpu.memref_slice %arg9[%dma_start3A_1086, %dma_start3A_1087, %dma_start3A_1088] : memref<16x32x128xf32, #tpu.memory_space<vmem>> -> memref<1x32x128xf32, #tpu.memory_space<vmem>>
      %dma_start3A_1090 = tpu.memref_squeeze %dma_start3A_1089 : memref<1x32x128xf32, #tpu.memory_space<vmem>> -> memref<32x128xf32, #tpu.memory_space<vmem>>
      %dma_start3A_1091 = arith.constant 0 : i32
      %dma_start3A_1092 = tpu.memref_slice %arg4[%dma_start3A_1091, %multiple_of3A_1085] : memref<32x1000000xf32, #tpu.memory_space<hbm>> -> memref<32x128xf32, #tpu.memory_space<hbm>>
      %dma_start3A_1093 = arith.constant 0 : i32
      %dma_start3A_1094 = arith.constant 0 : i32
      %dma_start3A_1095 = tpu.memref_slice %arg9[%dma_start3A_1086, %dma_start3A_1093, %dma_start3A_1094] : memref<16x32x128xf32, #tpu.memory_space<vmem>> -> memref<1x32x128xf32, #tpu.memory_space<vmem>>
      %dma_start3A_1096 = tpu.memref_squeeze %dma_start3A_1095 : memref<1x32x128xf32, #tpu.memory_space<vmem>> -> memref<32x128xf32, #tpu.memory_space<vmem>>
      %dma_start3A_1097 = arith.constant 0 : i32
      %dma_start3A_1098 = tpu.memref_slice %arg4[%dma_start3A_1097, %multiple_of3A_1085] : memref<32x1000000xf32, #tpu.memory_space<hbm>> -> memref<32x128xf32, #tpu.memory_space<hbm>>
      tpu.enqueue_dma source(%dma_start3A_1098 : memref<32x128xf32, #tpu.memory_space<hbm>>) target(%dma_start3A_1096 : memref<32x128xf32, #tpu.memory_space<vmem>>) target_semaphore(%arg13 : memref<!tpu.dma_semaphore, #tpu.memory_space<semaphore_mem>>)
      %dma_wait3A = arith.constant 0 : i32
      %dma_wait3A_1099 = arith.constant 0 : i32
      %dma_wait3A_1100 = arith.constant 0 : i32
      %dma_wait3A_1101 = tpu.memref_slice %arg9[%dma_wait3A, %dma_wait3A_1099, %dma_wait3A_1100] : memref<16x32x128xf32, #tpu.memory_space<vmem>> -> memref<1x32x128xf32, #tpu.memory_space<vmem>>
      %dma_wait3A_1102 = tpu.memref_squeeze %dma_wait3A_1101 : memref<1x32x128xf32, #tpu.memory_space<vmem>> -> memref<32x128xf32, #tpu.memory_space<vmem>>
      %dma_wait3A_1103 = arith.constant 0 : i32
      %dma_wait3A_1104 = tpu.memref_slice %arg4[%dma_wait3A_1103, %multiple_of3A] : memref<32x1000000xf32, #tpu.memory_space<hbm>> -> memref<32x128xf32, #tpu.memory_space<hbm>>
      %dma_wait3A_1105 = arith.constant 0 : i32
      %dma_wait3A_1106 = arith.constant 0 : i32
      %dma_wait3A_1107 = tpu.memref_slice %arg9[%dma_wait3A, %dma_wait3A_1105, %dma_wait3A_1106] : memref<16x32x128xf32, #tpu.memory_space<vmem>> -> memref<1x32x128xf32, #tpu.memory_space<vmem>>
      %dma_wait3A_1108 = tpu.memref_squeeze %dma_wait3A_1107 : memref<1x32x128xf32, #tpu.memory_space<vmem>> -> memref<32x128xf32, #tpu.memory_space<vmem>>
      %dma_wait3A_1109 = arith.constant 0 : i32
      %dma_wait3A_1110 = tpu.memref_slice %arg4[%dma_wait3A_1109, %multiple_of3A] : memref<32x1000000xf32, #tpu.memory_space<hbm>> -> memref<32x128xf32, #tpu.memory_space<hbm>>
      tpu.wait_dma2 semaphore(%arg13 : memref<!tpu.dma_semaphore, #tpu.memory_space<semaphore_mem>>) src(%dma_wait3A_1110 : memref<32x128xf32, #tpu.memory_space<hbm>>) dst(%dma_wait3A_1108 : memref<32x128xf32, #tpu.memory_space<vmem>>)
      %dma_wait3A_1111 = arith.constant 1 : i32
      %dma_wait3A_1112 = arith.constant 0 : i32
      %dma_wait3A_1113 = arith.constant 0 : i32
      %dma_wait3A_1114 = tpu.memref_slice %arg9[%dma_wait3A_1111, %dma_wait3A_1112, %dma_wait3A_1113] : memref<16x32x128xf32, #tpu.memory_space<vmem>> -> memref<1x32x128xf32, #tpu.memory_space<vmem>>
      %dma_wait3A_1115 = tpu.memref_squeeze %dma_wait3A_1114 : memref<1x32x128xf32, #tpu.memory_space<vmem>> -> memref<32x128xf32, #tpu.memory_space<vmem>>
      %dma_wait3A_1116 = arith.constant 0 : i32
      %dma_wait3A_1117 = tpu.memref_slice %arg4[%dma_wait3A_1116, %multiple_of3A_497] : memref<32x1000000xf32, #tpu.memory_space<hbm>> -> memref<32x128xf32, #tpu.memory_space<hbm>>
      %dma_wait3A_1118 = arith.constant 0 : i32
      %dma_wait3A_1119 = arith.constant 0 : i32
      %dma_wait3A_1120 = tpu.memref_slice %arg9[%dma_wait3A_1111, %dma_wait3A_1118, %dma_wait3A_1119] : memref<16x32x128xf32, #tpu.memory_space<vmem>> -> memref<1x32x128xf32, #tpu.memory_space<vmem>>
      %dma_wait3A_1121 = tpu.memref_squeeze %dma_wait3A_1120 : memref<1x32x128xf32, #tpu.memory_space<vmem>> -> memref<32x128xf32, #tpu.memory_space<vmem>>
      %dma_wait3A_1122 = arith.constant 0 : i32
      %dma_wait3A_1123 = tpu.memref_slice %arg4[%dma_wait3A_1122, %multiple_of3A_497] : memref<32x1000000xf32, #tpu.memory_space<hbm>> -> memref<32x128xf32, #tpu.memory_space<hbm>>
      tpu.wait_dma2 semaphore(%arg13 : memref<!tpu.dma_semaphore, #tpu.memory_space<semaphore_mem>>) src(%dma_wait3A_1123 : memref<32x128xf32, #tpu.memory_space<hbm>>) dst(%dma_wait3A_1121 : memref<32x128xf32, #tpu.memory_space<vmem>>)
      %dma_wait3A_1124 = arith.constant 2 : i32
      %dma_wait3A_1125 = arith.constant 0 : i32
      %dma_wait3A_1126 = arith.constant 0 : i32
      %dma_wait3A_1127 = tpu.memref_slice %arg9[%dma_wait3A_1124, %dma_wait3A_1125, %dma_wait3A_1126] : memref<16x32x128xf32, #tpu.memory_space<vmem>> -> memref<1x32x128xf32, #tpu.memory_space<vmem>>
      %dma_wait3A_1128 = tpu.memref_squeeze %dma_wait3A_1127 : memref<1x32x128xf32, #tpu.memory_space<vmem>> -> memref<32x128xf32, #tpu.memory_space<vmem>>
      %dma_wait3A_1129 = arith.constant 0 : i32
      %dma_wait3A_1130 = tpu.memref_slice %arg4[%dma_wait3A_1129, %multiple_of3A_539] : memref<32x1000000xf32, #tpu.memory_space<hbm>> -> memref<32x128xf32, #tpu.memory_space<hbm>>
      %dma_wait3A_1131 = arith.constant 0 : i32
      %dma_wait3A_1132 = arith.constant 0 : i32
      %dma_wait3A_1133 = tpu.memref_slice %arg9[%dma_wait3A_1124, %dma_wait3A_1131, %dma_wait3A_1132] : memref<16x32x128xf32, #tpu.memory_space<vmem>> -> memref<1x32x128xf32, #tpu.memory_space<vmem>>
      %dma_wait3A_1134 = tpu.memref_squeeze %dma_wait3A_1133 : memref<1x32x128xf32, #tpu.memory_space<vmem>> -> memref<32x128xf32, #tpu.memory_space<vmem>>
      %dma_wait3A_1135 = arith.constant 0 : i32
      %dma_wait3A_1136 = tpu.memref_slice %arg4[%dma_wait3A_1135, %multiple_of3A_539] : memref<32x1000000xf32, #tpu.memory_space<hbm>> -> memref<32x128xf32, #tpu.memory_space<hbm>>
      tpu.wait_dma2 semaphore(%arg13 : memref<!tpu.dma_semaphore, #tpu.memory_space<semaphore_mem>>) src(%dma_wait3A_1136 : memref<32x128xf32, #tpu.memory_space<hbm>>) dst(%dma_wait3A_1134 : memref<32x128xf32, #tpu.memory_space<vmem>>)
      %dma_wait3A_1137 = arith.constant 3 : i32
      %dma_wait3A_1138 = arith.constant 0 : i32
      %dma_wait3A_1139 = arith.constant 0 : i32
      %dma_wait3A_1140 = tpu.memref_slice %arg9[%dma_wait3A_1137, %dma_wait3A_1138, %dma_wait3A_1139] : memref<16x32x128xf32, #tpu.memory_space<vmem>> -> memref<1x32x128xf32, #tpu.memory_space<vmem>>
      %dma_wait3A_1141 = tpu.memref_squeeze %dma_wait3A_1140 : memref<1x32x128xf32, #tpu.memory_space<vmem>> -> memref<32x128xf32, #tpu.memory_space<vmem>>
      %dma_wait3A_1142 = arith.constant 0 : i32
      %dma_wait3A_1143 = tpu.memref_slice %arg4[%dma_wait3A_1142, %multiple_of3A_581] : memref<32x1000000xf32, #tpu.memory_space<hbm>> -> memref<32x128xf32, #tpu.memory_space<hbm>>
      %dma_wait3A_1144 = arith.constant 0 : i32
      %dma_wait3A_1145 = arith.constant 0 : i32
      %dma_wait3A_1146 = tpu.memref_slice %arg9[%dma_wait3A_1137, %dma_wait3A_1144, %dma_wait3A_1145] : memref<16x32x128xf32, #tpu.memory_space<vmem>> -> memref<1x32x128xf32, #tpu.memory_space<vmem>>
      %dma_wait3A_1147 = tpu.memref_squeeze %dma_wait3A_1146 : memref<1x32x128xf32, #tpu.memory_space<vmem>> -> memref<32x128xf32, #tpu.memory_space<vmem>>
      %dma_wait3A_1148 = arith.constant 0 : i32
      %dma_wait3A_1149 = tpu.memref_slice %arg4[%dma_wait3A_1148, %multiple_of3A_581] : memref<32x1000000xf32, #tpu.memory_space<hbm>> -> memref<32x128xf32, #tpu.memory_space<hbm>>
      tpu.wait_dma2 semaphore(%arg13 : memref<!tpu.dma_semaphore, #tpu.memory_space<semaphore_mem>>) src(%dma_wait3A_1149 : memref<32x128xf32, #tpu.memory_space<hbm>>) dst(%dma_wait3A_1147 : memref<32x128xf32, #tpu.memory_space<vmem>>)
      %dma_wait3A_1150 = arith.constant 4 : i32
      %dma_wait3A_1151 = arith.constant 0 : i32
      %dma_wait3A_1152 = arith.constant 0 : i32
      %dma_wait3A_1153 = tpu.memref_slice %arg9[%dma_wait3A_1150, %dma_wait3A_1151, %dma_wait3A_1152] : memref<16x32x128xf32, #tpu.memory_space<vmem>> -> memref<1x32x128xf32, #tpu.memory_space<vmem>>
      %dma_wait3A_1154 = tpu.memref_squeeze %dma_wait3A_1153 : memref<1x32x128xf32, #tpu.memory_space<vmem>> -> memref<32x128xf32, #tpu.memory_space<vmem>>
      %dma_wait3A_1155 = arith.constant 0 : i32
      %dma_wait3A_1156 = tpu.memref_slice %arg4[%dma_wait3A_1155, %multiple_of3A_623] : memref<32x1000000xf32, #tpu.memory_space<hbm>> -> memref<32x128xf32, #tpu.memory_space<hbm>>
      %dma_wait3A_1157 = arith.constant 0 : i32
      %dma_wait3A_1158 = arith.constant 0 : i32
      %dma_wait3A_1159 = tpu.memref_slice %arg9[%dma_wait3A_1150, %dma_wait3A_1157, %dma_wait3A_1158] : memref<16x32x128xf32, #tpu.memory_space<vmem>> -> memref<1x32x128xf32, #tpu.memory_space<vmem>>
      %dma_wait3A_1160 = tpu.memref_squeeze %dma_wait3A_1159 : memref<1x32x128xf32, #tpu.memory_space<vmem>> -> memref<32x128xf32, #tpu.memory_space<vmem>>
      %dma_wait3A_1161 = arith.constant 0 : i32
      %dma_wait3A_1162 = tpu.memref_slice %arg4[%dma_wait3A_1161, %multiple_of3A_623] : memref<32x1000000xf32, #tpu.memory_space<hbm>> -> memref<32x128xf32, #tpu.memory_space<hbm>>
      tpu.wait_dma2 semaphore(%arg13 : memref<!tpu.dma_semaphore, #tpu.memory_space<semaphore_mem>>) src(%dma_wait3A_1162 : memref<32x128xf32, #tpu.memory_space<hbm>>) dst(%dma_wait3A_1160 : memref<32x128xf32, #tpu.memory_space<vmem>>)
      %dma_wait3A_1163 = arith.constant 5 : i32
      %dma_wait3A_1164 = arith.constant 0 : i32
      %dma_wait3A_1165 = arith.constant 0 : i32
      %dma_wait3A_1166 = tpu.memref_slice %arg9[%dma_wait3A_1163, %dma_wait3A_1164, %dma_wait3A_1165] : memref<16x32x128xf32, #tpu.memory_space<vmem>> -> memref<1x32x128xf32, #tpu.memory_space<vmem>>
      %dma_wait3A_1167 = tpu.memref_squeeze %dma_wait3A_1166 : memref<1x32x128xf32, #tpu.memory_space<vmem>> -> memref<32x128xf32, #tpu.memory_space<vmem>>
      %dma_wait3A_1168 = arith.constant 0 : i32
      %dma_wait3A_1169 = tpu.memref_slice %arg4[%dma_wait3A_1168, %multiple_of3A_665] : memref<32x1000000xf32, #tpu.memory_space<hbm>> -> memref<32x128xf32, #tpu.memory_space<hbm>>
      %dma_wait3A_1170 = arith.constant 0 : i32
      %dma_wait3A_1171 = arith.constant 0 : i32
      %dma_wait3A_1172 = tpu.memref_slice %arg9[%dma_wait3A_1163, %dma_wait3A_1170, %dma_wait3A_1171] : memref<16x32x128xf32, #tpu.memory_space<vmem>> -> memref<1x32x128xf32, #tpu.memory_space<vmem>>
      %dma_wait3A_1173 = tpu.memref_squeeze %dma_wait3A_1172 : memref<1x32x128xf32, #tpu.memory_space<vmem>> -> memref<32x128xf32, #tpu.memory_space<vmem>>
      %dma_wait3A_1174 = arith.constant 0 : i32
      %dma_wait3A_1175 = tpu.memref_slice %arg4[%dma_wait3A_1174, %multiple_of3A_665] : memref<32x1000000xf32, #tpu.memory_space<hbm>> -> memref<32x128xf32, #tpu.memory_space<hbm>>
      tpu.wait_dma2 semaphore(%arg13 : memref<!tpu.dma_semaphore, #tpu.memory_space<semaphore_mem>>) src(%dma_wait3A_1175 : memref<32x128xf32, #tpu.memory_space<hbm>>) dst(%dma_wait3A_1173 : memref<32x128xf32, #tpu.memory_space<vmem>>)
      %dma_wait3A_1176 = arith.constant 6 : i32
      %dma_wait3A_1177 = arith.constant 0 : i32
      %dma_wait3A_1178 = arith.constant 0 : i32
      %dma_wait3A_1179 = tpu.memref_slice %arg9[%dma_wait3A_1176, %dma_wait3A_1177, %dma_wait3A_1178] : memref<16x32x128xf32, #tpu.memory_space<vmem>> -> memref<1x32x128xf32, #tpu.memory_space<vmem>>
      %dma_wait3A_1180 = tpu.memref_squeeze %dma_wait3A_1179 : memref<1x32x128xf32, #tpu.memory_space<vmem>> -> memref<32x128xf32, #tpu.memory_space<vmem>>
      %dma_wait3A_1181 = arith.constant 0 : i32
      %dma_wait3A_1182 = tpu.memref_slice %arg4[%dma_wait3A_1181, %multiple_of3A_707] : memref<32x1000000xf32, #tpu.memory_space<hbm>> -> memref<32x128xf32, #tpu.memory_space<hbm>>
      %dma_wait3A_1183 = arith.constant 0 : i32
      %dma_wait3A_1184 = arith.constant 0 : i32
      %dma_wait3A_1185 = tpu.memref_slice %arg9[%dma_wait3A_1176, %dma_wait3A_1183, %dma_wait3A_1184] : memref<16x32x128xf32, #tpu.memory_space<vmem>> -> memref<1x32x128xf32, #tpu.memory_space<vmem>>
      %dma_wait3A_1186 = tpu.memref_squeeze %dma_wait3A_1185 : memref<1x32x128xf32, #tpu.memory_space<vmem>> -> memref<32x128xf32, #tpu.memory_space<vmem>>
      %dma_wait3A_1187 = arith.constant 0 : i32
      %dma_wait3A_1188 = tpu.memref_slice %arg4[%dma_wait3A_1187, %multiple_of3A_707] : memref<32x1000000xf32, #tpu.memory_space<hbm>> -> memref<32x128xf32, #tpu.memory_space<hbm>>
      tpu.wait_dma2 semaphore(%arg13 : memref<!tpu.dma_semaphore, #tpu.memory_space<semaphore_mem>>) src(%dma_wait3A_1188 : memref<32x128xf32, #tpu.memory_space<hbm>>) dst(%dma_wait3A_1186 : memref<32x128xf32, #tpu.memory_space<vmem>>)
      %dma_wait3A_1189 = arith.constant 7 : i32
      %dma_wait3A_1190 = arith.constant 0 : i32
      %dma_wait3A_1191 = arith.constant 0 : i32
      %dma_wait3A_1192 = tpu.memref_slice %arg9[%dma_wait3A_1189, %dma_wait3A_1190, %dma_wait3A_1191] : memref<16x32x128xf32, #tpu.memory_space<vmem>> -> memref<1x32x128xf32, #tpu.memory_space<vmem>>
      %dma_wait3A_1193 = tpu.memref_squeeze %dma_wait3A_1192 : memref<1x32x128xf32, #tpu.memory_space<vmem>> -> memref<32x128xf32, #tpu.memory_space<vmem>>
      %dma_wait3A_1194 = arith.constant 0 : i32
      %dma_wait3A_1195 = tpu.memref_slice %arg4[%dma_wait3A_1194, %multiple_of3A_749] : memref<32x1000000xf32, #tpu.memory_space<hbm>> -> memref<32x128xf32, #tpu.memory_space<hbm>>
      %dma_wait3A_1196 = arith.constant 0 : i32
      %dma_wait3A_1197 = arith.constant 0 : i32
      %dma_wait3A_1198 = tpu.memref_slice %arg9[%dma_wait3A_1189, %dma_wait3A_1196, %dma_wait3A_1197] : memref<16x32x128xf32, #tpu.memory_space<vmem>> -> memref<1x32x128xf32, #tpu.memory_space<vmem>>
      %dma_wait3A_1199 = tpu.memref_squeeze %dma_wait3A_1198 : memref<1x32x128xf32, #tpu.memory_space<vmem>> -> memref<32x128xf32, #tpu.memory_space<vmem>>
      %dma_wait3A_1200 = arith.constant 0 : i32
      %dma_wait3A_1201 = tpu.memref_slice %arg4[%dma_wait3A_1200, %multiple_of3A_749] : memref<32x1000000xf32, #tpu.memory_space<hbm>> -> memref<32x128xf32, #tpu.memory_space<hbm>>
      tpu.wait_dma2 semaphore(%arg13 : memref<!tpu.dma_semaphore, #tpu.memory_space<semaphore_mem>>) src(%dma_wait3A_1201 : memref<32x128xf32, #tpu.memory_space<hbm>>) dst(%dma_wait3A_1199 : memref<32x128xf32, #tpu.memory_space<vmem>>)
      %dma_wait3A_1202 = arith.constant 8 : i32
      %dma_wait3A_1203 = arith.constant 0 : i32
      %dma_wait3A_1204 = arith.constant 0 : i32
      %dma_wait3A_1205 = tpu.memref_slice %arg9[%dma_wait3A_1202, %dma_wait3A_1203, %dma_wait3A_1204] : memref<16x32x128xf32, #tpu.memory_space<vmem>> -> memref<1x32x128xf32, #tpu.memory_space<vmem>>
      %dma_wait3A_1206 = tpu.memref_squeeze %dma_wait3A_1205 : memref<1x32x128xf32, #tpu.memory_space<vmem>> -> memref<32x128xf32, #tpu.memory_space<vmem>>
      %dma_wait3A_1207 = arith.constant 0 : i32
      %dma_wait3A_1208 = tpu.memref_slice %arg4[%dma_wait3A_1207, %multiple_of3A_791] : memref<32x1000000xf32, #tpu.memory_space<hbm>> -> memref<32x128xf32, #tpu.memory_space<hbm>>
      %dma_wait3A_1209 = arith.constant 0 : i32
      %dma_wait3A_1210 = arith.constant 0 : i32
      %dma_wait3A_1211 = tpu.memref_slice %arg9[%dma_wait3A_1202, %dma_wait3A_1209, %dma_wait3A_1210] : memref<16x32x128xf32, #tpu.memory_space<vmem>> -> memref<1x32x128xf32, #tpu.memory_space<vmem>>
      %dma_wait3A_1212 = tpu.memref_squeeze %dma_wait3A_1211 : memref<1x32x128xf32, #tpu.memory_space<vmem>> -> memref<32x128xf32, #tpu.memory_space<vmem>>
      %dma_wait3A_1213 = arith.constant 0 : i32
      %dma_wait3A_1214 = tpu.memref_slice %arg4[%dma_wait3A_1213, %multiple_of3A_791] : memref<32x1000000xf32, #tpu.memory_space<hbm>> -> memref<32x128xf32, #tpu.memory_space<hbm>>
      tpu.wait_dma2 semaphore(%arg13 : memref<!tpu.dma_semaphore, #tpu.memory_space<semaphore_mem>>) src(%dma_wait3A_1214 : memref<32x128xf32, #tpu.memory_space<hbm>>) dst(%dma_wait3A_1212 : memref<32x128xf32, #tpu.memory_space<vmem>>)
      %dma_wait3A_1215 = arith.constant 9 : i32
      %dma_wait3A_1216 = arith.constant 0 : i32
      %dma_wait3A_1217 = arith.constant 0 : i32
      %dma_wait3A_1218 = tpu.memref_slice %arg9[%dma_wait3A_1215, %dma_wait3A_1216, %dma_wait3A_1217] : memref<16x32x128xf32, #tpu.memory_space<vmem>> -> memref<1x32x128xf32, #tpu.memory_space<vmem>>
      %dma_wait3A_1219 = tpu.memref_squeeze %dma_wait3A_1218 : memref<1x32x128xf32, #tpu.memory_space<vmem>> -> memref<32x128xf32, #tpu.memory_space<vmem>>
      %dma_wait3A_1220 = arith.constant 0 : i32
      %dma_wait3A_1221 = tpu.memref_slice %arg4[%dma_wait3A_1220, %multiple_of3A_833] : memref<32x1000000xf32, #tpu.memory_space<hbm>> -> memref<32x128xf32, #tpu.memory_space<hbm>>
      %dma_wait3A_1222 = arith.constant 0 : i32
      %dma_wait3A_1223 = arith.constant 0 : i32
      %dma_wait3A_1224 = tpu.memref_slice %arg9[%dma_wait3A_1215, %dma_wait3A_1222, %dma_wait3A_1223] : memref<16x32x128xf32, #tpu.memory_space<vmem>> -> memref<1x32x128xf32, #tpu.memory_space<vmem>>
      %dma_wait3A_1225 = tpu.memref_squeeze %dma_wait3A_1224 : memref<1x32x128xf32, #tpu.memory_space<vmem>> -> memref<32x128xf32, #tpu.memory_space<vmem>>
      %dma_wait3A_1226 = arith.constant 0 : i32
      %dma_wait3A_1227 = tpu.memref_slice %arg4[%dma_wait3A_1226, %multiple_of3A_833] : memref<32x1000000xf32, #tpu.memory_space<hbm>> -> memref<32x128xf32, #tpu.memory_space<hbm>>
      tpu.wait_dma2 semaphore(%arg13 : memref<!tpu.dma_semaphore, #tpu.memory_space<semaphore_mem>>) src(%dma_wait3A_1227 : memref<32x128xf32, #tpu.memory_space<hbm>>) dst(%dma_wait3A_1225 : memref<32x128xf32, #tpu.memory_space<vmem>>)
      %dma_wait3A_1228 = arith.constant 10 : i32
      %dma_wait3A_1229 = arith.constant 0 : i32
      %dma_wait3A_1230 = arith.constant 0 : i32
      %dma_wait3A_1231 = tpu.memref_slice %arg9[%dma_wait3A_1228, %dma_wait3A_1229, %dma_wait3A_1230] : memref<16x32x128xf32, #tpu.memory_space<vmem>> -> memref<1x32x128xf32, #tpu.memory_space<vmem>>
      %dma_wait3A_1232 = tpu.memref_squeeze %dma_wait3A_1231 : memref<1x32x128xf32, #tpu.memory_space<vmem>> -> memref<32x128xf32, #tpu.memory_space<vmem>>
      %dma_wait3A_1233 = arith.constant 0 : i32
      %dma_wait3A_1234 = tpu.memref_slice %arg4[%dma_wait3A_1233, %multiple_of3A_875] : memref<32x1000000xf32, #tpu.memory_space<hbm>> -> memref<32x128xf32, #tpu.memory_space<hbm>>
      %dma_wait3A_1235 = arith.constant 0 : i32
      %dma_wait3A_1236 = arith.constant 0 : i32
      %dma_wait3A_1237 = tpu.memref_slice %arg9[%dma_wait3A_1228, %dma_wait3A_1235, %dma_wait3A_1236] : memref<16x32x128xf32, #tpu.memory_space<vmem>> -> memref<1x32x128xf32, #tpu.memory_space<vmem>>
      %dma_wait3A_1238 = tpu.memref_squeeze %dma_wait3A_1237 : memref<1x32x128xf32, #tpu.memory_space<vmem>> -> memref<32x128xf32, #tpu.memory_space<vmem>>
      %dma_wait3A_1239 = arith.constant 0 : i32
      %dma_wait3A_1240 = tpu.memref_slice %arg4[%dma_wait3A_1239, %multiple_of3A_875] : memref<32x1000000xf32, #tpu.memory_space<hbm>> -> memref<32x128xf32, #tpu.memory_space<hbm>>
      tpu.wait_dma2 semaphore(%arg13 : memref<!tpu.dma_semaphore, #tpu.memory_space<semaphore_mem>>) src(%dma_wait3A_1240 : memref<32x128xf32, #tpu.memory_space<hbm>>) dst(%dma_wait3A_1238 : memref<32x128xf32, #tpu.memory_space<vmem>>)
      %dma_wait3A_1241 = arith.constant 11 : i32
      %dma_wait3A_1242 = arith.constant 0 : i32
      %dma_wait3A_1243 = arith.constant 0 : i32
      %dma_wait3A_1244 = tpu.memref_slice %arg9[%dma_wait3A_1241, %dma_wait3A_1242, %dma_wait3A_1243] : memref<16x32x128xf32, #tpu.memory_space<vmem>> -> memref<1x32x128xf32, #tpu.memory_space<vmem>>
      %dma_wait3A_1245 = tpu.memref_squeeze %dma_wait3A_1244 : memref<1x32x128xf32, #tpu.memory_space<vmem>> -> memref<32x128xf32, #tpu.memory_space<vmem>>
      %dma_wait3A_1246 = arith.constant 0 : i32
      %dma_wait3A_1247 = tpu.memref_slice %arg4[%dma_wait3A_1246, %multiple_of3A_917] : memref<32x1000000xf32, #tpu.memory_space<hbm>> -> memref<32x128xf32, #tpu.memory_space<hbm>>
      %dma_wait3A_1248 = arith.constant 0 : i32
      %dma_wait3A_1249 = arith.constant 0 : i32
      %dma_wait3A_1250 = tpu.memref_slice %arg9[%dma_wait3A_1241, %dma_wait3A_1248, %dma_wait3A_1249] : memref<16x32x128xf32, #tpu.memory_space<vmem>> -> memref<1x32x128xf32, #tpu.memory_space<vmem>>
      %dma_wait3A_1251 = tpu.memref_squeeze %dma_wait3A_1250 : memref<1x32x128xf32, #tpu.memory_space<vmem>> -> memref<32x128xf32, #tpu.memory_space<vmem>>
      %dma_wait3A_1252 = arith.constant 0 : i32
      %dma_wait3A_1253 = tpu.memref_slice %arg4[%dma_wait3A_1252, %multiple_of3A_917] : memref<32x1000000xf32, #tpu.memory_space<hbm>> -> memref<32x128xf32, #tpu.memory_space<hbm>>
      tpu.wait_dma2 semaphore(%arg13 : memref<!tpu.dma_semaphore, #tpu.memory_space<semaphore_mem>>) src(%dma_wait3A_1253 : memref<32x128xf32, #tpu.memory_space<hbm>>) dst(%dma_wait3A_1251 : memref<32x128xf32, #tpu.memory_space<vmem>>)
      %dma_wait3A_1254 = arith.constant 12 : i32
      %dma_wait3A_1255 = arith.constant 0 : i32
      %dma_wait3A_1256 = arith.constant 0 : i32
      %dma_wait3A_1257 = tpu.memref_slice %arg9[%dma_wait3A_1254, %dma_wait3A_1255, %dma_wait3A_1256] : memref<16x32x128xf32, #tpu.memory_space<vmem>> -> memref<1x32x128xf32, #tpu.memory_space<vmem>>
      %dma_wait3A_1258 = tpu.memref_squeeze %dma_wait3A_1257 : memref<1x32x128xf32, #tpu.memory_space<vmem>> -> memref<32x128xf32, #tpu.memory_space<vmem>>
      %dma_wait3A_1259 = arith.constant 0 : i32
      %dma_wait3A_1260 = tpu.memref_slice %arg4[%dma_wait3A_1259, %multiple_of3A_959] : memref<32x1000000xf32, #tpu.memory_space<hbm>> -> memref<32x128xf32, #tpu.memory_space<hbm>>
      %dma_wait3A_1261 = arith.constant 0 : i32
      %dma_wait3A_1262 = arith.constant 0 : i32
      %dma_wait3A_1263 = tpu.memref_slice %arg9[%dma_wait3A_1254, %dma_wait3A_1261, %dma_wait3A_1262] : memref<16x32x128xf32, #tpu.memory_space<vmem>> -> memref<1x32x128xf32, #tpu.memory_space<vmem>>
      %dma_wait3A_1264 = tpu.memref_squeeze %dma_wait3A_1263 : memref<1x32x128xf32, #tpu.memory_space<vmem>> -> memref<32x128xf32, #tpu.memory_space<vmem>>
      %dma_wait3A_1265 = arith.constant 0 : i32
      %dma_wait3A_1266 = tpu.memref_slice %arg4[%dma_wait3A_1265, %multiple_of3A_959] : memref<32x1000000xf32, #tpu.memory_space<hbm>> -> memref<32x128xf32, #tpu.memory_space<hbm>>
      tpu.wait_dma2 semaphore(%arg13 : memref<!tpu.dma_semaphore, #tpu.memory_space<semaphore_mem>>) src(%dma_wait3A_1266 : memref<32x128xf32, #tpu.memory_space<hbm>>) dst(%dma_wait3A_1264 : memref<32x128xf32, #tpu.memory_space<vmem>>)
      %dma_wait3A_1267 = arith.constant 13 : i32
      %dma_wait3A_1268 = arith.constant 0 : i32
      %dma_wait3A_1269 = arith.constant 0 : i32
      %dma_wait3A_1270 = tpu.memref_slice %arg9[%dma_wait3A_1267, %dma_wait3A_1268, %dma_wait3A_1269] : memref<16x32x128xf32, #tpu.memory_space<vmem>> -> memref<1x32x128xf32, #tpu.memory_space<vmem>>
      %dma_wait3A_1271 = tpu.memref_squeeze %dma_wait3A_1270 : memref<1x32x128xf32, #tpu.memory_space<vmem>> -> memref<32x128xf32, #tpu.memory_space<vmem>>
      %dma_wait3A_1272 = arith.constant 0 : i32
      %dma_wait3A_1273 = tpu.memref_slice %arg4[%dma_wait3A_1272, %multiple_of3A_1001] : memref<32x1000000xf32, #tpu.memory_space<hbm>> -> memref<32x128xf32, #tpu.memory_space<hbm>>
      %dma_wait3A_1274 = arith.constant 0 : i32
      %dma_wait3A_1275 = arith.constant 0 : i32
      %dma_wait3A_1276 = tpu.memref_slice %arg9[%dma_wait3A_1267, %dma_wait3A_1274, %dma_wait3A_1275] : memref<16x32x128xf32, #tpu.memory_space<vmem>> -> memref<1x32x128xf32, #tpu.memory_space<vmem>>
      %dma_wait3A_1277 = tpu.memref_squeeze %dma_wait3A_1276 : memref<1x32x128xf32, #tpu.memory_space<vmem>> -> memref<32x128xf32, #tpu.memory_space<vmem>>
      %dma_wait3A_1278 = arith.constant 0 : i32
      %dma_wait3A_1279 = tpu.memref_slice %arg4[%dma_wait3A_1278, %multiple_of3A_1001] : memref<32x1000000xf32, #tpu.memory_space<hbm>> -> memref<32x128xf32, #tpu.memory_space<hbm>>
      tpu.wait_dma2 semaphore(%arg13 : memref<!tpu.dma_semaphore, #tpu.memory_space<semaphore_mem>>) src(%dma_wait3A_1279 : memref<32x128xf32, #tpu.memory_space<hbm>>) dst(%dma_wait3A_1277 : memref<32x128xf32, #tpu.memory_space<vmem>>)
      %dma_wait3A_1280 = arith.constant 14 : i32
      %dma_wait3A_1281 = arith.constant 0 : i32
      %dma_wait3A_1282 = arith.constant 0 : i32
      %dma_wait3A_1283 = tpu.memref_slice %arg9[%dma_wait3A_1280, %dma_wait3A_1281, %dma_wait3A_1282] : memref<16x32x128xf32, #tpu.memory_space<vmem>> -> memref<1x32x128xf32, #tpu.memory_space<vmem>>
      %dma_wait3A_1284 = tpu.memref_squeeze %dma_wait3A_1283 : memref<1x32x128xf32, #tpu.memory_space<vmem>> -> memref<32x128xf32, #tpu.memory_space<vmem>>
      %dma_wait3A_1285 = arith.constant 0 : i32
      %dma_wait3A_1286 = tpu.memref_slice %arg4[%dma_wait3A_1285, %multiple_of3A_1043] : memref<32x1000000xf32, #tpu.memory_space<hbm>> -> memref<32x128xf32, #tpu.memory_space<hbm>>
      %dma_wait3A_1287 = arith.constant 0 : i32
      %dma_wait3A_1288 = arith.constant 0 : i32
      %dma_wait3A_1289 = tpu.memref_slice %arg9[%dma_wait3A_1280, %dma_wait3A_1287, %dma_wait3A_1288] : memref<16x32x128xf32, #tpu.memory_space<vmem>> -> memref<1x32x128xf32, #tpu.memory_space<vmem>>
      %dma_wait3A_1290 = tpu.memref_squeeze %dma_wait3A_1289 : memref<1x32x128xf32, #tpu.memory_space<vmem>> -> memref<32x128xf32, #tpu.memory_space<vmem>>
      %dma_wait3A_1291 = arith.constant 0 : i32
      %dma_wait3A_1292 = tpu.memref_slice %arg4[%dma_wait3A_1291, %multiple_of3A_1043] : memref<32x1000000xf32, #tpu.memory_space<hbm>> -> memref<32x128xf32, #tpu.memory_space<hbm>>
      tpu.wait_dma2 semaphore(%arg13 : memref<!tpu.dma_semaphore, #tpu.memory_space<semaphore_mem>>) src(%dma_wait3A_1292 : memref<32x128xf32, #tpu.memory_space<hbm>>) dst(%dma_wait3A_1290 : memref<32x128xf32, #tpu.memory_space<vmem>>)
      %dma_wait3A_1293 = arith.constant 15 : i32
      %dma_wait3A_1294 = arith.constant 0 : i32
      %dma_wait3A_1295 = arith.constant 0 : i32
      %dma_wait3A_1296 = tpu.memref_slice %arg9[%dma_wait3A_1293, %dma_wait3A_1294, %dma_wait3A_1295] : memref<16x32x128xf32, #tpu.memory_space<vmem>> -> memref<1x32x128xf32, #tpu.memory_space<vmem>>
      %dma_wait3A_1297 = tpu.memref_squeeze %dma_wait3A_1296 : memref<1x32x128xf32, #tpu.memory_space<vmem>> -> memref<32x128xf32, #tpu.memory_space<vmem>>
      %dma_wait3A_1298 = arith.constant 0 : i32
      %dma_wait3A_1299 = tpu.memref_slice %arg4[%dma_wait3A_1298, %multiple_of3A_1085] : memref<32x1000000xf32, #tpu.memory_space<hbm>> -> memref<32x128xf32, #tpu.memory_space<hbm>>
      %dma_wait3A_1300 = arith.constant 0 : i32
      %dma_wait3A_1301 = arith.constant 0 : i32
      %dma_wait3A_1302 = tpu.memref_slice %arg9[%dma_wait3A_1293, %dma_wait3A_1300, %dma_wait3A_1301] : memref<16x32x128xf32, #tpu.memory_space<vmem>> -> memref<1x32x128xf32, #tpu.memory_space<vmem>>
      %dma_wait3A_1303 = tpu.memref_squeeze %dma_wait3A_1302 : memref<1x32x128xf32, #tpu.memory_space<vmem>> -> memref<32x128xf32, #tpu.memory_space<vmem>>
      %dma_wait3A_1304 = arith.constant 0 : i32
      %dma_wait3A_1305 = tpu.memref_slice %arg4[%dma_wait3A_1304, %multiple_of3A_1085] : memref<32x1000000xf32, #tpu.memory_space<hbm>> -> memref<32x128xf32, #tpu.memory_space<hbm>>
      tpu.wait_dma2 semaphore(%arg13 : memref<!tpu.dma_semaphore, #tpu.memory_space<semaphore_mem>>) src(%dma_wait3A_1305 : memref<32x128xf32, #tpu.memory_space<hbm>>) dst(%dma_wait3A_1303 : memref<32x128xf32, #tpu.memory_space<vmem>>)
      %slice3A_1306 = vector.extract_strided_slice %get3A_425 {offsets = [0], sizes = [1], strides = [1]} : vector<16xi32> to vector<1xi32>
      %squeeze3A_1307 = vector.extract %slice3A_1306[0] : i32 from vector<1xi32>
      %jit3A_1308 = arith.constant 128 : i32
      %eq3A_1309 = arith.constant 0 : i32
      %eq3A_1310 = arith.cmpi eq, %jit3A_1308, %eq3A_1309 : i32
      %jit3A_1311 = arith.constant 1 : i32
      %select_n3A_1312 = arith.select %eq3A_1310, %jit3A_1311, %jit3A_1308 : i32
      %rem3A_1313 = arith.remsi %squeeze3A_1307, %select_n3A_1312 : i32
      %ne3A_1314 = arith.constant 0 : i32
      %ne3A_1315 = arith.cmpi ne, %rem3A_1313, %ne3A_1314 : i32
      %lt3A_1316 = arith.constant 0 : i32
      %lt3A_1317 = arith.cmpi slt, %rem3A_1313, %lt3A_1316 : i32
      %lt3A_1318 = arith.constant 0 : i32
      %lt3A_1319 = arith.cmpi slt, %select_n3A_1312, %lt3A_1318 : i32
      %ne3A_1320 = arith.xori %lt3A_1317, %lt3A_1319 : i1
      %and3A_1321 = arith.andi %ne3A_1320, %ne3A_1315 : i1
      %add3A_1322 = arith.addi %rem3A_1313, %select_n3A_1312 : i32
      %select_n3A_1323 = arith.select %and3A_1321, %add3A_1322, %rem3A_1313 : i32
      %broadcast_in_dim3A_1324 = arith.constant 0 : i32
      %broadcast_in_dim3A_1325 = vector.broadcast %broadcast_in_dim3A_1324 : i32 to vector<16xi32>
      %broadcast_in_dim3A_1326 = vector.broadcast %select_n3A_1323 : i32 to vector<16xi32>
      %broadcast_in_dim3A_1327 = arith.constant 0 : i32
      %broadcast_in_dim3A_1328 = vector.broadcast %broadcast_in_dim3A_1327 : i32 to vector<16xi32>
      %gather3A = tpu.vector_load_idx %arg9[%broadcast_in_dim3A_1325, %iota3A, %broadcast_in_dim3A_1326] : memref<16x32x128xf32, #tpu.memory_space<vmem>>[vector<16xi32>, vector<16xi32>, vector<16xi32>], vector<16xf32>,
      %gather3A_1329 = tpu.vector_load_idx %arg9[%broadcast_in_dim3A_1325, %add3A_3, %broadcast_in_dim3A_1326] : memref<16x32x128xf32, #tpu.memory_space<vmem>>[vector<16xi32>, vector<16xi32>, vector<16xi32>], vector<16xf32>,
      tpu.vector_store_idx %arg10[%iota3A, %broadcast_in_dim3A_1328], %gather3A : memref<32x16xf32, #tpu.memory_space<vmem>>[vector<16xi32>, vector<16xi32>], vector<16xf32>,
      tpu.vector_store_idx %arg10[%add3A_3, %broadcast_in_dim3A_1328], %gather3A_1329 : memref<32x16xf32, #tpu.memory_space<vmem>>[vector<16xi32>, vector<16xi32>], vector<16xf32>,
      %slice3A_1330 = vector.extract_strided_slice %get3A_425 {offsets = [1], sizes = [1], strides = [1]} : vector<16xi32> to vector<1xi32>
      %squeeze3A_1331 = vector.extract %slice3A_1330[0] : i32 from vector<1xi32>
      %jit3A_1332 = arith.constant 128 : i32
      %eq3A_1333 = arith.constant 0 : i32
      %eq3A_1334 = arith.cmpi eq, %jit3A_1332, %eq3A_1333 : i32
      %jit3A_1335 = arith.constant 1 : i32
      %select_n3A_1336 = arith.select %eq3A_1334, %jit3A_1335, %jit3A_1332 : i32
      %rem3A_1337 = arith.remsi %squeeze3A_1331, %select_n3A_1336 : i32
      %ne3A_1338 = arith.constant 0 : i32
      %ne3A_1339 = arith.cmpi ne, %rem3A_1337, %ne3A_1338 : i32
      %lt3A_1340 = arith.constant 0 : i32
      %lt3A_1341 = arith.cmpi slt, %rem3A_1337, %lt3A_1340 : i32
      %lt3A_1342 = arith.constant 0 : i32
      %lt3A_1343 = arith.cmpi slt, %select_n3A_1336, %lt3A_1342 : i32
      %ne3A_1344 = arith.xori %lt3A_1341, %lt3A_1343 : i1
      %and3A_1345 = arith.andi %ne3A_1344, %ne3A_1339 : i1
      %add3A_1346 = arith.addi %rem3A_1337, %select_n3A_1336 : i32
      %select_n3A_1347 = arith.select %and3A_1345, %add3A_1346, %rem3A_1337 : i32
      %broadcast_in_dim3A_1348 = arith.constant 1 : i32
      %broadcast_in_dim3A_1349 = vector.broadcast %broadcast_in_dim3A_1348 : i32 to vector<16xi32>
      %broadcast_in_dim3A_1350 = vector.broadcast %select_n3A_1347 : i32 to vector<16xi32>
      %broadcast_in_dim3A_1351 = arith.constant 1 : i32
      %broadcast_in_dim3A_1352 = vector.broadcast %broadcast_in_dim3A_1351 : i32 to vector<16xi32>
      %gather3A_1353 = tpu.vector_load_idx %arg9[%broadcast_in_dim3A_1349, %iota3A, %broadcast_in_dim3A_1350] : memref<16x32x128xf32, #tpu.memory_space<vmem>>[vector<16xi32>, vector<16xi32>, vector<16xi32>], vector<16xf32>,
      %gather3A_1354 = tpu.vector_load_idx %arg9[%broadcast_in_dim3A_1349, %add3A_3, %broadcast_in_dim3A_1350] : memref<16x32x128xf32, #tpu.memory_space<vmem>>[vector<16xi32>, vector<16xi32>, vector<16xi32>], vector<16xf32>,
      tpu.vector_store_idx %arg10[%iota3A, %broadcast_in_dim3A_1352], %gather3A_1353 : memref<32x16xf32, #tpu.memory_space<vmem>>[vector<16xi32>, vector<16xi32>], vector<16xf32>,
      tpu.vector_store_idx %arg10[%add3A_3, %broadcast_in_dim3A_1352], %gather3A_1354 : memref<32x16xf32, #tpu.memory_space<vmem>>[vector<16xi32>, vector<16xi32>], vector<16xf32>,
      %slice3A_1355 = vector.extract_strided_slice %get3A_425 {offsets = [2], sizes = [1], strides = [1]} : vector<16xi32> to vector<1xi32>
      %squeeze3A_1356 = vector.extract %slice3A_1355[0] : i32 from vector<1xi32>
      %jit3A_1357 = arith.constant 128 : i32
      %eq3A_1358 = arith.constant 0 : i32
      %eq3A_1359 = arith.cmpi eq, %jit3A_1357, %eq3A_1358 : i32
      %jit3A_1360 = arith.constant 1 : i32
      %select_n3A_1361 = arith.select %eq3A_1359, %jit3A_1360, %jit3A_1357 : i32
      %rem3A_1362 = arith.remsi %squeeze3A_1356, %select_n3A_1361 : i32
      %ne3A_1363 = arith.constant 0 : i32
      %ne3A_1364 = arith.cmpi ne, %rem3A_1362, %ne3A_1363 : i32
      %lt3A_1365 = arith.constant 0 : i32
      %lt3A_1366 = arith.cmpi slt, %rem3A_1362, %lt3A_1365 : i32
      %lt3A_1367 = arith.constant 0 : i32
      %lt3A_1368 = arith.cmpi slt, %select_n3A_1361, %lt3A_1367 : i32
      %ne3A_1369 = arith.xori %lt3A_1366, %lt3A_1368 : i1
      %and3A_1370 = arith.andi %ne3A_1369, %ne3A_1364 : i1
      %add3A_1371 = arith.addi %rem3A_1362, %select_n3A_1361 : i32
      %select_n3A_1372 = arith.select %and3A_1370, %add3A_1371, %rem3A_1362 : i32
      %broadcast_in_dim3A_1373 = arith.constant 2 : i32
      %broadcast_in_dim3A_1374 = vector.broadcast %broadcast_in_dim3A_1373 : i32 to vector<16xi32>
      %broadcast_in_dim3A_1375 = vector.broadcast %select_n3A_1372 : i32 to vector<16xi32>
      %broadcast_in_dim3A_1376 = arith.constant 2 : i32
      %broadcast_in_dim3A_1377 = vector.broadcast %broadcast_in_dim3A_1376 : i32 to vector<16xi32>
      %gather3A_1378 = tpu.vector_load_idx %arg9[%broadcast_in_dim3A_1374, %iota3A, %broadcast_in_dim3A_1375] : memref<16x32x128xf32, #tpu.memory_space<vmem>>[vector<16xi32>, vector<16xi32>, vector<16xi32>], vector<16xf32>,
      %gather3A_1379 = tpu.vector_load_idx %arg9[%broadcast_in_dim3A_1374, %add3A_3, %broadcast_in_dim3A_1375] : memref<16x32x128xf32, #tpu.memory_space<vmem>>[vector<16xi32>, vector<16xi32>, vector<16xi32>], vector<16xf32>,
      tpu.vector_store_idx %arg10[%iota3A, %broadcast_in_dim3A_1377], %gather3A_1378 : memref<32x16xf32, #tpu.memory_space<vmem>>[vector<16xi32>, vector<16xi32>], vector<16xf32>,
      tpu.vector_store_idx %arg10[%add3A_3, %broadcast_in_dim3A_1377], %gather3A_1379 : memref<32x16xf32, #tpu.memory_space<vmem>>[vector<16xi32>, vector<16xi32>], vector<16xf32>,
      %slice3A_1380 = vector.extract_strided_slice %get3A_425 {offsets = [3], sizes = [1], strides = [1]} : vector<16xi32> to vector<1xi32>
      %squeeze3A_1381 = vector.extract %slice3A_1380[0] : i32 from vector<1xi32>
      %jit3A_1382 = arith.constant 128 : i32
      %eq3A_1383 = arith.constant 0 : i32
      %eq3A_1384 = arith.cmpi eq, %jit3A_1382, %eq3A_1383 : i32
      %jit3A_1385 = arith.constant 1 : i32
      %select_n3A_1386 = arith.select %eq3A_1384, %jit3A_1385, %jit3A_1382 : i32
      %rem3A_1387 = arith.remsi %squeeze3A_1381, %select_n3A_1386 : i32
      %ne3A_1388 = arith.constant 0 : i32
      %ne3A_1389 = arith.cmpi ne, %rem3A_1387, %ne3A_1388 : i32
      %lt3A_1390 = arith.constant 0 : i32
      %lt3A_1391 = arith.cmpi slt, %rem3A_1387, %lt3A_1390 : i32
      %lt3A_1392 = arith.constant 0 : i32
      %lt3A_1393 = arith.cmpi slt, %select_n3A_1386, %lt3A_1392 : i32
      %ne3A_1394 = arith.xori %lt3A_1391, %lt3A_1393 : i1
      %and3A_1395 = arith.andi %ne3A_1394, %ne3A_1389 : i1
      %add3A_1396 = arith.addi %rem3A_1387, %select_n3A_1386 : i32
      %select_n3A_1397 = arith.select %and3A_1395, %add3A_1396, %rem3A_1387 : i32
      %broadcast_in_dim3A_1398 = arith.constant 3 : i32
      %broadcast_in_dim3A_1399 = vector.broadcast %broadcast_in_dim3A_1398 : i32 to vector<16xi32>
      %broadcast_in_dim3A_1400 = vector.broadcast %select_n3A_1397 : i32 to vector<16xi32>
      %broadcast_in_dim3A_1401 = arith.constant 3 : i32
      %broadcast_in_dim3A_1402 = vector.broadcast %broadcast_in_dim3A_1401 : i32 to vector<16xi32>
      %gather3A_1403 = tpu.vector_load_idx %arg9[%broadcast_in_dim3A_1399, %iota3A, %broadcast_in_dim3A_1400] : memref<16x32x128xf32, #tpu.memory_space<vmem>>[vector<16xi32>, vector<16xi32>, vector<16xi32>], vector<16xf32>,
      %gather3A_1404 = tpu.vector_load_idx %arg9[%broadcast_in_dim3A_1399, %add3A_3, %broadcast_in_dim3A_1400] : memref<16x32x128xf32, #tpu.memory_space<vmem>>[vector<16xi32>, vector<16xi32>, vector<16xi32>], vector<16xf32>,
      tpu.vector_store_idx %arg10[%iota3A, %broadcast_in_dim3A_1402], %gather3A_1403 : memref<32x16xf32, #tpu.memory_space<vmem>>[vector<16xi32>, vector<16xi32>], vector<16xf32>,
      tpu.vector_store_idx %arg10[%add3A_3, %broadcast_in_dim3A_1402], %gather3A_1404 : memref<32x16xf32, #tpu.memory_space<vmem>>[vector<16xi32>, vector<16xi32>], vector<16xf32>,
      %slice3A_1405 = vector.extract_strided_slice %get3A_425 {offsets = [4], sizes = [1], strides = [1]} : vector<16xi32> to vector<1xi32>
      %squeeze3A_1406 = vector.extract %slice3A_1405[0] : i32 from vector<1xi32>
      %jit3A_1407 = arith.constant 128 : i32
      %eq3A_1408 = arith.constant 0 : i32
      %eq3A_1409 = arith.cmpi eq, %jit3A_1407, %eq3A_1408 : i32
      %jit3A_1410 = arith.constant 1 : i32
      %select_n3A_1411 = arith.select %eq3A_1409, %jit3A_1410, %jit3A_1407 : i32
      %rem3A_1412 = arith.remsi %squeeze3A_1406, %select_n3A_1411 : i32
      %ne3A_1413 = arith.constant 0 : i32
      %ne3A_1414 = arith.cmpi ne, %rem3A_1412, %ne3A_1413 : i32
      %lt3A_1415 = arith.constant 0 : i32
      %lt3A_1416 = arith.cmpi slt, %rem3A_1412, %lt3A_1415 : i32
      %lt3A_1417 = arith.constant 0 : i32
      %lt3A_1418 = arith.cmpi slt, %select_n3A_1411, %lt3A_1417 : i32
      %ne3A_1419 = arith.xori %lt3A_1416, %lt3A_1418 : i1
      %and3A_1420 = arith.andi %ne3A_1419, %ne3A_1414 : i1
      %add3A_1421 = arith.addi %rem3A_1412, %select_n3A_1411 : i32
      %select_n3A_1422 = arith.select %and3A_1420, %add3A_1421, %rem3A_1412 : i32
      %broadcast_in_dim3A_1423 = arith.constant 4 : i32
      %broadcast_in_dim3A_1424 = vector.broadcast %broadcast_in_dim3A_1423 : i32 to vector<16xi32>
      %broadcast_in_dim3A_1425 = vector.broadcast %select_n3A_1422 : i32 to vector<16xi32>
      %broadcast_in_dim3A_1426 = arith.constant 4 : i32
      %broadcast_in_dim3A_1427 = vector.broadcast %broadcast_in_dim3A_1426 : i32 to vector<16xi32>
      %gather3A_1428 = tpu.vector_load_idx %arg9[%broadcast_in_dim3A_1424, %iota3A, %broadcast_in_dim3A_1425] : memref<16x32x128xf32, #tpu.memory_space<vmem>>[vector<16xi32>, vector<16xi32>, vector<16xi32>], vector<16xf32>,
      %gather3A_1429 = tpu.vector_load_idx %arg9[%broadcast_in_dim3A_1424, %add3A_3, %broadcast_in_dim3A_1425] : memref<16x32x128xf32, #tpu.memory_space<vmem>>[vector<16xi32>, vector<16xi32>, vector<16xi32>], vector<16xf32>,
      tpu.vector_store_idx %arg10[%iota3A, %broadcast_in_dim3A_1427], %gather3A_1428 : memref<32x16xf32, #tpu.memory_space<vmem>>[vector<16xi32>, vector<16xi32>], vector<16xf32>,
      tpu.vector_store_idx %arg10[%add3A_3, %broadcast_in_dim3A_1427], %gather3A_1429 : memref<32x16xf32, #tpu.memory_space<vmem>>[vector<16xi32>, vector<16xi32>], vector<16xf32>,
      %slice3A_1430 = vector.extract_strided_slice %get3A_425 {offsets = [5], sizes = [1], strides = [1]} : vector<16xi32> to vector<1xi32>
      %squeeze3A_1431 = vector.extract %slice3A_1430[0] : i32 from vector<1xi32>
      %jit3A_1432 = arith.constant 128 : i32
      %eq3A_1433 = arith.constant 0 : i32
      %eq3A_1434 = arith.cmpi eq, %jit3A_1432, %eq3A_1433 : i32
      %jit3A_1435 = arith.constant 1 : i32
      %select_n3A_1436 = arith.select %eq3A_1434, %jit3A_1435, %jit3A_1432 : i32
      %rem3A_1437 = arith.remsi %squeeze3A_1431, %select_n3A_1436 : i32
      %ne3A_1438 = arith.constant 0 : i32
      %ne3A_1439 = arith.cmpi ne, %rem3A_1437, %ne3A_1438 : i32
      %lt3A_1440 = arith.constant 0 : i32
      %lt3A_1441 = arith.cmpi slt, %rem3A_1437, %lt3A_1440 : i32
      %lt3A_1442 = arith.constant 0 : i32
      %lt3A_1443 = arith.cmpi slt, %select_n3A_1436, %lt3A_1442 : i32
      %ne3A_1444 = arith.xori %lt3A_1441, %lt3A_1443 : i1
      %and3A_1445 = arith.andi %ne3A_1444, %ne3A_1439 : i1
      %add3A_1446 = arith.addi %rem3A_1437, %select_n3A_1436 : i32
      %select_n3A_1447 = arith.select %and3A_1445, %add3A_1446, %rem3A_1437 : i32
      %broadcast_in_dim3A_1448 = arith.constant 5 : i32
      %broadcast_in_dim3A_1449 = vector.broadcast %broadcast_in_dim3A_1448 : i32 to vector<16xi32>
      %broadcast_in_dim3A_1450 = vector.broadcast %select_n3A_1447 : i32 to vector<16xi32>
      %broadcast_in_dim3A_1451 = arith.constant 5 : i32
      %broadcast_in_dim3A_1452 = vector.broadcast %broadcast_in_dim3A_1451 : i32 to vector<16xi32>
      %gather3A_1453 = tpu.vector_load_idx %arg9[%broadcast_in_dim3A_1449, %iota3A, %broadcast_in_dim3A_1450] : memref<16x32x128xf32, #tpu.memory_space<vmem>>[vector<16xi32>, vector<16xi32>, vector<16xi32>], vector<16xf32>,
      %gather3A_1454 = tpu.vector_load_idx %arg9[%broadcast_in_dim3A_1449, %add3A_3, %broadcast_in_dim3A_1450] : memref<16x32x128xf32, #tpu.memory_space<vmem>>[vector<16xi32>, vector<16xi32>, vector<16xi32>], vector<16xf32>,
      tpu.vector_store_idx %arg10[%iota3A, %broadcast_in_dim3A_1452], %gather3A_1453 : memref<32x16xf32, #tpu.memory_space<vmem>>[vector<16xi32>, vector<16xi32>], vector<16xf32>,
      tpu.vector_store_idx %arg10[%add3A_3, %broadcast_in_dim3A_1452], %gather3A_1454 : memref<32x16xf32, #tpu.memory_space<vmem>>[vector<16xi32>, vector<16xi32>], vector<16xf32>,
      %slice3A_1455 = vector.extract_strided_slice %get3A_425 {offsets = [6], sizes = [1], strides = [1]} : vector<16xi32> to vector<1xi32>
      %squeeze3A_1456 = vector.extract %slice3A_1455[0] : i32 from vector<1xi32>
      %jit3A_1457 = arith.constant 128 : i32
      %eq3A_1458 = arith.constant 0 : i32
      %eq3A_1459 = arith.cmpi eq, %jit3A_1457, %eq3A_1458 : i32
      %jit3A_1460 = arith.constant 1 : i32
      %select_n3A_1461 = arith.select %eq3A_1459, %jit3A_1460, %jit3A_1457 : i32
      %rem3A_1462 = arith.remsi %squeeze3A_1456, %select_n3A_1461 : i32
      %ne3A_1463 = arith.constant 0 : i32
      %ne3A_1464 = arith.cmpi ne, %rem3A_1462, %ne3A_1463 : i32
      %lt3A_1465 = arith.constant 0 : i32
      %lt3A_1466 = arith.cmpi slt, %rem3A_1462, %lt3A_1465 : i32
      %lt3A_1467 = arith.constant 0 : i32
      %lt3A_1468 = arith.cmpi slt, %select_n3A_1461, %lt3A_1467 : i32
      %ne3A_1469 = arith.xori %lt3A_1466, %lt3A_1468 : i1
      %and3A_1470 = arith.andi %ne3A_1469, %ne3A_1464 : i1
      %add3A_1471 = arith.addi %rem3A_1462, %select_n3A_1461 : i32
      %select_n3A_1472 = arith.select %and3A_1470, %add3A_1471, %rem3A_1462 : i32
      %broadcast_in_dim3A_1473 = arith.constant 6 : i32
      %broadcast_in_dim3A_1474 = vector.broadcast %broadcast_in_dim3A_1473 : i32 to vector<16xi32>
      %broadcast_in_dim3A_1475 = vector.broadcast %select_n3A_1472 : i32 to vector<16xi32>
      %broadcast_in_dim3A_1476 = arith.constant 6 : i32
      %broadcast_in_dim3A_1477 = vector.broadcast %broadcast_in_dim3A_1476 : i32 to vector<16xi32>
      %gather3A_1478 = tpu.vector_load_idx %arg9[%broadcast_in_dim3A_1474, %iota3A, %broadcast_in_dim3A_1475] : memref<16x32x128xf32, #tpu.memory_space<vmem>>[vector<16xi32>, vector<16xi32>, vector<16xi32>], vector<16xf32>,
      %gather3A_1479 = tpu.vector_load_idx %arg9[%broadcast_in_dim3A_1474, %add3A_3, %broadcast_in_dim3A_1475] : memref<16x32x128xf32, #tpu.memory_space<vmem>>[vector<16xi32>, vector<16xi32>, vector<16xi32>], vector<16xf32>,
      tpu.vector_store_idx %arg10[%iota3A, %broadcast_in_dim3A_1477], %gather3A_1478 : memref<32x16xf32, #tpu.memory_space<vmem>>[vector<16xi32>, vector<16xi32>], vector<16xf32>,
      tpu.vector_store_idx %arg10[%add3A_3, %broadcast_in_dim3A_1477], %gather3A_1479 : memref<32x16xf32, #tpu.memory_space<vmem>>[vector<16xi32>, vector<16xi32>], vector<16xf32>,
      %slice3A_1480 = vector.extract_strided_slice %get3A_425 {offsets = [7], sizes = [1], strides = [1]} : vector<16xi32> to vector<1xi32>
      %squeeze3A_1481 = vector.extract %slice3A_1480[0] : i32 from vector<1xi32>
      %jit3A_1482 = arith.constant 128 : i32
      %eq3A_1483 = arith.constant 0 : i32
      %eq3A_1484 = arith.cmpi eq, %jit3A_1482, %eq3A_1483 : i32
      %jit3A_1485 = arith.constant 1 : i32
      %select_n3A_1486 = arith.select %eq3A_1484, %jit3A_1485, %jit3A_1482 : i32
      %rem3A_1487 = arith.remsi %squeeze3A_1481, %select_n3A_1486 : i32
      %ne3A_1488 = arith.constant 0 : i32
      %ne3A_1489 = arith.cmpi ne, %rem3A_1487, %ne3A_1488 : i32
      %lt3A_1490 = arith.constant 0 : i32
      %lt3A_1491 = arith.cmpi slt, %rem3A_1487, %lt3A_1490 : i32
      %lt3A_1492 = arith.constant 0 : i32
      %lt3A_1493 = arith.cmpi slt, %select_n3A_1486, %lt3A_1492 : i32
      %ne3A_1494 = arith.xori %lt3A_1491, %lt3A_1493 : i1
      %and3A_1495 = arith.andi %ne3A_1494, %ne3A_1489 : i1
      %add3A_1496 = arith.addi %rem3A_1487, %select_n3A_1486 : i32
      %select_n3A_1497 = arith.select %and3A_1495, %add3A_1496, %rem3A_1487 : i32
      %broadcast_in_dim3A_1498 = arith.constant 7 : i32
      %broadcast_in_dim3A_1499 = vector.broadcast %broadcast_in_dim3A_1498 : i32 to vector<16xi32>
      %broadcast_in_dim3A_1500 = vector.broadcast %select_n3A_1497 : i32 to vector<16xi32>
      %broadcast_in_dim3A_1501 = arith.constant 7 : i32
      %broadcast_in_dim3A_1502 = vector.broadcast %broadcast_in_dim3A_1501 : i32 to vector<16xi32>
      %gather3A_1503 = tpu.vector_load_idx %arg9[%broadcast_in_dim3A_1499, %iota3A, %broadcast_in_dim3A_1500] : memref<16x32x128xf32, #tpu.memory_space<vmem>>[vector<16xi32>, vector<16xi32>, vector<16xi32>], vector<16xf32>,
      %gather3A_1504 = tpu.vector_load_idx %arg9[%broadcast_in_dim3A_1499, %add3A_3, %broadcast_in_dim3A_1500] : memref<16x32x128xf32, #tpu.memory_space<vmem>>[vector<16xi32>, vector<16xi32>, vector<16xi32>], vector<16xf32>,
      tpu.vector_store_idx %arg10[%iota3A, %broadcast_in_dim3A_1502], %gather3A_1503 : memref<32x16xf32, #tpu.memory_space<vmem>>[vector<16xi32>, vector<16xi32>], vector<16xf32>,
      tpu.vector_store_idx %arg10[%add3A_3, %broadcast_in_dim3A_1502], %gather3A_1504 : memref<32x16xf32, #tpu.memory_space<vmem>>[vector<16xi32>, vector<16xi32>], vector<16xf32>,
      %slice3A_1505 = vector.extract_strided_slice %get3A_425 {offsets = [8], sizes = [1], strides = [1]} : vector<16xi32> to vector<1xi32>
      %squeeze3A_1506 = vector.extract %slice3A_1505[0] : i32 from vector<1xi32>
      %jit3A_1507 = arith.constant 128 : i32
      %eq3A_1508 = arith.constant 0 : i32
      %eq3A_1509 = arith.cmpi eq, %jit3A_1507, %eq3A_1508 : i32
      %jit3A_1510 = arith.constant 1 : i32
      %select_n3A_1511 = arith.select %eq3A_1509, %jit3A_1510, %jit3A_1507 : i32
      %rem3A_1512 = arith.remsi %squeeze3A_1506, %select_n3A_1511 : i32
      %ne3A_1513 = arith.constant 0 : i32
      %ne3A_1514 = arith.cmpi ne, %rem3A_1512, %ne3A_1513 : i32
      %lt3A_1515 = arith.constant 0 : i32
      %lt3A_1516 = arith.cmpi slt, %rem3A_1512, %lt3A_1515 : i32
      %lt3A_1517 = arith.constant 0 : i32
      %lt3A_1518 = arith.cmpi slt, %select_n3A_1511, %lt3A_1517 : i32
      %ne3A_1519 = arith.xori %lt3A_1516, %lt3A_1518 : i1
      %and3A_1520 = arith.andi %ne3A_1519, %ne3A_1514 : i1
      %add3A_1521 = arith.addi %rem3A_1512, %select_n3A_1511 : i32
      %select_n3A_1522 = arith.select %and3A_1520, %add3A_1521, %rem3A_1512 : i32
      %broadcast_in_dim3A_1523 = arith.constant 8 : i32
      %broadcast_in_dim3A_1524 = vector.broadcast %broadcast_in_dim3A_1523 : i32 to vector<16xi32>
      %broadcast_in_dim3A_1525 = vector.broadcast %select_n3A_1522 : i32 to vector<16xi32>
      %broadcast_in_dim3A_1526 = arith.constant 8 : i32
      %broadcast_in_dim3A_1527 = vector.broadcast %broadcast_in_dim3A_1526 : i32 to vector<16xi32>
      %gather3A_1528 = tpu.vector_load_idx %arg9[%broadcast_in_dim3A_1524, %iota3A, %broadcast_in_dim3A_1525] : memref<16x32x128xf32, #tpu.memory_space<vmem>>[vector<16xi32>, vector<16xi32>, vector<16xi32>], vector<16xf32>,
      %gather3A_1529 = tpu.vector_load_idx %arg9[%broadcast_in_dim3A_1524, %add3A_3, %broadcast_in_dim3A_1525] : memref<16x32x128xf32, #tpu.memory_space<vmem>>[vector<16xi32>, vector<16xi32>, vector<16xi32>], vector<16xf32>,
      tpu.vector_store_idx %arg10[%iota3A, %broadcast_in_dim3A_1527], %gather3A_1528 : memref<32x16xf32, #tpu.memory_space<vmem>>[vector<16xi32>, vector<16xi32>], vector<16xf32>,
      tpu.vector_store_idx %arg10[%add3A_3, %broadcast_in_dim3A_1527], %gather3A_1529 : memref<32x16xf32, #tpu.memory_space<vmem>>[vector<16xi32>, vector<16xi32>], vector<16xf32>,
      %slice3A_1530 = vector.extract_strided_slice %get3A_425 {offsets = [9], sizes = [1], strides = [1]} : vector<16xi32> to vector<1xi32>
      %squeeze3A_1531 = vector.extract %slice3A_1530[0] : i32 from vector<1xi32>
      %jit3A_1532 = arith.constant 128 : i32
      %eq3A_1533 = arith.constant 0 : i32
      %eq3A_1534 = arith.cmpi eq, %jit3A_1532, %eq3A_1533 : i32
      %jit3A_1535 = arith.constant 1 : i32
      %select_n3A_1536 = arith.select %eq3A_1534, %jit3A_1535, %jit3A_1532 : i32
      %rem3A_1537 = arith.remsi %squeeze3A_1531, %select_n3A_1536 : i32
      %ne3A_1538 = arith.constant 0 : i32
      %ne3A_1539 = arith.cmpi ne, %rem3A_1537, %ne3A_1538 : i32
      %lt3A_1540 = arith.constant 0 : i32
      %lt3A_1541 = arith.cmpi slt, %rem3A_1537, %lt3A_1540 : i32
      %lt3A_1542 = arith.constant 0 : i32
      %lt3A_1543 = arith.cmpi slt, %select_n3A_1536, %lt3A_1542 : i32
      %ne3A_1544 = arith.xori %lt3A_1541, %lt3A_1543 : i1
      %and3A_1545 = arith.andi %ne3A_1544, %ne3A_1539 : i1
      %add3A_1546 = arith.addi %rem3A_1537, %select_n3A_1536 : i32
      %select_n3A_1547 = arith.select %and3A_1545, %add3A_1546, %rem3A_1537 : i32
      %broadcast_in_dim3A_1548 = arith.constant 9 : i32
      %broadcast_in_dim3A_1549 = vector.broadcast %broadcast_in_dim3A_1548 : i32 to vector<16xi32>
      %broadcast_in_dim3A_1550 = vector.broadcast %select_n3A_1547 : i32 to vector<16xi32>
      %broadcast_in_dim3A_1551 = arith.constant 9 : i32
      %broadcast_in_dim3A_1552 = vector.broadcast %broadcast_in_dim3A_1551 : i32 to vector<16xi32>
      %gather3A_1553 = tpu.vector_load_idx %arg9[%broadcast_in_dim3A_1549, %iota3A, %broadcast_in_dim3A_1550] : memref<16x32x128xf32, #tpu.memory_space<vmem>>[vector<16xi32>, vector<16xi32>, vector<16xi32>], vector<16xf32>,
      %gather3A_1554 = tpu.vector_load_idx %arg9[%broadcast_in_dim3A_1549, %add3A_3, %broadcast_in_dim3A_1550] : memref<16x32x128xf32, #tpu.memory_space<vmem>>[vector<16xi32>, vector<16xi32>, vector<16xi32>], vector<16xf32>,
      tpu.vector_store_idx %arg10[%iota3A, %broadcast_in_dim3A_1552], %gather3A_1553 : memref<32x16xf32, #tpu.memory_space<vmem>>[vector<16xi32>, vector<16xi32>], vector<16xf32>,
      tpu.vector_store_idx %arg10[%add3A_3, %broadcast_in_dim3A_1552], %gather3A_1554 : memref<32x16xf32, #tpu.memory_space<vmem>>[vector<16xi32>, vector<16xi32>], vector<16xf32>,
      %slice3A_1555 = vector.extract_strided_slice %get3A_425 {offsets = [10], sizes = [1], strides = [1]} : vector<16xi32> to vector<1xi32>
      %squeeze3A_1556 = vector.extract %slice3A_1555[0] : i32 from vector<1xi32>
      %jit3A_1557 = arith.constant 128 : i32
      %eq3A_1558 = arith.constant 0 : i32
      %eq3A_1559 = arith.cmpi eq, %jit3A_1557, %eq3A_1558 : i32
      %jit3A_1560 = arith.constant 1 : i32
      %select_n3A_1561 = arith.select %eq3A_1559, %jit3A_1560, %jit3A_1557 : i32
      %rem3A_1562 = arith.remsi %squeeze3A_1556, %select_n3A_1561 : i32
      %ne3A_1563 = arith.constant 0 : i32
      %ne3A_1564 = arith.cmpi ne, %rem3A_1562, %ne3A_1563 : i32
      %lt3A_1565 = arith.constant 0 : i32
      %lt3A_1566 = arith.cmpi slt, %rem3A_1562, %lt3A_1565 : i32
      %lt3A_1567 = arith.constant 0 : i32
      %lt3A_1568 = arith.cmpi slt, %select_n3A_1561, %lt3A_1567 : i32
      %ne3A_1569 = arith.xori %lt3A_1566, %lt3A_1568 : i1
      %and3A_1570 = arith.andi %ne3A_1569, %ne3A_1564 : i1
      %add3A_1571 = arith.addi %rem3A_1562, %select_n3A_1561 : i32
      %select_n3A_1572 = arith.select %and3A_1570, %add3A_1571, %rem3A_1562 : i32
      %broadcast_in_dim3A_1573 = arith.constant 10 : i32
      %broadcast_in_dim3A_1574 = vector.broadcast %broadcast_in_dim3A_1573 : i32 to vector<16xi32>
      %broadcast_in_dim3A_1575 = vector.broadcast %select_n3A_1572 : i32 to vector<16xi32>
      %broadcast_in_dim3A_1576 = arith.constant 10 : i32
      %broadcast_in_dim3A_1577 = vector.broadcast %broadcast_in_dim3A_1576 : i32 to vector<16xi32>
      %gather3A_1578 = tpu.vector_load_idx %arg9[%broadcast_in_dim3A_1574, %iota3A, %broadcast_in_dim3A_1575] : memref<16x32x128xf32, #tpu.memory_space<vmem>>[vector<16xi32>, vector<16xi32>, vector<16xi32>], vector<16xf32>,
      %gather3A_1579 = tpu.vector_load_idx %arg9[%broadcast_in_dim3A_1574, %add3A_3, %broadcast_in_dim3A_1575] : memref<16x32x128xf32, #tpu.memory_space<vmem>>[vector<16xi32>, vector<16xi32>, vector<16xi32>], vector<16xf32>,
      tpu.vector_store_idx %arg10[%iota3A, %broadcast_in_dim3A_1577], %gather3A_1578 : memref<32x16xf32, #tpu.memory_space<vmem>>[vector<16xi32>, vector<16xi32>], vector<16xf32>,
      tpu.vector_store_idx %arg10[%add3A_3, %broadcast_in_dim3A_1577], %gather3A_1579 : memref<32x16xf32, #tpu.memory_space<vmem>>[vector<16xi32>, vector<16xi32>], vector<16xf32>,
      %slice3A_1580 = vector.extract_strided_slice %get3A_425 {offsets = [11], sizes = [1], strides = [1]} : vector<16xi32> to vector<1xi32>
      %squeeze3A_1581 = vector.extract %slice3A_1580[0] : i32 from vector<1xi32>
      %jit3A_1582 = arith.constant 128 : i32
      %eq3A_1583 = arith.constant 0 : i32
      %eq3A_1584 = arith.cmpi eq, %jit3A_1582, %eq3A_1583 : i32
      %jit3A_1585 = arith.constant 1 : i32
      %select_n3A_1586 = arith.select %eq3A_1584, %jit3A_1585, %jit3A_1582 : i32
      %rem3A_1587 = arith.remsi %squeeze3A_1581, %select_n3A_1586 : i32
      %ne3A_1588 = arith.constant 0 : i32
      %ne3A_1589 = arith.cmpi ne, %rem3A_1587, %ne3A_1588 : i32
      %lt3A_1590 = arith.constant 0 : i32
      %lt3A_1591 = arith.cmpi slt, %rem3A_1587, %lt3A_1590 : i32
      %lt3A_1592 = arith.constant 0 : i32
      %lt3A_1593 = arith.cmpi slt, %select_n3A_1586, %lt3A_1592 : i32
      %ne3A_1594 = arith.xori %lt3A_1591, %lt3A_1593 : i1
      %and3A_1595 = arith.andi %ne3A_1594, %ne3A_1589 : i1
      %add3A_1596 = arith.addi %rem3A_1587, %select_n3A_1586 : i32
      %select_n3A_1597 = arith.select %and3A_1595, %add3A_1596, %rem3A_1587 : i32
      %broadcast_in_dim3A_1598 = arith.constant 11 : i32
      %broadcast_in_dim3A_1599 = vector.broadcast %broadcast_in_dim3A_1598 : i32 to vector<16xi32>
      %broadcast_in_dim3A_1600 = vector.broadcast %select_n3A_1597 : i32 to vector<16xi32>
      %broadcast_in_dim3A_1601 = arith.constant 11 : i32
      %broadcast_in_dim3A_1602 = vector.broadcast %broadcast_in_dim3A_1601 : i32 to vector<16xi32>
      %gather3A_1603 = tpu.vector_load_idx %arg9[%broadcast_in_dim3A_1599, %iota3A, %broadcast_in_dim3A_1600] : memref<16x32x128xf32, #tpu.memory_space<vmem>>[vector<16xi32>, vector<16xi32>, vector<16xi32>], vector<16xf32>,
      %gather3A_1604 = tpu.vector_load_idx %arg9[%broadcast_in_dim3A_1599, %add3A_3, %broadcast_in_dim3A_1600] : memref<16x32x128xf32, #tpu.memory_space<vmem>>[vector<16xi32>, vector<16xi32>, vector<16xi32>], vector<16xf32>,
      tpu.vector_store_idx %arg10[%iota3A, %broadcast_in_dim3A_1602], %gather3A_1603 : memref<32x16xf32, #tpu.memory_space<vmem>>[vector<16xi32>, vector<16xi32>], vector<16xf32>,
      tpu.vector_store_idx %arg10[%add3A_3, %broadcast_in_dim3A_1602], %gather3A_1604 : memref<32x16xf32, #tpu.memory_space<vmem>>[vector<16xi32>, vector<16xi32>], vector<16xf32>,
      %slice3A_1605 = vector.extract_strided_slice %get3A_425 {offsets = [12], sizes = [1], strides = [1]} : vector<16xi32> to vector<1xi32>
      %squeeze3A_1606 = vector.extract %slice3A_1605[0] : i32 from vector<1xi32>
      %jit3A_1607 = arith.constant 128 : i32
      %eq3A_1608 = arith.constant 0 : i32
      %eq3A_1609 = arith.cmpi eq, %jit3A_1607, %eq3A_1608 : i32
      %jit3A_1610 = arith.constant 1 : i32
      %select_n3A_1611 = arith.select %eq3A_1609, %jit3A_1610, %jit3A_1607 : i32
      %rem3A_1612 = arith.remsi %squeeze3A_1606, %select_n3A_1611 : i32
      %ne3A_1613 = arith.constant 0 : i32
      %ne3A_1614 = arith.cmpi ne, %rem3A_1612, %ne3A_1613 : i32
      %lt3A_1615 = arith.constant 0 : i32
      %lt3A_1616 = arith.cmpi slt, %rem3A_1612, %lt3A_1615 : i32
      %lt3A_1617 = arith.constant 0 : i32
      %lt3A_1618 = arith.cmpi slt, %select_n3A_1611, %lt3A_1617 : i32
      %ne3A_1619 = arith.xori %lt3A_1616, %lt3A_1618 : i1
      %and3A_1620 = arith.andi %ne3A_1619, %ne3A_1614 : i1
      %add3A_1621 = arith.addi %rem3A_1612, %select_n3A_1611 : i32
      %select_n3A_1622 = arith.select %and3A_1620, %add3A_1621, %rem3A_1612 : i32
      %broadcast_in_dim3A_1623 = arith.constant 12 : i32
      %broadcast_in_dim3A_1624 = vector.broadcast %broadcast_in_dim3A_1623 : i32 to vector<16xi32>
      %broadcast_in_dim3A_1625 = vector.broadcast %select_n3A_1622 : i32 to vector<16xi32>
      %broadcast_in_dim3A_1626 = arith.constant 12 : i32
      %broadcast_in_dim3A_1627 = vector.broadcast %broadcast_in_dim3A_1626 : i32 to vector<16xi32>
      %gather3A_1628 = tpu.vector_load_idx %arg9[%broadcast_in_dim3A_1624, %iota3A, %broadcast_in_dim3A_1625] : memref<16x32x128xf32, #tpu.memory_space<vmem>>[vector<16xi32>, vector<16xi32>, vector<16xi32>], vector<16xf32>,
      %gather3A_1629 = tpu.vector_load_idx %arg9[%broadcast_in_dim3A_1624, %add3A_3, %broadcast_in_dim3A_1625] : memref<16x32x128xf32, #tpu.memory_space<vmem>>[vector<16xi32>, vector<16xi32>, vector<16xi32>], vector<16xf32>,
      tpu.vector_store_idx %arg10[%iota3A, %broadcast_in_dim3A_1627], %gather3A_1628 : memref<32x16xf32, #tpu.memory_space<vmem>>[vector<16xi32>, vector<16xi32>], vector<16xf32>,
      tpu.vector_store_idx %arg10[%add3A_3, %broadcast_in_dim3A_1627], %gather3A_1629 : memref<32x16xf32, #tpu.memory_space<vmem>>[vector<16xi32>, vector<16xi32>], vector<16xf32>,
      %slice3A_1630 = vector.extract_strided_slice %get3A_425 {offsets = [13], sizes = [1], strides = [1]} : vector<16xi32> to vector<1xi32>
      %squeeze3A_1631 = vector.extract %slice3A_1630[0] : i32 from vector<1xi32>
      %jit3A_1632 = arith.constant 128 : i32
      %eq3A_1633 = arith.constant 0 : i32
      %eq3A_1634 = arith.cmpi eq, %jit3A_1632, %eq3A_1633 : i32
      %jit3A_1635 = arith.constant 1 : i32
      %select_n3A_1636 = arith.select %eq3A_1634, %jit3A_1635, %jit3A_1632 : i32
      %rem3A_1637 = arith.remsi %squeeze3A_1631, %select_n3A_1636 : i32
      %ne3A_1638 = arith.constant 0 : i32
      %ne3A_1639 = arith.cmpi ne, %rem3A_1637, %ne3A_1638 : i32
      %lt3A_1640 = arith.constant 0 : i32
      %lt3A_1641 = arith.cmpi slt, %rem3A_1637, %lt3A_1640 : i32
      %lt3A_1642 = arith.constant 0 : i32
      %lt3A_1643 = arith.cmpi slt, %select_n3A_1636, %lt3A_1642 : i32
      %ne3A_1644 = arith.xori %lt3A_1641, %lt3A_1643 : i1
      %and3A_1645 = arith.andi %ne3A_1644, %ne3A_1639 : i1
      %add3A_1646 = arith.addi %rem3A_1637, %select_n3A_1636 : i32
      %select_n3A_1647 = arith.select %and3A_1645, %add3A_1646, %rem3A_1637 : i32
      %broadcast_in_dim3A_1648 = arith.constant 13 : i32
      %broadcast_in_dim3A_1649 = vector.broadcast %broadcast_in_dim3A_1648 : i32 to vector<16xi32>
      %broadcast_in_dim3A_1650 = vector.broadcast %select_n3A_1647 : i32 to vector<16xi32>
      %broadcast_in_dim3A_1651 = arith.constant 13 : i32
      %broadcast_in_dim3A_1652 = vector.broadcast %broadcast_in_dim3A_1651 : i32 to vector<16xi32>
      %gather3A_1653 = tpu.vector_load_idx %arg9[%broadcast_in_dim3A_1649, %iota3A, %broadcast_in_dim3A_1650] : memref<16x32x128xf32, #tpu.memory_space<vmem>>[vector<16xi32>, vector<16xi32>, vector<16xi32>], vector<16xf32>,
      %gather3A_1654 = tpu.vector_load_idx %arg9[%broadcast_in_dim3A_1649, %add3A_3, %broadcast_in_dim3A_1650] : memref<16x32x128xf32, #tpu.memory_space<vmem>>[vector<16xi32>, vector<16xi32>, vector<16xi32>], vector<16xf32>,
      tpu.vector_store_idx %arg10[%iota3A, %broadcast_in_dim3A_1652], %gather3A_1653 : memref<32x16xf32, #tpu.memory_space<vmem>>[vector<16xi32>, vector<16xi32>], vector<16xf32>,
      tpu.vector_store_idx %arg10[%add3A_3, %broadcast_in_dim3A_1652], %gather3A_1654 : memref<32x16xf32, #tpu.memory_space<vmem>>[vector<16xi32>, vector<16xi32>], vector<16xf32>,
      %slice3A_1655 = vector.extract_strided_slice %get3A_425 {offsets = [14], sizes = [1], strides = [1]} : vector<16xi32> to vector<1xi32>
      %squeeze3A_1656 = vector.extract %slice3A_1655[0] : i32 from vector<1xi32>
      %jit3A_1657 = arith.constant 128 : i32
      %eq3A_1658 = arith.constant 0 : i32
      %eq3A_1659 = arith.cmpi eq, %jit3A_1657, %eq3A_1658 : i32
      %jit3A_1660 = arith.constant 1 : i32
      %select_n3A_1661 = arith.select %eq3A_1659, %jit3A_1660, %jit3A_1657 : i32
      %rem3A_1662 = arith.remsi %squeeze3A_1656, %select_n3A_1661 : i32
      %ne3A_1663 = arith.constant 0 : i32
      %ne3A_1664 = arith.cmpi ne, %rem3A_1662, %ne3A_1663 : i32
      %lt3A_1665 = arith.constant 0 : i32
      %lt3A_1666 = arith.cmpi slt, %rem3A_1662, %lt3A_1665 : i32
      %lt3A_1667 = arith.constant 0 : i32
      %lt3A_1668 = arith.cmpi slt, %select_n3A_1661, %lt3A_1667 : i32
      %ne3A_1669 = arith.xori %lt3A_1666, %lt3A_1668 : i1
      %and3A_1670 = arith.andi %ne3A_1669, %ne3A_1664 : i1
      %add3A_1671 = arith.addi %rem3A_1662, %select_n3A_1661 : i32
      %select_n3A_1672 = arith.select %and3A_1670, %add3A_1671, %rem3A_1662 : i32
      %broadcast_in_dim3A_1673 = arith.constant 14 : i32
      %broadcast_in_dim3A_1674 = vector.broadcast %broadcast_in_dim3A_1673 : i32 to vector<16xi32>
      %broadcast_in_dim3A_1675 = vector.broadcast %select_n3A_1672 : i32 to vector<16xi32>
      %broadcast_in_dim3A_1676 = arith.constant 14 : i32
      %broadcast_in_dim3A_1677 = vector.broadcast %broadcast_in_dim3A_1676 : i32 to vector<16xi32>
      %gather3A_1678 = tpu.vector_load_idx %arg9[%broadcast_in_dim3A_1674, %iota3A, %broadcast_in_dim3A_1675] : memref<16x32x128xf32, #tpu.memory_space<vmem>>[vector<16xi32>, vector<16xi32>, vector<16xi32>], vector<16xf32>,
      %gather3A_1679 = tpu.vector_load_idx %arg9[%broadcast_in_dim3A_1674, %add3A_3, %broadcast_in_dim3A_1675] : memref<16x32x128xf32, #tpu.memory_space<vmem>>[vector<16xi32>, vector<16xi32>, vector<16xi32>], vector<16xf32>,
      tpu.vector_store_idx %arg10[%iota3A, %broadcast_in_dim3A_1677], %gather3A_1678 : memref<32x16xf32, #tpu.memory_space<vmem>>[vector<16xi32>, vector<16xi32>], vector<16xf32>,
      tpu.vector_store_idx %arg10[%add3A_3, %broadcast_in_dim3A_1677], %gather3A_1679 : memref<32x16xf32, #tpu.memory_space<vmem>>[vector<16xi32>, vector<16xi32>], vector<16xf32>,
      %slice3A_1680 = vector.extract_strided_slice %get3A_425 {offsets = [15], sizes = [1], strides = [1]} : vector<16xi32> to vector<1xi32>
      %squeeze3A_1681 = vector.extract %slice3A_1680[0] : i32 from vector<1xi32>
      %jit3A_1682 = arith.constant 128 : i32
      %eq3A_1683 = arith.constant 0 : i32
      %eq3A_1684 = arith.cmpi eq, %jit3A_1682, %eq3A_1683 : i32
      %jit3A_1685 = arith.constant 1 : i32
      %select_n3A_1686 = arith.select %eq3A_1684, %jit3A_1685, %jit3A_1682 : i32
      %rem3A_1687 = arith.remsi %squeeze3A_1681, %select_n3A_1686 : i32
      %ne3A_1688 = arith.constant 0 : i32
      %ne3A_1689 = arith.cmpi ne, %rem3A_1687, %ne3A_1688 : i32
      %lt3A_1690 = arith.constant 0 : i32
      %lt3A_1691 = arith.cmpi slt, %rem3A_1687, %lt3A_1690 : i32
      %lt3A_1692 = arith.constant 0 : i32
      %lt3A_1693 = arith.cmpi slt, %select_n3A_1686, %lt3A_1692 : i32
      %ne3A_1694 = arith.xori %lt3A_1691, %lt3A_1693 : i1
      %and3A_1695 = arith.andi %ne3A_1694, %ne3A_1689 : i1
      %add3A_1696 = arith.addi %rem3A_1687, %select_n3A_1686 : i32
      %select_n3A_1697 = arith.select %and3A_1695, %add3A_1696, %rem3A_1687 : i32
      %broadcast_in_dim3A_1698 = arith.constant 15 : i32
      %broadcast_in_dim3A_1699 = vector.broadcast %broadcast_in_dim3A_1698 : i32 to vector<16xi32>
      %broadcast_in_dim3A_1700 = vector.broadcast %select_n3A_1697 : i32 to vector<16xi32>
      %broadcast_in_dim3A_1701 = arith.constant 15 : i32
      %broadcast_in_dim3A_1702 = vector.broadcast %broadcast_in_dim3A_1701 : i32 to vector<16xi32>
      %gather3A_1703 = tpu.vector_load_idx %arg9[%broadcast_in_dim3A_1699, %iota3A, %broadcast_in_dim3A_1700] : memref<16x32x128xf32, #tpu.memory_space<vmem>>[vector<16xi32>, vector<16xi32>, vector<16xi32>], vector<16xf32>,
      %gather3A_1704 = tpu.vector_load_idx %arg9[%broadcast_in_dim3A_1699, %add3A_3, %broadcast_in_dim3A_1700] : memref<16x32x128xf32, #tpu.memory_space<vmem>>[vector<16xi32>, vector<16xi32>, vector<16xi32>], vector<16xf32>,
      tpu.vector_store_idx %arg10[%iota3A, %broadcast_in_dim3A_1702], %gather3A_1703 : memref<32x16xf32, #tpu.memory_space<vmem>>[vector<16xi32>, vector<16xi32>], vector<16xf32>,
      tpu.vector_store_idx %arg10[%add3A_3, %broadcast_in_dim3A_1702], %gather3A_1704 : memref<32x16xf32, #tpu.memory_space<vmem>>[vector<16xi32>, vector<16xi32>], vector<16xf32>,
      %slice3A_1705 = vector.extract_strided_slice %get3A_430 {offsets = [0], sizes = [1], strides = [1]} : vector<16xi32> to vector<1xi32>
      %squeeze3A_1706 = vector.extract %slice3A_1705[0] : i32 from vector<1xi32>
      %jit3A_1707 = arith.constant 128 : i32
      %div3A_1708 = arith.divsi %squeeze3A_1706, %jit3A_1707 : i32
      %sign3A_1709 = arith.constant 0 : i32
      %sign3A_1710 = arith.cmpi sgt, %squeeze3A_1706, %sign3A_1709 : i32
      %sign3A_1711 = arith.extui %sign3A_1710 : i1 to i32
      %sign3A_1712 = arith.constant 0 : i32
      %sign3A_1713 = arith.cmpi slt, %squeeze3A_1706, %sign3A_1712 : i32
      %sign3A_1714 = arith.extui %sign3A_1713 : i1 to i32
      %sign3A_1715 = arith.subi %sign3A_1711, %sign3A_1714 : i32
      %sign3A_1716 = arith.constant 0 : i32
      %sign3A_1717 = arith.cmpi sgt, %jit3A_1707, %sign3A_1716 : i32
      %sign3A_1718 = arith.extui %sign3A_1717 : i1 to i32
      %sign3A_1719 = arith.constant 0 : i32
      %sign3A_1720 = arith.cmpi slt, %jit3A_1707, %sign3A_1719 : i32
      %sign3A_1721 = arith.extui %sign3A_1720 : i1 to i32
      %sign3A_1722 = arith.subi %sign3A_1718, %sign3A_1721 : i32
      %ne3A_1723 = arith.cmpi ne, %sign3A_1715, %sign3A_1722 : i32
      %rem3A_1724 = arith.remsi %squeeze3A_1706, %jit3A_1707 : i32
      %ne3A_1725 = arith.constant 0 : i32
      %ne3A_1726 = arith.cmpi ne, %rem3A_1724, %ne3A_1725 : i32
      %and3A_1727 = arith.andi %ne3A_1723, %ne3A_1726 : i1
      %sub3A_1728 = arith.constant 1 : i32
      %sub3A_1729 = arith.subi %div3A_1708, %sub3A_1728 : i32
      %select_n3A_1730 = arith.select %and3A_1727, %sub3A_1729, %div3A_1708 : i32
      %mul3A_1731 = arith.constant 128 : i32
      %mul3A_1732 = arith.muli %select_n3A_1730, %mul3A_1731 : i32
      %multiple_of3A_1733 = tpu.assume_multiple %mul3A_1732, 128 : i32
      %dma_start3A_1734 = arith.constant 0 : i32
      %dma_start3A_1735 = arith.constant 0 : i32
      %dma_start3A_1736 = arith.constant 0 : i32
      %dma_start3A_1737 = tpu.memref_slice %arg9[%dma_start3A_1734, %dma_start3A_1735, %dma_start3A_1736] : memref<16x32x128xf32, #tpu.memory_space<vmem>> -> memref<1x32x128xf32, #tpu.memory_space<vmem>>
      %dma_start3A_1738 = tpu.memref_squeeze %dma_start3A_1737 : memref<1x32x128xf32, #tpu.memory_space<vmem>> -> memref<32x128xf32, #tpu.memory_space<vmem>>
      %dma_start3A_1739 = arith.constant 0 : i32
      %dma_start3A_1740 = tpu.memref_slice %arg5[%dma_start3A_1739, %multiple_of3A_1733] : memref<32x1000000xf32, #tpu.memory_space<hbm>> -> memref<32x128xf32, #tpu.memory_space<hbm>>
      %dma_start3A_1741 = arith.constant 0 : i32
      %dma_start3A_1742 = arith.constant 0 : i32
      %dma_start3A_1743 = tpu.memref_slice %arg9[%dma_start3A_1734, %dma_start3A_1741, %dma_start3A_1742] : memref<16x32x128xf32, #tpu.memory_space<vmem>> -> memref<1x32x128xf32, #tpu.memory_space<vmem>>
      %dma_start3A_1744 = tpu.memref_squeeze %dma_start3A_1743 : memref<1x32x128xf32, #tpu.memory_space<vmem>> -> memref<32x128xf32, #tpu.memory_space<vmem>>
      %dma_start3A_1745 = arith.constant 0 : i32
      %dma_start3A_1746 = tpu.memref_slice %arg5[%dma_start3A_1745, %multiple_of3A_1733] : memref<32x1000000xf32, #tpu.memory_space<hbm>> -> memref<32x128xf32, #tpu.memory_space<hbm>>
      tpu.enqueue_dma source(%dma_start3A_1746 : memref<32x128xf32, #tpu.memory_space<hbm>>) target(%dma_start3A_1744 : memref<32x128xf32, #tpu.memory_space<vmem>>) target_semaphore(%arg13 : memref<!tpu.dma_semaphore, #tpu.memory_space<semaphore_mem>>)
      %slice3A_1747 = vector.extract_strided_slice %get3A_430 {offsets = [1], sizes = [1], strides = [1]} : vector<16xi32> to vector<1xi32>
      %squeeze3A_1748 = vector.extract %slice3A_1747[0] : i32 from vector<1xi32>
      %jit3A_1749 = arith.constant 128 : i32
      %div3A_1750 = arith.divsi %squeeze3A_1748, %jit3A_1749 : i32
      %sign3A_1751 = arith.constant 0 : i32
      %sign3A_1752 = arith.cmpi sgt, %squeeze3A_1748, %sign3A_1751 : i32
      %sign3A_1753 = arith.extui %sign3A_1752 : i1 to i32
      %sign3A_1754 = arith.constant 0 : i32
      %sign3A_1755 = arith.cmpi slt, %squeeze3A_1748, %sign3A_1754 : i32
      %sign3A_1756 = arith.extui %sign3A_1755 : i1 to i32
      %sign3A_1757 = arith.subi %sign3A_1753, %sign3A_1756 : i32
      %sign3A_1758 = arith.constant 0 : i32
      %sign3A_1759 = arith.cmpi sgt, %jit3A_1749, %sign3A_1758 : i32
      %sign3A_1760 = arith.extui %sign3A_1759 : i1 to i32
      %sign3A_1761 = arith.constant 0 : i32
      %sign3A_1762 = arith.cmpi slt, %jit3A_1749, %sign3A_1761 : i32
      %sign3A_1763 = arith.extui %sign3A_1762 : i1 to i32
      %sign3A_1764 = arith.subi %sign3A_1760, %sign3A_1763 : i32
      %ne3A_1765 = arith.cmpi ne, %sign3A_1757, %sign3A_1764 : i32
      %rem3A_1766 = arith.remsi %squeeze3A_1748, %jit3A_1749 : i32
      %ne3A_1767 = arith.constant 0 : i32
      %ne3A_1768 = arith.cmpi ne, %rem3A_1766, %ne3A_1767 : i32
      %and3A_1769 = arith.andi %ne3A_1765, %ne3A_1768 : i1
      %sub3A_1770 = arith.constant 1 : i32
      %sub3A_1771 = arith.subi %div3A_1750, %sub3A_1770 : i32
      %select_n3A_1772 = arith.select %and3A_1769, %sub3A_1771, %div3A_1750 : i32
      %mul3A_1773 = arith.constant 128 : i32
      %mul3A_1774 = arith.muli %select_n3A_1772, %mul3A_1773 : i32
      %multiple_of3A_1775 = tpu.assume_multiple %mul3A_1774, 128 : i32
      %dma_start3A_1776 = arith.constant 1 : i32
      %dma_start3A_1777 = arith.constant 0 : i32
      %dma_start3A_1778 = arith.constant 0 : i32
      %dma_start3A_1779 = tpu.memref_slice %arg9[%dma_start3A_1776, %dma_start3A_1777, %dma_start3A_1778] : memref<16x32x128xf32, #tpu.memory_space<vmem>> -> memref<1x32x128xf32, #tpu.memory_space<vmem>>
      %dma_start3A_1780 = tpu.memref_squeeze %dma_start3A_1779 : memref<1x32x128xf32, #tpu.memory_space<vmem>> -> memref<32x128xf32, #tpu.memory_space<vmem>>
      %dma_start3A_1781 = arith.constant 0 : i32
      %dma_start3A_1782 = tpu.memref_slice %arg5[%dma_start3A_1781, %multiple_of3A_1775] : memref<32x1000000xf32, #tpu.memory_space<hbm>> -> memref<32x128xf32, #tpu.memory_space<hbm>>
      %dma_start3A_1783 = arith.constant 0 : i32
      %dma_start3A_1784 = arith.constant 0 : i32
      %dma_start3A_1785 = tpu.memref_slice %arg9[%dma_start3A_1776, %dma_start3A_1783, %dma_start3A_1784] : memref<16x32x128xf32, #tpu.memory_space<vmem>> -> memref<1x32x128xf32, #tpu.memory_space<vmem>>
      %dma_start3A_1786 = tpu.memref_squeeze %dma_start3A_1785 : memref<1x32x128xf32, #tpu.memory_space<vmem>> -> memref<32x128xf32, #tpu.memory_space<vmem>>
      %dma_start3A_1787 = arith.constant 0 : i32
      %dma_start3A_1788 = tpu.memref_slice %arg5[%dma_start3A_1787, %multiple_of3A_1775] : memref<32x1000000xf32, #tpu.memory_space<hbm>> -> memref<32x128xf32, #tpu.memory_space<hbm>>
      tpu.enqueue_dma source(%dma_start3A_1788 : memref<32x128xf32, #tpu.memory_space<hbm>>) target(%dma_start3A_1786 : memref<32x128xf32, #tpu.memory_space<vmem>>) target_semaphore(%arg13 : memref<!tpu.dma_semaphore, #tpu.memory_space<semaphore_mem>>)
      %slice3A_1789 = vector.extract_strided_slice %get3A_430 {offsets = [2], sizes = [1], strides = [1]} : vector<16xi32> to vector<1xi32>
      %squeeze3A_1790 = vector.extract %slice3A_1789[0] : i32 from vector<1xi32>
      %jit3A_1791 = arith.constant 128 : i32
      %div3A_1792 = arith.divsi %squeeze3A_1790, %jit3A_1791 : i32
      %sign3A_1793 = arith.constant 0 : i32
      %sign3A_1794 = arith.cmpi sgt, %squeeze3A_1790, %sign3A_1793 : i32
      %sign3A_1795 = arith.extui %sign3A_1794 : i1 to i32
      %sign3A_1796 = arith.constant 0 : i32
      %sign3A_1797 = arith.cmpi slt, %squeeze3A_1790, %sign3A_1796 : i32
      %sign3A_1798 = arith.extui %sign3A_1797 : i1 to i32
      %sign3A_1799 = arith.subi %sign3A_1795, %sign3A_1798 : i32
      %sign3A_1800 = arith.constant 0 : i32
      %sign3A_1801 = arith.cmpi sgt, %jit3A_1791, %sign3A_1800 : i32
      %sign3A_1802 = arith.extui %sign3A_1801 : i1 to i32
      %sign3A_1803 = arith.constant 0 : i32
      %sign3A_1804 = arith.cmpi slt, %jit3A_1791, %sign3A_1803 : i32
      %sign3A_1805 = arith.extui %sign3A_1804 : i1 to i32
      %sign3A_1806 = arith.subi %sign3A_1802, %sign3A_1805 : i32
      %ne3A_1807 = arith.cmpi ne, %sign3A_1799, %sign3A_1806 : i32
      %rem3A_1808 = arith.remsi %squeeze3A_1790, %jit3A_1791 : i32
      %ne3A_1809 = arith.constant 0 : i32
      %ne3A_1810 = arith.cmpi ne, %rem3A_1808, %ne3A_1809 : i32
      %and3A_1811 = arith.andi %ne3A_1807, %ne3A_1810 : i1
      %sub3A_1812 = arith.constant 1 : i32
      %sub3A_1813 = arith.subi %div3A_1792, %sub3A_1812 : i32
      %select_n3A_1814 = arith.select %and3A_1811, %sub3A_1813, %div3A_1792 : i32
      %mul3A_1815 = arith.constant 128 : i32
      %mul3A_1816 = arith.muli %select_n3A_1814, %mul3A_1815 : i32
      %multiple_of3A_1817 = tpu.assume_multiple %mul3A_1816, 128 : i32
      %dma_start3A_1818 = arith.constant 2 : i32
      %dma_start3A_1819 = arith.constant 0 : i32
      %dma_start3A_1820 = arith.constant 0 : i32
      %dma_start3A_1821 = tpu.memref_slice %arg9[%dma_start3A_1818, %dma_start3A_1819, %dma_start3A_1820] : memref<16x32x128xf32, #tpu.memory_space<vmem>> -> memref<1x32x128xf32, #tpu.memory_space<vmem>>
      %dma_start3A_1822 = tpu.memref_squeeze %dma_start3A_1821 : memref<1x32x128xf32, #tpu.memory_space<vmem>> -> memref<32x128xf32, #tpu.memory_space<vmem>>
      %dma_start3A_1823 = arith.constant 0 : i32
      %dma_start3A_1824 = tpu.memref_slice %arg5[%dma_start3A_1823, %multiple_of3A_1817] : memref<32x1000000xf32, #tpu.memory_space<hbm>> -> memref<32x128xf32, #tpu.memory_space<hbm>>
      %dma_start3A_1825 = arith.constant 0 : i32
      %dma_start3A_1826 = arith.constant 0 : i32
      %dma_start3A_1827 = tpu.memref_slice %arg9[%dma_start3A_1818, %dma_start3A_1825, %dma_start3A_1826] : memref<16x32x128xf32, #tpu.memory_space<vmem>> -> memref<1x32x128xf32, #tpu.memory_space<vmem>>
      %dma_start3A_1828 = tpu.memref_squeeze %dma_start3A_1827 : memref<1x32x128xf32, #tpu.memory_space<vmem>> -> memref<32x128xf32, #tpu.memory_space<vmem>>
      %dma_start3A_1829 = arith.constant 0 : i32
      %dma_start3A_1830 = tpu.memref_slice %arg5[%dma_start3A_1829, %multiple_of3A_1817] : memref<32x1000000xf32, #tpu.memory_space<hbm>> -> memref<32x128xf32, #tpu.memory_space<hbm>>
      tpu.enqueue_dma source(%dma_start3A_1830 : memref<32x128xf32, #tpu.memory_space<hbm>>) target(%dma_start3A_1828 : memref<32x128xf32, #tpu.memory_space<vmem>>) target_semaphore(%arg13 : memref<!tpu.dma_semaphore, #tpu.memory_space<semaphore_mem>>)
      %slice3A_1831 = vector.extract_strided_slice %get3A_430 {offsets = [3], sizes = [1], strides = [1]} : vector<16xi32> to vector<1xi32>
      %squeeze3A_1832 = vector.extract %slice3A_1831[0] : i32 from vector<1xi32>
      %jit3A_1833 = arith.constant 128 : i32
      %div3A_1834 = arith.divsi %squeeze3A_1832, %jit3A_1833 : i32
      %sign3A_1835 = arith.constant 0 : i32
      %sign3A_1836 = arith.cmpi sgt, %squeeze3A_1832, %sign3A_1835 : i32
      %sign3A_1837 = arith.extui %sign3A_1836 : i1 to i32
      %sign3A_1838 = arith.constant 0 : i32
      %sign3A_1839 = arith.cmpi slt, %squeeze3A_1832, %sign3A_1838 : i32
      %sign3A_1840 = arith.extui %sign3A_1839 : i1 to i32
      %sign3A_1841 = arith.subi %sign3A_1837, %sign3A_1840 : i32
      %sign3A_1842 = arith.constant 0 : i32
      %sign3A_1843 = arith.cmpi sgt, %jit3A_1833, %sign3A_1842 : i32
      %sign3A_1844 = arith.extui %sign3A_1843 : i1 to i32
      %sign3A_1845 = arith.constant 0 : i32
      %sign3A_1846 = arith.cmpi slt, %jit3A_1833, %sign3A_1845 : i32
      %sign3A_1847 = arith.extui %sign3A_1846 : i1 to i32
      %sign3A_1848 = arith.subi %sign3A_1844, %sign3A_1847 : i32
      %ne3A_1849 = arith.cmpi ne, %sign3A_1841, %sign3A_1848 : i32
      %rem3A_1850 = arith.remsi %squeeze3A_1832, %jit3A_1833 : i32
      %ne3A_1851 = arith.constant 0 : i32
      %ne3A_1852 = arith.cmpi ne, %rem3A_1850, %ne3A_1851 : i32
      %and3A_1853 = arith.andi %ne3A_1849, %ne3A_1852 : i1
      %sub3A_1854 = arith.constant 1 : i32
      %sub3A_1855 = arith.subi %div3A_1834, %sub3A_1854 : i32
      %select_n3A_1856 = arith.select %and3A_1853, %sub3A_1855, %div3A_1834 : i32
      %mul3A_1857 = arith.constant 128 : i32
      %mul3A_1858 = arith.muli %select_n3A_1856, %mul3A_1857 : i32
      %multiple_of3A_1859 = tpu.assume_multiple %mul3A_1858, 128 : i32
      %dma_start3A_1860 = arith.constant 3 : i32
      %dma_start3A_1861 = arith.constant 0 : i32
      %dma_start3A_1862 = arith.constant 0 : i32
      %dma_start3A_1863 = tpu.memref_slice %arg9[%dma_start3A_1860, %dma_start3A_1861, %dma_start3A_1862] : memref<16x32x128xf32, #tpu.memory_space<vmem>> -> memref<1x32x128xf32, #tpu.memory_space<vmem>>
      %dma_start3A_1864 = tpu.memref_squeeze %dma_start3A_1863 : memref<1x32x128xf32, #tpu.memory_space<vmem>> -> memref<32x128xf32, #tpu.memory_space<vmem>>
      %dma_start3A_1865 = arith.constant 0 : i32
      %dma_start3A_1866 = tpu.memref_slice %arg5[%dma_start3A_1865, %multiple_of3A_1859] : memref<32x1000000xf32, #tpu.memory_space<hbm>> -> memref<32x128xf32, #tpu.memory_space<hbm>>
      %dma_start3A_1867 = arith.constant 0 : i32
      %dma_start3A_1868 = arith.constant 0 : i32
      %dma_start3A_1869 = tpu.memref_slice %arg9[%dma_start3A_1860, %dma_start3A_1867, %dma_start3A_1868] : memref<16x32x128xf32, #tpu.memory_space<vmem>> -> memref<1x32x128xf32, #tpu.memory_space<vmem>>
      %dma_start3A_1870 = tpu.memref_squeeze %dma_start3A_1869 : memref<1x32x128xf32, #tpu.memory_space<vmem>> -> memref<32x128xf32, #tpu.memory_space<vmem>>
      %dma_start3A_1871 = arith.constant 0 : i32
      %dma_start3A_1872 = tpu.memref_slice %arg5[%dma_start3A_1871, %multiple_of3A_1859] : memref<32x1000000xf32, #tpu.memory_space<hbm>> -> memref<32x128xf32, #tpu.memory_space<hbm>>
      tpu.enqueue_dma source(%dma_start3A_1872 : memref<32x128xf32, #tpu.memory_space<hbm>>) target(%dma_start3A_1870 : memref<32x128xf32, #tpu.memory_space<vmem>>) target_semaphore(%arg13 : memref<!tpu.dma_semaphore, #tpu.memory_space<semaphore_mem>>)
      %slice3A_1873 = vector.extract_strided_slice %get3A_430 {offsets = [4], sizes = [1], strides = [1]} : vector<16xi32> to vector<1xi32>
      %squeeze3A_1874 = vector.extract %slice3A_1873[0] : i32 from vector<1xi32>
      %jit3A_1875 = arith.constant 128 : i32
      %div3A_1876 = arith.divsi %squeeze3A_1874, %jit3A_1875 : i32
      %sign3A_1877 = arith.constant 0 : i32
      %sign3A_1878 = arith.cmpi sgt, %squeeze3A_1874, %sign3A_1877 : i32
      %sign3A_1879 = arith.extui %sign3A_1878 : i1 to i32
      %sign3A_1880 = arith.constant 0 : i32
      %sign3A_1881 = arith.cmpi slt, %squeeze3A_1874, %sign3A_1880 : i32
      %sign3A_1882 = arith.extui %sign3A_1881 : i1 to i32
      %sign3A_1883 = arith.subi %sign3A_1879, %sign3A_1882 : i32
      %sign3A_1884 = arith.constant 0 : i32
      %sign3A_1885 = arith.cmpi sgt, %jit3A_1875, %sign3A_1884 : i32
      %sign3A_1886 = arith.extui %sign3A_1885 : i1 to i32
      %sign3A_1887 = arith.constant 0 : i32
      %sign3A_1888 = arith.cmpi slt, %jit3A_1875, %sign3A_1887 : i32
      %sign3A_1889 = arith.extui %sign3A_1888 : i1 to i32
      %sign3A_1890 = arith.subi %sign3A_1886, %sign3A_1889 : i32
      %ne3A_1891 = arith.cmpi ne, %sign3A_1883, %sign3A_1890 : i32
      %rem3A_1892 = arith.remsi %squeeze3A_1874, %jit3A_1875 : i32
      %ne3A_1893 = arith.constant 0 : i32
      %ne3A_1894 = arith.cmpi ne, %rem3A_1892, %ne3A_1893 : i32
      %and3A_1895 = arith.andi %ne3A_1891, %ne3A_1894 : i1
      %sub3A_1896 = arith.constant 1 : i32
      %sub3A_1897 = arith.subi %div3A_1876, %sub3A_1896 : i32
      %select_n3A_1898 = arith.select %and3A_1895, %sub3A_1897, %div3A_1876 : i32
      %mul3A_1899 = arith.constant 128 : i32
      %mul3A_1900 = arith.muli %select_n3A_1898, %mul3A_1899 : i32
      %multiple_of3A_1901 = tpu.assume_multiple %mul3A_1900, 128 : i32
      %dma_start3A_1902 = arith.constant 4 : i32
      %dma_start3A_1903 = arith.constant 0 : i32
      %dma_start3A_1904 = arith.constant 0 : i32
      %dma_start3A_1905 = tpu.memref_slice %arg9[%dma_start3A_1902, %dma_start3A_1903, %dma_start3A_1904] : memref<16x32x128xf32, #tpu.memory_space<vmem>> -> memref<1x32x128xf32, #tpu.memory_space<vmem>>
      %dma_start3A_1906 = tpu.memref_squeeze %dma_start3A_1905 : memref<1x32x128xf32, #tpu.memory_space<vmem>> -> memref<32x128xf32, #tpu.memory_space<vmem>>
      %dma_start3A_1907 = arith.constant 0 : i32
      %dma_start3A_1908 = tpu.memref_slice %arg5[%dma_start3A_1907, %multiple_of3A_1901] : memref<32x1000000xf32, #tpu.memory_space<hbm>> -> memref<32x128xf32, #tpu.memory_space<hbm>>
      %dma_start3A_1909 = arith.constant 0 : i32
      %dma_start3A_1910 = arith.constant 0 : i32
      %dma_start3A_1911 = tpu.memref_slice %arg9[%dma_start3A_1902, %dma_start3A_1909, %dma_start3A_1910] : memref<16x32x128xf32, #tpu.memory_space<vmem>> -> memref<1x32x128xf32, #tpu.memory_space<vmem>>
      %dma_start3A_1912 = tpu.memref_squeeze %dma_start3A_1911 : memref<1x32x128xf32, #tpu.memory_space<vmem>> -> memref<32x128xf32, #tpu.memory_space<vmem>>
      %dma_start3A_1913 = arith.constant 0 : i32
      %dma_start3A_1914 = tpu.memref_slice %arg5[%dma_start3A_1913, %multiple_of3A_1901] : memref<32x1000000xf32, #tpu.memory_space<hbm>> -> memref<32x128xf32, #tpu.memory_space<hbm>>
      tpu.enqueue_dma source(%dma_start3A_1914 : memref<32x128xf32, #tpu.memory_space<hbm>>) target(%dma_start3A_1912 : memref<32x128xf32, #tpu.memory_space<vmem>>) target_semaphore(%arg13 : memref<!tpu.dma_semaphore, #tpu.memory_space<semaphore_mem>>)
      %slice3A_1915 = vector.extract_strided_slice %get3A_430 {offsets = [5], sizes = [1], strides = [1]} : vector<16xi32> to vector<1xi32>
      %squeeze3A_1916 = vector.extract %slice3A_1915[0] : i32 from vector<1xi32>
      %jit3A_1917 = arith.constant 128 : i32
      %div3A_1918 = arith.divsi %squeeze3A_1916, %jit3A_1917 : i32
      %sign3A_1919 = arith.constant 0 : i32
      %sign3A_1920 = arith.cmpi sgt, %squeeze3A_1916, %sign3A_1919 : i32
      %sign3A_1921 = arith.extui %sign3A_1920 : i1 to i32
      %sign3A_1922 = arith.constant 0 : i32
      %sign3A_1923 = arith.cmpi slt, %squeeze3A_1916, %sign3A_1922 : i32
      %sign3A_1924 = arith.extui %sign3A_1923 : i1 to i32
      %sign3A_1925 = arith.subi %sign3A_1921, %sign3A_1924 : i32
      %sign3A_1926 = arith.constant 0 : i32
      %sign3A_1927 = arith.cmpi sgt, %jit3A_1917, %sign3A_1926 : i32
      %sign3A_1928 = arith.extui %sign3A_1927 : i1 to i32
      %sign3A_1929 = arith.constant 0 : i32
      %sign3A_1930 = arith.cmpi slt, %jit3A_1917, %sign3A_1929 : i32
      %sign3A_1931 = arith.extui %sign3A_1930 : i1 to i32
      %sign3A_1932 = arith.subi %sign3A_1928, %sign3A_1931 : i32
      %ne3A_1933 = arith.cmpi ne, %sign3A_1925, %sign3A_1932 : i32
      %rem3A_1934 = arith.remsi %squeeze3A_1916, %jit3A_1917 : i32
      %ne3A_1935 = arith.constant 0 : i32
      %ne3A_1936 = arith.cmpi ne, %rem3A_1934, %ne3A_1935 : i32
      %and3A_1937 = arith.andi %ne3A_1933, %ne3A_1936 : i1
      %sub3A_1938 = arith.constant 1 : i32
      %sub3A_1939 = arith.subi %div3A_1918, %sub3A_1938 : i32
      %select_n3A_1940 = arith.select %and3A_1937, %sub3A_1939, %div3A_1918 : i32
      %mul3A_1941 = arith.constant 128 : i32
      %mul3A_1942 = arith.muli %select_n3A_1940, %mul3A_1941 : i32
      %multiple_of3A_1943 = tpu.assume_multiple %mul3A_1942, 128 : i32
      %dma_start3A_1944 = arith.constant 5 : i32
      %dma_start3A_1945 = arith.constant 0 : i32
      %dma_start3A_1946 = arith.constant 0 : i32
      %dma_start3A_1947 = tpu.memref_slice %arg9[%dma_start3A_1944, %dma_start3A_1945, %dma_start3A_1946] : memref<16x32x128xf32, #tpu.memory_space<vmem>> -> memref<1x32x128xf32, #tpu.memory_space<vmem>>
      %dma_start3A_1948 = tpu.memref_squeeze %dma_start3A_1947 : memref<1x32x128xf32, #tpu.memory_space<vmem>> -> memref<32x128xf32, #tpu.memory_space<vmem>>
      %dma_start3A_1949 = arith.constant 0 : i32
      %dma_start3A_1950 = tpu.memref_slice %arg5[%dma_start3A_1949, %multiple_of3A_1943] : memref<32x1000000xf32, #tpu.memory_space<hbm>> -> memref<32x128xf32, #tpu.memory_space<hbm>>
      %dma_start3A_1951 = arith.constant 0 : i32
      %dma_start3A_1952 = arith.constant 0 : i32
      %dma_start3A_1953 = tpu.memref_slice %arg9[%dma_start3A_1944, %dma_start3A_1951, %dma_start3A_1952] : memref<16x32x128xf32, #tpu.memory_space<vmem>> -> memref<1x32x128xf32, #tpu.memory_space<vmem>>
      %dma_start3A_1954 = tpu.memref_squeeze %dma_start3A_1953 : memref<1x32x128xf32, #tpu.memory_space<vmem>> -> memref<32x128xf32, #tpu.memory_space<vmem>>
      %dma_start3A_1955 = arith.constant 0 : i32
      %dma_start3A_1956 = tpu.memref_slice %arg5[%dma_start3A_1955, %multiple_of3A_1943] : memref<32x1000000xf32, #tpu.memory_space<hbm>> -> memref<32x128xf32, #tpu.memory_space<hbm>>
      tpu.enqueue_dma source(%dma_start3A_1956 : memref<32x128xf32, #tpu.memory_space<hbm>>) target(%dma_start3A_1954 : memref<32x128xf32, #tpu.memory_space<vmem>>) target_semaphore(%arg13 : memref<!tpu.dma_semaphore, #tpu.memory_space<semaphore_mem>>)
      %slice3A_1957 = vector.extract_strided_slice %get3A_430 {offsets = [6], sizes = [1], strides = [1]} : vector<16xi32> to vector<1xi32>
      %squeeze3A_1958 = vector.extract %slice3A_1957[0] : i32 from vector<1xi32>
      %jit3A_1959 = arith.constant 128 : i32
      %div3A_1960 = arith.divsi %squeeze3A_1958, %jit3A_1959 : i32
      %sign3A_1961 = arith.constant 0 : i32
      %sign3A_1962 = arith.cmpi sgt, %squeeze3A_1958, %sign3A_1961 : i32
      %sign3A_1963 = arith.extui %sign3A_1962 : i1 to i32
      %sign3A_1964 = arith.constant 0 : i32
      %sign3A_1965 = arith.cmpi slt, %squeeze3A_1958, %sign3A_1964 : i32
      %sign3A_1966 = arith.extui %sign3A_1965 : i1 to i32
      %sign3A_1967 = arith.subi %sign3A_1963, %sign3A_1966 : i32
      %sign3A_1968 = arith.constant 0 : i32
      %sign3A_1969 = arith.cmpi sgt, %jit3A_1959, %sign3A_1968 : i32
      %sign3A_1970 = arith.extui %sign3A_1969 : i1 to i32
      %sign3A_1971 = arith.constant 0 : i32
      %sign3A_1972 = arith.cmpi slt, %jit3A_1959, %sign3A_1971 : i32
      %sign3A_1973 = arith.extui %sign3A_1972 : i1 to i32
      %sign3A_1974 = arith.subi %sign3A_1970, %sign3A_1973 : i32
      %ne3A_1975 = arith.cmpi ne, %sign3A_1967, %sign3A_1974 : i32
      %rem3A_1976 = arith.remsi %squeeze3A_1958, %jit3A_1959 : i32
      %ne3A_1977 = arith.constant 0 : i32
      %ne3A_1978 = arith.cmpi ne, %rem3A_1976, %ne3A_1977 : i32
      %and3A_1979 = arith.andi %ne3A_1975, %ne3A_1978 : i1
      %sub3A_1980 = arith.constant 1 : i32
      %sub3A_1981 = arith.subi %div3A_1960, %sub3A_1980 : i32
      %select_n3A_1982 = arith.select %and3A_1979, %sub3A_1981, %div3A_1960 : i32
      %mul3A_1983 = arith.constant 128 : i32
      %mul3A_1984 = arith.muli %select_n3A_1982, %mul3A_1983 : i32
      %multiple_of3A_1985 = tpu.assume_multiple %mul3A_1984, 128 : i32
      %dma_start3A_1986 = arith.constant 6 : i32
      %dma_start3A_1987 = arith.constant 0 : i32
      %dma_start3A_1988 = arith.constant 0 : i32
      %dma_start3A_1989 = tpu.memref_slice %arg9[%dma_start3A_1986, %dma_start3A_1987, %dma_start3A_1988] : memref<16x32x128xf32, #tpu.memory_space<vmem>> -> memref<1x32x128xf32, #tpu.memory_space<vmem>>
      %dma_start3A_1990 = tpu.memref_squeeze %dma_start3A_1989 : memref<1x32x128xf32, #tpu.memory_space<vmem>> -> memref<32x128xf32, #tpu.memory_space<vmem>>
      %dma_start3A_1991 = arith.constant 0 : i32
      %dma_start3A_1992 = tpu.memref_slice %arg5[%dma_start3A_1991, %multiple_of3A_1985] : memref<32x1000000xf32, #tpu.memory_space<hbm>> -> memref<32x128xf32, #tpu.memory_space<hbm>>
      %dma_start3A_1993 = arith.constant 0 : i32
      %dma_start3A_1994 = arith.constant 0 : i32
      %dma_start3A_1995 = tpu.memref_slice %arg9[%dma_start3A_1986, %dma_start3A_1993, %dma_start3A_1994] : memref<16x32x128xf32, #tpu.memory_space<vmem>> -> memref<1x32x128xf32, #tpu.memory_space<vmem>>
      %dma_start3A_1996 = tpu.memref_squeeze %dma_start3A_1995 : memref<1x32x128xf32, #tpu.memory_space<vmem>> -> memref<32x128xf32, #tpu.memory_space<vmem>>
      %dma_start3A_1997 = arith.constant 0 : i32
      %dma_start3A_1998 = tpu.memref_slice %arg5[%dma_start3A_1997, %multiple_of3A_1985] : memref<32x1000000xf32, #tpu.memory_space<hbm>> -> memref<32x128xf32, #tpu.memory_space<hbm>>
      tpu.enqueue_dma source(%dma_start3A_1998 : memref<32x128xf32, #tpu.memory_space<hbm>>) target(%dma_start3A_1996 : memref<32x128xf32, #tpu.memory_space<vmem>>) target_semaphore(%arg13 : memref<!tpu.dma_semaphore, #tpu.memory_space<semaphore_mem>>)
      %slice3A_1999 = vector.extract_strided_slice %get3A_430 {offsets = [7], sizes = [1], strides = [1]} : vector<16xi32> to vector<1xi32>
      %squeeze3A_2000 = vector.extract %slice3A_1999[0] : i32 from vector<1xi32>
      %jit3A_2001 = arith.constant 128 : i32
      %div3A_2002 = arith.divsi %squeeze3A_2000, %jit3A_2001 : i32
      %sign3A_2003 = arith.constant 0 : i32
      %sign3A_2004 = arith.cmpi sgt, %squeeze3A_2000, %sign3A_2003 : i32
      %sign3A_2005 = arith.extui %sign3A_2004 : i1 to i32
      %sign3A_2006 = arith.constant 0 : i32
      %sign3A_2007 = arith.cmpi slt, %squeeze3A_2000, %sign3A_2006 : i32
      %sign3A_2008 = arith.extui %sign3A_2007 : i1 to i32
      %sign3A_2009 = arith.subi %sign3A_2005, %sign3A_2008 : i32
      %sign3A_2010 = arith.constant 0 : i32
      %sign3A_2011 = arith.cmpi sgt, %jit3A_2001, %sign3A_2010 : i32
      %sign3A_2012 = arith.extui %sign3A_2011 : i1 to i32
      %sign3A_2013 = arith.constant 0 : i32
      %sign3A_2014 = arith.cmpi slt, %jit3A_2001, %sign3A_2013 : i32
      %sign3A_2015 = arith.extui %sign3A_2014 : i1 to i32
      %sign3A_2016 = arith.subi %sign3A_2012, %sign3A_2015 : i32
      %ne3A_2017 = arith.cmpi ne, %sign3A_2009, %sign3A_2016 : i32
      %rem3A_2018 = arith.remsi %squeeze3A_2000, %jit3A_2001 : i32
      %ne3A_2019 = arith.constant 0 : i32
      %ne3A_2020 = arith.cmpi ne, %rem3A_2018, %ne3A_2019 : i32
      %and3A_2021 = arith.andi %ne3A_2017, %ne3A_2020 : i1
      %sub3A_2022 = arith.constant 1 : i32
      %sub3A_2023 = arith.subi %div3A_2002, %sub3A_2022 : i32
      %select_n3A_2024 = arith.select %and3A_2021, %sub3A_2023, %div3A_2002 : i32
      %mul3A_2025 = arith.constant 128 : i32
      %mul3A_2026 = arith.muli %select_n3A_2024, %mul3A_2025 : i32
      %multiple_of3A_2027 = tpu.assume_multiple %mul3A_2026, 128 : i32
      %dma_start3A_2028 = arith.constant 7 : i32
      %dma_start3A_2029 = arith.constant 0 : i32
      %dma_start3A_2030 = arith.constant 0 : i32
      %dma_start3A_2031 = tpu.memref_slice %arg9[%dma_start3A_2028, %dma_start3A_2029, %dma_start3A_2030] : memref<16x32x128xf32, #tpu.memory_space<vmem>> -> memref<1x32x128xf32, #tpu.memory_space<vmem>>
      %dma_start3A_2032 = tpu.memref_squeeze %dma_start3A_2031 : memref<1x32x128xf32, #tpu.memory_space<vmem>> -> memref<32x128xf32, #tpu.memory_space<vmem>>
      %dma_start3A_2033 = arith.constant 0 : i32
      %dma_start3A_2034 = tpu.memref_slice %arg5[%dma_start3A_2033, %multiple_of3A_2027] : memref<32x1000000xf32, #tpu.memory_space<hbm>> -> memref<32x128xf32, #tpu.memory_space<hbm>>
      %dma_start3A_2035 = arith.constant 0 : i32
      %dma_start3A_2036 = arith.constant 0 : i32
      %dma_start3A_2037 = tpu.memref_slice %arg9[%dma_start3A_2028, %dma_start3A_2035, %dma_start3A_2036] : memref<16x32x128xf32, #tpu.memory_space<vmem>> -> memref<1x32x128xf32, #tpu.memory_space<vmem>>
      %dma_start3A_2038 = tpu.memref_squeeze %dma_start3A_2037 : memref<1x32x128xf32, #tpu.memory_space<vmem>> -> memref<32x128xf32, #tpu.memory_space<vmem>>
      %dma_start3A_2039 = arith.constant 0 : i32
      %dma_start3A_2040 = tpu.memref_slice %arg5[%dma_start3A_2039, %multiple_of3A_2027] : memref<32x1000000xf32, #tpu.memory_space<hbm>> -> memref<32x128xf32, #tpu.memory_space<hbm>>
      tpu.enqueue_dma source(%dma_start3A_2040 : memref<32x128xf32, #tpu.memory_space<hbm>>) target(%dma_start3A_2038 : memref<32x128xf32, #tpu.memory_space<vmem>>) target_semaphore(%arg13 : memref<!tpu.dma_semaphore, #tpu.memory_space<semaphore_mem>>)
      %slice3A_2041 = vector.extract_strided_slice %get3A_430 {offsets = [8], sizes = [1], strides = [1]} : vector<16xi32> to vector<1xi32>
      %squeeze3A_2042 = vector.extract %slice3A_2041[0] : i32 from vector<1xi32>
      %jit3A_2043 = arith.constant 128 : i32
      %div3A_2044 = arith.divsi %squeeze3A_2042, %jit3A_2043 : i32
      %sign3A_2045 = arith.constant 0 : i32
      %sign3A_2046 = arith.cmpi sgt, %squeeze3A_2042, %sign3A_2045 : i32
      %sign3A_2047 = arith.extui %sign3A_2046 : i1 to i32
      %sign3A_2048 = arith.constant 0 : i32
      %sign3A_2049 = arith.cmpi slt, %squeeze3A_2042, %sign3A_2048 : i32
      %sign3A_2050 = arith.extui %sign3A_2049 : i1 to i32
      %sign3A_2051 = arith.subi %sign3A_2047, %sign3A_2050 : i32
      %sign3A_2052 = arith.constant 0 : i32
      %sign3A_2053 = arith.cmpi sgt, %jit3A_2043, %sign3A_2052 : i32
      %sign3A_2054 = arith.extui %sign3A_2053 : i1 to i32
      %sign3A_2055 = arith.constant 0 : i32
      %sign3A_2056 = arith.cmpi slt, %jit3A_2043, %sign3A_2055 : i32
      %sign3A_2057 = arith.extui %sign3A_2056 : i1 to i32
      %sign3A_2058 = arith.subi %sign3A_2054, %sign3A_2057 : i32
      %ne3A_2059 = arith.cmpi ne, %sign3A_2051, %sign3A_2058 : i32
      %rem3A_2060 = arith.remsi %squeeze3A_2042, %jit3A_2043 : i32
      %ne3A_2061 = arith.constant 0 : i32
      %ne3A_2062 = arith.cmpi ne, %rem3A_2060, %ne3A_2061 : i32
      %and3A_2063 = arith.andi %ne3A_2059, %ne3A_2062 : i1
      %sub3A_2064 = arith.constant 1 : i32
      %sub3A_2065 = arith.subi %div3A_2044, %sub3A_2064 : i32
      %select_n3A_2066 = arith.select %and3A_2063, %sub3A_2065, %div3A_2044 : i32
      %mul3A_2067 = arith.constant 128 : i32
      %mul3A_2068 = arith.muli %select_n3A_2066, %mul3A_2067 : i32
      %multiple_of3A_2069 = tpu.assume_multiple %mul3A_2068, 128 : i32
      %dma_start3A_2070 = arith.constant 8 : i32
      %dma_start3A_2071 = arith.constant 0 : i32
      %dma_start3A_2072 = arith.constant 0 : i32
      %dma_start3A_2073 = tpu.memref_slice %arg9[%dma_start3A_2070, %dma_start3A_2071, %dma_start3A_2072] : memref<16x32x128xf32, #tpu.memory_space<vmem>> -> memref<1x32x128xf32, #tpu.memory_space<vmem>>
      %dma_start3A_2074 = tpu.memref_squeeze %dma_start3A_2073 : memref<1x32x128xf32, #tpu.memory_space<vmem>> -> memref<32x128xf32, #tpu.memory_space<vmem>>
      %dma_start3A_2075 = arith.constant 0 : i32
      %dma_start3A_2076 = tpu.memref_slice %arg5[%dma_start3A_2075, %multiple_of3A_2069] : memref<32x1000000xf32, #tpu.memory_space<hbm>> -> memref<32x128xf32, #tpu.memory_space<hbm>>
      %dma_start3A_2077 = arith.constant 0 : i32
      %dma_start3A_2078 = arith.constant 0 : i32
      %dma_start3A_2079 = tpu.memref_slice %arg9[%dma_start3A_2070, %dma_start3A_2077, %dma_start3A_2078] : memref<16x32x128xf32, #tpu.memory_space<vmem>> -> memref<1x32x128xf32, #tpu.memory_space<vmem>>
      %dma_start3A_2080 = tpu.memref_squeeze %dma_start3A_2079 : memref<1x32x128xf32, #tpu.memory_space<vmem>> -> memref<32x128xf32, #tpu.memory_space<vmem>>
      %dma_start3A_2081 = arith.constant 0 : i32
      %dma_start3A_2082 = tpu.memref_slice %arg5[%dma_start3A_2081, %multiple_of3A_2069] : memref<32x1000000xf32, #tpu.memory_space<hbm>> -> memref<32x128xf32, #tpu.memory_space<hbm>>
      tpu.enqueue_dma source(%dma_start3A_2082 : memref<32x128xf32, #tpu.memory_space<hbm>>) target(%dma_start3A_2080 : memref<32x128xf32, #tpu.memory_space<vmem>>) target_semaphore(%arg13 : memref<!tpu.dma_semaphore, #tpu.memory_space<semaphore_mem>>)
      %slice3A_2083 = vector.extract_strided_slice %get3A_430 {offsets = [9], sizes = [1], strides = [1]} : vector<16xi32> to vector<1xi32>
      %squeeze3A_2084 = vector.extract %slice3A_2083[0] : i32 from vector<1xi32>
      %jit3A_2085 = arith.constant 128 : i32
      %div3A_2086 = arith.divsi %squeeze3A_2084, %jit3A_2085 : i32
      %sign3A_2087 = arith.constant 0 : i32
      %sign3A_2088 = arith.cmpi sgt, %squeeze3A_2084, %sign3A_2087 : i32
      %sign3A_2089 = arith.extui %sign3A_2088 : i1 to i32
      %sign3A_2090 = arith.constant 0 : i32
      %sign3A_2091 = arith.cmpi slt, %squeeze3A_2084, %sign3A_2090 : i32
      %sign3A_2092 = arith.extui %sign3A_2091 : i1 to i32
      %sign3A_2093 = arith.subi %sign3A_2089, %sign3A_2092 : i32
      %sign3A_2094 = arith.constant 0 : i32
      %sign3A_2095 = arith.cmpi sgt, %jit3A_2085, %sign3A_2094 : i32
      %sign3A_2096 = arith.extui %sign3A_2095 : i1 to i32
      %sign3A_2097 = arith.constant 0 : i32
      %sign3A_2098 = arith.cmpi slt, %jit3A_2085, %sign3A_2097 : i32
      %sign3A_2099 = arith.extui %sign3A_2098 : i1 to i32
      %sign3A_2100 = arith.subi %sign3A_2096, %sign3A_2099 : i32
      %ne3A_2101 = arith.cmpi ne, %sign3A_2093, %sign3A_2100 : i32
      %rem3A_2102 = arith.remsi %squeeze3A_2084, %jit3A_2085 : i32
      %ne3A_2103 = arith.constant 0 : i32
      %ne3A_2104 = arith.cmpi ne, %rem3A_2102, %ne3A_2103 : i32
      %and3A_2105 = arith.andi %ne3A_2101, %ne3A_2104 : i1
      %sub3A_2106 = arith.constant 1 : i32
      %sub3A_2107 = arith.subi %div3A_2086, %sub3A_2106 : i32
      %select_n3A_2108 = arith.select %and3A_2105, %sub3A_2107, %div3A_2086 : i32
      %mul3A_2109 = arith.constant 128 : i32
      %mul3A_2110 = arith.muli %select_n3A_2108, %mul3A_2109 : i32
      %multiple_of3A_2111 = tpu.assume_multiple %mul3A_2110, 128 : i32
      %dma_start3A_2112 = arith.constant 9 : i32
      %dma_start3A_2113 = arith.constant 0 : i32
      %dma_start3A_2114 = arith.constant 0 : i32
      %dma_start3A_2115 = tpu.memref_slice %arg9[%dma_start3A_2112, %dma_start3A_2113, %dma_start3A_2114] : memref<16x32x128xf32, #tpu.memory_space<vmem>> -> memref<1x32x128xf32, #tpu.memory_space<vmem>>
      %dma_start3A_2116 = tpu.memref_squeeze %dma_start3A_2115 : memref<1x32x128xf32, #tpu.memory_space<vmem>> -> memref<32x128xf32, #tpu.memory_space<vmem>>
      %dma_start3A_2117 = arith.constant 0 : i32
      %dma_start3A_2118 = tpu.memref_slice %arg5[%dma_start3A_2117, %multiple_of3A_2111] : memref<32x1000000xf32, #tpu.memory_space<hbm>> -> memref<32x128xf32, #tpu.memory_space<hbm>>
      %dma_start3A_2119 = arith.constant 0 : i32
      %dma_start3A_2120 = arith.constant 0 : i32
      %dma_start3A_2121 = tpu.memref_slice %arg9[%dma_start3A_2112, %dma_start3A_2119, %dma_start3A_2120] : memref<16x32x128xf32, #tpu.memory_space<vmem>> -> memref<1x32x128xf32, #tpu.memory_space<vmem>>
      %dma_start3A_2122 = tpu.memref_squeeze %dma_start3A_2121 : memref<1x32x128xf32, #tpu.memory_space<vmem>> -> memref<32x128xf32, #tpu.memory_space<vmem>>
      %dma_start3A_2123 = arith.constant 0 : i32
      %dma_start3A_2124 = tpu.memref_slice %arg5[%dma_start3A_2123, %multiple_of3A_2111] : memref<32x1000000xf32, #tpu.memory_space<hbm>> -> memref<32x128xf32, #tpu.memory_space<hbm>>
      tpu.enqueue_dma source(%dma_start3A_2124 : memref<32x128xf32, #tpu.memory_space<hbm>>) target(%dma_start3A_2122 : memref<32x128xf32, #tpu.memory_space<vmem>>) target_semaphore(%arg13 : memref<!tpu.dma_semaphore, #tpu.memory_space<semaphore_mem>>)
      %slice3A_2125 = vector.extract_strided_slice %get3A_430 {offsets = [10], sizes = [1], strides = [1]} : vector<16xi32> to vector<1xi32>
      %squeeze3A_2126 = vector.extract %slice3A_2125[0] : i32 from vector<1xi32>
      %jit3A_2127 = arith.constant 128 : i32
      %div3A_2128 = arith.divsi %squeeze3A_2126, %jit3A_2127 : i32
      %sign3A_2129 = arith.constant 0 : i32
      %sign3A_2130 = arith.cmpi sgt, %squeeze3A_2126, %sign3A_2129 : i32
      %sign3A_2131 = arith.extui %sign3A_2130 : i1 to i32
      %sign3A_2132 = arith.constant 0 : i32
      %sign3A_2133 = arith.cmpi slt, %squeeze3A_2126, %sign3A_2132 : i32
      %sign3A_2134 = arith.extui %sign3A_2133 : i1 to i32
      %sign3A_2135 = arith.subi %sign3A_2131, %sign3A_2134 : i32
      %sign3A_2136 = arith.constant 0 : i32
      %sign3A_2137 = arith.cmpi sgt, %jit3A_2127, %sign3A_2136 : i32
      %sign3A_2138 = arith.extui %sign3A_2137 : i1 to i32
      %sign3A_2139 = arith.constant 0 : i32
      %sign3A_2140 = arith.cmpi slt, %jit3A_2127, %sign3A_2139 : i32
      %sign3A_2141 = arith.extui %sign3A_2140 : i1 to i32
      %sign3A_2142 = arith.subi %sign3A_2138, %sign3A_2141 : i32
      %ne3A_2143 = arith.cmpi ne, %sign3A_2135, %sign3A_2142 : i32
      %rem3A_2144 = arith.remsi %squeeze3A_2126, %jit3A_2127 : i32
      %ne3A_2145 = arith.constant 0 : i32
      %ne3A_2146 = arith.cmpi ne, %rem3A_2144, %ne3A_2145 : i32
      %and3A_2147 = arith.andi %ne3A_2143, %ne3A_2146 : i1
      %sub3A_2148 = arith.constant 1 : i32
      %sub3A_2149 = arith.subi %div3A_2128, %sub3A_2148 : i32
      %select_n3A_2150 = arith.select %and3A_2147, %sub3A_2149, %div3A_2128 : i32
      %mul3A_2151 = arith.constant 128 : i32
      %mul3A_2152 = arith.muli %select_n3A_2150, %mul3A_2151 : i32
      %multiple_of3A_2153 = tpu.assume_multiple %mul3A_2152, 128 : i32
      %dma_start3A_2154 = arith.constant 10 : i32
      %dma_start3A_2155 = arith.constant 0 : i32
      %dma_start3A_2156 = arith.constant 0 : i32
      %dma_start3A_2157 = tpu.memref_slice %arg9[%dma_start3A_2154, %dma_start3A_2155, %dma_start3A_2156] : memref<16x32x128xf32, #tpu.memory_space<vmem>> -> memref<1x32x128xf32, #tpu.memory_space<vmem>>
      %dma_start3A_2158 = tpu.memref_squeeze %dma_start3A_2157 : memref<1x32x128xf32, #tpu.memory_space<vmem>> -> memref<32x128xf32, #tpu.memory_space<vmem>>
      %dma_start3A_2159 = arith.constant 0 : i32
      %dma_start3A_2160 = tpu.memref_slice %arg5[%dma_start3A_2159, %multiple_of3A_2153] : memref<32x1000000xf32, #tpu.memory_space<hbm>> -> memref<32x128xf32, #tpu.memory_space<hbm>>
      %dma_start3A_2161 = arith.constant 0 : i32
      %dma_start3A_2162 = arith.constant 0 : i32
      %dma_start3A_2163 = tpu.memref_slice %arg9[%dma_start3A_2154, %dma_start3A_2161, %dma_start3A_2162] : memref<16x32x128xf32, #tpu.memory_space<vmem>> -> memref<1x32x128xf32, #tpu.memory_space<vmem>>
      %dma_start3A_2164 = tpu.memref_squeeze %dma_start3A_2163 : memref<1x32x128xf32, #tpu.memory_space<vmem>> -> memref<32x128xf32, #tpu.memory_space<vmem>>
      %dma_start3A_2165 = arith.constant 0 : i32
      %dma_start3A_2166 = tpu.memref_slice %arg5[%dma_start3A_2165, %multiple_of3A_2153] : memref<32x1000000xf32, #tpu.memory_space<hbm>> -> memref<32x128xf32, #tpu.memory_space<hbm>>
      tpu.enqueue_dma source(%dma_start3A_2166 : memref<32x128xf32, #tpu.memory_space<hbm>>) target(%dma_start3A_2164 : memref<32x128xf32, #tpu.memory_space<vmem>>) target_semaphore(%arg13 : memref<!tpu.dma_semaphore, #tpu.memory_space<semaphore_mem>>)
      %slice3A_2167 = vector.extract_strided_slice %get3A_430 {offsets = [11], sizes = [1], strides = [1]} : vector<16xi32> to vector<1xi32>
      %squeeze3A_2168 = vector.extract %slice3A_2167[0] : i32 from vector<1xi32>
      %jit3A_2169 = arith.constant 128 : i32
      %div3A_2170 = arith.divsi %squeeze3A_2168, %jit3A_2169 : i32
      %sign3A_2171 = arith.constant 0 : i32
      %sign3A_2172 = arith.cmpi sgt, %squeeze3A_2168, %sign3A_2171 : i32
      %sign3A_2173 = arith.extui %sign3A_2172 : i1 to i32
      %sign3A_2174 = arith.constant 0 : i32
      %sign3A_2175 = arith.cmpi slt, %squeeze3A_2168, %sign3A_2174 : i32
      %sign3A_2176 = arith.extui %sign3A_2175 : i1 to i32
      %sign3A_2177 = arith.subi %sign3A_2173, %sign3A_2176 : i32
      %sign3A_2178 = arith.constant 0 : i32
      %sign3A_2179 = arith.cmpi sgt, %jit3A_2169, %sign3A_2178 : i32
      %sign3A_2180 = arith.extui %sign3A_2179 : i1 to i32
      %sign3A_2181 = arith.constant 0 : i32
      %sign3A_2182 = arith.cmpi slt, %jit3A_2169, %sign3A_2181 : i32
      %sign3A_2183 = arith.extui %sign3A_2182 : i1 to i32
      %sign3A_2184 = arith.subi %sign3A_2180, %sign3A_2183 : i32
      %ne3A_2185 = arith.cmpi ne, %sign3A_2177, %sign3A_2184 : i32
      %rem3A_2186 = arith.remsi %squeeze3A_2168, %jit3A_2169 : i32
      %ne3A_2187 = arith.constant 0 : i32
      %ne3A_2188 = arith.cmpi ne, %rem3A_2186, %ne3A_2187 : i32
      %and3A_2189 = arith.andi %ne3A_2185, %ne3A_2188 : i1
      %sub3A_2190 = arith.constant 1 : i32
      %sub3A_2191 = arith.subi %div3A_2170, %sub3A_2190 : i32
      %select_n3A_2192 = arith.select %and3A_2189, %sub3A_2191, %div3A_2170 : i32
      %mul3A_2193 = arith.constant 128 : i32
      %mul3A_2194 = arith.muli %select_n3A_2192, %mul3A_2193 : i32
      %multiple_of3A_2195 = tpu.assume_multiple %mul3A_2194, 128 : i32
      %dma_start3A_2196 = arith.constant 11 : i32
      %dma_start3A_2197 = arith.constant 0 : i32
      %dma_start3A_2198 = arith.constant 0 : i32
      %dma_start3A_2199 = tpu.memref_slice %arg9[%dma_start3A_2196, %dma_start3A_2197, %dma_start3A_2198] : memref<16x32x128xf32, #tpu.memory_space<vmem>> -> memref<1x32x128xf32, #tpu.memory_space<vmem>>
      %dma_start3A_2200 = tpu.memref_squeeze %dma_start3A_2199 : memref<1x32x128xf32, #tpu.memory_space<vmem>> -> memref<32x128xf32, #tpu.memory_space<vmem>>
      %dma_start3A_2201 = arith.constant 0 : i32
      %dma_start3A_2202 = tpu.memref_slice %arg5[%dma_start3A_2201, %multiple_of3A_2195] : memref<32x1000000xf32, #tpu.memory_space<hbm>> -> memref<32x128xf32, #tpu.memory_space<hbm>>
      %dma_start3A_2203 = arith.constant 0 : i32
      %dma_start3A_2204 = arith.constant 0 : i32
      %dma_start3A_2205 = tpu.memref_slice %arg9[%dma_start3A_2196, %dma_start3A_2203, %dma_start3A_2204] : memref<16x32x128xf32, #tpu.memory_space<vmem>> -> memref<1x32x128xf32, #tpu.memory_space<vmem>>
      %dma_start3A_2206 = tpu.memref_squeeze %dma_start3A_2205 : memref<1x32x128xf32, #tpu.memory_space<vmem>> -> memref<32x128xf32, #tpu.memory_space<vmem>>
      %dma_start3A_2207 = arith.constant 0 : i32
      %dma_start3A_2208 = tpu.memref_slice %arg5[%dma_start3A_2207, %multiple_of3A_2195] : memref<32x1000000xf32, #tpu.memory_space<hbm>> -> memref<32x128xf32, #tpu.memory_space<hbm>>
      tpu.enqueue_dma source(%dma_start3A_2208 : memref<32x128xf32, #tpu.memory_space<hbm>>) target(%dma_start3A_2206 : memref<32x128xf32, #tpu.memory_space<vmem>>) target_semaphore(%arg13 : memref<!tpu.dma_semaphore, #tpu.memory_space<semaphore_mem>>)
      %slice3A_2209 = vector.extract_strided_slice %get3A_430 {offsets = [12], sizes = [1], strides = [1]} : vector<16xi32> to vector<1xi32>
      %squeeze3A_2210 = vector.extract %slice3A_2209[0] : i32 from vector<1xi32>
      %jit3A_2211 = arith.constant 128 : i32
      %div3A_2212 = arith.divsi %squeeze3A_2210, %jit3A_2211 : i32
      %sign3A_2213 = arith.constant 0 : i32
      %sign3A_2214 = arith.cmpi sgt, %squeeze3A_2210, %sign3A_2213 : i32
      %sign3A_2215 = arith.extui %sign3A_2214 : i1 to i32
      %sign3A_2216 = arith.constant 0 : i32
      %sign3A_2217 = arith.cmpi slt, %squeeze3A_2210, %sign3A_2216 : i32
      %sign3A_2218 = arith.extui %sign3A_2217 : i1 to i32
      %sign3A_2219 = arith.subi %sign3A_2215, %sign3A_2218 : i32
      %sign3A_2220 = arith.constant 0 : i32
      %sign3A_2221 = arith.cmpi sgt, %jit3A_2211, %sign3A_2220 : i32
      %sign3A_2222 = arith.extui %sign3A_2221 : i1 to i32
      %sign3A_2223 = arith.constant 0 : i32
      %sign3A_2224 = arith.cmpi slt, %jit3A_2211, %sign3A_2223 : i32
      %sign3A_2225 = arith.extui %sign3A_2224 : i1 to i32
      %sign3A_2226 = arith.subi %sign3A_2222, %sign3A_2225 : i32
      %ne3A_2227 = arith.cmpi ne, %sign3A_2219, %sign3A_2226 : i32
      %rem3A_2228 = arith.remsi %squeeze3A_2210, %jit3A_2211 : i32
      %ne3A_2229 = arith.constant 0 : i32
      %ne3A_2230 = arith.cmpi ne, %rem3A_2228, %ne3A_2229 : i32
      %and3A_2231 = arith.andi %ne3A_2227, %ne3A_2230 : i1
      %sub3A_2232 = arith.constant 1 : i32
      %sub3A_2233 = arith.subi %div3A_2212, %sub3A_2232 : i32
      %select_n3A_2234 = arith.select %and3A_2231, %sub3A_2233, %div3A_2212 : i32
      %mul3A_2235 = arith.constant 128 : i32
      %mul3A_2236 = arith.muli %select_n3A_2234, %mul3A_2235 : i32
      %multiple_of3A_2237 = tpu.assume_multiple %mul3A_2236, 128 : i32
      %dma_start3A_2238 = arith.constant 12 : i32
      %dma_start3A_2239 = arith.constant 0 : i32
      %dma_start3A_2240 = arith.constant 0 : i32
      %dma_start3A_2241 = tpu.memref_slice %arg9[%dma_start3A_2238, %dma_start3A_2239, %dma_start3A_2240] : memref<16x32x128xf32, #tpu.memory_space<vmem>> -> memref<1x32x128xf32, #tpu.memory_space<vmem>>
      %dma_start3A_2242 = tpu.memref_squeeze %dma_start3A_2241 : memref<1x32x128xf32, #tpu.memory_space<vmem>> -> memref<32x128xf32, #tpu.memory_space<vmem>>
      %dma_start3A_2243 = arith.constant 0 : i32
      %dma_start3A_2244 = tpu.memref_slice %arg5[%dma_start3A_2243, %multiple_of3A_2237] : memref<32x1000000xf32, #tpu.memory_space<hbm>> -> memref<32x128xf32, #tpu.memory_space<hbm>>
      %dma_start3A_2245 = arith.constant 0 : i32
      %dma_start3A_2246 = arith.constant 0 : i32
      %dma_start3A_2247 = tpu.memref_slice %arg9[%dma_start3A_2238, %dma_start3A_2245, %dma_start3A_2246] : memref<16x32x128xf32, #tpu.memory_space<vmem>> -> memref<1x32x128xf32, #tpu.memory_space<vmem>>
      %dma_start3A_2248 = tpu.memref_squeeze %dma_start3A_2247 : memref<1x32x128xf32, #tpu.memory_space<vmem>> -> memref<32x128xf32, #tpu.memory_space<vmem>>
      %dma_start3A_2249 = arith.constant 0 : i32
      %dma_start3A_2250 = tpu.memref_slice %arg5[%dma_start3A_2249, %multiple_of3A_2237] : memref<32x1000000xf32, #tpu.memory_space<hbm>> -> memref<32x128xf32, #tpu.memory_space<hbm>>
      tpu.enqueue_dma source(%dma_start3A_2250 : memref<32x128xf32, #tpu.memory_space<hbm>>) target(%dma_start3A_2248 : memref<32x128xf32, #tpu.memory_space<vmem>>) target_semaphore(%arg13 : memref<!tpu.dma_semaphore, #tpu.memory_space<semaphore_mem>>)
      %slice3A_2251 = vector.extract_strided_slice %get3A_430 {offsets = [13], sizes = [1], strides = [1]} : vector<16xi32> to vector<1xi32>
      %squeeze3A_2252 = vector.extract %slice3A_2251[0] : i32 from vector<1xi32>
      %jit3A_2253 = arith.constant 128 : i32
      %div3A_2254 = arith.divsi %squeeze3A_2252, %jit3A_2253 : i32
      %sign3A_2255 = arith.constant 0 : i32
      %sign3A_2256 = arith.cmpi sgt, %squeeze3A_2252, %sign3A_2255 : i32
      %sign3A_2257 = arith.extui %sign3A_2256 : i1 to i32
      %sign3A_2258 = arith.constant 0 : i32
      %sign3A_2259 = arith.cmpi slt, %squeeze3A_2252, %sign3A_2258 : i32
      %sign3A_2260 = arith.extui %sign3A_2259 : i1 to i32
      %sign3A_2261 = arith.subi %sign3A_2257, %sign3A_2260 : i32
      %sign3A_2262 = arith.constant 0 : i32
      %sign3A_2263 = arith.cmpi sgt, %jit3A_2253, %sign3A_2262 : i32
      %sign3A_2264 = arith.extui %sign3A_2263 : i1 to i32
      %sign3A_2265 = arith.constant 0 : i32
      %sign3A_2266 = arith.cmpi slt, %jit3A_2253, %sign3A_2265 : i32
      %sign3A_2267 = arith.extui %sign3A_2266 : i1 to i32
      %sign3A_2268 = arith.subi %sign3A_2264, %sign3A_2267 : i32
      %ne3A_2269 = arith.cmpi ne, %sign3A_2261, %sign3A_2268 : i32
      %rem3A_2270 = arith.remsi %squeeze3A_2252, %jit3A_2253 : i32
      %ne3A_2271 = arith.constant 0 : i32
      %ne3A_2272 = arith.cmpi ne, %rem3A_2270, %ne3A_2271 : i32
      %and3A_2273 = arith.andi %ne3A_2269, %ne3A_2272 : i1
      %sub3A_2274 = arith.constant 1 : i32
      %sub3A_2275 = arith.subi %div3A_2254, %sub3A_2274 : i32
      %select_n3A_2276 = arith.select %and3A_2273, %sub3A_2275, %div3A_2254 : i32
      %mul3A_2277 = arith.constant 128 : i32
      %mul3A_2278 = arith.muli %select_n3A_2276, %mul3A_2277 : i32
      %multiple_of3A_2279 = tpu.assume_multiple %mul3A_2278, 128 : i32
      %dma_start3A_2280 = arith.constant 13 : i32
      %dma_start3A_2281 = arith.constant 0 : i32
      %dma_start3A_2282 = arith.constant 0 : i32
      %dma_start3A_2283 = tpu.memref_slice %arg9[%dma_start3A_2280, %dma_start3A_2281, %dma_start3A_2282] : memref<16x32x128xf32, #tpu.memory_space<vmem>> -> memref<1x32x128xf32, #tpu.memory_space<vmem>>
      %dma_start3A_2284 = tpu.memref_squeeze %dma_start3A_2283 : memref<1x32x128xf32, #tpu.memory_space<vmem>> -> memref<32x128xf32, #tpu.memory_space<vmem>>
      %dma_start3A_2285 = arith.constant 0 : i32
      %dma_start3A_2286 = tpu.memref_slice %arg5[%dma_start3A_2285, %multiple_of3A_2279] : memref<32x1000000xf32, #tpu.memory_space<hbm>> -> memref<32x128xf32, #tpu.memory_space<hbm>>
      %dma_start3A_2287 = arith.constant 0 : i32
      %dma_start3A_2288 = arith.constant 0 : i32
      %dma_start3A_2289 = tpu.memref_slice %arg9[%dma_start3A_2280, %dma_start3A_2287, %dma_start3A_2288] : memref<16x32x128xf32, #tpu.memory_space<vmem>> -> memref<1x32x128xf32, #tpu.memory_space<vmem>>
      %dma_start3A_2290 = tpu.memref_squeeze %dma_start3A_2289 : memref<1x32x128xf32, #tpu.memory_space<vmem>> -> memref<32x128xf32, #tpu.memory_space<vmem>>
      %dma_start3A_2291 = arith.constant 0 : i32
      %dma_start3A_2292 = tpu.memref_slice %arg5[%dma_start3A_2291, %multiple_of3A_2279] : memref<32x1000000xf32, #tpu.memory_space<hbm>> -> memref<32x128xf32, #tpu.memory_space<hbm>>
      tpu.enqueue_dma source(%dma_start3A_2292 : memref<32x128xf32, #tpu.memory_space<hbm>>) target(%dma_start3A_2290 : memref<32x128xf32, #tpu.memory_space<vmem>>) target_semaphore(%arg13 : memref<!tpu.dma_semaphore, #tpu.memory_space<semaphore_mem>>)
      %slice3A_2293 = vector.extract_strided_slice %get3A_430 {offsets = [14], sizes = [1], strides = [1]} : vector<16xi32> to vector<1xi32>
      %squeeze3A_2294 = vector.extract %slice3A_2293[0] : i32 from vector<1xi32>
      %jit3A_2295 = arith.constant 128 : i32
      %div3A_2296 = arith.divsi %squeeze3A_2294, %jit3A_2295 : i32
      %sign3A_2297 = arith.constant 0 : i32
      %sign3A_2298 = arith.cmpi sgt, %squeeze3A_2294, %sign3A_2297 : i32
      %sign3A_2299 = arith.extui %sign3A_2298 : i1 to i32
      %sign3A_2300 = arith.constant 0 : i32
      %sign3A_2301 = arith.cmpi slt, %squeeze3A_2294, %sign3A_2300 : i32
      %sign3A_2302 = arith.extui %sign3A_2301 : i1 to i32
      %sign3A_2303 = arith.subi %sign3A_2299, %sign3A_2302 : i32
      %sign3A_2304 = arith.constant 0 : i32
      %sign3A_2305 = arith.cmpi sgt, %jit3A_2295, %sign3A_2304 : i32
      %sign3A_2306 = arith.extui %sign3A_2305 : i1 to i32
      %sign3A_2307 = arith.constant 0 : i32
      %sign3A_2308 = arith.cmpi slt, %jit3A_2295, %sign3A_2307 : i32
      %sign3A_2309 = arith.extui %sign3A_2308 : i1 to i32
      %sign3A_2310 = arith.subi %sign3A_2306, %sign3A_2309 : i32
      %ne3A_2311 = arith.cmpi ne, %sign3A_2303, %sign3A_2310 : i32
      %rem3A_2312 = arith.remsi %squeeze3A_2294, %jit3A_2295 : i32
      %ne3A_2313 = arith.constant 0 : i32
      %ne3A_2314 = arith.cmpi ne, %rem3A_2312, %ne3A_2313 : i32
      %and3A_2315 = arith.andi %ne3A_2311, %ne3A_2314 : i1
      %sub3A_2316 = arith.constant 1 : i32
      %sub3A_2317 = arith.subi %div3A_2296, %sub3A_2316 : i32
      %select_n3A_2318 = arith.select %and3A_2315, %sub3A_2317, %div3A_2296 : i32
      %mul3A_2319 = arith.constant 128 : i32
      %mul3A_2320 = arith.muli %select_n3A_2318, %mul3A_2319 : i32
      %multiple_of3A_2321 = tpu.assume_multiple %mul3A_2320, 128 : i32
      %dma_start3A_2322 = arith.constant 14 : i32
      %dma_start3A_2323 = arith.constant 0 : i32
      %dma_start3A_2324 = arith.constant 0 : i32
      %dma_start3A_2325 = tpu.memref_slice %arg9[%dma_start3A_2322, %dma_start3A_2323, %dma_start3A_2324] : memref<16x32x128xf32, #tpu.memory_space<vmem>> -> memref<1x32x128xf32, #tpu.memory_space<vmem>>
      %dma_start3A_2326 = tpu.memref_squeeze %dma_start3A_2325 : memref<1x32x128xf32, #tpu.memory_space<vmem>> -> memref<32x128xf32, #tpu.memory_space<vmem>>
      %dma_start3A_2327 = arith.constant 0 : i32
      %dma_start3A_2328 = tpu.memref_slice %arg5[%dma_start3A_2327, %multiple_of3A_2321] : memref<32x1000000xf32, #tpu.memory_space<hbm>> -> memref<32x128xf32, #tpu.memory_space<hbm>>
      %dma_start3A_2329 = arith.constant 0 : i32
      %dma_start3A_2330 = arith.constant 0 : i32
      %dma_start3A_2331 = tpu.memref_slice %arg9[%dma_start3A_2322, %dma_start3A_2329, %dma_start3A_2330] : memref<16x32x128xf32, #tpu.memory_space<vmem>> -> memref<1x32x128xf32, #tpu.memory_space<vmem>>
      %dma_start3A_2332 = tpu.memref_squeeze %dma_start3A_2331 : memref<1x32x128xf32, #tpu.memory_space<vmem>> -> memref<32x128xf32, #tpu.memory_space<vmem>>
      %dma_start3A_2333 = arith.constant 0 : i32
      %dma_start3A_2334 = tpu.memref_slice %arg5[%dma_start3A_2333, %multiple_of3A_2321] : memref<32x1000000xf32, #tpu.memory_space<hbm>> -> memref<32x128xf32, #tpu.memory_space<hbm>>
      tpu.enqueue_dma source(%dma_start3A_2334 : memref<32x128xf32, #tpu.memory_space<hbm>>) target(%dma_start3A_2332 : memref<32x128xf32, #tpu.memory_space<vmem>>) target_semaphore(%arg13 : memref<!tpu.dma_semaphore, #tpu.memory_space<semaphore_mem>>)
      %slice3A_2335 = vector.extract_strided_slice %get3A_430 {offsets = [15], sizes = [1], strides = [1]} : vector<16xi32> to vector<1xi32>
      %squeeze3A_2336 = vector.extract %slice3A_2335[0] : i32 from vector<1xi32>
      %jit3A_2337 = arith.constant 128 : i32
      %div3A_2338 = arith.divsi %squeeze3A_2336, %jit3A_2337 : i32
      %sign3A_2339 = arith.constant 0 : i32
      %sign3A_2340 = arith.cmpi sgt, %squeeze3A_2336, %sign3A_2339 : i32
      %sign3A_2341 = arith.extui %sign3A_2340 : i1 to i32
      %sign3A_2342 = arith.constant 0 : i32
      %sign3A_2343 = arith.cmpi slt, %squeeze3A_2336, %sign3A_2342 : i32
      %sign3A_2344 = arith.extui %sign3A_2343 : i1 to i32
      %sign3A_2345 = arith.subi %sign3A_2341, %sign3A_2344 : i32
      %sign3A_2346 = arith.constant 0 : i32
      %sign3A_2347 = arith.cmpi sgt, %jit3A_2337, %sign3A_2346 : i32
      %sign3A_2348 = arith.extui %sign3A_2347 : i1 to i32
      %sign3A_2349 = arith.constant 0 : i32
      %sign3A_2350 = arith.cmpi slt, %jit3A_2337, %sign3A_2349 : i32
      %sign3A_2351 = arith.extui %sign3A_2350 : i1 to i32
      %sign3A_2352 = arith.subi %sign3A_2348, %sign3A_2351 : i32
      %ne3A_2353 = arith.cmpi ne, %sign3A_2345, %sign3A_2352 : i32
      %rem3A_2354 = arith.remsi %squeeze3A_2336, %jit3A_2337 : i32
      %ne3A_2355 = arith.constant 0 : i32
      %ne3A_2356 = arith.cmpi ne, %rem3A_2354, %ne3A_2355 : i32
      %and3A_2357 = arith.andi %ne3A_2353, %ne3A_2356 : i1
      %sub3A_2358 = arith.constant 1 : i32
      %sub3A_2359 = arith.subi %div3A_2338, %sub3A_2358 : i32
      %select_n3A_2360 = arith.select %and3A_2357, %sub3A_2359, %div3A_2338 : i32
      %mul3A_2361 = arith.constant 128 : i32
      %mul3A_2362 = arith.muli %select_n3A_2360, %mul3A_2361 : i32
      %multiple_of3A_2363 = tpu.assume_multiple %mul3A_2362, 128 : i32
      %dma_start3A_2364 = arith.constant 15 : i32
      %dma_start3A_2365 = arith.constant 0 : i32
      %dma_start3A_2366 = arith.constant 0 : i32
      %dma_start3A_2367 = tpu.memref_slice %arg9[%dma_start3A_2364, %dma_start3A_2365, %dma_start3A_2366] : memref<16x32x128xf32, #tpu.memory_space<vmem>> -> memref<1x32x128xf32, #tpu.memory_space<vmem>>
      %dma_start3A_2368 = tpu.memref_squeeze %dma_start3A_2367 : memref<1x32x128xf32, #tpu.memory_space<vmem>> -> memref<32x128xf32, #tpu.memory_space<vmem>>
      %dma_start3A_2369 = arith.constant 0 : i32
      %dma_start3A_2370 = tpu.memref_slice %arg5[%dma_start3A_2369, %multiple_of3A_2363] : memref<32x1000000xf32, #tpu.memory_space<hbm>> -> memref<32x128xf32, #tpu.memory_space<hbm>>
      %dma_start3A_2371 = arith.constant 0 : i32
      %dma_start3A_2372 = arith.constant 0 : i32
      %dma_start3A_2373 = tpu.memref_slice %arg9[%dma_start3A_2364, %dma_start3A_2371, %dma_start3A_2372] : memref<16x32x128xf32, #tpu.memory_space<vmem>> -> memref<1x32x128xf32, #tpu.memory_space<vmem>>
      %dma_start3A_2374 = tpu.memref_squeeze %dma_start3A_2373 : memref<1x32x128xf32, #tpu.memory_space<vmem>> -> memref<32x128xf32, #tpu.memory_space<vmem>>
      %dma_start3A_2375 = arith.constant 0 : i32
      %dma_start3A_2376 = tpu.memref_slice %arg5[%dma_start3A_2375, %multiple_of3A_2363] : memref<32x1000000xf32, #tpu.memory_space<hbm>> -> memref<32x128xf32, #tpu.memory_space<hbm>>
      tpu.enqueue_dma source(%dma_start3A_2376 : memref<32x128xf32, #tpu.memory_space<hbm>>) target(%dma_start3A_2374 : memref<32x128xf32, #tpu.memory_space<vmem>>) target_semaphore(%arg13 : memref<!tpu.dma_semaphore, #tpu.memory_space<semaphore_mem>>)
      %dma_wait3A_2377 = arith.constant 0 : i32
      %dma_wait3A_2378 = arith.constant 0 : i32
      %dma_wait3A_2379 = arith.constant 0 : i32
      %dma_wait3A_2380 = tpu.memref_slice %arg9[%dma_wait3A_2377, %dma_wait3A_2378, %dma_wait3A_2379] : memref<16x32x128xf32, #tpu.memory_space<vmem>> -> memref<1x32x128xf32, #tpu.memory_space<vmem>>
      %dma_wait3A_2381 = tpu.memref_squeeze %dma_wait3A_2380 : memref<1x32x128xf32, #tpu.memory_space<vmem>> -> memref<32x128xf32, #tpu.memory_space<vmem>>
      %dma_wait3A_2382 = arith.constant 0 : i32
      %dma_wait3A_2383 = tpu.memref_slice %arg5[%dma_wait3A_2382, %multiple_of3A_1733] : memref<32x1000000xf32, #tpu.memory_space<hbm>> -> memref<32x128xf32, #tpu.memory_space<hbm>>
      %dma_wait3A_2384 = arith.constant 0 : i32
      %dma_wait3A_2385 = arith.constant 0 : i32
      %dma_wait3A_2386 = tpu.memref_slice %arg9[%dma_wait3A_2377, %dma_wait3A_2384, %dma_wait3A_2385] : memref<16x32x128xf32, #tpu.memory_space<vmem>> -> memref<1x32x128xf32, #tpu.memory_space<vmem>>
      %dma_wait3A_2387 = tpu.memref_squeeze %dma_wait3A_2386 : memref<1x32x128xf32, #tpu.memory_space<vmem>> -> memref<32x128xf32, #tpu.memory_space<vmem>>
      %dma_wait3A_2388 = arith.constant 0 : i32
      %dma_wait3A_2389 = tpu.memref_slice %arg5[%dma_wait3A_2388, %multiple_of3A_1733] : memref<32x1000000xf32, #tpu.memory_space<hbm>> -> memref<32x128xf32, #tpu.memory_space<hbm>>
      tpu.wait_dma2 semaphore(%arg13 : memref<!tpu.dma_semaphore, #tpu.memory_space<semaphore_mem>>) src(%dma_wait3A_2389 : memref<32x128xf32, #tpu.memory_space<hbm>>) dst(%dma_wait3A_2387 : memref<32x128xf32, #tpu.memory_space<vmem>>)
      %dma_wait3A_2390 = arith.constant 1 : i32
      %dma_wait3A_2391 = arith.constant 0 : i32
      %dma_wait3A_2392 = arith.constant 0 : i32
      %dma_wait3A_2393 = tpu.memref_slice %arg9[%dma_wait3A_2390, %dma_wait3A_2391, %dma_wait3A_2392] : memref<16x32x128xf32, #tpu.memory_space<vmem>> -> memref<1x32x128xf32, #tpu.memory_space<vmem>>
      %dma_wait3A_2394 = tpu.memref_squeeze %dma_wait3A_2393 : memref<1x32x128xf32, #tpu.memory_space<vmem>> -> memref<32x128xf32, #tpu.memory_space<vmem>>
      %dma_wait3A_2395 = arith.constant 0 : i32
      %dma_wait3A_2396 = tpu.memref_slice %arg5[%dma_wait3A_2395, %multiple_of3A_1775] : memref<32x1000000xf32, #tpu.memory_space<hbm>> -> memref<32x128xf32, #tpu.memory_space<hbm>>
      %dma_wait3A_2397 = arith.constant 0 : i32
      %dma_wait3A_2398 = arith.constant 0 : i32
      %dma_wait3A_2399 = tpu.memref_slice %arg9[%dma_wait3A_2390, %dma_wait3A_2397, %dma_wait3A_2398] : memref<16x32x128xf32, #tpu.memory_space<vmem>> -> memref<1x32x128xf32, #tpu.memory_space<vmem>>
      %dma_wait3A_2400 = tpu.memref_squeeze %dma_wait3A_2399 : memref<1x32x128xf32, #tpu.memory_space<vmem>> -> memref<32x128xf32, #tpu.memory_space<vmem>>
      %dma_wait3A_2401 = arith.constant 0 : i32
      %dma_wait3A_2402 = tpu.memref_slice %arg5[%dma_wait3A_2401, %multiple_of3A_1775] : memref<32x1000000xf32, #tpu.memory_space<hbm>> -> memref<32x128xf32, #tpu.memory_space<hbm>>
      tpu.wait_dma2 semaphore(%arg13 : memref<!tpu.dma_semaphore, #tpu.memory_space<semaphore_mem>>) src(%dma_wait3A_2402 : memref<32x128xf32, #tpu.memory_space<hbm>>) dst(%dma_wait3A_2400 : memref<32x128xf32, #tpu.memory_space<vmem>>)
      %dma_wait3A_2403 = arith.constant 2 : i32
      %dma_wait3A_2404 = arith.constant 0 : i32
      %dma_wait3A_2405 = arith.constant 0 : i32
      %dma_wait3A_2406 = tpu.memref_slice %arg9[%dma_wait3A_2403, %dma_wait3A_2404, %dma_wait3A_2405] : memref<16x32x128xf32, #tpu.memory_space<vmem>> -> memref<1x32x128xf32, #tpu.memory_space<vmem>>
      %dma_wait3A_2407 = tpu.memref_squeeze %dma_wait3A_2406 : memref<1x32x128xf32, #tpu.memory_space<vmem>> -> memref<32x128xf32, #tpu.memory_space<vmem>>
      %dma_wait3A_2408 = arith.constant 0 : i32
      %dma_wait3A_2409 = tpu.memref_slice %arg5[%dma_wait3A_2408, %multiple_of3A_1817] : memref<32x1000000xf32, #tpu.memory_space<hbm>> -> memref<32x128xf32, #tpu.memory_space<hbm>>
      %dma_wait3A_2410 = arith.constant 0 : i32
      %dma_wait3A_2411 = arith.constant 0 : i32
      %dma_wait3A_2412 = tpu.memref_slice %arg9[%dma_wait3A_2403, %dma_wait3A_2410, %dma_wait3A_2411] : memref<16x32x128xf32, #tpu.memory_space<vmem>> -> memref<1x32x128xf32, #tpu.memory_space<vmem>>
      %dma_wait3A_2413 = tpu.memref_squeeze %dma_wait3A_2412 : memref<1x32x128xf32, #tpu.memory_space<vmem>> -> memref<32x128xf32, #tpu.memory_space<vmem>>
      %dma_wait3A_2414 = arith.constant 0 : i32
      %dma_wait3A_2415 = tpu.memref_slice %arg5[%dma_wait3A_2414, %multiple_of3A_1817] : memref<32x1000000xf32, #tpu.memory_space<hbm>> -> memref<32x128xf32, #tpu.memory_space<hbm>>
      tpu.wait_dma2 semaphore(%arg13 : memref<!tpu.dma_semaphore, #tpu.memory_space<semaphore_mem>>) src(%dma_wait3A_2415 : memref<32x128xf32, #tpu.memory_space<hbm>>) dst(%dma_wait3A_2413 : memref<32x128xf32, #tpu.memory_space<vmem>>)
      %dma_wait3A_2416 = arith.constant 3 : i32
      %dma_wait3A_2417 = arith.constant 0 : i32
      %dma_wait3A_2418 = arith.constant 0 : i32
      %dma_wait3A_2419 = tpu.memref_slice %arg9[%dma_wait3A_2416, %dma_wait3A_2417, %dma_wait3A_2418] : memref<16x32x128xf32, #tpu.memory_space<vmem>> -> memref<1x32x128xf32, #tpu.memory_space<vmem>>
      %dma_wait3A_2420 = tpu.memref_squeeze %dma_wait3A_2419 : memref<1x32x128xf32, #tpu.memory_space<vmem>> -> memref<32x128xf32, #tpu.memory_space<vmem>>
      %dma_wait3A_2421 = arith.constant 0 : i32
      %dma_wait3A_2422 = tpu.memref_slice %arg5[%dma_wait3A_2421, %multiple_of3A_1859] : memref<32x1000000xf32, #tpu.memory_space<hbm>> -> memref<32x128xf32, #tpu.memory_space<hbm>>
      %dma_wait3A_2423 = arith.constant 0 : i32
      %dma_wait3A_2424 = arith.constant 0 : i32
      %dma_wait3A_2425 = tpu.memref_slice %arg9[%dma_wait3A_2416, %dma_wait3A_2423, %dma_wait3A_2424] : memref<16x32x128xf32, #tpu.memory_space<vmem>> -> memref<1x32x128xf32, #tpu.memory_space<vmem>>
      %dma_wait3A_2426 = tpu.memref_squeeze %dma_wait3A_2425 : memref<1x32x128xf32, #tpu.memory_space<vmem>> -> memref<32x128xf32, #tpu.memory_space<vmem>>
      %dma_wait3A_2427 = arith.constant 0 : i32
      %dma_wait3A_2428 = tpu.memref_slice %arg5[%dma_wait3A_2427, %multiple_of3A_1859] : memref<32x1000000xf32, #tpu.memory_space<hbm>> -> memref<32x128xf32, #tpu.memory_space<hbm>>
      tpu.wait_dma2 semaphore(%arg13 : memref<!tpu.dma_semaphore, #tpu.memory_space<semaphore_mem>>) src(%dma_wait3A_2428 : memref<32x128xf32, #tpu.memory_space<hbm>>) dst(%dma_wait3A_2426 : memref<32x128xf32, #tpu.memory_space<vmem>>)
      %dma_wait3A_2429 = arith.constant 4 : i32
      %dma_wait3A_2430 = arith.constant 0 : i32
      %dma_wait3A_2431 = arith.constant 0 : i32
      %dma_wait3A_2432 = tpu.memref_slice %arg9[%dma_wait3A_2429, %dma_wait3A_2430, %dma_wait3A_2431] : memref<16x32x128xf32, #tpu.memory_space<vmem>> -> memref<1x32x128xf32, #tpu.memory_space<vmem>>
      %dma_wait3A_2433 = tpu.memref_squeeze %dma_wait3A_2432 : memref<1x32x128xf32, #tpu.memory_space<vmem>> -> memref<32x128xf32, #tpu.memory_space<vmem>>
      %dma_wait3A_2434 = arith.constant 0 : i32
      %dma_wait3A_2435 = tpu.memref_slice %arg5[%dma_wait3A_2434, %multiple_of3A_1901] : memref<32x1000000xf32, #tpu.memory_space<hbm>> -> memref<32x128xf32, #tpu.memory_space<hbm>>
      %dma_wait3A_2436 = arith.constant 0 : i32
      %dma_wait3A_2437 = arith.constant 0 : i32
      %dma_wait3A_2438 = tpu.memref_slice %arg9[%dma_wait3A_2429, %dma_wait3A_2436, %dma_wait3A_2437] : memref<16x32x128xf32, #tpu.memory_space<vmem>> -> memref<1x32x128xf32, #tpu.memory_space<vmem>>
      %dma_wait3A_2439 = tpu.memref_squeeze %dma_wait3A_2438 : memref<1x32x128xf32, #tpu.memory_space<vmem>> -> memref<32x128xf32, #tpu.memory_space<vmem>>
      %dma_wait3A_2440 = arith.constant 0 : i32
      %dma_wait3A_2441 = tpu.memref_slice %arg5[%dma_wait3A_2440, %multiple_of3A_1901] : memref<32x1000000xf32, #tpu.memory_space<hbm>> -> memref<32x128xf32, #tpu.memory_space<hbm>>
      tpu.wait_dma2 semaphore(%arg13 : memref<!tpu.dma_semaphore, #tpu.memory_space<semaphore_mem>>) src(%dma_wait3A_2441 : memref<32x128xf32, #tpu.memory_space<hbm>>) dst(%dma_wait3A_2439 : memref<32x128xf32, #tpu.memory_space<vmem>>)
      %dma_wait3A_2442 = arith.constant 5 : i32
      %dma_wait3A_2443 = arith.constant 0 : i32
      %dma_wait3A_2444 = arith.constant 0 : i32
      %dma_wait3A_2445 = tpu.memref_slice %arg9[%dma_wait3A_2442, %dma_wait3A_2443, %dma_wait3A_2444] : memref<16x32x128xf32, #tpu.memory_space<vmem>> -> memref<1x32x128xf32, #tpu.memory_space<vmem>>
      %dma_wait3A_2446 = tpu.memref_squeeze %dma_wait3A_2445 : memref<1x32x128xf32, #tpu.memory_space<vmem>> -> memref<32x128xf32, #tpu.memory_space<vmem>>
      %dma_wait3A_2447 = arith.constant 0 : i32
      %dma_wait3A_2448 = tpu.memref_slice %arg5[%dma_wait3A_2447, %multiple_of3A_1943] : memref<32x1000000xf32, #tpu.memory_space<hbm>> -> memref<32x128xf32, #tpu.memory_space<hbm>>
      %dma_wait3A_2449 = arith.constant 0 : i32
      %dma_wait3A_2450 = arith.constant 0 : i32
      %dma_wait3A_2451 = tpu.memref_slice %arg9[%dma_wait3A_2442, %dma_wait3A_2449, %dma_wait3A_2450] : memref<16x32x128xf32, #tpu.memory_space<vmem>> -> memref<1x32x128xf32, #tpu.memory_space<vmem>>
      %dma_wait3A_2452 = tpu.memref_squeeze %dma_wait3A_2451 : memref<1x32x128xf32, #tpu.memory_space<vmem>> -> memref<32x128xf32, #tpu.memory_space<vmem>>
      %dma_wait3A_2453 = arith.constant 0 : i32
      %dma_wait3A_2454 = tpu.memref_slice %arg5[%dma_wait3A_2453, %multiple_of3A_1943] : memref<32x1000000xf32, #tpu.memory_space<hbm>> -> memref<32x128xf32, #tpu.memory_space<hbm>>
      tpu.wait_dma2 semaphore(%arg13 : memref<!tpu.dma_semaphore, #tpu.memory_space<semaphore_mem>>) src(%dma_wait3A_2454 : memref<32x128xf32, #tpu.memory_space<hbm>>) dst(%dma_wait3A_2452 : memref<32x128xf32, #tpu.memory_space<vmem>>)
      %dma_wait3A_2455 = arith.constant 6 : i32
      %dma_wait3A_2456 = arith.constant 0 : i32
      %dma_wait3A_2457 = arith.constant 0 : i32
      %dma_wait3A_2458 = tpu.memref_slice %arg9[%dma_wait3A_2455, %dma_wait3A_2456, %dma_wait3A_2457] : memref<16x32x128xf32, #tpu.memory_space<vmem>> -> memref<1x32x128xf32, #tpu.memory_space<vmem>>
      %dma_wait3A_2459 = tpu.memref_squeeze %dma_wait3A_2458 : memref<1x32x128xf32, #tpu.memory_space<vmem>> -> memref<32x128xf32, #tpu.memory_space<vmem>>
      %dma_wait3A_2460 = arith.constant 0 : i32
      %dma_wait3A_2461 = tpu.memref_slice %arg5[%dma_wait3A_2460, %multiple_of3A_1985] : memref<32x1000000xf32, #tpu.memory_space<hbm>> -> memref<32x128xf32, #tpu.memory_space<hbm>>
      %dma_wait3A_2462 = arith.constant 0 : i32
      %dma_wait3A_2463 = arith.constant 0 : i32
      %dma_wait3A_2464 = tpu.memref_slice %arg9[%dma_wait3A_2455, %dma_wait3A_2462, %dma_wait3A_2463] : memref<16x32x128xf32, #tpu.memory_space<vmem>> -> memref<1x32x128xf32, #tpu.memory_space<vmem>>
      %dma_wait3A_2465 = tpu.memref_squeeze %dma_wait3A_2464 : memref<1x32x128xf32, #tpu.memory_space<vmem>> -> memref<32x128xf32, #tpu.memory_space<vmem>>
      %dma_wait3A_2466 = arith.constant 0 : i32
      %dma_wait3A_2467 = tpu.memref_slice %arg5[%dma_wait3A_2466, %multiple_of3A_1985] : memref<32x1000000xf32, #tpu.memory_space<hbm>> -> memref<32x128xf32, #tpu.memory_space<hbm>>
      tpu.wait_dma2 semaphore(%arg13 : memref<!tpu.dma_semaphore, #tpu.memory_space<semaphore_mem>>) src(%dma_wait3A_2467 : memref<32x128xf32, #tpu.memory_space<hbm>>) dst(%dma_wait3A_2465 : memref<32x128xf32, #tpu.memory_space<vmem>>)
      %dma_wait3A_2468 = arith.constant 7 : i32
      %dma_wait3A_2469 = arith.constant 0 : i32
      %dma_wait3A_2470 = arith.constant 0 : i32
      %dma_wait3A_2471 = tpu.memref_slice %arg9[%dma_wait3A_2468, %dma_wait3A_2469, %dma_wait3A_2470] : memref<16x32x128xf32, #tpu.memory_space<vmem>> -> memref<1x32x128xf32, #tpu.memory_space<vmem>>
      %dma_wait3A_2472 = tpu.memref_squeeze %dma_wait3A_2471 : memref<1x32x128xf32, #tpu.memory_space<vmem>> -> memref<32x128xf32, #tpu.memory_space<vmem>>
      %dma_wait3A_2473 = arith.constant 0 : i32
      %dma_wait3A_2474 = tpu.memref_slice %arg5[%dma_wait3A_2473, %multiple_of3A_2027] : memref<32x1000000xf32, #tpu.memory_space<hbm>> -> memref<32x128xf32, #tpu.memory_space<hbm>>
      %dma_wait3A_2475 = arith.constant 0 : i32
      %dma_wait3A_2476 = arith.constant 0 : i32
      %dma_wait3A_2477 = tpu.memref_slice %arg9[%dma_wait3A_2468, %dma_wait3A_2475, %dma_wait3A_2476] : memref<16x32x128xf32, #tpu.memory_space<vmem>> -> memref<1x32x128xf32, #tpu.memory_space<vmem>>
      %dma_wait3A_2478 = tpu.memref_squeeze %dma_wait3A_2477 : memref<1x32x128xf32, #tpu.memory_space<vmem>> -> memref<32x128xf32, #tpu.memory_space<vmem>>
      %dma_wait3A_2479 = arith.constant 0 : i32
      %dma_wait3A_2480 = tpu.memref_slice %arg5[%dma_wait3A_2479, %multiple_of3A_2027] : memref<32x1000000xf32, #tpu.memory_space<hbm>> -> memref<32x128xf32, #tpu.memory_space<hbm>>
      tpu.wait_dma2 semaphore(%arg13 : memref<!tpu.dma_semaphore, #tpu.memory_space<semaphore_mem>>) src(%dma_wait3A_2480 : memref<32x128xf32, #tpu.memory_space<hbm>>) dst(%dma_wait3A_2478 : memref<32x128xf32, #tpu.memory_space<vmem>>)
      %dma_wait3A_2481 = arith.constant 8 : i32
      %dma_wait3A_2482 = arith.constant 0 : i32
      %dma_wait3A_2483 = arith.constant 0 : i32
      %dma_wait3A_2484 = tpu.memref_slice %arg9[%dma_wait3A_2481, %dma_wait3A_2482, %dma_wait3A_2483] : memref<16x32x128xf32, #tpu.memory_space<vmem>> -> memref<1x32x128xf32, #tpu.memory_space<vmem>>
      %dma_wait3A_2485 = tpu.memref_squeeze %dma_wait3A_2484 : memref<1x32x128xf32, #tpu.memory_space<vmem>> -> memref<32x128xf32, #tpu.memory_space<vmem>>
      %dma_wait3A_2486 = arith.constant 0 : i32
      %dma_wait3A_2487 = tpu.memref_slice %arg5[%dma_wait3A_2486, %multiple_of3A_2069] : memref<32x1000000xf32, #tpu.memory_space<hbm>> -> memref<32x128xf32, #tpu.memory_space<hbm>>
      %dma_wait3A_2488 = arith.constant 0 : i32
      %dma_wait3A_2489 = arith.constant 0 : i32
      %dma_wait3A_2490 = tpu.memref_slice %arg9[%dma_wait3A_2481, %dma_wait3A_2488, %dma_wait3A_2489] : memref<16x32x128xf32, #tpu.memory_space<vmem>> -> memref<1x32x128xf32, #tpu.memory_space<vmem>>
      %dma_wait3A_2491 = tpu.memref_squeeze %dma_wait3A_2490 : memref<1x32x128xf32, #tpu.memory_space<vmem>> -> memref<32x128xf32, #tpu.memory_space<vmem>>
      %dma_wait3A_2492 = arith.constant 0 : i32
      %dma_wait3A_2493 = tpu.memref_slice %arg5[%dma_wait3A_2492, %multiple_of3A_2069] : memref<32x1000000xf32, #tpu.memory_space<hbm>> -> memref<32x128xf32, #tpu.memory_space<hbm>>
      tpu.wait_dma2 semaphore(%arg13 : memref<!tpu.dma_semaphore, #tpu.memory_space<semaphore_mem>>) src(%dma_wait3A_2493 : memref<32x128xf32, #tpu.memory_space<hbm>>) dst(%dma_wait3A_2491 : memref<32x128xf32, #tpu.memory_space<vmem>>)
      %dma_wait3A_2494 = arith.constant 9 : i32
      %dma_wait3A_2495 = arith.constant 0 : i32
      %dma_wait3A_2496 = arith.constant 0 : i32
      %dma_wait3A_2497 = tpu.memref_slice %arg9[%dma_wait3A_2494, %dma_wait3A_2495, %dma_wait3A_2496] : memref<16x32x128xf32, #tpu.memory_space<vmem>> -> memref<1x32x128xf32, #tpu.memory_space<vmem>>
      %dma_wait3A_2498 = tpu.memref_squeeze %dma_wait3A_2497 : memref<1x32x128xf32, #tpu.memory_space<vmem>> -> memref<32x128xf32, #tpu.memory_space<vmem>>
      %dma_wait3A_2499 = arith.constant 0 : i32
      %dma_wait3A_2500 = tpu.memref_slice %arg5[%dma_wait3A_2499, %multiple_of3A_2111] : memref<32x1000000xf32, #tpu.memory_space<hbm>> -> memref<32x128xf32, #tpu.memory_space<hbm>>
      %dma_wait3A_2501 = arith.constant 0 : i32
      %dma_wait3A_2502 = arith.constant 0 : i32
      %dma_wait3A_2503 = tpu.memref_slice %arg9[%dma_wait3A_2494, %dma_wait3A_2501, %dma_wait3A_2502] : memref<16x32x128xf32, #tpu.memory_space<vmem>> -> memref<1x32x128xf32, #tpu.memory_space<vmem>>
      %dma_wait3A_2504 = tpu.memref_squeeze %dma_wait3A_2503 : memref<1x32x128xf32, #tpu.memory_space<vmem>> -> memref<32x128xf32, #tpu.memory_space<vmem>>
      %dma_wait3A_2505 = arith.constant 0 : i32
      %dma_wait3A_2506 = tpu.memref_slice %arg5[%dma_wait3A_2505, %multiple_of3A_2111] : memref<32x1000000xf32, #tpu.memory_space<hbm>> -> memref<32x128xf32, #tpu.memory_space<hbm>>
      tpu.wait_dma2 semaphore(%arg13 : memref<!tpu.dma_semaphore, #tpu.memory_space<semaphore_mem>>) src(%dma_wait3A_2506 : memref<32x128xf32, #tpu.memory_space<hbm>>) dst(%dma_wait3A_2504 : memref<32x128xf32, #tpu.memory_space<vmem>>)
      %dma_wait3A_2507 = arith.constant 10 : i32
      %dma_wait3A_2508 = arith.constant 0 : i32
      %dma_wait3A_2509 = arith.constant 0 : i32
      %dma_wait3A_2510 = tpu.memref_slice %arg9[%dma_wait3A_2507, %dma_wait3A_2508, %dma_wait3A_2509] : memref<16x32x128xf32, #tpu.memory_space<vmem>> -> memref<1x32x128xf32, #tpu.memory_space<vmem>>
      %dma_wait3A_2511 = tpu.memref_squeeze %dma_wait3A_2510 : memref<1x32x128xf32, #tpu.memory_space<vmem>> -> memref<32x128xf32, #tpu.memory_space<vmem>>
      %dma_wait3A_2512 = arith.constant 0 : i32
      %dma_wait3A_2513 = tpu.memref_slice %arg5[%dma_wait3A_2512, %multiple_of3A_2153] : memref<32x1000000xf32, #tpu.memory_space<hbm>> -> memref<32x128xf32, #tpu.memory_space<hbm>>
      %dma_wait3A_2514 = arith.constant 0 : i32
      %dma_wait3A_2515 = arith.constant 0 : i32
      %dma_wait3A_2516 = tpu.memref_slice %arg9[%dma_wait3A_2507, %dma_wait3A_2514, %dma_wait3A_2515] : memref<16x32x128xf32, #tpu.memory_space<vmem>> -> memref<1x32x128xf32, #tpu.memory_space<vmem>>
      %dma_wait3A_2517 = tpu.memref_squeeze %dma_wait3A_2516 : memref<1x32x128xf32, #tpu.memory_space<vmem>> -> memref<32x128xf32, #tpu.memory_space<vmem>>
      %dma_wait3A_2518 = arith.constant 0 : i32
      %dma_wait3A_2519 = tpu.memref_slice %arg5[%dma_wait3A_2518, %multiple_of3A_2153] : memref<32x1000000xf32, #tpu.memory_space<hbm>> -> memref<32x128xf32, #tpu.memory_space<hbm>>
      tpu.wait_dma2 semaphore(%arg13 : memref<!tpu.dma_semaphore, #tpu.memory_space<semaphore_mem>>) src(%dma_wait3A_2519 : memref<32x128xf32, #tpu.memory_space<hbm>>) dst(%dma_wait3A_2517 : memref<32x128xf32, #tpu.memory_space<vmem>>)
      %dma_wait3A_2520 = arith.constant 11 : i32
      %dma_wait3A_2521 = arith.constant 0 : i32
      %dma_wait3A_2522 = arith.constant 0 : i32
      %dma_wait3A_2523 = tpu.memref_slice %arg9[%dma_wait3A_2520, %dma_wait3A_2521, %dma_wait3A_2522] : memref<16x32x128xf32, #tpu.memory_space<vmem>> -> memref<1x32x128xf32, #tpu.memory_space<vmem>>
      %dma_wait3A_2524 = tpu.memref_squeeze %dma_wait3A_2523 : memref<1x32x128xf32, #tpu.memory_space<vmem>> -> memref<32x128xf32, #tpu.memory_space<vmem>>
      %dma_wait3A_2525 = arith.constant 0 : i32
      %dma_wait3A_2526 = tpu.memref_slice %arg5[%dma_wait3A_2525, %multiple_of3A_2195] : memref<32x1000000xf32, #tpu.memory_space<hbm>> -> memref<32x128xf32, #tpu.memory_space<hbm>>
      %dma_wait3A_2527 = arith.constant 0 : i32
      %dma_wait3A_2528 = arith.constant 0 : i32
      %dma_wait3A_2529 = tpu.memref_slice %arg9[%dma_wait3A_2520, %dma_wait3A_2527, %dma_wait3A_2528] : memref<16x32x128xf32, #tpu.memory_space<vmem>> -> memref<1x32x128xf32, #tpu.memory_space<vmem>>
      %dma_wait3A_2530 = tpu.memref_squeeze %dma_wait3A_2529 : memref<1x32x128xf32, #tpu.memory_space<vmem>> -> memref<32x128xf32, #tpu.memory_space<vmem>>
      %dma_wait3A_2531 = arith.constant 0 : i32
      %dma_wait3A_2532 = tpu.memref_slice %arg5[%dma_wait3A_2531, %multiple_of3A_2195] : memref<32x1000000xf32, #tpu.memory_space<hbm>> -> memref<32x128xf32, #tpu.memory_space<hbm>>
      tpu.wait_dma2 semaphore(%arg13 : memref<!tpu.dma_semaphore, #tpu.memory_space<semaphore_mem>>) src(%dma_wait3A_2532 : memref<32x128xf32, #tpu.memory_space<hbm>>) dst(%dma_wait3A_2530 : memref<32x128xf32, #tpu.memory_space<vmem>>)
      %dma_wait3A_2533 = arith.constant 12 : i32
      %dma_wait3A_2534 = arith.constant 0 : i32
      %dma_wait3A_2535 = arith.constant 0 : i32
      %dma_wait3A_2536 = tpu.memref_slice %arg9[%dma_wait3A_2533, %dma_wait3A_2534, %dma_wait3A_2535] : memref<16x32x128xf32, #tpu.memory_space<vmem>> -> memref<1x32x128xf32, #tpu.memory_space<vmem>>
      %dma_wait3A_2537 = tpu.memref_squeeze %dma_wait3A_2536 : memref<1x32x128xf32, #tpu.memory_space<vmem>> -> memref<32x128xf32, #tpu.memory_space<vmem>>
      %dma_wait3A_2538 = arith.constant 0 : i32
      %dma_wait3A_2539 = tpu.memref_slice %arg5[%dma_wait3A_2538, %multiple_of3A_2237] : memref<32x1000000xf32, #tpu.memory_space<hbm>> -> memref<32x128xf32, #tpu.memory_space<hbm>>
      %dma_wait3A_2540 = arith.constant 0 : i32
      %dma_wait3A_2541 = arith.constant 0 : i32
      %dma_wait3A_2542 = tpu.memref_slice %arg9[%dma_wait3A_2533, %dma_wait3A_2540, %dma_wait3A_2541] : memref<16x32x128xf32, #tpu.memory_space<vmem>> -> memref<1x32x128xf32, #tpu.memory_space<vmem>>
      %dma_wait3A_2543 = tpu.memref_squeeze %dma_wait3A_2542 : memref<1x32x128xf32, #tpu.memory_space<vmem>> -> memref<32x128xf32, #tpu.memory_space<vmem>>
      %dma_wait3A_2544 = arith.constant 0 : i32
      %dma_wait3A_2545 = tpu.memref_slice %arg5[%dma_wait3A_2544, %multiple_of3A_2237] : memref<32x1000000xf32, #tpu.memory_space<hbm>> -> memref<32x128xf32, #tpu.memory_space<hbm>>
      tpu.wait_dma2 semaphore(%arg13 : memref<!tpu.dma_semaphore, #tpu.memory_space<semaphore_mem>>) src(%dma_wait3A_2545 : memref<32x128xf32, #tpu.memory_space<hbm>>) dst(%dma_wait3A_2543 : memref<32x128xf32, #tpu.memory_space<vmem>>)
      %dma_wait3A_2546 = arith.constant 13 : i32
      %dma_wait3A_2547 = arith.constant 0 : i32
      %dma_wait3A_2548 = arith.constant 0 : i32
      %dma_wait3A_2549 = tpu.memref_slice %arg9[%dma_wait3A_2546, %dma_wait3A_2547, %dma_wait3A_2548] : memref<16x32x128xf32, #tpu.memory_space<vmem>> -> memref<1x32x128xf32, #tpu.memory_space<vmem>>
      %dma_wait3A_2550 = tpu.memref_squeeze %dma_wait3A_2549 : memref<1x32x128xf32, #tpu.memory_space<vmem>> -> memref<32x128xf32, #tpu.memory_space<vmem>>
      %dma_wait3A_2551 = arith.constant 0 : i32
      %dma_wait3A_2552 = tpu.memref_slice %arg5[%dma_wait3A_2551, %multiple_of3A_2279] : memref<32x1000000xf32, #tpu.memory_space<hbm>> -> memref<32x128xf32, #tpu.memory_space<hbm>>
      %dma_wait3A_2553 = arith.constant 0 : i32
      %dma_wait3A_2554 = arith.constant 0 : i32
      %dma_wait3A_2555 = tpu.memref_slice %arg9[%dma_wait3A_2546, %dma_wait3A_2553, %dma_wait3A_2554] : memref<16x32x128xf32, #tpu.memory_space<vmem>> -> memref<1x32x128xf32, #tpu.memory_space<vmem>>
      %dma_wait3A_2556 = tpu.memref_squeeze %dma_wait3A_2555 : memref<1x32x128xf32, #tpu.memory_space<vmem>> -> memref<32x128xf32, #tpu.memory_space<vmem>>
      %dma_wait3A_2557 = arith.constant 0 : i32
      %dma_wait3A_2558 = tpu.memref_slice %arg5[%dma_wait3A_2557, %multiple_of3A_2279] : memref<32x1000000xf32, #tpu.memory_space<hbm>> -> memref<32x128xf32, #tpu.memory_space<hbm>>
      tpu.wait_dma2 semaphore(%arg13 : memref<!tpu.dma_semaphore, #tpu.memory_space<semaphore_mem>>) src(%dma_wait3A_2558 : memref<32x128xf32, #tpu.memory_space<hbm>>) dst(%dma_wait3A_2556 : memref<32x128xf32, #tpu.memory_space<vmem>>)
      %dma_wait3A_2559 = arith.constant 14 : i32
      %dma_wait3A_2560 = arith.constant 0 : i32
      %dma_wait3A_2561 = arith.constant 0 : i32
      %dma_wait3A_2562 = tpu.memref_slice %arg9[%dma_wait3A_2559, %dma_wait3A_2560, %dma_wait3A_2561] : memref<16x32x128xf32, #tpu.memory_space<vmem>> -> memref<1x32x128xf32, #tpu.memory_space<vmem>>
      %dma_wait3A_2563 = tpu.memref_squeeze %dma_wait3A_2562 : memref<1x32x128xf32, #tpu.memory_space<vmem>> -> memref<32x128xf32, #tpu.memory_space<vmem>>
      %dma_wait3A_2564 = arith.constant 0 : i32
      %dma_wait3A_2565 = tpu.memref_slice %arg5[%dma_wait3A_2564, %multiple_of3A_2321] : memref<32x1000000xf32, #tpu.memory_space<hbm>> -> memref<32x128xf32, #tpu.memory_space<hbm>>
      %dma_wait3A_2566 = arith.constant 0 : i32
      %dma_wait3A_2567 = arith.constant 0 : i32
      %dma_wait3A_2568 = tpu.memref_slice %arg9[%dma_wait3A_2559, %dma_wait3A_2566, %dma_wait3A_2567] : memref<16x32x128xf32, #tpu.memory_space<vmem>> -> memref<1x32x128xf32, #tpu.memory_space<vmem>>
      %dma_wait3A_2569 = tpu.memref_squeeze %dma_wait3A_2568 : memref<1x32x128xf32, #tpu.memory_space<vmem>> -> memref<32x128xf32, #tpu.memory_space<vmem>>
      %dma_wait3A_2570 = arith.constant 0 : i32
      %dma_wait3A_2571 = tpu.memref_slice %arg5[%dma_wait3A_2570, %multiple_of3A_2321] : memref<32x1000000xf32, #tpu.memory_space<hbm>> -> memref<32x128xf32, #tpu.memory_space<hbm>>
      tpu.wait_dma2 semaphore(%arg13 : memref<!tpu.dma_semaphore, #tpu.memory_space<semaphore_mem>>) src(%dma_wait3A_2571 : memref<32x128xf32, #tpu.memory_space<hbm>>) dst(%dma_wait3A_2569 : memref<32x128xf32, #tpu.memory_space<vmem>>)
      %dma_wait3A_2572 = arith.constant 15 : i32
      %dma_wait3A_2573 = arith.constant 0 : i32
      %dma_wait3A_2574 = arith.constant 0 : i32
      %dma_wait3A_2575 = tpu.memref_slice %arg9[%dma_wait3A_2572, %dma_wait3A_2573, %dma_wait3A_2574] : memref<16x32x128xf32, #tpu.memory_space<vmem>> -> memref<1x32x128xf32, #tpu.memory_space<vmem>>
      %dma_wait3A_2576 = tpu.memref_squeeze %dma_wait3A_2575 : memref<1x32x128xf32, #tpu.memory_space<vmem>> -> memref<32x128xf32, #tpu.memory_space<vmem>>
      %dma_wait3A_2577 = arith.constant 0 : i32
      %dma_wait3A_2578 = tpu.memref_slice %arg5[%dma_wait3A_2577, %multiple_of3A_2363] : memref<32x1000000xf32, #tpu.memory_space<hbm>> -> memref<32x128xf32, #tpu.memory_space<hbm>>
      %dma_wait3A_2579 = arith.constant 0 : i32
      %dma_wait3A_2580 = arith.constant 0 : i32
      %dma_wait3A_2581 = tpu.memref_slice %arg9[%dma_wait3A_2572, %dma_wait3A_2579, %dma_wait3A_2580] : memref<16x32x128xf32, #tpu.memory_space<vmem>> -> memref<1x32x128xf32, #tpu.memory_space<vmem>>
      %dma_wait3A_2582 = tpu.memref_squeeze %dma_wait3A_2581 : memref<1x32x128xf32, #tpu.memory_space<vmem>> -> memref<32x128xf32, #tpu.memory_space<vmem>>
      %dma_wait3A_2583 = arith.constant 0 : i32
      %dma_wait3A_2584 = tpu.memref_slice %arg5[%dma_wait3A_2583, %multiple_of3A_2363] : memref<32x1000000xf32, #tpu.memory_space<hbm>> -> memref<32x128xf32, #tpu.memory_space<hbm>>
      tpu.wait_dma2 semaphore(%arg13 : memref<!tpu.dma_semaphore, #tpu.memory_space<semaphore_mem>>) src(%dma_wait3A_2584 : memref<32x128xf32, #tpu.memory_space<hbm>>) dst(%dma_wait3A_2582 : memref<32x128xf32, #tpu.memory_space<vmem>>)
      %slice3A_2585 = vector.extract_strided_slice %get3A_430 {offsets = [0], sizes = [1], strides = [1]} : vector<16xi32> to vector<1xi32>
      %squeeze3A_2586 = vector.extract %slice3A_2585[0] : i32 from vector<1xi32>
      %jit3A_2587 = arith.constant 128 : i32
      %eq3A_2588 = arith.constant 0 : i32
      %eq3A_2589 = arith.cmpi eq, %jit3A_2587, %eq3A_2588 : i32
      %jit3A_2590 = arith.constant 1 : i32
      %select_n3A_2591 = arith.select %eq3A_2589, %jit3A_2590, %jit3A_2587 : i32
      %rem3A_2592 = arith.remsi %squeeze3A_2586, %select_n3A_2591 : i32
      %ne3A_2593 = arith.constant 0 : i32
      %ne3A_2594 = arith.cmpi ne, %rem3A_2592, %ne3A_2593 : i32
      %lt3A_2595 = arith.constant 0 : i32
      %lt3A_2596 = arith.cmpi slt, %rem3A_2592, %lt3A_2595 : i32
      %lt3A_2597 = arith.constant 0 : i32
      %lt3A_2598 = arith.cmpi slt, %select_n3A_2591, %lt3A_2597 : i32
      %ne3A_2599 = arith.xori %lt3A_2596, %lt3A_2598 : i1
      %and3A_2600 = arith.andi %ne3A_2599, %ne3A_2594 : i1
      %add3A_2601 = arith.addi %rem3A_2592, %select_n3A_2591 : i32
      %select_n3A_2602 = arith.select %and3A_2600, %add3A_2601, %rem3A_2592 : i32
      %broadcast_in_dim3A_2603 = arith.constant 0 : i32
      %broadcast_in_dim3A_2604 = vector.broadcast %broadcast_in_dim3A_2603 : i32 to vector<16xi32>
      %broadcast_in_dim3A_2605 = vector.broadcast %select_n3A_2602 : i32 to vector<16xi32>
      %broadcast_in_dim3A_2606 = arith.constant 0 : i32
      %broadcast_in_dim3A_2607 = vector.broadcast %broadcast_in_dim3A_2606 : i32 to vector<16xi32>
      %gather3A_2608 = tpu.vector_load_idx %arg9[%broadcast_in_dim3A_2604, %iota3A, %broadcast_in_dim3A_2605] : memref<16x32x128xf32, #tpu.memory_space<vmem>>[vector<16xi32>, vector<16xi32>, vector<16xi32>], vector<16xf32>,
      %gather3A_2609 = tpu.vector_load_idx %arg9[%broadcast_in_dim3A_2604, %add3A_3, %broadcast_in_dim3A_2605] : memref<16x32x128xf32, #tpu.memory_space<vmem>>[vector<16xi32>, vector<16xi32>, vector<16xi32>], vector<16xf32>,
      tpu.vector_store_idx %arg11[%iota3A, %broadcast_in_dim3A_2607], %gather3A_2608 : memref<32x16xf32, #tpu.memory_space<vmem>>[vector<16xi32>, vector<16xi32>], vector<16xf32>,
      tpu.vector_store_idx %arg11[%add3A_3, %broadcast_in_dim3A_2607], %gather3A_2609 : memref<32x16xf32, #tpu.memory_space<vmem>>[vector<16xi32>, vector<16xi32>], vector<16xf32>,
      %slice3A_2610 = vector.extract_strided_slice %get3A_430 {offsets = [1], sizes = [1], strides = [1]} : vector<16xi32> to vector<1xi32>
      %squeeze3A_2611 = vector.extract %slice3A_2610[0] : i32 from vector<1xi32>
      %jit3A_2612 = arith.constant 128 : i32
      %eq3A_2613 = arith.constant 0 : i32
      %eq3A_2614 = arith.cmpi eq, %jit3A_2612, %eq3A_2613 : i32
      %jit3A_2615 = arith.constant 1 : i32
      %select_n3A_2616 = arith.select %eq3A_2614, %jit3A_2615, %jit3A_2612 : i32
      %rem3A_2617 = arith.remsi %squeeze3A_2611, %select_n3A_2616 : i32
      %ne3A_2618 = arith.constant 0 : i32
      %ne3A_2619 = arith.cmpi ne, %rem3A_2617, %ne3A_2618 : i32
      %lt3A_2620 = arith.constant 0 : i32
      %lt3A_2621 = arith.cmpi slt, %rem3A_2617, %lt3A_2620 : i32
      %lt3A_2622 = arith.constant 0 : i32
      %lt3A_2623 = arith.cmpi slt, %select_n3A_2616, %lt3A_2622 : i32
      %ne3A_2624 = arith.xori %lt3A_2621, %lt3A_2623 : i1
      %and3A_2625 = arith.andi %ne3A_2624, %ne3A_2619 : i1
      %add3A_2626 = arith.addi %rem3A_2617, %select_n3A_2616 : i32
      %select_n3A_2627 = arith.select %and3A_2625, %add3A_2626, %rem3A_2617 : i32
      %broadcast_in_dim3A_2628 = arith.constant 1 : i32
      %broadcast_in_dim3A_2629 = vector.broadcast %broadcast_in_dim3A_2628 : i32 to vector<16xi32>
      %broadcast_in_dim3A_2630 = vector.broadcast %select_n3A_2627 : i32 to vector<16xi32>
      %broadcast_in_dim3A_2631 = arith.constant 1 : i32
      %broadcast_in_dim3A_2632 = vector.broadcast %broadcast_in_dim3A_2631 : i32 to vector<16xi32>
      %gather3A_2633 = tpu.vector_load_idx %arg9[%broadcast_in_dim3A_2629, %iota3A, %broadcast_in_dim3A_2630] : memref<16x32x128xf32, #tpu.memory_space<vmem>>[vector<16xi32>, vector<16xi32>, vector<16xi32>], vector<16xf32>,
      %gather3A_2634 = tpu.vector_load_idx %arg9[%broadcast_in_dim3A_2629, %add3A_3, %broadcast_in_dim3A_2630] : memref<16x32x128xf32, #tpu.memory_space<vmem>>[vector<16xi32>, vector<16xi32>, vector<16xi32>], vector<16xf32>,
      tpu.vector_store_idx %arg11[%iota3A, %broadcast_in_dim3A_2632], %gather3A_2633 : memref<32x16xf32, #tpu.memory_space<vmem>>[vector<16xi32>, vector<16xi32>], vector<16xf32>,
      tpu.vector_store_idx %arg11[%add3A_3, %broadcast_in_dim3A_2632], %gather3A_2634 : memref<32x16xf32, #tpu.memory_space<vmem>>[vector<16xi32>, vector<16xi32>], vector<16xf32>,
      %slice3A_2635 = vector.extract_strided_slice %get3A_430 {offsets = [2], sizes = [1], strides = [1]} : vector<16xi32> to vector<1xi32>
      %squeeze3A_2636 = vector.extract %slice3A_2635[0] : i32 from vector<1xi32>
      %jit3A_2637 = arith.constant 128 : i32
      %eq3A_2638 = arith.constant 0 : i32
      %eq3A_2639 = arith.cmpi eq, %jit3A_2637, %eq3A_2638 : i32
      %jit3A_2640 = arith.constant 1 : i32
      %select_n3A_2641 = arith.select %eq3A_2639, %jit3A_2640, %jit3A_2637 : i32
      %rem3A_2642 = arith.remsi %squeeze3A_2636, %select_n3A_2641 : i32
      %ne3A_2643 = arith.constant 0 : i32
      %ne3A_2644 = arith.cmpi ne, %rem3A_2642, %ne3A_2643 : i32
      %lt3A_2645 = arith.constant 0 : i32
      %lt3A_2646 = arith.cmpi slt, %rem3A_2642, %lt3A_2645 : i32
      %lt3A_2647 = arith.constant 0 : i32
      %lt3A_2648 = arith.cmpi slt, %select_n3A_2641, %lt3A_2647 : i32
      %ne3A_2649 = arith.xori %lt3A_2646, %lt3A_2648 : i1
      %and3A_2650 = arith.andi %ne3A_2649, %ne3A_2644 : i1
      %add3A_2651 = arith.addi %rem3A_2642, %select_n3A_2641 : i32
      %select_n3A_2652 = arith.select %and3A_2650, %add3A_2651, %rem3A_2642 : i32
      %broadcast_in_dim3A_2653 = arith.constant 2 : i32
      %broadcast_in_dim3A_2654 = vector.broadcast %broadcast_in_dim3A_2653 : i32 to vector<16xi32>
      %broadcast_in_dim3A_2655 = vector.broadcast %select_n3A_2652 : i32 to vector<16xi32>
      %broadcast_in_dim3A_2656 = arith.constant 2 : i32
      %broadcast_in_dim3A_2657 = vector.broadcast %broadcast_in_dim3A_2656 : i32 to vector<16xi32>
      %gather3A_2658 = tpu.vector_load_idx %arg9[%broadcast_in_dim3A_2654, %iota3A, %broadcast_in_dim3A_2655] : memref<16x32x128xf32, #tpu.memory_space<vmem>>[vector<16xi32>, vector<16xi32>, vector<16xi32>], vector<16xf32>,
      %gather3A_2659 = tpu.vector_load_idx %arg9[%broadcast_in_dim3A_2654, %add3A_3, %broadcast_in_dim3A_2655] : memref<16x32x128xf32, #tpu.memory_space<vmem>>[vector<16xi32>, vector<16xi32>, vector<16xi32>], vector<16xf32>,
      tpu.vector_store_idx %arg11[%iota3A, %broadcast_in_dim3A_2657], %gather3A_2658 : memref<32x16xf32, #tpu.memory_space<vmem>>[vector<16xi32>, vector<16xi32>], vector<16xf32>,
      tpu.vector_store_idx %arg11[%add3A_3, %broadcast_in_dim3A_2657], %gather3A_2659 : memref<32x16xf32, #tpu.memory_space<vmem>>[vector<16xi32>, vector<16xi32>], vector<16xf32>,
      %slice3A_2660 = vector.extract_strided_slice %get3A_430 {offsets = [3], sizes = [1], strides = [1]} : vector<16xi32> to vector<1xi32>
      %squeeze3A_2661 = vector.extract %slice3A_2660[0] : i32 from vector<1xi32>
      %jit3A_2662 = arith.constant 128 : i32
      %eq3A_2663 = arith.constant 0 : i32
      %eq3A_2664 = arith.cmpi eq, %jit3A_2662, %eq3A_2663 : i32
      %jit3A_2665 = arith.constant 1 : i32
      %select_n3A_2666 = arith.select %eq3A_2664, %jit3A_2665, %jit3A_2662 : i32
      %rem3A_2667 = arith.remsi %squeeze3A_2661, %select_n3A_2666 : i32
      %ne3A_2668 = arith.constant 0 : i32
      %ne3A_2669 = arith.cmpi ne, %rem3A_2667, %ne3A_2668 : i32
      %lt3A_2670 = arith.constant 0 : i32
      %lt3A_2671 = arith.cmpi slt, %rem3A_2667, %lt3A_2670 : i32
      %lt3A_2672 = arith.constant 0 : i32
      %lt3A_2673 = arith.cmpi slt, %select_n3A_2666, %lt3A_2672 : i32
      %ne3A_2674 = arith.xori %lt3A_2671, %lt3A_2673 : i1
      %and3A_2675 = arith.andi %ne3A_2674, %ne3A_2669 : i1
      %add3A_2676 = arith.addi %rem3A_2667, %select_n3A_2666 : i32
      %select_n3A_2677 = arith.select %and3A_2675, %add3A_2676, %rem3A_2667 : i32
      %broadcast_in_dim3A_2678 = arith.constant 3 : i32
      %broadcast_in_dim3A_2679 = vector.broadcast %broadcast_in_dim3A_2678 : i32 to vector<16xi32>
      %broadcast_in_dim3A_2680 = vector.broadcast %select_n3A_2677 : i32 to vector<16xi32>
      %broadcast_in_dim3A_2681 = arith.constant 3 : i32
      %broadcast_in_dim3A_2682 = vector.broadcast %broadcast_in_dim3A_2681 : i32 to vector<16xi32>
      %gather3A_2683 = tpu.vector_load_idx %arg9[%broadcast_in_dim3A_2679, %iota3A, %broadcast_in_dim3A_2680] : memref<16x32x128xf32, #tpu.memory_space<vmem>>[vector<16xi32>, vector<16xi32>, vector<16xi32>], vector<16xf32>,
      %gather3A_2684 = tpu.vector_load_idx %arg9[%broadcast_in_dim3A_2679, %add3A_3, %broadcast_in_dim3A_2680] : memref<16x32x128xf32, #tpu.memory_space<vmem>>[vector<16xi32>, vector<16xi32>, vector<16xi32>], vector<16xf32>,
      tpu.vector_store_idx %arg11[%iota3A, %broadcast_in_dim3A_2682], %gather3A_2683 : memref<32x16xf32, #tpu.memory_space<vmem>>[vector<16xi32>, vector<16xi32>], vector<16xf32>,
      tpu.vector_store_idx %arg11[%add3A_3, %broadcast_in_dim3A_2682], %gather3A_2684 : memref<32x16xf32, #tpu.memory_space<vmem>>[vector<16xi32>, vector<16xi32>], vector<16xf32>,
      %slice3A_2685 = vector.extract_strided_slice %get3A_430 {offsets = [4], sizes = [1], strides = [1]} : vector<16xi32> to vector<1xi32>
      %squeeze3A_2686 = vector.extract %slice3A_2685[0] : i32 from vector<1xi32>
      %jit3A_2687 = arith.constant 128 : i32
      %eq3A_2688 = arith.constant 0 : i32
      %eq3A_2689 = arith.cmpi eq, %jit3A_2687, %eq3A_2688 : i32
      %jit3A_2690 = arith.constant 1 : i32
      %select_n3A_2691 = arith.select %eq3A_2689, %jit3A_2690, %jit3A_2687 : i32
      %rem3A_2692 = arith.remsi %squeeze3A_2686, %select_n3A_2691 : i32
      %ne3A_2693 = arith.constant 0 : i32
      %ne3A_2694 = arith.cmpi ne, %rem3A_2692, %ne3A_2693 : i32
      %lt3A_2695 = arith.constant 0 : i32
      %lt3A_2696 = arith.cmpi slt, %rem3A_2692, %lt3A_2695 : i32
      %lt3A_2697 = arith.constant 0 : i32
      %lt3A_2698 = arith.cmpi slt, %select_n3A_2691, %lt3A_2697 : i32
      %ne3A_2699 = arith.xori %lt3A_2696, %lt3A_2698 : i1
      %and3A_2700 = arith.andi %ne3A_2699, %ne3A_2694 : i1
      %add3A_2701 = arith.addi %rem3A_2692, %select_n3A_2691 : i32
      %select_n3A_2702 = arith.select %and3A_2700, %add3A_2701, %rem3A_2692 : i32
      %broadcast_in_dim3A_2703 = arith.constant 4 : i32
      %broadcast_in_dim3A_2704 = vector.broadcast %broadcast_in_dim3A_2703 : i32 to vector<16xi32>
      %broadcast_in_dim3A_2705 = vector.broadcast %select_n3A_2702 : i32 to vector<16xi32>
      %broadcast_in_dim3A_2706 = arith.constant 4 : i32
      %broadcast_in_dim3A_2707 = vector.broadcast %broadcast_in_dim3A_2706 : i32 to vector<16xi32>
      %gather3A_2708 = tpu.vector_load_idx %arg9[%broadcast_in_dim3A_2704, %iota3A, %broadcast_in_dim3A_2705] : memref<16x32x128xf32, #tpu.memory_space<vmem>>[vector<16xi32>, vector<16xi32>, vector<16xi32>], vector<16xf32>,
      %gather3A_2709 = tpu.vector_load_idx %arg9[%broadcast_in_dim3A_2704, %add3A_3, %broadcast_in_dim3A_2705] : memref<16x32x128xf32, #tpu.memory_space<vmem>>[vector<16xi32>, vector<16xi32>, vector<16xi32>], vector<16xf32>,
      tpu.vector_store_idx %arg11[%iota3A, %broadcast_in_dim3A_2707], %gather3A_2708 : memref<32x16xf32, #tpu.memory_space<vmem>>[vector<16xi32>, vector<16xi32>], vector<16xf32>,
      tpu.vector_store_idx %arg11[%add3A_3, %broadcast_in_dim3A_2707], %gather3A_2709 : memref<32x16xf32, #tpu.memory_space<vmem>>[vector<16xi32>, vector<16xi32>], vector<16xf32>,
      %slice3A_2710 = vector.extract_strided_slice %get3A_430 {offsets = [5], sizes = [1], strides = [1]} : vector<16xi32> to vector<1xi32>
      %squeeze3A_2711 = vector.extract %slice3A_2710[0] : i32 from vector<1xi32>
      %jit3A_2712 = arith.constant 128 : i32
      %eq3A_2713 = arith.constant 0 : i32
      %eq3A_2714 = arith.cmpi eq, %jit3A_2712, %eq3A_2713 : i32
      %jit3A_2715 = arith.constant 1 : i32
      %select_n3A_2716 = arith.select %eq3A_2714, %jit3A_2715, %jit3A_2712 : i32
      %rem3A_2717 = arith.remsi %squeeze3A_2711, %select_n3A_2716 : i32
      %ne3A_2718 = arith.constant 0 : i32
      %ne3A_2719 = arith.cmpi ne, %rem3A_2717, %ne3A_2718 : i32
      %lt3A_2720 = arith.constant 0 : i32
      %lt3A_2721 = arith.cmpi slt, %rem3A_2717, %lt3A_2720 : i32
      %lt3A_2722 = arith.constant 0 : i32
      %lt3A_2723 = arith.cmpi slt, %select_n3A_2716, %lt3A_2722 : i32
      %ne3A_2724 = arith.xori %lt3A_2721, %lt3A_2723 : i1
      %and3A_2725 = arith.andi %ne3A_2724, %ne3A_2719 : i1
      %add3A_2726 = arith.addi %rem3A_2717, %select_n3A_2716 : i32
      %select_n3A_2727 = arith.select %and3A_2725, %add3A_2726, %rem3A_2717 : i32
      %broadcast_in_dim3A_2728 = arith.constant 5 : i32
      %broadcast_in_dim3A_2729 = vector.broadcast %broadcast_in_dim3A_2728 : i32 to vector<16xi32>
      %broadcast_in_dim3A_2730 = vector.broadcast %select_n3A_2727 : i32 to vector<16xi32>
      %broadcast_in_dim3A_2731 = arith.constant 5 : i32
      %broadcast_in_dim3A_2732 = vector.broadcast %broadcast_in_dim3A_2731 : i32 to vector<16xi32>
      %gather3A_2733 = tpu.vector_load_idx %arg9[%broadcast_in_dim3A_2729, %iota3A, %broadcast_in_dim3A_2730] : memref<16x32x128xf32, #tpu.memory_space<vmem>>[vector<16xi32>, vector<16xi32>, vector<16xi32>], vector<16xf32>,
      %gather3A_2734 = tpu.vector_load_idx %arg9[%broadcast_in_dim3A_2729, %add3A_3, %broadcast_in_dim3A_2730] : memref<16x32x128xf32, #tpu.memory_space<vmem>>[vector<16xi32>, vector<16xi32>, vector<16xi32>], vector<16xf32>,
      tpu.vector_store_idx %arg11[%iota3A, %broadcast_in_dim3A_2732], %gather3A_2733 : memref<32x16xf32, #tpu.memory_space<vmem>>[vector<16xi32>, vector<16xi32>], vector<16xf32>,
      tpu.vector_store_idx %arg11[%add3A_3, %broadcast_in_dim3A_2732], %gather3A_2734 : memref<32x16xf32, #tpu.memory_space<vmem>>[vector<16xi32>, vector<16xi32>], vector<16xf32>,
      %slice3A_2735 = vector.extract_strided_slice %get3A_430 {offsets = [6], sizes = [1], strides = [1]} : vector<16xi32> to vector<1xi32>
      %squeeze3A_2736 = vector.extract %slice3A_2735[0] : i32 from vector<1xi32>
      %jit3A_2737 = arith.constant 128 : i32
      %eq3A_2738 = arith.constant 0 : i32
      %eq3A_2739 = arith.cmpi eq, %jit3A_2737, %eq3A_2738 : i32
      %jit3A_2740 = arith.constant 1 : i32
      %select_n3A_2741 = arith.select %eq3A_2739, %jit3A_2740, %jit3A_2737 : i32
      %rem3A_2742 = arith.remsi %squeeze3A_2736, %select_n3A_2741 : i32
      %ne3A_2743 = arith.constant 0 : i32
      %ne3A_2744 = arith.cmpi ne, %rem3A_2742, %ne3A_2743 : i32
      %lt3A_2745 = arith.constant 0 : i32
      %lt3A_2746 = arith.cmpi slt, %rem3A_2742, %lt3A_2745 : i32
      %lt3A_2747 = arith.constant 0 : i32
      %lt3A_2748 = arith.cmpi slt, %select_n3A_2741, %lt3A_2747 : i32
      %ne3A_2749 = arith.xori %lt3A_2746, %lt3A_2748 : i1
      %and3A_2750 = arith.andi %ne3A_2749, %ne3A_2744 : i1
      %add3A_2751 = arith.addi %rem3A_2742, %select_n3A_2741 : i32
      %select_n3A_2752 = arith.select %and3A_2750, %add3A_2751, %rem3A_2742 : i32
      %broadcast_in_dim3A_2753 = arith.constant 6 : i32
      %broadcast_in_dim3A_2754 = vector.broadcast %broadcast_in_dim3A_2753 : i32 to vector<16xi32>
      %broadcast_in_dim3A_2755 = vector.broadcast %select_n3A_2752 : i32 to vector<16xi32>
      %broadcast_in_dim3A_2756 = arith.constant 6 : i32
      %broadcast_in_dim3A_2757 = vector.broadcast %broadcast_in_dim3A_2756 : i32 to vector<16xi32>
      %gather3A_2758 = tpu.vector_load_idx %arg9[%broadcast_in_dim3A_2754, %iota3A, %broadcast_in_dim3A_2755] : memref<16x32x128xf32, #tpu.memory_space<vmem>>[vector<16xi32>, vector<16xi32>, vector<16xi32>], vector<16xf32>,
      %gather3A_2759 = tpu.vector_load_idx %arg9[%broadcast_in_dim3A_2754, %add3A_3, %broadcast_in_dim3A_2755] : memref<16x32x128xf32, #tpu.memory_space<vmem>>[vector<16xi32>, vector<16xi32>, vector<16xi32>], vector<16xf32>,
      tpu.vector_store_idx %arg11[%iota3A, %broadcast_in_dim3A_2757], %gather3A_2758 : memref<32x16xf32, #tpu.memory_space<vmem>>[vector<16xi32>, vector<16xi32>], vector<16xf32>,
      tpu.vector_store_idx %arg11[%add3A_3, %broadcast_in_dim3A_2757], %gather3A_2759 : memref<32x16xf32, #tpu.memory_space<vmem>>[vector<16xi32>, vector<16xi32>], vector<16xf32>,
      %slice3A_2760 = vector.extract_strided_slice %get3A_430 {offsets = [7], sizes = [1], strides = [1]} : vector<16xi32> to vector<1xi32>
      %squeeze3A_2761 = vector.extract %slice3A_2760[0] : i32 from vector<1xi32>
      %jit3A_2762 = arith.constant 128 : i32
      %eq3A_2763 = arith.constant 0 : i32
      %eq3A_2764 = arith.cmpi eq, %jit3A_2762, %eq3A_2763 : i32
      %jit3A_2765 = arith.constant 1 : i32
      %select_n3A_2766 = arith.select %eq3A_2764, %jit3A_2765, %jit3A_2762 : i32
      %rem3A_2767 = arith.remsi %squeeze3A_2761, %select_n3A_2766 : i32
      %ne3A_2768 = arith.constant 0 : i32
      %ne3A_2769 = arith.cmpi ne, %rem3A_2767, %ne3A_2768 : i32
      %lt3A_2770 = arith.constant 0 : i32
      %lt3A_2771 = arith.cmpi slt, %rem3A_2767, %lt3A_2770 : i32
      %lt3A_2772 = arith.constant 0 : i32
      %lt3A_2773 = arith.cmpi slt, %select_n3A_2766, %lt3A_2772 : i32
      %ne3A_2774 = arith.xori %lt3A_2771, %lt3A_2773 : i1
      %and3A_2775 = arith.andi %ne3A_2774, %ne3A_2769 : i1
      %add3A_2776 = arith.addi %rem3A_2767, %select_n3A_2766 : i32
      %select_n3A_2777 = arith.select %and3A_2775, %add3A_2776, %rem3A_2767 : i32
      %broadcast_in_dim3A_2778 = arith.constant 7 : i32
      %broadcast_in_dim3A_2779 = vector.broadcast %broadcast_in_dim3A_2778 : i32 to vector<16xi32>
      %broadcast_in_dim3A_2780 = vector.broadcast %select_n3A_2777 : i32 to vector<16xi32>
      %broadcast_in_dim3A_2781 = arith.constant 7 : i32
      %broadcast_in_dim3A_2782 = vector.broadcast %broadcast_in_dim3A_2781 : i32 to vector<16xi32>
      %gather3A_2783 = tpu.vector_load_idx %arg9[%broadcast_in_dim3A_2779, %iota3A, %broadcast_in_dim3A_2780] : memref<16x32x128xf32, #tpu.memory_space<vmem>>[vector<16xi32>, vector<16xi32>, vector<16xi32>], vector<16xf32>,
      %gather3A_2784 = tpu.vector_load_idx %arg9[%broadcast_in_dim3A_2779, %add3A_3, %broadcast_in_dim3A_2780] : memref<16x32x128xf32, #tpu.memory_space<vmem>>[vector<16xi32>, vector<16xi32>, vector<16xi32>], vector<16xf32>,
      tpu.vector_store_idx %arg11[%iota3A, %broadcast_in_dim3A_2782], %gather3A_2783 : memref<32x16xf32, #tpu.memory_space<vmem>>[vector<16xi32>, vector<16xi32>], vector<16xf32>,
      tpu.vector_store_idx %arg11[%add3A_3, %broadcast_in_dim3A_2782], %gather3A_2784 : memref<32x16xf32, #tpu.memory_space<vmem>>[vector<16xi32>, vector<16xi32>], vector<16xf32>,
      %slice3A_2785 = vector.extract_strided_slice %get3A_430 {offsets = [8], sizes = [1], strides = [1]} : vector<16xi32> to vector<1xi32>
      %squeeze3A_2786 = vector.extract %slice3A_2785[0] : i32 from vector<1xi32>
      %jit3A_2787 = arith.constant 128 : i32
      %eq3A_2788 = arith.constant 0 : i32
      %eq3A_2789 = arith.cmpi eq, %jit3A_2787, %eq3A_2788 : i32
      %jit3A_2790 = arith.constant 1 : i32
      %select_n3A_2791 = arith.select %eq3A_2789, %jit3A_2790, %jit3A_2787 : i32
      %rem3A_2792 = arith.remsi %squeeze3A_2786, %select_n3A_2791 : i32
      %ne3A_2793 = arith.constant 0 : i32
      %ne3A_2794 = arith.cmpi ne, %rem3A_2792, %ne3A_2793 : i32
      %lt3A_2795 = arith.constant 0 : i32
      %lt3A_2796 = arith.cmpi slt, %rem3A_2792, %lt3A_2795 : i32
      %lt3A_2797 = arith.constant 0 : i32
      %lt3A_2798 = arith.cmpi slt, %select_n3A_2791, %lt3A_2797 : i32
      %ne3A_2799 = arith.xori %lt3A_2796, %lt3A_2798 : i1
      %and3A_2800 = arith.andi %ne3A_2799, %ne3A_2794 : i1
      %add3A_2801 = arith.addi %rem3A_2792, %select_n3A_2791 : i32
      %select_n3A_2802 = arith.select %and3A_2800, %add3A_2801, %rem3A_2792 : i32
      %broadcast_in_dim3A_2803 = arith.constant 8 : i32
      %broadcast_in_dim3A_2804 = vector.broadcast %broadcast_in_dim3A_2803 : i32 to vector<16xi32>
      %broadcast_in_dim3A_2805 = vector.broadcast %select_n3A_2802 : i32 to vector<16xi32>
      %broadcast_in_dim3A_2806 = arith.constant 8 : i32
      %broadcast_in_dim3A_2807 = vector.broadcast %broadcast_in_dim3A_2806 : i32 to vector<16xi32>
      %gather3A_2808 = tpu.vector_load_idx %arg9[%broadcast_in_dim3A_2804, %iota3A, %broadcast_in_dim3A_2805] : memref<16x32x128xf32, #tpu.memory_space<vmem>>[vector<16xi32>, vector<16xi32>, vector<16xi32>], vector<16xf32>,
      %gather3A_2809 = tpu.vector_load_idx %arg9[%broadcast_in_dim3A_2804, %add3A_3, %broadcast_in_dim3A_2805] : memref<16x32x128xf32, #tpu.memory_space<vmem>>[vector<16xi32>, vector<16xi32>, vector<16xi32>], vector<16xf32>,
      tpu.vector_store_idx %arg11[%iota3A, %broadcast_in_dim3A_2807], %gather3A_2808 : memref<32x16xf32, #tpu.memory_space<vmem>>[vector<16xi32>, vector<16xi32>], vector<16xf32>,
      tpu.vector_store_idx %arg11[%add3A_3, %broadcast_in_dim3A_2807], %gather3A_2809 : memref<32x16xf32, #tpu.memory_space<vmem>>[vector<16xi32>, vector<16xi32>], vector<16xf32>,
      %slice3A_2810 = vector.extract_strided_slice %get3A_430 {offsets = [9], sizes = [1], strides = [1]} : vector<16xi32> to vector<1xi32>
      %squeeze3A_2811 = vector.extract %slice3A_2810[0] : i32 from vector<1xi32>
      %jit3A_2812 = arith.constant 128 : i32
      %eq3A_2813 = arith.constant 0 : i32
      %eq3A_2814 = arith.cmpi eq, %jit3A_2812, %eq3A_2813 : i32
      %jit3A_2815 = arith.constant 1 : i32
      %select_n3A_2816 = arith.select %eq3A_2814, %jit3A_2815, %jit3A_2812 : i32
      %rem3A_2817 = arith.remsi %squeeze3A_2811, %select_n3A_2816 : i32
      %ne3A_2818 = arith.constant 0 : i32
      %ne3A_2819 = arith.cmpi ne, %rem3A_2817, %ne3A_2818 : i32
      %lt3A_2820 = arith.constant 0 : i32
      %lt3A_2821 = arith.cmpi slt, %rem3A_2817, %lt3A_2820 : i32
      %lt3A_2822 = arith.constant 0 : i32
      %lt3A_2823 = arith.cmpi slt, %select_n3A_2816, %lt3A_2822 : i32
      %ne3A_2824 = arith.xori %lt3A_2821, %lt3A_2823 : i1
      %and3A_2825 = arith.andi %ne3A_2824, %ne3A_2819 : i1
      %add3A_2826 = arith.addi %rem3A_2817, %select_n3A_2816 : i32
      %select_n3A_2827 = arith.select %and3A_2825, %add3A_2826, %rem3A_2817 : i32
      %broadcast_in_dim3A_2828 = arith.constant 9 : i32
      %broadcast_in_dim3A_2829 = vector.broadcast %broadcast_in_dim3A_2828 : i32 to vector<16xi32>
      %broadcast_in_dim3A_2830 = vector.broadcast %select_n3A_2827 : i32 to vector<16xi32>
      %broadcast_in_dim3A_2831 = arith.constant 9 : i32
      %broadcast_in_dim3A_2832 = vector.broadcast %broadcast_in_dim3A_2831 : i32 to vector<16xi32>
      %gather3A_2833 = tpu.vector_load_idx %arg9[%broadcast_in_dim3A_2829, %iota3A, %broadcast_in_dim3A_2830] : memref<16x32x128xf32, #tpu.memory_space<vmem>>[vector<16xi32>, vector<16xi32>, vector<16xi32>], vector<16xf32>,
      %gather3A_2834 = tpu.vector_load_idx %arg9[%broadcast_in_dim3A_2829, %add3A_3, %broadcast_in_dim3A_2830] : memref<16x32x128xf32, #tpu.memory_space<vmem>>[vector<16xi32>, vector<16xi32>, vector<16xi32>], vector<16xf32>,
      tpu.vector_store_idx %arg11[%iota3A, %broadcast_in_dim3A_2832], %gather3A_2833 : memref<32x16xf32, #tpu.memory_space<vmem>>[vector<16xi32>, vector<16xi32>], vector<16xf32>,
      tpu.vector_store_idx %arg11[%add3A_3, %broadcast_in_dim3A_2832], %gather3A_2834 : memref<32x16xf32, #tpu.memory_space<vmem>>[vector<16xi32>, vector<16xi32>], vector<16xf32>,
      %slice3A_2835 = vector.extract_strided_slice %get3A_430 {offsets = [10], sizes = [1], strides = [1]} : vector<16xi32> to vector<1xi32>
      %squeeze3A_2836 = vector.extract %slice3A_2835[0] : i32 from vector<1xi32>
      %jit3A_2837 = arith.constant 128 : i32
      %eq3A_2838 = arith.constant 0 : i32
      %eq3A_2839 = arith.cmpi eq, %jit3A_2837, %eq3A_2838 : i32
      %jit3A_2840 = arith.constant 1 : i32
      %select_n3A_2841 = arith.select %eq3A_2839, %jit3A_2840, %jit3A_2837 : i32
      %rem3A_2842 = arith.remsi %squeeze3A_2836, %select_n3A_2841 : i32
      %ne3A_2843 = arith.constant 0 : i32
      %ne3A_2844 = arith.cmpi ne, %rem3A_2842, %ne3A_2843 : i32
      %lt3A_2845 = arith.constant 0 : i32
      %lt3A_2846 = arith.cmpi slt, %rem3A_2842, %lt3A_2845 : i32
      %lt3A_2847 = arith.constant 0 : i32
      %lt3A_2848 = arith.cmpi slt, %select_n3A_2841, %lt3A_2847 : i32
      %ne3A_2849 = arith.xori %lt3A_2846, %lt3A_2848 : i1
      %and3A_2850 = arith.andi %ne3A_2849, %ne3A_2844 : i1
      %add3A_2851 = arith.addi %rem3A_2842, %select_n3A_2841 : i32
      %select_n3A_2852 = arith.select %and3A_2850, %add3A_2851, %rem3A_2842 : i32
      %broadcast_in_dim3A_2853 = arith.constant 10 : i32
      %broadcast_in_dim3A_2854 = vector.broadcast %broadcast_in_dim3A_2853 : i32 to vector<16xi32>
      %broadcast_in_dim3A_2855 = vector.broadcast %select_n3A_2852 : i32 to vector<16xi32>
      %broadcast_in_dim3A_2856 = arith.constant 10 : i32
      %broadcast_in_dim3A_2857 = vector.broadcast %broadcast_in_dim3A_2856 : i32 to vector<16xi32>
      %gather3A_2858 = tpu.vector_load_idx %arg9[%broadcast_in_dim3A_2854, %iota3A, %broadcast_in_dim3A_2855] : memref<16x32x128xf32, #tpu.memory_space<vmem>>[vector<16xi32>, vector<16xi32>, vector<16xi32>], vector<16xf32>,
      %gather3A_2859 = tpu.vector_load_idx %arg9[%broadcast_in_dim3A_2854, %add3A_3, %broadcast_in_dim3A_2855] : memref<16x32x128xf32, #tpu.memory_space<vmem>>[vector<16xi32>, vector<16xi32>, vector<16xi32>], vector<16xf32>,
      tpu.vector_store_idx %arg11[%iota3A, %broadcast_in_dim3A_2857], %gather3A_2858 : memref<32x16xf32, #tpu.memory_space<vmem>>[vector<16xi32>, vector<16xi32>], vector<16xf32>,
      tpu.vector_store_idx %arg11[%add3A_3, %broadcast_in_dim3A_2857], %gather3A_2859 : memref<32x16xf32, #tpu.memory_space<vmem>>[vector<16xi32>, vector<16xi32>], vector<16xf32>,
      %slice3A_2860 = vector.extract_strided_slice %get3A_430 {offsets = [11], sizes = [1], strides = [1]} : vector<16xi32> to vector<1xi32>
      %squeeze3A_2861 = vector.extract %slice3A_2860[0] : i32 from vector<1xi32>
      %jit3A_2862 = arith.constant 128 : i32
      %eq3A_2863 = arith.constant 0 : i32
      %eq3A_2864 = arith.cmpi eq, %jit3A_2862, %eq3A_2863 : i32
      %jit3A_2865 = arith.constant 1 : i32
      %select_n3A_2866 = arith.select %eq3A_2864, %jit3A_2865, %jit3A_2862 : i32
      %rem3A_2867 = arith.remsi %squeeze3A_2861, %select_n3A_2866 : i32
      %ne3A_2868 = arith.constant 0 : i32
      %ne3A_2869 = arith.cmpi ne, %rem3A_2867, %ne3A_2868 : i32
      %lt3A_2870 = arith.constant 0 : i32
      %lt3A_2871 = arith.cmpi slt, %rem3A_2867, %lt3A_2870 : i32
      %lt3A_2872 = arith.constant 0 : i32
      %lt3A_2873 = arith.cmpi slt, %select_n3A_2866, %lt3A_2872 : i32
      %ne3A_2874 = arith.xori %lt3A_2871, %lt3A_2873 : i1
      %and3A_2875 = arith.andi %ne3A_2874, %ne3A_2869 : i1
      %add3A_2876 = arith.addi %rem3A_2867, %select_n3A_2866 : i32
      %select_n3A_2877 = arith.select %and3A_2875, %add3A_2876, %rem3A_2867 : i32
      %broadcast_in_dim3A_2878 = arith.constant 11 : i32
      %broadcast_in_dim3A_2879 = vector.broadcast %broadcast_in_dim3A_2878 : i32 to vector<16xi32>
      %broadcast_in_dim3A_2880 = vector.broadcast %select_n3A_2877 : i32 to vector<16xi32>
      %broadcast_in_dim3A_2881 = arith.constant 11 : i32
      %broadcast_in_dim3A_2882 = vector.broadcast %broadcast_in_dim3A_2881 : i32 to vector<16xi32>
      %gather3A_2883 = tpu.vector_load_idx %arg9[%broadcast_in_dim3A_2879, %iota3A, %broadcast_in_dim3A_2880] : memref<16x32x128xf32, #tpu.memory_space<vmem>>[vector<16xi32>, vector<16xi32>, vector<16xi32>], vector<16xf32>,
      %gather3A_2884 = tpu.vector_load_idx %arg9[%broadcast_in_dim3A_2879, %add3A_3, %broadcast_in_dim3A_2880] : memref<16x32x128xf32, #tpu.memory_space<vmem>>[vector<16xi32>, vector<16xi32>, vector<16xi32>], vector<16xf32>,
      tpu.vector_store_idx %arg11[%iota3A, %broadcast_in_dim3A_2882], %gather3A_2883 : memref<32x16xf32, #tpu.memory_space<vmem>>[vector<16xi32>, vector<16xi32>], vector<16xf32>,
      tpu.vector_store_idx %arg11[%add3A_3, %broadcast_in_dim3A_2882], %gather3A_2884 : memref<32x16xf32, #tpu.memory_space<vmem>>[vector<16xi32>, vector<16xi32>], vector<16xf32>,
      %slice3A_2885 = vector.extract_strided_slice %get3A_430 {offsets = [12], sizes = [1], strides = [1]} : vector<16xi32> to vector<1xi32>
      %squeeze3A_2886 = vector.extract %slice3A_2885[0] : i32 from vector<1xi32>
      %jit3A_2887 = arith.constant 128 : i32
      %eq3A_2888 = arith.constant 0 : i32
      %eq3A_2889 = arith.cmpi eq, %jit3A_2887, %eq3A_2888 : i32
      %jit3A_2890 = arith.constant 1 : i32
      %select_n3A_2891 = arith.select %eq3A_2889, %jit3A_2890, %jit3A_2887 : i32
      %rem3A_2892 = arith.remsi %squeeze3A_2886, %select_n3A_2891 : i32
      %ne3A_2893 = arith.constant 0 : i32
      %ne3A_2894 = arith.cmpi ne, %rem3A_2892, %ne3A_2893 : i32
      %lt3A_2895 = arith.constant 0 : i32
      %lt3A_2896 = arith.cmpi slt, %rem3A_2892, %lt3A_2895 : i32
      %lt3A_2897 = arith.constant 0 : i32
      %lt3A_2898 = arith.cmpi slt, %select_n3A_2891, %lt3A_2897 : i32
      %ne3A_2899 = arith.xori %lt3A_2896, %lt3A_2898 : i1
      %and3A_2900 = arith.andi %ne3A_2899, %ne3A_2894 : i1
      %add3A_2901 = arith.addi %rem3A_2892, %select_n3A_2891 : i32
      %select_n3A_2902 = arith.select %and3A_2900, %add3A_2901, %rem3A_2892 : i32
      %broadcast_in_dim3A_2903 = arith.constant 12 : i32
      %broadcast_in_dim3A_2904 = vector.broadcast %broadcast_in_dim3A_2903 : i32 to vector<16xi32>
      %broadcast_in_dim3A_2905 = vector.broadcast %select_n3A_2902 : i32 to vector<16xi32>
      %broadcast_in_dim3A_2906 = arith.constant 12 : i32
      %broadcast_in_dim3A_2907 = vector.broadcast %broadcast_in_dim3A_2906 : i32 to vector<16xi32>
      %gather3A_2908 = tpu.vector_load_idx %arg9[%broadcast_in_dim3A_2904, %iota3A, %broadcast_in_dim3A_2905] : memref<16x32x128xf32, #tpu.memory_space<vmem>>[vector<16xi32>, vector<16xi32>, vector<16xi32>], vector<16xf32>,
      %gather3A_2909 = tpu.vector_load_idx %arg9[%broadcast_in_dim3A_2904, %add3A_3, %broadcast_in_dim3A_2905] : memref<16x32x128xf32, #tpu.memory_space<vmem>>[vector<16xi32>, vector<16xi32>, vector<16xi32>], vector<16xf32>,
      tpu.vector_store_idx %arg11[%iota3A, %broadcast_in_dim3A_2907], %gather3A_2908 : memref<32x16xf32, #tpu.memory_space<vmem>>[vector<16xi32>, vector<16xi32>], vector<16xf32>,
      tpu.vector_store_idx %arg11[%add3A_3, %broadcast_in_dim3A_2907], %gather3A_2909 : memref<32x16xf32, #tpu.memory_space<vmem>>[vector<16xi32>, vector<16xi32>], vector<16xf32>,
      %slice3A_2910 = vector.extract_strided_slice %get3A_430 {offsets = [13], sizes = [1], strides = [1]} : vector<16xi32> to vector<1xi32>
      %squeeze3A_2911 = vector.extract %slice3A_2910[0] : i32 from vector<1xi32>
      %jit3A_2912 = arith.constant 128 : i32
      %eq3A_2913 = arith.constant 0 : i32
      %eq3A_2914 = arith.cmpi eq, %jit3A_2912, %eq3A_2913 : i32
      %jit3A_2915 = arith.constant 1 : i32
      %select_n3A_2916 = arith.select %eq3A_2914, %jit3A_2915, %jit3A_2912 : i32
      %rem3A_2917 = arith.remsi %squeeze3A_2911, %select_n3A_2916 : i32
      %ne3A_2918 = arith.constant 0 : i32
      %ne3A_2919 = arith.cmpi ne, %rem3A_2917, %ne3A_2918 : i32
      %lt3A_2920 = arith.constant 0 : i32
      %lt3A_2921 = arith.cmpi slt, %rem3A_2917, %lt3A_2920 : i32
      %lt3A_2922 = arith.constant 0 : i32
      %lt3A_2923 = arith.cmpi slt, %select_n3A_2916, %lt3A_2922 : i32
      %ne3A_2924 = arith.xori %lt3A_2921, %lt3A_2923 : i1
      %and3A_2925 = arith.andi %ne3A_2924, %ne3A_2919 : i1
      %add3A_2926 = arith.addi %rem3A_2917, %select_n3A_2916 : i32
      %select_n3A_2927 = arith.select %and3A_2925, %add3A_2926, %rem3A_2917 : i32
      %broadcast_in_dim3A_2928 = arith.constant 13 : i32
      %broadcast_in_dim3A_2929 = vector.broadcast %broadcast_in_dim3A_2928 : i32 to vector<16xi32>
      %broadcast_in_dim3A_2930 = vector.broadcast %select_n3A_2927 : i32 to vector<16xi32>
      %broadcast_in_dim3A_2931 = arith.constant 13 : i32
      %broadcast_in_dim3A_2932 = vector.broadcast %broadcast_in_dim3A_2931 : i32 to vector<16xi32>
      %gather3A_2933 = tpu.vector_load_idx %arg9[%broadcast_in_dim3A_2929, %iota3A, %broadcast_in_dim3A_2930] : memref<16x32x128xf32, #tpu.memory_space<vmem>>[vector<16xi32>, vector<16xi32>, vector<16xi32>], vector<16xf32>,
      %gather3A_2934 = tpu.vector_load_idx %arg9[%broadcast_in_dim3A_2929, %add3A_3, %broadcast_in_dim3A_2930] : memref<16x32x128xf32, #tpu.memory_space<vmem>>[vector<16xi32>, vector<16xi32>, vector<16xi32>], vector<16xf32>,
      tpu.vector_store_idx %arg11[%iota3A, %broadcast_in_dim3A_2932], %gather3A_2933 : memref<32x16xf32, #tpu.memory_space<vmem>>[vector<16xi32>, vector<16xi32>], vector<16xf32>,
      tpu.vector_store_idx %arg11[%add3A_3, %broadcast_in_dim3A_2932], %gather3A_2934 : memref<32x16xf32, #tpu.memory_space<vmem>>[vector<16xi32>, vector<16xi32>], vector<16xf32>,
      %slice3A_2935 = vector.extract_strided_slice %get3A_430 {offsets = [14], sizes = [1], strides = [1]} : vector<16xi32> to vector<1xi32>
      %squeeze3A_2936 = vector.extract %slice3A_2935[0] : i32 from vector<1xi32>
      %jit3A_2937 = arith.constant 128 : i32
      %eq3A_2938 = arith.constant 0 : i32
      %eq3A_2939 = arith.cmpi eq, %jit3A_2937, %eq3A_2938 : i32
      %jit3A_2940 = arith.constant 1 : i32
      %select_n3A_2941 = arith.select %eq3A_2939, %jit3A_2940, %jit3A_2937 : i32
      %rem3A_2942 = arith.remsi %squeeze3A_2936, %select_n3A_2941 : i32
      %ne3A_2943 = arith.constant 0 : i32
      %ne3A_2944 = arith.cmpi ne, %rem3A_2942, %ne3A_2943 : i32
      %lt3A_2945 = arith.constant 0 : i32
      %lt3A_2946 = arith.cmpi slt, %rem3A_2942, %lt3A_2945 : i32
      %lt3A_2947 = arith.constant 0 : i32
      %lt3A_2948 = arith.cmpi slt, %select_n3A_2941, %lt3A_2947 : i32
      %ne3A_2949 = arith.xori %lt3A_2946, %lt3A_2948 : i1
      %and3A_2950 = arith.andi %ne3A_2949, %ne3A_2944 : i1
      %add3A_2951 = arith.addi %rem3A_2942, %select_n3A_2941 : i32
      %select_n3A_2952 = arith.select %and3A_2950, %add3A_2951, %rem3A_2942 : i32
      %broadcast_in_dim3A_2953 = arith.constant 14 : i32
      %broadcast_in_dim3A_2954 = vector.broadcast %broadcast_in_dim3A_2953 : i32 to vector<16xi32>
      %broadcast_in_dim3A_2955 = vector.broadcast %select_n3A_2952 : i32 to vector<16xi32>
      %broadcast_in_dim3A_2956 = arith.constant 14 : i32
      %broadcast_in_dim3A_2957 = vector.broadcast %broadcast_in_dim3A_2956 : i32 to vector<16xi32>
      %gather3A_2958 = tpu.vector_load_idx %arg9[%broadcast_in_dim3A_2954, %iota3A, %broadcast_in_dim3A_2955] : memref<16x32x128xf32, #tpu.memory_space<vmem>>[vector<16xi32>, vector<16xi32>, vector<16xi32>], vector<16xf32>,
      %gather3A_2959 = tpu.vector_load_idx %arg9[%broadcast_in_dim3A_2954, %add3A_3, %broadcast_in_dim3A_2955] : memref<16x32x128xf32, #tpu.memory_space<vmem>>[vector<16xi32>, vector<16xi32>, vector<16xi32>], vector<16xf32>,
      tpu.vector_store_idx %arg11[%iota3A, %broadcast_in_dim3A_2957], %gather3A_2958 : memref<32x16xf32, #tpu.memory_space<vmem>>[vector<16xi32>, vector<16xi32>], vector<16xf32>,
      tpu.vector_store_idx %arg11[%add3A_3, %broadcast_in_dim3A_2957], %gather3A_2959 : memref<32x16xf32, #tpu.memory_space<vmem>>[vector<16xi32>, vector<16xi32>], vector<16xf32>,
      %slice3A_2960 = vector.extract_strided_slice %get3A_430 {offsets = [15], sizes = [1], strides = [1]} : vector<16xi32> to vector<1xi32>
      %squeeze3A_2961 = vector.extract %slice3A_2960[0] : i32 from vector<1xi32>
      %jit3A_2962 = arith.constant 128 : i32
      %eq3A_2963 = arith.constant 0 : i32
      %eq3A_2964 = arith.cmpi eq, %jit3A_2962, %eq3A_2963 : i32
      %jit3A_2965 = arith.constant 1 : i32
      %select_n3A_2966 = arith.select %eq3A_2964, %jit3A_2965, %jit3A_2962 : i32
      %rem3A_2967 = arith.remsi %squeeze3A_2961, %select_n3A_2966 : i32
      %ne3A_2968 = arith.constant 0 : i32
      %ne3A_2969 = arith.cmpi ne, %rem3A_2967, %ne3A_2968 : i32
      %lt3A_2970 = arith.constant 0 : i32
      %lt3A_2971 = arith.cmpi slt, %rem3A_2967, %lt3A_2970 : i32
      %lt3A_2972 = arith.constant 0 : i32
      %lt3A_2973 = arith.cmpi slt, %select_n3A_2966, %lt3A_2972 : i32
      %ne3A_2974 = arith.xori %lt3A_2971, %lt3A_2973 : i1
      %and3A_2975 = arith.andi %ne3A_2974, %ne3A_2969 : i1
      %add3A_2976 = arith.addi %rem3A_2967, %select_n3A_2966 : i32
      %select_n3A_2977 = arith.select %and3A_2975, %add3A_2976, %rem3A_2967 : i32
      %broadcast_in_dim3A_2978 = arith.constant 15 : i32
      %broadcast_in_dim3A_2979 = vector.broadcast %broadcast_in_dim3A_2978 : i32 to vector<16xi32>
      %broadcast_in_dim3A_2980 = vector.broadcast %select_n3A_2977 : i32 to vector<16xi32>
      %broadcast_in_dim3A_2981 = arith.constant 15 : i32
      %broadcast_in_dim3A_2982 = vector.broadcast %broadcast_in_dim3A_2981 : i32 to vector<16xi32>
      %gather3A_2983 = tpu.vector_load_idx %arg9[%broadcast_in_dim3A_2979, %iota3A, %broadcast_in_dim3A_2980] : memref<16x32x128xf32, #tpu.memory_space<vmem>>[vector<16xi32>, vector<16xi32>, vector<16xi32>], vector<16xf32>,
      %gather3A_2984 = tpu.vector_load_idx %arg9[%broadcast_in_dim3A_2979, %add3A_3, %broadcast_in_dim3A_2980] : memref<16x32x128xf32, #tpu.memory_space<vmem>>[vector<16xi32>, vector<16xi32>, vector<16xi32>], vector<16xf32>,
      tpu.vector_store_idx %arg11[%iota3A, %broadcast_in_dim3A_2982], %gather3A_2983 : memref<32x16xf32, #tpu.memory_space<vmem>>[vector<16xi32>, vector<16xi32>], vector<16xf32>,
      tpu.vector_store_idx %arg11[%add3A_3, %broadcast_in_dim3A_2982], %gather3A_2984 : memref<32x16xf32, #tpu.memory_space<vmem>>[vector<16xi32>, vector<16xi32>], vector<16xf32>,
      %broadcast_in_dim3A_2985 = arith.constant 0.000000e+00 : f32
      %broadcast_in_dim3A_2986 = vector.broadcast %broadcast_in_dim3A_2985 : f32 to vector<16xf32>
      %get3A_2987 = arith.constant 0 : i32
      %get3A_2988 = arith.index_cast %get3A_2987 : i32 to index
      %get3A_2989 = arith.constant 0 : index
      %get3A_2990 = tpu.vector_load %arg10[%get3A_2988, %get3A_2989] {strides = array<i32>} : memref<32x16xf32, #tpu.memory_space<vmem>>, vector<16xf32>,
      %get3A_2991 = arith.constant 0 : i32
      %get3A_2992 = arith.index_cast %get3A_2991 : i32 to index
      %get3A_2993 = arith.constant 0 : index
      %get3A_2994 = tpu.vector_load %arg11[%get3A_2992, %get3A_2993] {strides = array<i32>} : memref<32x16xf32, #tpu.memory_space<vmem>>, vector<16xf32>,
      %mul3A_2995 = arith.mulf %get3A_2990, %get3A_2994 : vector<16xf32>
      %add3A_2996 = arith.addf %broadcast_in_dim3A_2986, %mul3A_2995 : vector<16xf32>
      %get3A_2997 = arith.constant 1 : i32
      %get3A_2998 = arith.index_cast %get3A_2997 : i32 to index
      %get3A_2999 = arith.constant 0 : index
      %get3A_3000 = tpu.vector_load %arg10[%get3A_2998, %get3A_2999] {strides = array<i32>} : memref<32x16xf32, #tpu.memory_space<vmem>>, vector<16xf32>,
      %get3A_3001 = arith.constant 1 : i32
      %get3A_3002 = arith.index_cast %get3A_3001 : i32 to index
      %get3A_3003 = arith.constant 0 : index
      %get3A_3004 = tpu.vector_load %arg11[%get3A_3002, %get3A_3003] {strides = array<i32>} : memref<32x16xf32, #tpu.memory_space<vmem>>, vector<16xf32>,
      %mul3A_3005 = arith.mulf %get3A_3000, %get3A_3004 : vector<16xf32>
      %add3A_3006 = arith.addf %add3A_2996, %mul3A_3005 : vector<16xf32>
      %get3A_3007 = arith.constant 2 : i32
      %get3A_3008 = arith.index_cast %get3A_3007 : i32 to index
      %get3A_3009 = arith.constant 0 : index
      %get3A_3010 = tpu.vector_load %arg10[%get3A_3008, %get3A_3009] {strides = array<i32>} : memref<32x16xf32, #tpu.memory_space<vmem>>, vector<16xf32>,
      %get3A_3011 = arith.constant 2 : i32
      %get3A_3012 = arith.index_cast %get3A_3011 : i32 to index
      %get3A_3013 = arith.constant 0 : index
      %get3A_3014 = tpu.vector_load %arg11[%get3A_3012, %get3A_3013] {strides = array<i32>} : memref<32x16xf32, #tpu.memory_space<vmem>>, vector<16xf32>,
      %mul3A_3015 = arith.mulf %get3A_3010, %get3A_3014 : vector<16xf32>
      %add3A_3016 = arith.addf %add3A_3006, %mul3A_3015 : vector<16xf32>
      %get3A_3017 = arith.constant 3 : i32
      %get3A_3018 = arith.index_cast %get3A_3017 : i32 to index
      %get3A_3019 = arith.constant 0 : index
      %get3A_3020 = tpu.vector_load %arg10[%get3A_3018, %get3A_3019] {strides = array<i32>} : memref<32x16xf32, #tpu.memory_space<vmem>>, vector<16xf32>,
      %get3A_3021 = arith.constant 3 : i32
      %get3A_3022 = arith.index_cast %get3A_3021 : i32 to index
      %get3A_3023 = arith.constant 0 : index
      %get3A_3024 = tpu.vector_load %arg11[%get3A_3022, %get3A_3023] {strides = array<i32>} : memref<32x16xf32, #tpu.memory_space<vmem>>, vector<16xf32>,
      %mul3A_3025 = arith.mulf %get3A_3020, %get3A_3024 : vector<16xf32>
      %add3A_3026 = arith.addf %add3A_3016, %mul3A_3025 : vector<16xf32>
      %get3A_3027 = arith.constant 4 : i32
      %get3A_3028 = arith.index_cast %get3A_3027 : i32 to index
      %get3A_3029 = arith.constant 0 : index
      %get3A_3030 = tpu.vector_load %arg10[%get3A_3028, %get3A_3029] {strides = array<i32>} : memref<32x16xf32, #tpu.memory_space<vmem>>, vector<16xf32>,
      %get3A_3031 = arith.constant 4 : i32
      %get3A_3032 = arith.index_cast %get3A_3031 : i32 to index
      %get3A_3033 = arith.constant 0 : index
      %get3A_3034 = tpu.vector_load %arg11[%get3A_3032, %get3A_3033] {strides = array<i32>} : memref<32x16xf32, #tpu.memory_space<vmem>>, vector<16xf32>,
      %mul3A_3035 = arith.mulf %get3A_3030, %get3A_3034 : vector<16xf32>
      %add3A_3036 = arith.addf %add3A_3026, %mul3A_3035 : vector<16xf32>
      %get3A_3037 = arith.constant 5 : i32
      %get3A_3038 = arith.index_cast %get3A_3037 : i32 to index
      %get3A_3039 = arith.constant 0 : index
      %get3A_3040 = tpu.vector_load %arg10[%get3A_3038, %get3A_3039] {strides = array<i32>} : memref<32x16xf32, #tpu.memory_space<vmem>>, vector<16xf32>,
      %get3A_3041 = arith.constant 5 : i32
      %get3A_3042 = arith.index_cast %get3A_3041 : i32 to index
      %get3A_3043 = arith.constant 0 : index
      %get3A_3044 = tpu.vector_load %arg11[%get3A_3042, %get3A_3043] {strides = array<i32>} : memref<32x16xf32, #tpu.memory_space<vmem>>, vector<16xf32>,
      %mul3A_3045 = arith.mulf %get3A_3040, %get3A_3044 : vector<16xf32>
      %add3A_3046 = arith.addf %add3A_3036, %mul3A_3045 : vector<16xf32>
      %get3A_3047 = arith.constant 6 : i32
      %get3A_3048 = arith.index_cast %get3A_3047 : i32 to index
      %get3A_3049 = arith.constant 0 : index
      %get3A_3050 = tpu.vector_load %arg10[%get3A_3048, %get3A_3049] {strides = array<i32>} : memref<32x16xf32, #tpu.memory_space<vmem>>, vector<16xf32>,
      %get3A_3051 = arith.constant 6 : i32
      %get3A_3052 = arith.index_cast %get3A_3051 : i32 to index
      %get3A_3053 = arith.constant 0 : index
      %get3A_3054 = tpu.vector_load %arg11[%get3A_3052, %get3A_3053] {strides = array<i32>} : memref<32x16xf32, #tpu.memory_space<vmem>>, vector<16xf32>,
      %mul3A_3055 = arith.mulf %get3A_3050, %get3A_3054 : vector<16xf32>
      %add3A_3056 = arith.addf %add3A_3046, %mul3A_3055 : vector<16xf32>
      %get3A_3057 = arith.constant 7 : i32
      %get3A_3058 = arith.index_cast %get3A_3057 : i32 to index
      %get3A_3059 = arith.constant 0 : index
      %get3A_3060 = tpu.vector_load %arg10[%get3A_3058, %get3A_3059] {strides = array<i32>} : memref<32x16xf32, #tpu.memory_space<vmem>>, vector<16xf32>,
      %get3A_3061 = arith.constant 7 : i32
      %get3A_3062 = arith.index_cast %get3A_3061 : i32 to index
      %get3A_3063 = arith.constant 0 : index
      %get3A_3064 = tpu.vector_load %arg11[%get3A_3062, %get3A_3063] {strides = array<i32>} : memref<32x16xf32, #tpu.memory_space<vmem>>, vector<16xf32>,
      %mul3A_3065 = arith.mulf %get3A_3060, %get3A_3064 : vector<16xf32>
      %add3A_3066 = arith.addf %add3A_3056, %mul3A_3065 : vector<16xf32>
      %get3A_3067 = arith.constant 8 : i32
      %get3A_3068 = arith.index_cast %get3A_3067 : i32 to index
      %get3A_3069 = arith.constant 0 : index
      %get3A_3070 = tpu.vector_load %arg10[%get3A_3068, %get3A_3069] {strides = array<i32>} : memref<32x16xf32, #tpu.memory_space<vmem>>, vector<16xf32>,
      %get3A_3071 = arith.constant 8 : i32
      %get3A_3072 = arith.index_cast %get3A_3071 : i32 to index
      %get3A_3073 = arith.constant 0 : index
      %get3A_3074 = tpu.vector_load %arg11[%get3A_3072, %get3A_3073] {strides = array<i32>} : memref<32x16xf32, #tpu.memory_space<vmem>>, vector<16xf32>,
      %mul3A_3075 = arith.mulf %get3A_3070, %get3A_3074 : vector<16xf32>
      %add3A_3076 = arith.addf %add3A_3066, %mul3A_3075 : vector<16xf32>
      %get3A_3077 = arith.constant 9 : i32
      %get3A_3078 = arith.index_cast %get3A_3077 : i32 to index
      %get3A_3079 = arith.constant 0 : index
      %get3A_3080 = tpu.vector_load %arg10[%get3A_3078, %get3A_3079] {strides = array<i32>} : memref<32x16xf32, #tpu.memory_space<vmem>>, vector<16xf32>,
      %get3A_3081 = arith.constant 9 : i32
      %get3A_3082 = arith.index_cast %get3A_3081 : i32 to index
      %get3A_3083 = arith.constant 0 : index
      %get3A_3084 = tpu.vector_load %arg11[%get3A_3082, %get3A_3083] {strides = array<i32>} : memref<32x16xf32, #tpu.memory_space<vmem>>, vector<16xf32>,
      %mul3A_3085 = arith.mulf %get3A_3080, %get3A_3084 : vector<16xf32>
      %add3A_3086 = arith.addf %add3A_3076, %mul3A_3085 : vector<16xf32>
      %get3A_3087 = arith.constant 10 : i32
      %get3A_3088 = arith.index_cast %get3A_3087 : i32 to index
      %get3A_3089 = arith.constant 0 : index
      %get3A_3090 = tpu.vector_load %arg10[%get3A_3088, %get3A_3089] {strides = array<i32>} : memref<32x16xf32, #tpu.memory_space<vmem>>, vector<16xf32>,
      %get3A_3091 = arith.constant 10 : i32
      %get3A_3092 = arith.index_cast %get3A_3091 : i32 to index
      %get3A_3093 = arith.constant 0 : index
      %get3A_3094 = tpu.vector_load %arg11[%get3A_3092, %get3A_3093] {strides = array<i32>} : memref<32x16xf32, #tpu.memory_space<vmem>>, vector<16xf32>,
      %mul3A_3095 = arith.mulf %get3A_3090, %get3A_3094 : vector<16xf32>
      %add3A_3096 = arith.addf %add3A_3086, %mul3A_3095 : vector<16xf32>
      %get3A_3097 = arith.constant 11 : i32
      %get3A_3098 = arith.index_cast %get3A_3097 : i32 to index
      %get3A_3099 = arith.constant 0 : index
      %get3A_3100 = tpu.vector_load %arg10[%get3A_3098, %get3A_3099] {strides = array<i32>} : memref<32x16xf32, #tpu.memory_space<vmem>>, vector<16xf32>,
      %get3A_3101 = arith.constant 11 : i32
      %get3A_3102 = arith.index_cast %get3A_3101 : i32 to index
      %get3A_3103 = arith.constant 0 : index
      %get3A_3104 = tpu.vector_load %arg11[%get3A_3102, %get3A_3103] {strides = array<i32>} : memref<32x16xf32, #tpu.memory_space<vmem>>, vector<16xf32>,
      %mul3A_3105 = arith.mulf %get3A_3100, %get3A_3104 : vector<16xf32>
      %add3A_3106 = arith.addf %add3A_3096, %mul3A_3105 : vector<16xf32>
      %get3A_3107 = arith.constant 12 : i32
      %get3A_3108 = arith.index_cast %get3A_3107 : i32 to index
      %get3A_3109 = arith.constant 0 : index
      %get3A_3110 = tpu.vector_load %arg10[%get3A_3108, %get3A_3109] {strides = array<i32>} : memref<32x16xf32, #tpu.memory_space<vmem>>, vector<16xf32>,
      %get3A_3111 = arith.constant 12 : i32
      %get3A_3112 = arith.index_cast %get3A_3111 : i32 to index
      %get3A_3113 = arith.constant 0 : index
      %get3A_3114 = tpu.vector_load %arg11[%get3A_3112, %get3A_3113] {strides = array<i32>} : memref<32x16xf32, #tpu.memory_space<vmem>>, vector<16xf32>,
      %mul3A_3115 = arith.mulf %get3A_3110, %get3A_3114 : vector<16xf32>
      %add3A_3116 = arith.addf %add3A_3106, %mul3A_3115 : vector<16xf32>
      %get3A_3117 = arith.constant 13 : i32
      %get3A_3118 = arith.index_cast %get3A_3117 : i32 to index
      %get3A_3119 = arith.constant 0 : index
      %get3A_3120 = tpu.vector_load %arg10[%get3A_3118, %get3A_3119] {strides = array<i32>} : memref<32x16xf32, #tpu.memory_space<vmem>>, vector<16xf32>,
      %get3A_3121 = arith.constant 13 : i32
      %get3A_3122 = arith.index_cast %get3A_3121 : i32 to index
      %get3A_3123 = arith.constant 0 : index
      %get3A_3124 = tpu.vector_load %arg11[%get3A_3122, %get3A_3123] {strides = array<i32>} : memref<32x16xf32, #tpu.memory_space<vmem>>, vector<16xf32>,
      %mul3A_3125 = arith.mulf %get3A_3120, %get3A_3124 : vector<16xf32>
      %add3A_3126 = arith.addf %add3A_3116, %mul3A_3125 : vector<16xf32>
      %get3A_3127 = arith.constant 14 : i32
      %get3A_3128 = arith.index_cast %get3A_3127 : i32 to index
      %get3A_3129 = arith.constant 0 : index
      %get3A_3130 = tpu.vector_load %arg10[%get3A_3128, %get3A_3129] {strides = array<i32>} : memref<32x16xf32, #tpu.memory_space<vmem>>, vector<16xf32>,
      %get3A_3131 = arith.constant 14 : i32
      %get3A_3132 = arith.index_cast %get3A_3131 : i32 to index
      %get3A_3133 = arith.constant 0 : index
      %get3A_3134 = tpu.vector_load %arg11[%get3A_3132, %get3A_3133] {strides = array<i32>} : memref<32x16xf32, #tpu.memory_space<vmem>>, vector<16xf32>,
      %mul3A_3135 = arith.mulf %get3A_3130, %get3A_3134 : vector<16xf32>
      %add3A_3136 = arith.addf %add3A_3126, %mul3A_3135 : vector<16xf32>
      %get3A_3137 = arith.constant 15 : i32
      %get3A_3138 = arith.index_cast %get3A_3137 : i32 to index
      %get3A_3139 = arith.constant 0 : index
      %get3A_3140 = tpu.vector_load %arg10[%get3A_3138, %get3A_3139] {strides = array<i32>} : memref<32x16xf32, #tpu.memory_space<vmem>>, vector<16xf32>,
      %get3A_3141 = arith.constant 15 : i32
      %get3A_3142 = arith.index_cast %get3A_3141 : i32 to index
      %get3A_3143 = arith.constant 0 : index
      %get3A_3144 = tpu.vector_load %arg11[%get3A_3142, %get3A_3143] {strides = array<i32>} : memref<32x16xf32, #tpu.memory_space<vmem>>, vector<16xf32>,
      %mul3A_3145 = arith.mulf %get3A_3140, %get3A_3144 : vector<16xf32>
      %add3A_3146 = arith.addf %add3A_3136, %mul3A_3145 : vector<16xf32>
      %get3A_3147 = arith.constant 16 : i32
      %get3A_3148 = arith.index_cast %get3A_3147 : i32 to index
      %get3A_3149 = arith.constant 0 : index
      %get3A_3150 = tpu.vector_load %arg10[%get3A_3148, %get3A_3149] {strides = array<i32>} : memref<32x16xf32, #tpu.memory_space<vmem>>, vector<16xf32>,
      %get3A_3151 = arith.constant 16 : i32
      %get3A_3152 = arith.index_cast %get3A_3151 : i32 to index
      %get3A_3153 = arith.constant 0 : index
      %get3A_3154 = tpu.vector_load %arg11[%get3A_3152, %get3A_3153] {strides = array<i32>} : memref<32x16xf32, #tpu.memory_space<vmem>>, vector<16xf32>,
      %mul3A_3155 = arith.mulf %get3A_3150, %get3A_3154 : vector<16xf32>
      %add3A_3156 = arith.addf %add3A_3146, %mul3A_3155 : vector<16xf32>
      %get3A_3157 = arith.constant 17 : i32
      %get3A_3158 = arith.index_cast %get3A_3157 : i32 to index
      %get3A_3159 = arith.constant 0 : index
      %get3A_3160 = tpu.vector_load %arg10[%get3A_3158, %get3A_3159] {strides = array<i32>} : memref<32x16xf32, #tpu.memory_space<vmem>>, vector<16xf32>,
      %get3A_3161 = arith.constant 17 : i32
      %get3A_3162 = arith.index_cast %get3A_3161 : i32 to index
      %get3A_3163 = arith.constant 0 : index
      %get3A_3164 = tpu.vector_load %arg11[%get3A_3162, %get3A_3163] {strides = array<i32>} : memref<32x16xf32, #tpu.memory_space<vmem>>, vector<16xf32>,
      %mul3A_3165 = arith.mulf %get3A_3160, %get3A_3164 : vector<16xf32>
      %add3A_3166 = arith.addf %add3A_3156, %mul3A_3165 : vector<16xf32>
      %get3A_3167 = arith.constant 18 : i32
      %get3A_3168 = arith.index_cast %get3A_3167 : i32 to index
      %get3A_3169 = arith.constant 0 : index
      %get3A_3170 = tpu.vector_load %arg10[%get3A_3168, %get3A_3169] {strides = array<i32>} : memref<32x16xf32, #tpu.memory_space<vmem>>, vector<16xf32>,
      %get3A_3171 = arith.constant 18 : i32
      %get3A_3172 = arith.index_cast %get3A_3171 : i32 to index
      %get3A_3173 = arith.constant 0 : index
      %get3A_3174 = tpu.vector_load %arg11[%get3A_3172, %get3A_3173] {strides = array<i32>} : memref<32x16xf32, #tpu.memory_space<vmem>>, vector<16xf32>,
      %mul3A_3175 = arith.mulf %get3A_3170, %get3A_3174 : vector<16xf32>
      %add3A_3176 = arith.addf %add3A_3166, %mul3A_3175 : vector<16xf32>
      %get3A_3177 = arith.constant 19 : i32
      %get3A_3178 = arith.index_cast %get3A_3177 : i32 to index
      %get3A_3179 = arith.constant 0 : index
      %get3A_3180 = tpu.vector_load %arg10[%get3A_3178, %get3A_3179] {strides = array<i32>} : memref<32x16xf32, #tpu.memory_space<vmem>>, vector<16xf32>,
      %get3A_3181 = arith.constant 19 : i32
      %get3A_3182 = arith.index_cast %get3A_3181 : i32 to index
      %get3A_3183 = arith.constant 0 : index
      %get3A_3184 = tpu.vector_load %arg11[%get3A_3182, %get3A_3183] {strides = array<i32>} : memref<32x16xf32, #tpu.memory_space<vmem>>, vector<16xf32>,
      %mul3A_3185 = arith.mulf %get3A_3180, %get3A_3184 : vector<16xf32>
      %add3A_3186 = arith.addf %add3A_3176, %mul3A_3185 : vector<16xf32>
      %get3A_3187 = arith.constant 20 : i32
      %get3A_3188 = arith.index_cast %get3A_3187 : i32 to index
      %get3A_3189 = arith.constant 0 : index
      %get3A_3190 = tpu.vector_load %arg10[%get3A_3188, %get3A_3189] {strides = array<i32>} : memref<32x16xf32, #tpu.memory_space<vmem>>, vector<16xf32>,
      %get3A_3191 = arith.constant 20 : i32
      %get3A_3192 = arith.index_cast %get3A_3191 : i32 to index
      %get3A_3193 = arith.constant 0 : index
      %get3A_3194 = tpu.vector_load %arg11[%get3A_3192, %get3A_3193] {strides = array<i32>} : memref<32x16xf32, #tpu.memory_space<vmem>>, vector<16xf32>,
      %mul3A_3195 = arith.mulf %get3A_3190, %get3A_3194 : vector<16xf32>
      %add3A_3196 = arith.addf %add3A_3186, %mul3A_3195 : vector<16xf32>
      %get3A_3197 = arith.constant 21 : i32
      %get3A_3198 = arith.index_cast %get3A_3197 : i32 to index
      %get3A_3199 = arith.constant 0 : index
      %get3A_3200 = tpu.vector_load %arg10[%get3A_3198, %get3A_3199] {strides = array<i32>} : memref<32x16xf32, #tpu.memory_space<vmem>>, vector<16xf32>,
      %get3A_3201 = arith.constant 21 : i32
      %get3A_3202 = arith.index_cast %get3A_3201 : i32 to index
      %get3A_3203 = arith.constant 0 : index
      %get3A_3204 = tpu.vector_load %arg11[%get3A_3202, %get3A_3203] {strides = array<i32>} : memref<32x16xf32, #tpu.memory_space<vmem>>, vector<16xf32>,
      %mul3A_3205 = arith.mulf %get3A_3200, %get3A_3204 : vector<16xf32>
      %add3A_3206 = arith.addf %add3A_3196, %mul3A_3205 : vector<16xf32>
      %get3A_3207 = arith.constant 22 : i32
      %get3A_3208 = arith.index_cast %get3A_3207 : i32 to index
      %get3A_3209 = arith.constant 0 : index
      %get3A_3210 = tpu.vector_load %arg10[%get3A_3208, %get3A_3209] {strides = array<i32>} : memref<32x16xf32, #tpu.memory_space<vmem>>, vector<16xf32>,
      %get3A_3211 = arith.constant 22 : i32
      %get3A_3212 = arith.index_cast %get3A_3211 : i32 to index
      %get3A_3213 = arith.constant 0 : index
      %get3A_3214 = tpu.vector_load %arg11[%get3A_3212, %get3A_3213] {strides = array<i32>} : memref<32x16xf32, #tpu.memory_space<vmem>>, vector<16xf32>,
      %mul3A_3215 = arith.mulf %get3A_3210, %get3A_3214 : vector<16xf32>
      %add3A_3216 = arith.addf %add3A_3206, %mul3A_3215 : vector<16xf32>
      %get3A_3217 = arith.constant 23 : i32
      %get3A_3218 = arith.index_cast %get3A_3217 : i32 to index
      %get3A_3219 = arith.constant 0 : index
      %get3A_3220 = tpu.vector_load %arg10[%get3A_3218, %get3A_3219] {strides = array<i32>} : memref<32x16xf32, #tpu.memory_space<vmem>>, vector<16xf32>,
      %get3A_3221 = arith.constant 23 : i32
      %get3A_3222 = arith.index_cast %get3A_3221 : i32 to index
      %get3A_3223 = arith.constant 0 : index
      %get3A_3224 = tpu.vector_load %arg11[%get3A_3222, %get3A_3223] {strides = array<i32>} : memref<32x16xf32, #tpu.memory_space<vmem>>, vector<16xf32>,
      %mul3A_3225 = arith.mulf %get3A_3220, %get3A_3224 : vector<16xf32>
      %add3A_3226 = arith.addf %add3A_3216, %mul3A_3225 : vector<16xf32>
      %get3A_3227 = arith.constant 24 : i32
      %get3A_3228 = arith.index_cast %get3A_3227 : i32 to index
      %get3A_3229 = arith.constant 0 : index
      %get3A_3230 = tpu.vector_load %arg10[%get3A_3228, %get3A_3229] {strides = array<i32>} : memref<32x16xf32, #tpu.memory_space<vmem>>, vector<16xf32>,
      %get3A_3231 = arith.constant 24 : i32
      %get3A_3232 = arith.index_cast %get3A_3231 : i32 to index
      %get3A_3233 = arith.constant 0 : index
      %get3A_3234 = tpu.vector_load %arg11[%get3A_3232, %get3A_3233] {strides = array<i32>} : memref<32x16xf32, #tpu.memory_space<vmem>>, vector<16xf32>,
      %mul3A_3235 = arith.mulf %get3A_3230, %get3A_3234 : vector<16xf32>
      %add3A_3236 = arith.addf %add3A_3226, %mul3A_3235 : vector<16xf32>
      %get3A_3237 = arith.constant 25 : i32
      %get3A_3238 = arith.index_cast %get3A_3237 : i32 to index
      %get3A_3239 = arith.constant 0 : index
      %get3A_3240 = tpu.vector_load %arg10[%get3A_3238, %get3A_3239] {strides = array<i32>} : memref<32x16xf32, #tpu.memory_space<vmem>>, vector<16xf32>,
      %get3A_3241 = arith.constant 25 : i32
      %get3A_3242 = arith.index_cast %get3A_3241 : i32 to index
      %get3A_3243 = arith.constant 0 : index
      %get3A_3244 = tpu.vector_load %arg11[%get3A_3242, %get3A_3243] {strides = array<i32>} : memref<32x16xf32, #tpu.memory_space<vmem>>, vector<16xf32>,
      %mul3A_3245 = arith.mulf %get3A_3240, %get3A_3244 : vector<16xf32>
      %add3A_3246 = arith.addf %add3A_3236, %mul3A_3245 : vector<16xf32>
      %get3A_3247 = arith.constant 26 : i32
      %get3A_3248 = arith.index_cast %get3A_3247 : i32 to index
      %get3A_3249 = arith.constant 0 : index
      %get3A_3250 = tpu.vector_load %arg10[%get3A_3248, %get3A_3249] {strides = array<i32>} : memref<32x16xf32, #tpu.memory_space<vmem>>, vector<16xf32>,
      %get3A_3251 = arith.constant 26 : i32
      %get3A_3252 = arith.index_cast %get3A_3251 : i32 to index
      %get3A_3253 = arith.constant 0 : index
      %get3A_3254 = tpu.vector_load %arg11[%get3A_3252, %get3A_3253] {strides = array<i32>} : memref<32x16xf32, #tpu.memory_space<vmem>>, vector<16xf32>,
      %mul3A_3255 = arith.mulf %get3A_3250, %get3A_3254 : vector<16xf32>
      %add3A_3256 = arith.addf %add3A_3246, %mul3A_3255 : vector<16xf32>
      %get3A_3257 = arith.constant 27 : i32
      %get3A_3258 = arith.index_cast %get3A_3257 : i32 to index
      %get3A_3259 = arith.constant 0 : index
      %get3A_3260 = tpu.vector_load %arg10[%get3A_3258, %get3A_3259] {strides = array<i32>} : memref<32x16xf32, #tpu.memory_space<vmem>>, vector<16xf32>,
      %get3A_3261 = arith.constant 27 : i32
      %get3A_3262 = arith.index_cast %get3A_3261 : i32 to index
      %get3A_3263 = arith.constant 0 : index
      %get3A_3264 = tpu.vector_load %arg11[%get3A_3262, %get3A_3263] {strides = array<i32>} : memref<32x16xf32, #tpu.memory_space<vmem>>, vector<16xf32>,
      %mul3A_3265 = arith.mulf %get3A_3260, %get3A_3264 : vector<16xf32>
      %add3A_3266 = arith.addf %add3A_3256, %mul3A_3265 : vector<16xf32>
      %get3A_3267 = arith.constant 28 : i32
      %get3A_3268 = arith.index_cast %get3A_3267 : i32 to index
      %get3A_3269 = arith.constant 0 : index
      %get3A_3270 = tpu.vector_load %arg10[%get3A_3268, %get3A_3269] {strides = array<i32>} : memref<32x16xf32, #tpu.memory_space<vmem>>, vector<16xf32>,
      %get3A_3271 = arith.constant 28 : i32
      %get3A_3272 = arith.index_cast %get3A_3271 : i32 to index
      %get3A_3273 = arith.constant 0 : index
      %get3A_3274 = tpu.vector_load %arg11[%get3A_3272, %get3A_3273] {strides = array<i32>} : memref<32x16xf32, #tpu.memory_space<vmem>>, vector<16xf32>,
      %mul3A_3275 = arith.mulf %get3A_3270, %get3A_3274 : vector<16xf32>
      %add3A_3276 = arith.addf %add3A_3266, %mul3A_3275 : vector<16xf32>
      %get3A_3277 = arith.constant 29 : i32
      %get3A_3278 = arith.index_cast %get3A_3277 : i32 to index
      %get3A_3279 = arith.constant 0 : index
      %get3A_3280 = tpu.vector_load %arg10[%get3A_3278, %get3A_3279] {strides = array<i32>} : memref<32x16xf32, #tpu.memory_space<vmem>>, vector<16xf32>,
      %get3A_3281 = arith.constant 29 : i32
      %get3A_3282 = arith.index_cast %get3A_3281 : i32 to index
      %get3A_3283 = arith.constant 0 : index
      %get3A_3284 = tpu.vector_load %arg11[%get3A_3282, %get3A_3283] {strides = array<i32>} : memref<32x16xf32, #tpu.memory_space<vmem>>, vector<16xf32>,
      %mul3A_3285 = arith.mulf %get3A_3280, %get3A_3284 : vector<16xf32>
      %add3A_3286 = arith.addf %add3A_3276, %mul3A_3285 : vector<16xf32>
      %get3A_3287 = arith.constant 30 : i32
      %get3A_3288 = arith.index_cast %get3A_3287 : i32 to index
      %get3A_3289 = arith.constant 0 : index
      %get3A_3290 = tpu.vector_load %arg10[%get3A_3288, %get3A_3289] {strides = array<i32>} : memref<32x16xf32, #tpu.memory_space<vmem>>, vector<16xf32>,
      %get3A_3291 = arith.constant 30 : i32
      %get3A_3292 = arith.index_cast %get3A_3291 : i32 to index
      %get3A_3293 = arith.constant 0 : index
      %get3A_3294 = tpu.vector_load %arg11[%get3A_3292, %get3A_3293] {strides = array<i32>} : memref<32x16xf32, #tpu.memory_space<vmem>>, vector<16xf32>,
      %mul3A_3295 = arith.mulf %get3A_3290, %get3A_3294 : vector<16xf32>
      %add3A_3296 = arith.addf %add3A_3286, %mul3A_3295 : vector<16xf32>
      %get3A_3297 = arith.constant 31 : i32
      %get3A_3298 = arith.index_cast %get3A_3297 : i32 to index
      %get3A_3299 = arith.constant 0 : index
      %get3A_3300 = tpu.vector_load %arg10[%get3A_3298, %get3A_3299] {strides = array<i32>} : memref<32x16xf32, #tpu.memory_space<vmem>>, vector<16xf32>,
      %get3A_3301 = arith.constant 31 : i32
      %get3A_3302 = arith.index_cast %get3A_3301 : i32 to index
      %get3A_3303 = arith.constant 0 : index
      %get3A_3304 = tpu.vector_load %arg11[%get3A_3302, %get3A_3303] {strides = array<i32>} : memref<32x16xf32, #tpu.memory_space<vmem>>, vector<16xf32>,
      %mul3A_3305 = arith.mulf %get3A_3300, %get3A_3304 : vector<16xf32>
      %add3A_3306 = arith.addf %add3A_3296, %mul3A_3305 : vector<16xf32>
      %get3A_3307 = arith.index_cast %select_n3A : i32 to index
      %get3A_3308 = arith.index_cast %select_n3A_423 : i32 to index
      %get3A_3309 = tpu.vector_load %arg7[%get3A_3307, %get3A_3308] {strides = array<i32>} : memref<8x128xf32, #tpu.memory_space<vmem>>, vector<16xf32>,
      %sub3A_3310 = arith.subf %get3A_3309, %add3A_3306 : vector<16xf32>
      %get3A_3311 = arith.constant 0 : i32
      %get3A_3312 = arith.index_cast %get3A_3311 : i32 to index
      %get3A_3313 = arith.constant 0 : index
      %get3A_3314 = tpu.vector_load %arg12[%get3A_3312, %get3A_3313] {strides = array<i32>} : memref<8x128xf32, #tpu.memory_space<vmem>>, vector<16xf32>,
      %mul3A_3315 = arith.mulf %sub3A_3310, %sub3A_3310 : vector<16xf32>
      %add3A_3316 = arith.addf %get3A_3314, %mul3A_3315 : vector<16xf32>
      %swap3A_3317 = arith.constant 0 : i32
      %swap3A_3318 = arith.index_cast %swap3A_3317 : i32 to index
      %swap3A_3319 = arith.constant 0 : index
      %swap3A_3320 = tpu.vector_load %arg12[%swap3A_3318, %swap3A_3319] {strides = array<i32>} : memref<8x128xf32, #tpu.memory_space<vmem>>, vector<16xf32>,
      tpu.vector_store %arg12[%swap3A_3318, %swap3A_3319], %add3A_3316 {strides = array<i32>} : memref<8x128xf32, #tpu.memory_space<vmem>>, vector<16xf32>,
    }
    %scan3A_390 = arith.constant 32 : i32
    "tpu.region"() ({
      %run_scoped3A = tpu.sem_alloc : memref<!tpu.dma_semaphore, #tpu.memory_space<semaphore_mem>>
      %dma_start3A = arith.constant 0 : i32
      %dma_start3A_391 = arith.constant 0 : i32
      %dma_start3A_392 = tpu.memref_slice %arg6[%add3A, %dma_start3A, %dma_start3A_391] : memref<32x8x128xf32, #tpu.memory_space<hbm>> -> memref<1x8x128xf32, #tpu.memory_space<hbm>>
      %dma_start3A_393 = tpu.memref_squeeze %dma_start3A_392 : memref<1x8x128xf32, #tpu.memory_space<hbm>> -> memref<8x128xf32, #tpu.memory_space<hbm>>
      %dma_start3A_394 = arith.constant 0 : i32
      %dma_start3A_395 = arith.constant 0 : i32
      %dma_start3A_396 = tpu.memref_slice %arg6[%add3A, %dma_start3A_394, %dma_start3A_395] : memref<32x8x128xf32, #tpu.memory_space<hbm>> -> memref<1x8x128xf32, #tpu.memory_space<hbm>>
      %dma_start3A_397 = tpu.memref_squeeze %dma_start3A_396 : memref<1x8x128xf32, #tpu.memory_space<hbm>> -> memref<8x128xf32, #tpu.memory_space<hbm>>
      tpu.enqueue_dma source(%arg12 : memref<8x128xf32, #tpu.memory_space<vmem>>) target(%dma_start3A_397 : memref<8x128xf32, #tpu.memory_space<hbm>>) target_semaphore(%run_scoped3A : memref<!tpu.dma_semaphore, #tpu.memory_space<semaphore_mem>>)
      %dma_wait3A = arith.constant 0 : i32
      %dma_wait3A_398 = arith.constant 0 : i32
      %dma_wait3A_399 = tpu.memref_slice %arg6[%add3A, %dma_wait3A, %dma_wait3A_398] : memref<32x8x128xf32, #tpu.memory_space<hbm>> -> memref<1x8x128xf32, #tpu.memory_space<hbm>>
      %dma_wait3A_400 = tpu.memref_squeeze %dma_wait3A_399 : memref<1x8x128xf32, #tpu.memory_space<hbm>> -> memref<8x128xf32, #tpu.memory_space<hbm>>
      %dma_wait3A_401 = arith.constant 0 : i32
      %dma_wait3A_402 = arith.constant 0 : i32
      %dma_wait3A_403 = tpu.memref_slice %arg6[%add3A, %dma_wait3A_401, %dma_wait3A_402] : memref<32x8x128xf32, #tpu.memory_space<hbm>> -> memref<1x8x128xf32, #tpu.memory_space<hbm>>
      %dma_wait3A_404 = tpu.memref_squeeze %dma_wait3A_403 : memref<1x8x128xf32, #tpu.memory_space<hbm>> -> memref<8x128xf32, #tpu.memory_space<hbm>>
      tpu.wait_dma2 semaphore(%run_scoped3A : memref<!tpu.dma_semaphore, #tpu.memory_space<semaphore_mem>>) src(%arg12 : memref<8x128xf32, #tpu.memory_space<vmem>>) dst(%dma_wait3A_404 : memref<8x128xf32, #tpu.memory_space<hbm>>)
      tpu.yield
    }) : () -> ()
    return
  }
}

</mosaic_0001>

<sc_bundles>
// kernel: kernel.3.cloned.1.call-start
scs
__scs_entry_jumppad:
0x0: {  	(pc) =	sbr.rel $0x88, $3  }
0x1: {  	(tag) =	ssettag $0x0;
	lr =	simm.s32 $0x1  }
0x2: {  	[smem:$0x3F9C] =	sst lr;
	_ =	strace $0xD0000000  }
0x3: {  	_ = 	snop  }
0x4: {  	_ = 	snop  }
0x5: {  	_ = 	snop  }
0x6: {  	_ = 	snop  }
0x7: {  	_ = 	snop  }
__scs_overlays_trampoline_lowered:
0x8: {  	[smem:$0x3FAB] =	sst s0  }
0x9: {  	[smem:$0x3FAC] =	sst s1  }
0xa: {  	[smem:$0x3FAD] =	sst s2  }
0xb: {  	[smem:$0x3FAE] =	sst s3  }
0xc: {  	[smem:$0x3FAF] =	sst s4  }
0xd: {  	[smem:$0x3FB0] =	sst s5  }
0xe: {  	[smem:$0x3FB1] =	sst s6  }
0xf: {  	[smem:$0x3FB2] =	sst s7  }
0x10: {  	[smem:$0x3FB3] =	sst s8  }
0x11: {  	[smem:$0x3FB4] =	sst s9;
	s0 =	simm.s32 @!p0 $0x0  }
0x12: {  	s1 =	sld [smem:$0x3F9A];
	s0 =	simm.s32 @p0 $0x1  }
0x13: {  	[smem:$0x3FB5] =	sst s0;
	s0 =	simm.s32 @!p1 $0x0  }
0x14: {  	s2 =	sld [smem:$0x3F99];
	s0 =	simm.s32 @p1 $0x1  }
0x15: {  	[smem:$0x3FB6] =	sst s0;
	s0 =	simm.s32 @!p2 $0x0  }
0x16: {  	s3 =	sld [smem:$0x3FDB];
	s0 =	simm.s32 @p2 $0x1  }
0x17: {  	s4 =	simm.s32 $0x1BF5;
	[smem:$0x3FB8] =	sst s0  }
0x18: {  	s0 =	sld [smem:$0x3F9B];
	_ =	swait.ge [sflag:s4], $0x0  }
0x19: {  	s7 =	sld [smem:$0x3F9C]  }
0x1a: {  	s8 =	sadd.s32 $0xFFFFE003, lr  }
0x1b: {  	s9 =	sadd.s32 $0xFFFFFEF7, lr;
	s5 =	simm.s32 $0xFFFFFFFF;
	p2 =	slt.u32 s8, $0xFFFFF086  }
0x1c: {  	p1 =	slt.u32 s9, $0xF7A;
	s5 =	simm.s32 @!p2 $0x0  }
0x1d: {  	s5 =	simm.s32 @p1 $0x1;
	p0 =	seq.s32 s7, s2  }
0x1e: {  	s7 =	smul.u32 @!p0 $0xF7A, s2;
	p2 =	seq.s32 @!p0 s5, $0x0  }
0x1f: {  	s9 =	smul.u32 $0xF7A, s1;
	s8 =	simm.s32 @!p0 $0x1BF5;
	p2 =	por !p2, p0  }
0x20: {  	[sflag:s8] =	ssyncset.s32 @!p0 $0xFFFFF086;
	s6 =	sadd.s32 @!p0 s3, s7;
	s7 =	simm.s32 @!p0 $0x108  }
0x21: {  	s3 =	sadd.s32 s3, s9;
	s6 =	sadd.s32 @!p0 $0x88, s6;
	s7 =	simm.s32 @p2 $0x1082  }
0x22: {  	[simem:s7], [sflag:s8] =	dma.local @!p0 [hbm:s6], $0xF7A  }
0x23: {  	s9 =	sor.u32 $0xD0000000, s2;
	s6 =	simm.s32 $0x108;
	_ =	swait.ge @!p0 [sflag:s8], $0x0  }
0x24: {  	s3 =	sadd.s32 $0x88, s3;
	s6 =	simm.s32 @!p1 $0x1082;
	[sflag:s4] =	ssyncset.s32 $0xFFFFF086  }
0x25: {  	[simem:s6], [sflag:s4] =	dma.local [hbm:s3], $0xF7A  }
0x26: {  	[smem:$0x3F9C] =	sst s1;
	(tag) =	ssettag s2;
	_ =	strace s9  }
0x27: {  	s1 =	sld [smem:$0x3FAC]  }
0x28: {  	s2 =	sld [smem:$0x3FAD]  }
0x29: {  	s4 =	sld [smem:$0x3FAF]  }
0x2a: {  	p0 =	seq.s32 s5, $0x0;
	s5 =	sld [smem:$0x3FB0]  }
0x2b: {  	s6 =	sld [smem:$0x3FB1]  }
0x2c: {  	s7 =	sld [smem:$0x3FB2]  }
0x2d: {  	s3 =	simm.s32 $0x108;
	s8 =	sld [smem:$0x3FB3]  }
0x2e: {  	s3 =	simm.s32 @!p0 $0x1082;
	s9 =	sld [smem:$0x3FB4]  }
0x2f: {  	lr =	sadd.s32 s0, s3;
	s0 =	sld [smem:$0x3FAB]  }
0x30: {  	s3 =	sld [smem:$0x3FAE]  }
0x31: {  	[smem:$0x3FB7] =	sst s10  }
0x32: {  	s10 =	sld [smem:$0x3FB5];
	_ =	sdelay $0x3  }
0x33: {  	p0 =	seq.s32 s10, $0x1;
	s10 =	sld [smem:$0x3FB7];
	_ =	sdelay $0x3  }
0x34: {  	[smem:$0x3FB7] =	sst s10  }
0x35: {  	s10 =	sld [smem:$0x3FB6];
	_ =	sdelay $0x3  }
0x36: {  	p1 =	seq.s32 s10, $0x1;
	s10 =	sld [smem:$0x3FB7];
	_ =	sdelay $0x3  }
0x37: {  	[smem:$0x3FB7] =	sst s10  }
0x38: {  	s10 =	sld [smem:$0x3FB8]  }
0x39: {  	_ = 	snop;
	(pc) =	sbr.ind lr, $3  }
0x3a: {  	_ = 	snop  }
0x3b: {  	_ = 	snop  }
0x3c: {  	p2 =	seq.s32 s10, $0x1;
	s10 =	sld [smem:$0x3FB7]  }
0x3d: {  	_ =	shalt  }
0x3e: {  	_ =	shalt  }
0x3f: {  	_ =	shalt  }
0x40: {  	_ =	shalt  }
0x41: {  	_ =	shalt  }
0x42: {  	_ =	shalt  }
0x43: {  	_ =	shalt  }
0x44: {  	_ =	shalt  }
0x45: {  	_ =	shalt  }
0x46: {  	_ =	shalt  }
0x47: {  	_ =	shalt  }
0x48: {  	_ =	shalt  }
0x49: {  	_ =	shalt  }
0x4a: {  	_ =	shalt  }
0x4b: {  	_ =	shalt  }
0x4c: {  	_ =	shalt  }
0x4d: {  	_ =	shalt  }
0x4e: {  	_ =	shalt  }
0x4f: {  	_ =	shalt  }
0x50: {  	_ =	shalt  }
0x51: {  	_ =	shalt  }
0x52: {  	_ =	shalt  }
0x53: {  	_ =	shalt  }
0x54: {  	_ =	shalt  }
0x55: {  	_ =	shalt  }
0x56: {  	_ =	shalt  }
0x57: {  	_ =	shalt  }
0x58: {  	_ =	shalt  }
0x59: {  	_ =	shalt  }
0x5a: {  	_ =	shalt  }
0x5b: {  	_ =	shalt  }
0x5c: {  	_ =	shalt  }
0x5d: {  	_ =	shalt  }
0x5e: {  	_ =	shalt  }
0x5f: {  	_ =	shalt  }
0x60: {  	_ =	shalt  }
0x61: {  	_ =	shalt  }
0x62: {  	_ =	shalt  }
0x63: {  	_ =	shalt  }
0x64: {  	_ =	shalt  }
0x65: {  	_ =	shalt  }
0x66: {  	_ =	shalt  }
0x67: {  	_ =	shalt  }
0x68: {  	_ =	shalt  }
0x69: {  	_ =	shalt  }
0x6a: {  	_ =	shalt  }
0x6b: {  	_ =	shalt  }
0x6c: {  	_ =	shalt  }
0x6d: {  	_ =	shalt  }
0x6e: {  	_ =	shalt  }
0x6f: {  	_ =	shalt  }
0x70: {  	_ =	shalt  }
0x71: {  	_ =	shalt  }
0x72: {  	_ =	shalt  }
0x73: {  	_ =	shalt  }
0x74: {  	_ =	shalt  }
0x75: {  	_ =	shalt  }
0x76: {  	_ =	shalt  }
0x77: {  	_ =	shalt  }
0x78: {  	_ =	shalt  }
0x79: {  	_ =	shalt  }
0x7a: {  	_ =	shalt  }
0x7b: {  	_ =	shalt  }
0x7c: {  	_ =	shalt  }
0x7d: {  	_ =	shalt  }
0x7e: {  	_ =	shalt  }
0x7f: {  	_ =	shalt  }
0x80: {  	_ =	shalt  }
0x81: {  	_ =	shalt  }
0x82: {  	_ =	shalt  }
0x83: {  	_ =	shalt  }
0x84: {  	_ =	shalt  }
0x85: {  	_ =	shalt  }
0x86: {  	_ =	shalt  }
0x87: {  	_ =	shalt  }
.Lfunc_end0:
.L_simem_size_0:
called_computation_lowered:
.L_overlay_start_0:
0x88: {  	s2 =	sld [smem:$0x3FD9]  }
0x89: {  	s3 =	sld [smem:$0x3FFE];
	_ =	sdelay $0x1  }
0x8a: {  	s1 =	srdreg.scid  }
0x8b: {  	s0 =	sand.u32 $0x1, s1  }
0x8c: {  	s17 =	sshll.u32 s0, $0xA;
	s2 =	sadd.s32 s3, s2  }
0x8d: {  	s2 =	sadd.s32 s2, s17  }
0x8e: {  	[smem:$0x3FC3] =	sst s2  }
0x8f: {  	_ = 	snop  }
0x90: {  	s2 =	sld [smem:$0x3FC6]  }
0x91: {  	s18 =	sld [smem:$0x3FC5];
	(tm) =	ssettm $0x1  }
0x92: {  	s4 =	sld [smem:$0x3FFB];
	_ =	sdelay $0x3  }
0x93: {  	_ =	strace s4  }
0x94: {  	s4 =	sld [smem:$0x3FFC];
	_ =	sdelay $0x3  }
0x95: {  	_ =	strace s4  }
0x96: {  	s4 =	sld [smem:$0x3FFD];
	_ =	sdelay $0x3  }
0x97: {  	_ =	strace s4  }
0x98: {  	_ =	strace $0x8FFFFFFF  }
0x99: {  	s19 =	sld [smem:$0x3FDB];
	_ =	sdelay $0x1  }
0x9a: {  	s5 =	simm.s32 $_scs_section_size  }
0x9b: {  	s6 =	simm.s32 $_size__tile_overlayer_lowered;
	s7 =	simm.s32 $_tile_overlayer_lowered  }
0x9c: {  	s22 =	simm.s32 $0x1BFF;
	s21 =	sshll.u32 s7, $0x1;
	s4 =	sadd.s32 s5, s19  }
0x9d: {  	s8 =	simm.s32 $0x0;
	s20 =	sshll.u32 s6, $0x1;
	s6 =	sadd.s32 s21, s4  }
0x9e: {  	[timem:s8], [sflag:s22] =	dma.local [hbm:s6], s20  }
0x9f: {  	_ =	swait.ge [sflag:s22], s20  }
0xa0: {  	s5 =	ssub.s32 $0x0, s20;
	[sflag:s22] =	ssyncset.done $0x0  }
0xa1: {  	[sflag:s22] =	ssyncadd.s32 s5;
	_ =	sdelay $0x1  }
0xa2: {  	s23 =	simm.s32 $0x1B8B  }
0xa3: {  	_ =	swait.ge [sflag:s23], $0x1  }
0xa4: {  	[sflag:s23] =	ssyncset.done $0x0  }
0xa5: {  	s25 =	simm.s32 $0x1B8E;
	s24 =	sld [smem:$0x3FFE];
	[sflag:s23] =	ssyncadd.s32 $0xFFFFFFFF  }
0xa6: {  	s26 =	simm.s32 $execute0_lowered;
	[smem:$0x3FD2] =	sst s25  }
0xa7: {  	s6 =	sshll.u32 s26, $0x1;
	_ =	strace $0x80000046;
	[dreg:$0x1] =	wrdreg $0xFFFFFFFF  }
0xa8: {  	s28 =	simm.s32 $_size_execute0_lowered;
	s4 =	sadd.s32 s4, s6;
	[dreg:$0x0] =	wrdreg $0x0  }
0xa9: {  	s6 =	sshll.u32 s28, $0x1;
	[dreg:$0x2] =	wrdreg s4  }
0xaa: {  	[dreg:$0x3] =	wrdreg s6  }
0xab: {  	[dreg:$0x4] =	wrdreg $0xC0  }
0xac: {  	_ =	task [dreg:s8], $0x5FFFF  }
0xad: {  	[dreg:$0x1] =	wrdreg $0xFFFFFFFF  }
0xae: {  	[dreg:$0x0] =	wrdreg $0x60  }
0xaf: {  	[dreg:$0x2] =	wrdreg s24  }
0xb0: {  	[dreg:$0x3] =	wrdreg s2  }
0xb1: {  	[dreg:$0x4] =	wrdreg s18  }
0xb2: {  	[dreg:$0x5] =	wrdreg $0x9  }
0xb3: {  	_ =	task.clear_ibuf [dreg:s8], $0x6FFFF;
	_ =	strace $0x90000046  }
0xb4: {  	s29 =	simm.s32 $0x9;
	_ =	strace $0x80000048  }
0xb5: {  	_ =	swait.ge [sflag:s29], $0x1  }
0xb6: {  	[sflag:s29] =	ssyncadd.s32 $0xFFFFFFFF  }
0xb7: {  	_ =	strace $0x90000048  }
0xb8: {  	_ =	sfence  }
0xb9: {  	s30 =	sld [smem:$0x0];
	_ =	sdelay $0x2  }
0xba: {  	s31 =	sshll.u32 s1, $0xD;
	s1 =	sshrl.u32 s1, $0x2  }
0xbb: {  	s3 =	sand.u32 $0x4000, s31;
	s1 =	sadd.s32 s1, s30  }
0xbc: {  	s0 =	sor.u32 s3, s0;
	s1 =	sshll.u32 s1, $0x11  }
0xbd: {  	s0 =	sor.u32 s1, s0  }
0xbe: {  	s0 =	sadd.s32 $0x8F2B, s0  }
0xbf: {  	[sflag:s0] =	ssyncadd.remote.s32 $0x1  }
0xc0: {  	_ =	sfence.sel $0xFFFF  }
0xc1: {  	[dreg:$0x0] =	wrdreg $0xFFFFFFFF;
	(pc) =	sbr.abs _section_cstart, $3  }
0xc2: {  	[dreg:$0x1] =	wrdreg $0xFFFFFFFF  }
0xc3: {  	_ =	task.clear_ibuf [dreg:s8], $0x2FFFF;
	_ =	strace $0x9FFFFFFF  }
0xc4: {  	(tm) =	ssettm $0x7FFFFFFF  }
0xc5: {  	_ =	shalt  }
tec
execute0_lowered:
.L_overlay_start_1:
0x0: {  	(tag) =	ssettag $0x1  }
0x1: {  	v0 =	vlaneseq.u32  }
0x2: {  	v6 =	vmul.u32 $0x80, v0;
	_ =	sdelay $0x1  }
0x3: {  	v2 =	vor.u32 $0x800, v6  }
0x4: {  	v0 =	vor.u32 $0x1000, v6;
	v10 =	vor.u32 $0x1800, v6;
	v11 =	vor.u32 $0x1, v6  }
0x5: {  	v12 =	vor.u32 $0x801, v6;
	v13 =	vor.u32 $0x2000, v6;
	v14 =	vor.u32 $0x2800, v6  }
0x6: {  	v15 =	vor.u32 $0x2, v6;
	v16 =	vor.u32 $0x802, v6;
	v17 =	vor.u32 $0x3000, v6  }
0x7: {  	s1 =	rddreg [dreg:$0x0];
	v18 =	vor.u32 $0x3800, v6;
	v19 =	vor.u32 $0x3, v6;
	v20 =	vor.u32 $0x803, v6  }
0x8: {  	s0 =	rddreg [dreg:$0x1];
	v21 =	vor.u32 $0x4000, v6;
	v22 =	vor.u32 $0x4800, v6;
	v23 =	vor.u32 $0x4, v6  }
0x9: {  	s2 =	rddreg [dreg:$0x2];
	v24 =	vor.u32 $0x804, v6;
	v25 =	vor.u32 $0x5000, v6;
	v26 =	vor.u32 $0x5800, v6  }
0xa: {  	s3 =	srdreg.scid;
	s7 =	simm.s32 $0x0;
	s5 =	stileid.u32;
	v28 =	vor.u32 $0x805, v6;
	v29 =	vor.u32 $0x6000, v6;
	v30 =	vor.u32 $0x6800, v6  }
0xb: {  	s9 =	simm.s32 $0x400;
	s11 =	simm.s32 $0x7A1400;
	s12 =	simm.s32 $0x1;
	v31 =	vor.u32 $0x6, v6;
	v32 =	vor.u32 $0x806, v6;
	v33 =	vor.u32 $0x7000, v6  }
0xc: {  	s13 =	simm.s32 $0x800;
	s14 =	simm.s32 $0x1800;
	s28 =	simm.s32 $0x2800;
	v34 =	vor.u32 $0x7800, v6;
	v35 =	vor.u32 $0x7, v6;
	v36 =	vor.u32 $0x807, v6  }
0xd: {  	s15 =	simm.s32 $0x3800;
	s16 =	simm.s32 $0x4800;
	s17 =	simm.s32 $0x5800;
	v37 =	vor.u32 $0x8000, v6;
	v38 =	vor.u32 $0x8800, v6;
	v39 =	vor.u32 $0x8, v6  }
0xe: {  	s18 =	simm.s32 $0x6800;
	s19 =	simm.s32 $0x7800;
	s20 =	simm.s32 $0x8800;
	v40 =	vor.u32 $0x808, v6;
	v41 =	vor.u32 $0x9000, v6;
	v42 =	vor.u32 $0x9800, v6  }
0xf: {  	s21 =	simm.s32 $0x9800;
	s22 =	simm.s32 $0xA800;
	s3 =	sand.u32 $0x1, s3;
	v43 =	vor.u32 $0x9, v6;
	v44 =	vor.u32 $0x809, v6;
	v45 =	vor.u32 $0xA000, v6  }
0x10: {  	s5 =	sshll.u32 s5, $0x8;
	s4 =	ssub.s32 $0x2, s3;
	s3 =	sshll.u32 s3, $0x7;
	v46 =	vor.u32 $0xA800, v6;
	v47 =	vor.u32 $0xA, v6;
	[tilespmem:$0x1FF80] =	vst v0;
	v0 =	vor.u32 $0x5, v6  }
0x11: {  	s24 =	simm.s32 $0xC800;
	[smem:$0x7FF] =	sst s7;
	s3 =	sor.u32 s3, s5;
	v50 =	vor.u32 $0x80A, v6;
	v48 =	vor.u32 $0xB000, v6;
	[tilespmem:$0x1FF90] =	vst v0;
	v0 =	vor.u32 $0xE, v6  }
0x12: {  	s23 =	simm.s32 $0xB800;
	v49 =	vor.u32 $0xB800, v6;
	v51 =	vor.u32 $0xB, v6;
	v52 =	vor.u32 $0x80B, v6;
	s1 =	sadd.s32 s1, s3;
	_ =	strace $0x80000047;
	[tilespmem:$0x1FFA0] =	vst v0  }
0x13: {  	s25 =	simm.s32 $0xD800;
	s6 =	sshrl.u32 s4, $0x1;
	v53 =	vor.u32 $0xC000, v6;
	v55 =	vor.u32 $0xC800, v6;
	v54 =	vor.u32 $0xC, v6;
	s3 =	sadd.s32 $0x1000, s1;
	[tilespmem:$0x1FFD0] =	vst v6  }
0x14: {  	s26 =	simm.s32 $0xE800;
	v56 =	vor.u32 $0x80C, v6;
	v57 =	vor.u32 $0xD000, v6;
	v27 =	vor.u32 $0xF800, v6;
	s4 =	ssub.s32 s4, s6;
	[dreg:$0x5] =	wrdreg s3;
	[tilespmem:$0x1FFE0] =	vst v2  }
0x15: {  	s30 =	simm.s32 $0x10800;
	v58 =	vor.u32 $0xD800, v6;
	v59 =	vor.u32 $0xD, v6;
	s29 =	smax.u32 s4, $0x1;
	[dreg:$0x4] =	wrdreg s1;
	v0 =	vor.u32 $0xF, v6;
	[tilespmem:$0x1FFF0] =	vst v27  }
0x16: {  	s31 =	simm.s32 $0x11800;
	v61 =	vor.u32 $0x80D, v6;
	v60 =	vor.u32 $0xE000, v6;
	s1 =	sadd.s32 $0x2000, s1;
	[dreg:$0x7] =	wrdreg s29;
	[tilespmem:$0x1FFB0] =	vst v0;
	v0 =	vor.u32 $0x80F, v6  }
0x17: {  	v62 =	vor.u32 $0xE800, v6;
	v9 =	vor.u32 $0x80E, v6;
	v8 =	vor.u32 $0xF000, v6;
	s4 =	simm.s32 $0x0;
	s3 =	simm.s32 $0x2;
	[dreg:$0x6] =	wrdreg s1;
	[tilespmem:$0x1FFC0] =	vst v0  }
.LBB2_1:
0x18: {  	[dreg:$0x8] =	wrdreg s4  }
0x19: {  	s1 =	rddreg [dreg:$0x4]  }
0x1a: {  	[tilespmem:s9], [sflag:$0x2] =	stream.linear.gather [hbm4b:s1+s7], $0x400, $0x38;
	[tilespmem:$0x12C00] =	vst v63  }
0x1b: {  	_ =	swait.ge [sflag:s3], $0x400  }
0x1c: {  	[sflag:s3] =	ssyncset.done $0x0  }
0x1d: {  	s29 =	rddreg [dreg:$0x5];
	[sflag:s3] =	ssyncadd.s32 $0xFFFFFC00  }
0x1e: {  	[tilespmem:s7], [sflag:$0x2] =	stream.linear.gather [hbm4b:s29+s7], $0x400, $0x38;
	[tilespmem:$0x12C00] =	vst v63  }
0x1f: {  	_ =	swait.ge [sflag:s3], $0x400  }
0x20: {  	[sflag:s3] =	ssyncset.done $0x0  }
0x21: {  	v1 =	vimm.f32 $0.0e+00;
	[sflag:s3] =	ssyncadd.s32 $0xFFFFFC00  }
0x22: {  	[tilespmem:$0x12800] =	vst v1  }
0x23: {  	[tilespmem:$0x12810] =	vst v1  }
0x24: {  	[tilespmem:$0x12820] =	vst v1  }
0x25: {  	[tilespmem:$0x12830] =	vst v1  }
0x26: {  	[tilespmem:$0x12840] =	vst v1  }
0x27: {  	[tilespmem:$0x12850] =	vst v1  }
0x28: {  	[tilespmem:$0x12860] =	vst v1  }
0x29: {  	[tilespmem:$0x12870] =	vst v1  }
0x2a: {  	[tilespmem:$0x12880] =	vst v1  }
0x2b: {  	[tilespmem:$0x12890] =	vst v1  }
0x2c: {  	[tilespmem:$0x128A0] =	vst v1  }
0x2d: {  	[tilespmem:$0x128B0] =	vst v1  }
0x2e: {  	[tilespmem:$0x128C0] =	vst v1  }
0x2f: {  	[tilespmem:$0x128D0] =	vst v1  }
0x30: {  	[tilespmem:$0x128E0] =	vst v1  }
0x31: {  	[tilespmem:$0x128F0] =	vst v1  }
0x32: {  	[tilespmem:$0x12900] =	vst v1  }
0x33: {  	[tilespmem:$0x12910] =	vst v1  }
0x34: {  	[tilespmem:$0x12920] =	vst v1  }
0x35: {  	[tilespmem:$0x12930] =	vst v1  }
0x36: {  	[tilespmem:$0x12940] =	vst v1  }
0x37: {  	[tilespmem:$0x12950] =	vst v1  }
0x38: {  	[tilespmem:$0x12960] =	vst v1  }
0x39: {  	[tilespmem:$0x12970] =	vst v1  }
0x3a: {  	[tilespmem:$0x12980] =	vst v1  }
0x3b: {  	[tilespmem:$0x12990] =	vst v1  }
0x3c: {  	[tilespmem:$0x129A0] =	vst v1  }
0x3d: {  	[tilespmem:$0x129B0] =	vst v1  }
0x3e: {  	[tilespmem:$0x129C0] =	vst v1  }
0x3f: {  	[tilespmem:$0x129D0] =	vst v1  }
0x40: {  	[tilespmem:$0x129E0] =	vst v1  }
0x41: {  	[tilespmem:$0x129F0] =	vst v1  }
0x42: {  	[tilespmem:$0x12A00] =	vst v1  }
0x43: {  	[tilespmem:$0x12A10] =	vst v1  }
0x44: {  	[tilespmem:$0x12A20] =	vst v1  }
0x45: {  	[tilespmem:$0x12A30] =	vst v1  }
0x46: {  	[tilespmem:$0x12A40] =	vst v1  }
0x47: {  	[tilespmem:$0x12A50] =	vst v1  }
0x48: {  	[tilespmem:$0x12A60] =	vst v1  }
0x49: {  	[tilespmem:$0x12A70] =	vst v1  }
0x4a: {  	[tilespmem:$0x12A80] =	vst v1  }
0x4b: {  	[tilespmem:$0x12A90] =	vst v1  }
0x4c: {  	[tilespmem:$0x12AA0] =	vst v1  }
0x4d: {  	[tilespmem:$0x12AB0] =	vst v1  }
0x4e: {  	[tilespmem:$0x12AC0] =	vst v1  }
0x4f: {  	[tilespmem:$0x12AD0] =	vst v1  }
0x50: {  	[tilespmem:$0x12AE0] =	vst v1  }
0x51: {  	[tilespmem:$0x12AF0] =	vst v1  }
0x52: {  	[tilespmem:$0x12B00] =	vst v1  }
0x53: {  	[tilespmem:$0x12B10] =	vst v1  }
0x54: {  	[tilespmem:$0x12B20] =	vst v1  }
0x55: {  	[tilespmem:$0x12B30] =	vst v1  }
0x56: {  	[tilespmem:$0x12B40] =	vst v1  }
0x57: {  	[tilespmem:$0x12B50] =	vst v1  }
0x58: {  	[tilespmem:$0x12B60] =	vst v1  }
0x59: {  	[tilespmem:$0x12B70] =	vst v1  }
0x5a: {  	[tilespmem:$0x12B80] =	vst v1  }
0x5b: {  	[tilespmem:$0x12B90] =	vst v1  }
0x5c: {  	[tilespmem:$0x12BA0] =	vst v1  }
0x5d: {  	[tilespmem:$0x12BB0] =	vst v1  }
0x5e: {  	[tilespmem:$0x12BC0] =	vst v1  }
0x5f: {  	[tilespmem:$0x12BD0] =	vst v1  }
0x60: {  	[tilespmem:$0x12BE0] =	vst v1  }
0x61: {  	s6 =	simm.s32 $0x0;
	s1 =	simm.s32 $0x0;
	[tilespmem:$0x12BF0] =	vst v1  }
.LBB2_2:
0x62: {  	s3 =	sshll.u32 s6, $0x4  }
0x63: {  	s4 =	sand.u32 $0x70, s1;
	s5 =	sand.u32 $0xFFFFFF80, s3  }
0x64: {  	s29 =	sor.u32 s4, s5  }
0x65: {  	v1 =	vld [tilespmem:s29+$0x400];
	_ =	sdelay $0x4  }
0x66: {  	(v2sf) =	vpush v1, $0x0;
	_ =	sdelay $0xd  }
0x67: {  	(v2sf) =	vpush v1, $0x1  }
0x68: {  	s8 =	spop (v2sf)  }
0x69: {  	s7 =	sshra.s32 s8, $0x1F  }
0x6a: {  	s5 =	sshrl.u32 s7, $0x19  }
0x6b: {  	s5 =	sadd.s32 s5, s8  }
0x6c: {  	s10 =	sand.u32 $0xFFFFFF80, s5  }
0x6d: {  	p0 =	slt.s32 s8, $0x1;
	p1 =	sne.s32 s8, s10  }
0x6e: {  	p0 =	por !p0, !p1  }
0x6f: {  	s10 =	simm.s32 $0x1;
	p0 =	por !p0, !p0  }
0x70: {  	s5 =	sshrl.u32 s5, $0x7;
	s10 =	simm.s32 @!p0 $0x0  }
0x71: {  	s5 =	ssub.s32 s5, s10  }
0x72: {  	s5 =	sshll.u32 s5, $0x7  }
0x73: {  	s3 =	sand.u32 $0x3FFFFF80, s3;
	(v2sf) =	vpush v1, $0x2;
	s10 =	sand.u32 $0x1FFFFF80, s5  }
0x74: {  	s3 =	sor.u32 s4, s3;
	s5 =	sadd.s32 s0, s10  }
0x75: {  	v63 =	vld [tilespmem:s3+$0x600];
	[tilespmem:s13], [sflag:$0x1] =	stream.strided.gather [hbm4b:s5+s9], $0x1000, s11, s9, $0x38  }
0x76: {  	s5 =	spop (v2sf)  }
0x77: {  	s7 =	sshra.s32 s5, $0x1F  }
0x78: {  	s3 =	sshrl.u32 s7, $0x19  }
0x79: {  	s3 =	sadd.s32 s3, s5  }
0x7a: {  	s10 =	sand.u32 $0xFFFFFF80, s3  }
0x7b: {  	p5 =	slt.s32 s5, $0x1;
	p6 =	sne.s32 s5, s10  }
0x7c: {  	p0 =	por !p5, !p6  }
0x7d: {  	s4 =	simm.s32 $0x1;
	p0 =	por !p0, !p0  }
0x7e: {  	s3 =	sshrl.u32 s3, $0x7;
	s4 =	simm.s32 @!p0 $0x0  }
0x7f: {  	(v2sf) =	vpush v1, $0x3;
	s3 =	ssub.s32 s3, s4  }
0x80: {  	s3 =	sshll.u32 s3, $0x7  }
0x81: {  	s3 =	sand.u32 $0x1FFFFF80, s3  }
0x82: {  	s4 =	spop (v2sf);
	s3 =	sadd.s32 s0, s3  }
0x83: {  	[tilespmem:s14], [sflag:$0x1] =	stream.strided.gather [hbm4b:s3+s9], $0x1000, s11, s9, $0x38;
	[tilespmem:$0x12C00] =	vst v63  }
0x84: {  	s14 =	sshra.s32 s4, $0x1F  }
0x85: {  	s3 =	sshrl.u32 s14, $0x19  }
0x86: {  	s3 =	sadd.s32 s3, s4  }
0x87: {  	s7 =	sand.u32 $0xFFFFFF80, s3  }
0x88: {  	p1 =	slt.s32 s4, $0x1;
	p2 =	sne.s32 s4, s7  }
0x89: {  	p0 =	por !p1, !p2  }
0x8a: {  	s10 =	simm.s32 $0x1;
	p0 =	por !p0, !p0  }
0x8b: {  	s3 =	sshrl.u32 s3, $0x7;
	s10 =	simm.s32 @!p0 $0x0  }
0x8c: {  	s3 =	ssub.s32 s3, s10  }
0x8d: {  	s3 =	sshll.u32 s3, $0x7  }
0x8e: {  	(v2sf) =	vpush v1, $0x4;
	s10 =	spop (v2sf);
	s3 =	sand.u32 $0x1FFFFF80, s3  }
0x8f: {  	s14 =	sshra.s32 s10, $0x1F;
	s3 =	sadd.s32 s0, s3  }
0x90: {  	[tilespmem:s28], [sflag:$0x1] =	stream.strided.gather [hbm4b:s3+s9], $0x1000, s11, s9, $0x38;
	[tilespmem:$0x12C00] =	vst v63  }
0x91: {  	s3 =	sshrl.u32 s14, $0x19  }
0x92: {  	s3 =	sadd.s32 s3, s10  }
0x93: {  	s7 =	sand.u32 $0xFFFFFF80, s3  }
0x94: {  	p3 =	slt.s32 s10, $0x1;
	p4 =	sne.s32 s10, s7  }
0x95: {  	p0 =	por !p3, !p4  }
0x96: {  	s14 =	simm.s32 $0x1;
	p0 =	por !p0, !p0  }
0x97: {  	s3 =	sshrl.u32 s3, $0x7;
	s14 =	simm.s32 @!p0 $0x0  }
0x98: {  	s3 =	ssub.s32 s3, s14  }
0x99: {  	s3 =	sshll.u32 s3, $0x7  }
0x9a: {  	s3 =	sand.u32 $0x1FFFFF80, s3  }
0x9b: {  	s3 =	sadd.s32 s0, s3  }
0x9c: {  	(v2sf) =	vpush v1, $0x5;
	[tilespmem:s15], [sflag:$0x1] =	stream.strided.gather [hbm4b:s3+s9], $0x1000, s11, s9, $0x38;
	[tilespmem:$0x12C00] =	vst v63  }
0x9d: {  	s3 =	spop (v2sf)  }
0x9e: {  	s15 =	sshra.s32 s3, $0x1F  }
0x9f: {  	s14 =	sshrl.u32 s15, $0x19  }
0xa0: {  	s14 =	sadd.s32 s14, s3  }
0xa1: {  	s7 =	sand.u32 $0xFFFFFF80, s14  }
0xa2: {  	p5 =	slt.s32 s3, $0x1;
	p6 =	sne.s32 s3, s7  }
0xa3: {  	p0 =	por !p5, !p6  }
0xa4: {  	s15 =	simm.s32 $0x1;
	p0 =	por !p0, !p0  }
0xa5: {  	s14 =	sshrl.u32 s14, $0x7;
	s15 =	simm.s32 @!p0 $0x0  }
0xa6: {  	s14 =	ssub.s32 s14, s15  }
0xa7: {  	s14 =	sshll.u32 s14, $0x7  }
0xa8: {  	s14 =	sand.u32 $0x1FFFFF80, s14  }
0xa9: {  	s14 =	sadd.s32 s0, s14  }
0xaa: {  	(v2sf) =	vpush v1, $0x6;
	[tilespmem:s16], [sflag:$0x1] =	stream.strided.gather [hbm4b:s14+s9], $0x1000, s11, s9, $0x38;
	[tilespmem:$0x12C00] =	vst v63  }
0xab: {  	s14 =	spop (v2sf)  }
0xac: {  	s16 =	sshra.s32 s14, $0x1F  }
0xad: {  	s15 =	sshrl.u32 s16, $0x19  }
0xae: {  	s15 =	sadd.s32 s15, s14  }
0xaf: {  	s7 =	sand.u32 $0xFFFFFF80, s15  }
0xb0: {  	p1 =	slt.s32 s14, $0x1;
	p2 =	sne.s32 s14, s7  }
0xb1: {  	p0 =	por !p1, !p2  }
0xb2: {  	s16 =	simm.s32 $0x1;
	p0 =	por !p0, !p0  }
0xb3: {  	s15 =	sshrl.u32 s15, $0x7;
	s16 =	simm.s32 @!p0 $0x0  }
0xb4: {  	s15 =	ssub.s32 s15, s16  }
0xb5: {  	s15 =	sshll.u32 s15, $0x7  }
0xb6: {  	s15 =	sand.u32 $0x1FFFFF80, s15  }
0xb7: {  	s15 =	sadd.s32 s0, s15  }
0xb8: {  	(v2sf) =	vpush v1, $0x7;
	[tilespmem:s17], [sflag:$0x1] =	stream.strided.gather [hbm4b:s15+s9], $0x1000, s11, s9, $0x38;
	[tilespmem:$0x12C00] =	vst v63  }
0xb9: {  	s15 =	spop (v2sf)  }
0xba: {  	s17 =	sshra.s32 s15, $0x1F  }
0xbb: {  	s16 =	sshrl.u32 s17, $0x19  }
0xbc: {  	s16 =	sadd.s32 s16, s15  }
0xbd: {  	s7 =	sand.u32 $0xFFFFFF80, s16  }
0xbe: {  	p3 =	slt.s32 s15, $0x1;
	p4 =	sne.s32 s15, s7  }
0xbf: {  	p0 =	por !p3, !p4  }
0xc0: {  	s17 =	simm.s32 $0x1;
	p0 =	por !p0, !p0  }
0xc1: {  	s16 =	sshrl.u32 s16, $0x7;
	s17 =	simm.s32 @!p0 $0x0  }
0xc2: {  	s16 =	ssub.s32 s16, s17  }
0xc3: {  	s16 =	sshll.u32 s16, $0x7  }
0xc4: {  	s16 =	sand.u32 $0x1FFFFF80, s16  }
0xc5: {  	s16 =	sadd.s32 s0, s16  }
0xc6: {  	(v2sf) =	vpush v1, $0x8;
	[tilespmem:s18], [sflag:$0x1] =	stream.strided.gather [hbm4b:s16+s9], $0x1000, s11, s9, $0x38;
	[tilespmem:$0x12C00] =	vst v63  }
0xc7: {  	s16 =	spop (v2sf)  }
0xc8: {  	s18 =	sshra.s32 s16, $0x1F  }
0xc9: {  	s17 =	sshrl.u32 s18, $0x19  }
0xca: {  	s17 =	sadd.s32 s17, s16  }
0xcb: {  	s7 =	sand.u32 $0xFFFFFF80, s17  }
0xcc: {  	p5 =	slt.s32 s16, $0x1;
	p6 =	sne.s32 s16, s7  }
0xcd: {  	p0 =	por !p5, !p6  }
0xce: {  	s18 =	simm.s32 $0x1;
	p0 =	por !p0, !p0  }
0xcf: {  	s17 =	sshrl.u32 s17, $0x7;
	s18 =	simm.s32 @!p0 $0x0  }
0xd0: {  	s17 =	ssub.s32 s17, s18  }
0xd1: {  	s17 =	sshll.u32 s17, $0x7  }
0xd2: {  	s17 =	sand.u32 $0x1FFFFF80, s17  }
0xd3: {  	s17 =	sadd.s32 s0, s17  }
0xd4: {  	(v2sf) =	vpush v1, $0x9;
	[tilespmem:s19], [sflag:$0x1] =	stream.strided.gather [hbm4b:s17+s9], $0x1000, s11, s9, $0x38;
	[tilespmem:$0x12C00] =	vst v63  }
0xd5: {  	s17 =	spop (v2sf)  }
0xd6: {  	s19 =	sshra.s32 s17, $0x1F  }
0xd7: {  	s18 =	sshrl.u32 s19, $0x19  }
0xd8: {  	s18 =	sadd.s32 s18, s17  }
0xd9: {  	s7 =	sand.u32 $0xFFFFFF80, s18  }
0xda: {  	p1 =	slt.s32 s17, $0x1;
	p2 =	sne.s32 s17, s7  }
0xdb: {  	p0 =	por !p1, !p2  }
0xdc: {  	s19 =	simm.s32 $0x1;
	p0 =	por !p0, !p0  }
0xdd: {  	s18 =	sshrl.u32 s18, $0x7;
	s19 =	simm.s32 @!p0 $0x0  }
0xde: {  	s18 =	ssub.s32 s18, s19  }
0xdf: {  	s18 =	sshll.u32 s18, $0x7  }
0xe0: {  	s18 =	sand.u32 $0x1FFFFF80, s18  }
0xe1: {  	s18 =	sadd.s32 s0, s18  }
0xe2: {  	(v2sf) =	vpush v1, $0xA;
	[tilespmem:s20], [sflag:$0x1] =	stream.strided.gather [hbm4b:s18+s9], $0x1000, s11, s9, $0x38;
	[tilespmem:$0x12C00] =	vst v63  }
0xe3: {  	s18 =	spop (v2sf)  }
0xe4: {  	s20 =	sshra.s32 s18, $0x1F  }
0xe5: {  	s19 =	sshrl.u32 s20, $0x19  }
0xe6: {  	s19 =	sadd.s32 s19, s18  }
0xe7: {  	s7 =	sand.u32 $0xFFFFFF80, s19  }
0xe8: {  	p3 =	slt.s32 s18, $0x1;
	p4 =	sne.s32 s18, s7  }
0xe9: {  	p0 =	por !p3, !p4  }
0xea: {  	s20 =	simm.s32 $0x1;
	p0 =	por !p0, !p0  }
0xeb: {  	s19 =	sshrl.u32 s19, $0x7;
	s20 =	simm.s32 @!p0 $0x0  }
0xec: {  	s19 =	ssub.s32 s19, s20  }
0xed: {  	s19 =	sshll.u32 s19, $0x7  }
0xee: {  	s19 =	sand.u32 $0x1FFFFF80, s19  }
0xef: {  	s19 =	sadd.s32 s0, s19  }
0xf0: {  	(v2sf) =	vpush v1, $0xB;
	[tilespmem:s21], [sflag:$0x1] =	stream.strided.gather [hbm4b:s19+s9], $0x1000, s11, s9, $0x38;
	[tilespmem:$0x12C00] =	vst v63  }
0xf1: {  	s19 =	spop (v2sf)  }
0xf2: {  	s21 =	sshra.s32 s19, $0x1F  }
0xf3: {  	s20 =	sshrl.u32 s21, $0x19  }
0xf4: {  	s20 =	sadd.s32 s20, s19  }
0xf5: {  	s7 =	sand.u32 $0xFFFFFF80, s20  }
0xf6: {  	p5 =	slt.s32 s19, $0x1;
	p6 =	sne.s32 s19, s7  }
0xf7: {  	p0 =	por !p5, !p6  }
0xf8: {  	s21 =	simm.s32 $0x1;
	p0 =	por !p0, !p0  }
0xf9: {  	s20 =	sshrl.u32 s20, $0x7;
	s21 =	simm.s32 @!p0 $0x0  }
0xfa: {  	s20 =	ssub.s32 s20, s21  }
0xfb: {  	s20 =	sshll.u32 s20, $0x7  }
0xfc: {  	s20 =	sand.u32 $0x1FFFFF80, s20  }
0xfd: {  	s20 =	sadd.s32 s0, s20  }
0xfe: {  	(v2sf) =	vpush v1, $0xC;
	[tilespmem:s22], [sflag:$0x1] =	stream.strided.gather [hbm4b:s20+s9], $0x1000, s11, s9, $0x38;
	[tilespmem:$0x12C00] =	vst v63  }
0xff: {  	s20 =	spop (v2sf)  }
0x100: {  	s22 =	sshra.s32 s20, $0x1F  }
0x101: {  	s21 =	sshrl.u32 s22, $0x19  }
0x102: {  	s21 =	sadd.s32 s21, s20  }
0x103: {  	s7 =	sand.u32 $0xFFFFFF80, s21  }
0x104: {  	p1 =	slt.s32 s20, $0x1;
	p2 =	sne.s32 s20, s7  }
0x105: {  	p0 =	por !p1, !p2  }
0x106: {  	s22 =	simm.s32 $0x1;
	p0 =	por !p0, !p0  }
0x107: {  	s21 =	sshrl.u32 s21, $0x7;
	s22 =	simm.s32 @!p0 $0x0  }
0x108: {  	s21 =	ssub.s32 s21, s22  }
0x109: {  	s21 =	sshll.u32 s21, $0x7  }
0x10a: {  	s21 =	sand.u32 $0x1FFFFF80, s21  }
0x10b: {  	s21 =	sadd.s32 s0, s21  }
0x10c: {  	(v2sf) =	vpush v1, $0xD;
	[tilespmem:s23], [sflag:$0x1] =	stream.strided.gather [hbm4b:s21+s9], $0x1000, s11, s9, $0x38;
	[tilespmem:$0x12C00] =	vst v63  }
0x10d: {  	s21 =	spop (v2sf)  }
0x10e: {  	s23 =	sshra.s32 s21, $0x1F  }
0x10f: {  	s22 =	sshrl.u32 s23, $0x19  }
0x110: {  	s22 =	sadd.s32 s22, s21  }
0x111: {  	s7 =	sand.u32 $0xFFFFFF80, s22  }
0x112: {  	p3 =	slt.s32 s21, $0x1;
	p4 =	sne.s32 s21, s7  }
0x113: {  	p0 =	por !p3, !p4  }
0x114: {  	s23 =	simm.s32 $0x1;
	p0 =	por !p0, !p0  }
0x115: {  	s22 =	sshrl.u32 s22, $0x7;
	s23 =	simm.s32 @!p0 $0x0  }
0x116: {  	s22 =	ssub.s32 s22, s23  }
0x117: {  	s22 =	sshll.u32 s22, $0x7  }
0x118: {  	s22 =	sand.u32 $0x1FFFFF80, s22  }
0x119: {  	s22 =	sadd.s32 s0, s22  }
0x11a: {  	(v2sf) =	vpush v1, $0xE;
	[tilespmem:s24], [sflag:$0x1] =	stream.strided.gather [hbm4b:s22+s9], $0x1000, s11, s9, $0x38;
	[tilespmem:$0x12C00] =	vst v63  }
0x11b: {  	s22 =	spop (v2sf)  }
0x11c: {  	s24 =	sshra.s32 s22, $0x1F  }
0x11d: {  	s23 =	sshrl.u32 s24, $0x19  }
0x11e: {  	s23 =	sadd.s32 s23, s22  }
0x11f: {  	s7 =	sand.u32 $0xFFFFFF80, s23  }
0x120: {  	p5 =	slt.s32 s22, $0x1;
	p6 =	sne.s32 s22, s7  }
0x121: {  	p0 =	por !p5, !p6  }
0x122: {  	s24 =	simm.s32 $0x1;
	p0 =	por !p0, !p0  }
0x123: {  	s23 =	sshrl.u32 s23, $0x7;
	s24 =	simm.s32 @!p0 $0x0  }
0x124: {  	s23 =	ssub.s32 s23, s24  }
0x125: {  	s23 =	sshll.u32 s23, $0x7  }
0x126: {  	s23 =	sand.u32 $0x1FFFFF80, s23  }
0x127: {  	s23 =	sadd.s32 s0, s23  }
0x128: {  	(v2sf) =	vpush v1, $0xF;
	[tilespmem:s25], [sflag:$0x1] =	stream.strided.gather [hbm4b:s23+s9], $0x1000, s11, s9, $0x38;
	[tilespmem:$0x12C00] =	vst v63  }
0x129: {  	s23 =	spop (v2sf)  }
0x12a: {  	s25 =	sshra.s32 s23, $0x1F  }
0x12b: {  	s24 =	sshrl.u32 s25, $0x19  }
0x12c: {  	s24 =	sadd.s32 s24, s23  }
0x12d: {  	s25 =	sand.u32 $0xFFFFFF80, s24  }
0x12e: {  	p1 =	slt.s32 s23, $0x1;
	p2 =	sne.s32 s23, s25  }
0x12f: {  	p0 =	por !p1, !p2  }
0x130: {  	s25 =	simm.s32 $0x1;
	p0 =	por !p0, !p0  }
0x131: {  	s24 =	sshrl.u32 s24, $0x7;
	s25 =	simm.s32 @!p0 $0x0  }
0x132: {  	s24 =	ssub.s32 s24, s25  }
0x133: {  	s24 =	sshll.u32 s24, $0x7  }
0x134: {  	s24 =	sand.u32 $0x1FFFFF80, s24  }
0x135: {  	s24 =	sadd.s32 s0, s24  }
0x136: {  	[tilespmem:s26], [sflag:$0x1] =	stream.strided.gather [hbm4b:s24+s9], $0x1000, s11, s9, $0x38;
	[tilespmem:$0x12C00] =	vst v63  }
0x137: {  	s24 =	spop (v2sf)  }
0x138: {  	s26 =	sshra.s32 s24, $0x1F  }
0x139: {  	s25 =	sshrl.u32 s26, $0x19  }
0x13a: {  	s25 =	sadd.s32 s25, s24  }
0x13b: {  	s26 =	sand.u32 $0xFFFFFF80, s25  }
0x13c: {  	p3 =	slt.s32 s24, $0x1;
	p4 =	sne.s32 s24, s26  }
0x13d: {  	p0 =	por !p3, !p4  }
0x13e: {  	s26 =	simm.s32 $0x1;
	p0 =	por !p0, !p0  }
0x13f: {  	s25 =	sshrl.u32 s25, $0x7;
	s26 =	simm.s32 @!p0 $0x0  }
0x140: {  	s25 =	ssub.s32 s25, s26  }
0x141: {  	s25 =	sshll.u32 s25, $0x7  }
0x142: {  	s25 =	sand.u32 $0x1FFFFF80, s25  }
0x143: {  	s7 =	simm.s32 $0xF800;
	s25 =	sadd.s32 s0, s25  }
0x144: {  	[tilespmem:s7], [sflag:$0x1] =	stream.strided.gather [hbm4b:s25+s9], $0x1000, s11, s9, $0x38;
	[tilespmem:$0x12C00] =	vst v63  }
0x145: {  	_ =	swait.ge [sflag:s12], $0x1000  }
0x146: {  	[sflag:s12] =	ssyncset.done $0x0  }
0x147: {  	[sflag:s12] =	ssyncadd.s32 $0xFFFFF000  }
0x148: {  	_ =	swait.ge [sflag:s12], $0x1000  }
0x149: {  	[sflag:s12] =	ssyncset.done $0x0  }
0x14a: {  	[sflag:s12] =	ssyncadd.s32 $0xFFFFF000  }
0x14b: {  	_ =	swait.ge [sflag:s12], $0x1000  }
0x14c: {  	[sflag:s12] =	ssyncset.done $0x0  }
0x14d: {  	[sflag:s12] =	ssyncadd.s32 $0xFFFFF000  }
0x14e: {  	_ =	swait.ge [sflag:s12], $0x1000  }
0x14f: {  	[sflag:s12] =	ssyncset.done $0x0  }
0x150: {  	[sflag:s12] =	ssyncadd.s32 $0xFFFFF000  }
0x151: {  	_ =	swait.ge [sflag:s12], $0x1000  }
0x152: {  	[sflag:s12] =	ssyncset.done $0x0  }
0x153: {  	[sflag:s12] =	ssyncadd.s32 $0xFFFFF000  }
0x154: {  	_ =	swait.ge [sflag:s12], $0x1000  }
0x155: {  	[sflag:s12] =	ssyncset.done $0x0  }
0x156: {  	[sflag:s12] =	ssyncadd.s32 $0xFFFFF000  }
0x157: {  	_ =	swait.ge [sflag:s12], $0x1000  }
0x158: {  	[sflag:s12] =	ssyncset.done $0x0  }
0x159: {  	[sflag:s12] =	ssyncadd.s32 $0xFFFFF000  }
0x15a: {  	_ =	swait.ge [sflag:s12], $0x1000  }
0x15b: {  	[sflag:s12] =	ssyncset.done $0x0  }
0x15c: {  	[sflag:s12] =	ssyncadd.s32 $0xFFFFF000  }
0x15d: {  	_ =	swait.ge [sflag:s12], $0x1000  }
0x15e: {  	[sflag:s12] =	ssyncset.done $0x0  }
0x15f: {  	[sflag:s12] =	ssyncadd.s32 $0xFFFFF000  }
0x160: {  	_ =	swait.ge [sflag:s12], $0x1000  }
0x161: {  	[sflag:s12] =	ssyncset.done $0x0  }
0x162: {  	[sflag:s12] =	ssyncadd.s32 $0xFFFFF000  }
0x163: {  	_ =	swait.ge [sflag:s12], $0x1000  }
0x164: {  	[sflag:s12] =	ssyncset.done $0x0  }
0x165: {  	[sflag:s12] =	ssyncadd.s32 $0xFFFFF000  }
0x166: {  	_ =	swait.ge [sflag:s12], $0x1000  }
0x167: {  	[sflag:s12] =	ssyncset.done $0x0  }
0x168: {  	[sflag:s12] =	ssyncadd.s32 $0xFFFFF000  }
0x169: {  	_ =	swait.ge [sflag:s12], $0x1000  }
0x16a: {  	[sflag:s12] =	ssyncset.done $0x0  }
0x16b: {  	[sflag:s12] =	ssyncadd.s32 $0xFFFFF000  }
0x16c: {  	_ =	swait.ge [sflag:s12], $0x1000  }
0x16d: {  	[sflag:s12] =	ssyncset.done $0x0  }
0x16e: {  	[sflag:s12] =	ssyncadd.s32 $0xFFFFF000  }
0x16f: {  	_ =	swait.ge [sflag:s12], $0x1000  }
0x170: {  	s8 =	sand.u32 $0x7F, s8;
	[sflag:s12] =	ssyncset.done $0x0  }
0x171: {  	v1 =	vor.u32 s8, v6;
	[sflag:s12] =	ssyncadd.s32 $0xFFFFF000  }
0x172: {  	v3 =	vor.u32 s8, v2;
	_ =	swait.ge [sflag:s12], $0x1000  }
0x173: {  	v0 =	vld [tilespmem:$0x1FF80]  }
0x174: {  	[sflag:s12] =	ssyncset.done $0x0  }
0x175: {  	[sflag:s12] =	ssyncadd.s32 $0xFFFFF000  }
0x176: {  	v1 =	vld.idx.msk [tilespmem:v1+s13+$0x0], $0xffff  }
0x177: {  	s5 =	sand.u32 $0x7F, s5;
	v3 =	vld.idx.msk [tilespmem:v3+s13+$0x0], $0xffff  }
0x178: {  	v4 =	vor.u32 s5, v0  }
0x179: {  	v5 =	vor.u32 s5, v10;
	_ =	sdelay $0x1  }
0x17a: {  	[tilespmem:v6+s30+$0x0] =	vst.idx.msk $0xffff, v1  }
0x17b: {  	[tilespmem:v2+s30+$0x0] =	vst.idx.msk $0xffff, v3  }
0x17c: {  	v1 =	vld.idx.msk [tilespmem:v4+s13+$0x0], $0xffff  }
0x17d: {  	s4 =	sand.u32 $0x7F, s4;
	v3 =	vld.idx.msk [tilespmem:v5+s13+$0x0], $0xffff  }
0x17e: {  	v4 =	vor.u32 s4, v13  }
0x17f: {  	v5 =	vor.u32 s4, v14;
	_ =	sdelay $0x1  }
0x180: {  	[tilespmem:v11+s30+$0x0] =	vst.idx.msk $0xffff, v1  }
0x181: {  	[tilespmem:v12+s30+$0x0] =	vst.idx.msk $0xffff, v3  }
0x182: {  	v1 =	vld.idx.msk [tilespmem:v4+s13+$0x0], $0xffff  }
0x183: {  	s26 =	sand.u32 $0x7F, s10;
	v3 =	vld.idx.msk [tilespmem:v5+s13+$0x0], $0xffff  }
0x184: {  	v4 =	vor.u32 s26, v17  }
0x185: {  	v5 =	vor.u32 s26, v18;
	_ =	sdelay $0x1  }
0x186: {  	[tilespmem:v15+s30+$0x0] =	vst.idx.msk $0xffff, v1  }
0x187: {  	[tilespmem:v16+s30+$0x0] =	vst.idx.msk $0xffff, v3  }
0x188: {  	v1 =	vld.idx.msk [tilespmem:v4+s13+$0x0], $0xffff  }
0x189: {  	s3 =	sand.u32 $0x7F, s3;
	v3 =	vld.idx.msk [tilespmem:v5+s13+$0x0], $0xffff  }
0x18a: {  	v4 =	vor.u32 s3, v21  }
0x18b: {  	v5 =	vor.u32 s3, v22;
	_ =	sdelay $0x1  }
0x18c: {  	[tilespmem:v19+s30+$0x0] =	vst.idx.msk $0xffff, v1  }
0x18d: {  	[tilespmem:v20+s30+$0x0] =	vst.idx.msk $0xffff, v3  }
0x18e: {  	v1 =	vld.idx.msk [tilespmem:v4+s13+$0x0], $0xffff  }
0x18f: {  	s5 =	sand.u32 $0x7F, s14;
	v3 =	vld.idx.msk [tilespmem:v5+s13+$0x0], $0xffff  }
0x190: {  	v4 =	vor.u32 s5, v25  }
0x191: {  	v5 =	vor.u32 s5, v26  }
0x192: {  	v0 =	vld [tilespmem:$0x1FF90]  }
0x193: {  	[tilespmem:v23+s30+$0x0] =	vst.idx.msk $0xffff, v1  }
0x194: {  	[tilespmem:v24+s30+$0x0] =	vst.idx.msk $0xffff, v3  }
0x195: {  	v1 =	vld.idx.msk [tilespmem:v4+s13+$0x0], $0xffff  }
0x196: {  	s8 =	sand.u32 $0x7F, s15;
	v3 =	vld.idx.msk [tilespmem:v5+s13+$0x0], $0xffff  }
0x197: {  	v4 =	vor.u32 s8, v29  }
0x198: {  	v5 =	vor.u32 s8, v30;
	_ =	sdelay $0x1  }
0x199: {  	[tilespmem:v0+s30+$0x0] =	vst.idx.msk $0xffff, v1  }
0x19a: {  	[tilespmem:v28+s30+$0x0] =	vst.idx.msk $0xffff, v3  }
0x19b: {  	v1 =	vld.idx.msk [tilespmem:v4+s13+$0x0], $0xffff  }
0x19c: {  	s10 =	sand.u32 $0x7F, s16;
	v3 =	vld.idx.msk [tilespmem:v5+s13+$0x0], $0xffff  }
0x19d: {  	v4 =	vor.u32 s10, v33  }
0x19e: {  	v5 =	vor.u32 s10, v34;
	_ =	sdelay $0x1  }
0x19f: {  	[tilespmem:v31+s30+$0x0] =	vst.idx.msk $0xffff, v1  }
0x1a0: {  	[tilespmem:v32+s30+$0x0] =	vst.idx.msk $0xffff, v3  }
0x1a1: {  	v1 =	vld.idx.msk [tilespmem:v4+s13+$0x0], $0xffff  }
0x1a2: {  	s14 =	sand.u32 $0x7F, s17;
	v3 =	vld.idx.msk [tilespmem:v5+s13+$0x0], $0xffff  }
0x1a3: {  	v4 =	vor.u32 s14, v37  }
0x1a4: {  	v5 =	vor.u32 s14, v38;
	_ =	sdelay $0x1  }
0x1a5: {  	[tilespmem:v35+s30+$0x0] =	vst.idx.msk $0xffff, v1  }
0x1a6: {  	[tilespmem:v36+s30+$0x0] =	vst.idx.msk $0xffff, v3  }
0x1a7: {  	v1 =	vld.idx.msk [tilespmem:v4+s13+$0x0], $0xffff  }
0x1a8: {  	s15 =	sand.u32 $0x7F, s18;
	v3 =	vld.idx.msk [tilespmem:v5+s13+$0x0], $0xffff  }
0x1a9: {  	v4 =	vor.u32 s15, v41  }
0x1aa: {  	v5 =	vor.u32 s15, v42;
	_ =	sdelay $0x1  }
0x1ab: {  	[tilespmem:v39+s30+$0x0] =	vst.idx.msk $0xffff, v1  }
0x1ac: {  	[tilespmem:v40+s30+$0x0] =	vst.idx.msk $0xffff, v3  }
0x1ad: {  	v1 =	vld.idx.msk [tilespmem:v4+s13+$0x0], $0xffff  }
0x1ae: {  	s16 =	sand.u32 $0x7F, s19;
	v3 =	vld.idx.msk [tilespmem:v5+s13+$0x0], $0xffff  }
0x1af: {  	v4 =	vor.u32 s16, v45  }
0x1b0: {  	v5 =	vor.u32 s16, v46;
	_ =	sdelay $0x1  }
0x1b1: {  	[tilespmem:v43+s30+$0x0] =	vst.idx.msk $0xffff, v1  }
0x1b2: {  	[tilespmem:v44+s30+$0x0] =	vst.idx.msk $0xffff, v3  }
0x1b3: {  	v1 =	vld.idx.msk [tilespmem:v4+s13+$0x0], $0xffff  }
0x1b4: {  	s17 =	sand.u32 $0x7F, s20;
	v3 =	vld.idx.msk [tilespmem:v5+s13+$0x0], $0xffff  }
0x1b5: {  	v4 =	vor.u32 s17, v48  }
0x1b6: {  	v5 =	vor.u32 s17, v49;
	_ =	sdelay $0x1  }
0x1b7: {  	[tilespmem:v47+s30+$0x0] =	vst.idx.msk $0xffff, v1  }
0x1b8: {  	[tilespmem:v50+s30+$0x0] =	vst.idx.msk $0xffff, v3  }
0x1b9: {  	v1 =	vld.idx.msk [tilespmem:v4+s13+$0x0], $0xffff  }
0x1ba: {  	s18 =	sand.u32 $0x7F, s21;
	v3 =	vld.idx.msk [tilespmem:v5+s13+$0x0], $0xffff  }
0x1bb: {  	v4 =	vor.u32 s18, v53  }
0x1bc: {  	v5 =	vor.u32 s18, v55;
	_ =	sdelay $0x1  }
0x1bd: {  	[tilespmem:v51+s30+$0x0] =	vst.idx.msk $0xffff, v1  }
0x1be: {  	[tilespmem:v52+s30+$0x0] =	vst.idx.msk $0xffff, v3  }
0x1bf: {  	v1 =	vld.idx.msk [tilespmem:v4+s13+$0x0], $0xffff  }
0x1c0: {  	s19 =	sand.u32 $0x7F, s22;
	v3 =	vld.idx.msk [tilespmem:v5+s13+$0x0], $0xffff  }
0x1c1: {  	v4 =	vor.u32 s19, v57  }
0x1c2: {  	v5 =	vor.u32 s19, v58;
	_ =	sdelay $0x1  }
0x1c3: {  	[tilespmem:v54+s30+$0x0] =	vst.idx.msk $0xffff, v1  }
0x1c4: {  	[tilespmem:v56+s30+$0x0] =	vst.idx.msk $0xffff, v3  }
0x1c5: {  	v1 =	vld.idx.msk [tilespmem:v4+s13+$0x0], $0xffff  }
0x1c6: {  	(v2sf) =	vpush v63, $0x0;
	s20 =	sand.u32 $0x7F, s23;
	v3 =	vld.idx.msk [tilespmem:v5+s13+$0x0], $0xffff  }
0x1c7: {  	v5 =	vor.u32 s20, v62;
	_ =	sdelay $0x2  }
0x1c8: {  	[tilespmem:v59+s30+$0x0] =	vst.idx.msk $0xffff, v1  }
0x1c9: {  	v4 =	vor.u32 s20, v60;
	[tilespmem:v61+s30+$0x0] =	vst.idx.msk $0xffff, v3  }
0x1ca: {  	s21 =	sand.u32 $0x7F, s24;
	v3 =	vld.idx.msk [tilespmem:v5+s13+$0x0], $0xffff  }
0x1cb: {  	v5 =	vor.u32 s21, v27;
	v27 =	vld [tilespmem:$0x1FFA0];
	_ =	sdelay $0x2  }
0x1cc: {  	v1 =	vld.idx.msk [tilespmem:v4+s13+$0x0], $0xffff  }
0x1cd: {  	(v2sf) =	vpush v63, $0x1  }
0x1ce: {  	v4 =	vor.u32 s21, v8;
	_ =	sdelay $0x2  }
0x1cf: {  	s8 =	spop (v2sf);
	[tilespmem:v27+s30+$0x0] =	vst.idx.msk $0xffff, v1  }
0x1d0: {  	s22 =	sshra.s32 s8, $0x1F;
	[tilespmem:v9+s30+$0x0] =	vst.idx.msk $0xffff, v3  }
0x1d1: {  	s23 =	sshrl.u32 s22, $0x19;
	v1 =	vld.idx.msk [tilespmem:v4+s13+$0x0], $0xffff  }
0x1d2: {  	s3 =	sadd.s32 s23, s8;
	v4 =	vld [tilespmem:$0x1FFB0]  }
0x1d3: {  	v7 =	vmov v9;
	s24 =	sand.u32 $0xFFFFFF80, s3;
	v9 =	vld [tilespmem:$0x1FFC0]  }
0x1d4: {  	p5 =	slt.s32 s8, $0x1;
	p6 =	sne.s32 s8, s24  }
0x1d5: {  	p0 =	por !p5, !p6  }
0x1d6: {  	s4 =	simm.s32 $0x1;
	p0 =	por !p0, !p0;
	v3 =	vld.idx.msk [tilespmem:v5+s13+$0x0], $0xffff  }
0x1d7: {  	(v2sf) =	vpush v63, $0x2;
	s3 =	sshrl.u32 s3, $0x7;
	s4 =	simm.s32 @!p0 $0x0  }
0x1d8: {  	s3 =	ssub.s32 s3, s4  }
0x1d9: {  	s3 =	sshll.u32 s3, $0x7  }
0x1da: {  	s5 =	spop (v2sf);
	s3 =	sand.u32 $0x1FFFFF80, s3;
	[tilespmem:v4+s30+$0x0] =	vst.idx.msk $0xffff, v1  }
0x1db: {  	s25 =	sshra.s32 s5, $0x1F;
	s3 =	sadd.s32 s2, s3;
	[tilespmem:v9+s30+$0x0] =	vst.idx.msk $0xffff, v3  }
0x1dc: {  	[tilespmem:s13], [sflag:$0x1] =	stream.strided.gather [hbm4b:s3+s9], $0x1000, s11, s9, $0x38;
	[tilespmem:$0x12C00] =	vst v63  }
0x1dd: {  	s3 =	sshrl.u32 s25, $0x19  }
0x1de: {  	s3 =	sadd.s32 s3, s5  }
0x1df: {  	s26 =	sand.u32 $0xFFFFFF80, s3  }
0x1e0: {  	p1 =	slt.s32 s5, $0x1;
	p2 =	sne.s32 s5, s26  }
0x1e1: {  	p0 =	por !p1, !p2  }
0x1e2: {  	s4 =	simm.s32 $0x1;
	p0 =	por !p0, !p0  }
0x1e3: {  	(v2sf) =	vpush v63, $0x3;
	s3 =	sshrl.u32 s3, $0x7;
	s4 =	simm.s32 @!p0 $0x0  }
0x1e4: {  	s3 =	ssub.s32 s3, s4  }
0x1e5: {  	s3 =	sshll.u32 s3, $0x7  }
0x1e6: {  	s4 =	spop (v2sf);
	s3 =	sand.u32 $0x1FFFFF80, s3  }
0x1e7: {  	s28 =	simm.s32 $0x1800;
	s10 =	sshra.s32 s4, $0x1F;
	s3 =	sadd.s32 s2, s3  }
0x1e8: {  	[tilespmem:s28], [sflag:$0x1] =	stream.strided.gather [hbm4b:s3+s9], $0x1000, s11, s9, $0x38;
	[tilespmem:$0x12C00] =	vst v63  }
0x1e9: {  	s3 =	sshrl.u32 s10, $0x19  }
0x1ea: {  	s3 =	sadd.s32 s3, s4  }
0x1eb: {  	s14 =	sand.u32 $0xFFFFFF80, s3  }
0x1ec: {  	p3 =	slt.s32 s4, $0x1;
	p4 =	sne.s32 s4, s14  }
0x1ed: {  	p0 =	por !p3, !p4  }
0x1ee: {  	s10 =	simm.s32 $0x1;
	p0 =	por !p0, !p0  }
0x1ef: {  	s3 =	sshrl.u32 s3, $0x7;
	s10 =	simm.s32 @!p0 $0x0  }
0x1f0: {  	s3 =	ssub.s32 s3, s10  }
0x1f1: {  	s3 =	sshll.u32 s3, $0x7  }
0x1f2: {  	(v2sf) =	vpush v63, $0x4;
	s10 =	spop (v2sf);
	s3 =	sand.u32 $0x1FFFFF80, s3  }
0x1f3: {  	s28 =	simm.s32 $0x2800;
	s15 =	sshra.s32 s10, $0x1F;
	s3 =	sadd.s32 s2, s3  }
0x1f4: {  	[tilespmem:s28], [sflag:$0x1] =	stream.strided.gather [hbm4b:s3+s9], $0x1000, s11, s9, $0x38;
	[tilespmem:$0x12C00] =	vst v63  }
0x1f5: {  	s3 =	sshrl.u32 s15, $0x19  }
0x1f6: {  	s3 =	sadd.s32 s3, s10  }
0x1f7: {  	s16 =	sand.u32 $0xFFFFFF80, s3  }
0x1f8: {  	p5 =	slt.s32 s10, $0x1;
	p6 =	sne.s32 s10, s16  }
0x1f9: {  	p0 =	por !p5, !p6  }
0x1fa: {  	s14 =	simm.s32 $0x1;
	p0 =	por !p0, !p0  }
0x1fb: {  	s3 =	sshrl.u32 s3, $0x7;
	s14 =	simm.s32 @!p0 $0x0  }
0x1fc: {  	s3 =	ssub.s32 s3, s14  }
0x1fd: {  	s3 =	sshll.u32 s3, $0x7  }
0x1fe: {  	s3 =	sand.u32 $0x1FFFFF80, s3  }
0x1ff: {  	s17 =	simm.s32 $0x3800;
	s3 =	sadd.s32 s2, s3  }
0x200: {  	(v2sf) =	vpush v63, $0x5;
	[tilespmem:s17], [sflag:$0x1] =	stream.strided.gather [hbm4b:s3+s9], $0x1000, s11, s9, $0x38;
	[tilespmem:$0x12C00] =	vst v63  }
0x201: {  	s3 =	spop (v2sf)  }
0x202: {  	s18 =	sshra.s32 s3, $0x1F  }
0x203: {  	s14 =	sshrl.u32 s18, $0x19  }
0x204: {  	s14 =	sadd.s32 s14, s3  }
0x205: {  	s19 =	sand.u32 $0xFFFFFF80, s14  }
0x206: {  	p1 =	slt.s32 s3, $0x1;
	p2 =	sne.s32 s3, s19  }
0x207: {  	p0 =	por !p1, !p2  }
0x208: {  	s15 =	simm.s32 $0x1;
	p0 =	por !p0, !p0  }
0x209: {  	s14 =	sshrl.u32 s14, $0x7;
	s15 =	simm.s32 @!p0 $0x0  }
0x20a: {  	s14 =	ssub.s32 s14, s15  }
0x20b: {  	s14 =	sshll.u32 s14, $0x7  }
0x20c: {  	s14 =	sand.u32 $0x1FFFFF80, s14  }
0x20d: {  	s20 =	simm.s32 $0x4800;
	s14 =	sadd.s32 s2, s14  }
0x20e: {  	(v2sf) =	vpush v63, $0x6;
	[tilespmem:s20], [sflag:$0x1] =	stream.strided.gather [hbm4b:s14+s9], $0x1000, s11, s9, $0x38;
	[tilespmem:$0x12C00] =	vst v63  }
0x20f: {  	s14 =	spop (v2sf)  }
0x210: {  	s21 =	sshra.s32 s14, $0x1F  }
0x211: {  	s15 =	sshrl.u32 s21, $0x19  }
0x212: {  	s15 =	sadd.s32 s15, s14  }
0x213: {  	s22 =	sand.u32 $0xFFFFFF80, s15  }
0x214: {  	p3 =	slt.s32 s14, $0x1;
	p4 =	sne.s32 s14, s22  }
0x215: {  	p0 =	por !p3, !p4  }
0x216: {  	s16 =	simm.s32 $0x1;
	p0 =	por !p0, !p0  }
0x217: {  	s15 =	sshrl.u32 s15, $0x7;
	s16 =	simm.s32 @!p0 $0x0  }
0x218: {  	s15 =	ssub.s32 s15, s16  }
0x219: {  	s15 =	sshll.u32 s15, $0x7  }
0x21a: {  	s15 =	sand.u32 $0x1FFFFF80, s15  }
0x21b: {  	s23 =	simm.s32 $0x5800;
	s15 =	sadd.s32 s2, s15  }
0x21c: {  	(v2sf) =	vpush v63, $0x7;
	[tilespmem:s23], [sflag:$0x1] =	stream.strided.gather [hbm4b:s15+s9], $0x1000, s11, s9, $0x38;
	[tilespmem:$0x12C00] =	vst v63  }
0x21d: {  	s15 =	spop (v2sf)  }
0x21e: {  	s24 =	sshra.s32 s15, $0x1F  }
0x21f: {  	s16 =	sshrl.u32 s24, $0x19  }
0x220: {  	s16 =	sadd.s32 s16, s15  }
0x221: {  	s25 =	sand.u32 $0xFFFFFF80, s16  }
0x222: {  	p5 =	slt.s32 s15, $0x1;
	p6 =	sne.s32 s15, s25  }
0x223: {  	p0 =	por !p5, !p6  }
0x224: {  	s17 =	simm.s32 $0x1;
	p0 =	por !p0, !p0  }
0x225: {  	s16 =	sshrl.u32 s16, $0x7;
	s17 =	simm.s32 @!p0 $0x0  }
0x226: {  	s16 =	ssub.s32 s16, s17  }
0x227: {  	s16 =	sshll.u32 s16, $0x7  }
0x228: {  	s16 =	sand.u32 $0x1FFFFF80, s16  }
0x229: {  	s26 =	simm.s32 $0x6800;
	s16 =	sadd.s32 s2, s16  }
0x22a: {  	(v2sf) =	vpush v63, $0x8;
	[tilespmem:s26], [sflag:$0x1] =	stream.strided.gather [hbm4b:s16+s9], $0x1000, s11, s9, $0x38;
	[tilespmem:$0x12C00] =	vst v63  }
0x22b: {  	s16 =	spop (v2sf)  }
0x22c: {  	s18 =	sshra.s32 s16, $0x1F  }
0x22d: {  	s17 =	sshrl.u32 s18, $0x19  }
0x22e: {  	s17 =	sadd.s32 s17, s16  }
0x22f: {  	s19 =	sand.u32 $0xFFFFFF80, s17  }
0x230: {  	p1 =	slt.s32 s16, $0x1;
	p2 =	sne.s32 s16, s19  }
0x231: {  	p0 =	por !p1, !p2  }
0x232: {  	s18 =	simm.s32 $0x1;
	p0 =	por !p0, !p0  }
0x233: {  	s17 =	sshrl.u32 s17, $0x7;
	s18 =	simm.s32 @!p0 $0x0  }
0x234: {  	s17 =	ssub.s32 s17, s18  }
0x235: {  	s17 =	sshll.u32 s17, $0x7  }
0x236: {  	s17 =	sand.u32 $0x1FFFFF80, s17  }
0x237: {  	s20 =	simm.s32 $0x7800;
	s17 =	sadd.s32 s2, s17  }
0x238: {  	(v2sf) =	vpush v63, $0x9;
	[tilespmem:s20], [sflag:$0x1] =	stream.strided.gather [hbm4b:s17+s9], $0x1000, s11, s9, $0x38;
	[tilespmem:$0x12C00] =	vst v63  }
0x239: {  	s17 =	spop (v2sf)  }
0x23a: {  	s21 =	sshra.s32 s17, $0x1F  }
0x23b: {  	s18 =	sshrl.u32 s21, $0x19  }
0x23c: {  	s18 =	sadd.s32 s18, s17  }
0x23d: {  	s22 =	sand.u32 $0xFFFFFF80, s18  }
0x23e: {  	p3 =	slt.s32 s17, $0x1;
	p4 =	sne.s32 s17, s22  }
0x23f: {  	p0 =	por !p3, !p4  }
0x240: {  	s19 =	simm.s32 $0x1;
	p0 =	por !p0, !p0  }
0x241: {  	s18 =	sshrl.u32 s18, $0x7;
	s19 =	simm.s32 @!p0 $0x0  }
0x242: {  	s18 =	ssub.s32 s18, s19  }
0x243: {  	s18 =	sshll.u32 s18, $0x7  }
0x244: {  	s18 =	sand.u32 $0x1FFFFF80, s18  }
0x245: {  	s23 =	simm.s32 $0x8800;
	s18 =	sadd.s32 s2, s18  }
0x246: {  	(v2sf) =	vpush v63, $0xA;
	[tilespmem:s23], [sflag:$0x1] =	stream.strided.gather [hbm4b:s18+s9], $0x1000, s11, s9, $0x38;
	[tilespmem:$0x12C00] =	vst v63  }
0x247: {  	s18 =	spop (v2sf)  }
0x248: {  	s24 =	sshra.s32 s18, $0x1F  }
0x249: {  	s19 =	sshrl.u32 s24, $0x19  }
0x24a: {  	s19 =	sadd.s32 s19, s18  }
0x24b: {  	s25 =	sand.u32 $0xFFFFFF80, s19  }
0x24c: {  	p5 =	slt.s32 s18, $0x1;
	p6 =	sne.s32 s18, s25  }
0x24d: {  	p0 =	por !p5, !p6  }
0x24e: {  	s20 =	simm.s32 $0x1;
	p0 =	por !p0, !p0  }
0x24f: {  	s19 =	sshrl.u32 s19, $0x7;
	s20 =	simm.s32 @!p0 $0x0  }
0x250: {  	s19 =	ssub.s32 s19, s20  }
0x251: {  	s19 =	sshll.u32 s19, $0x7  }
0x252: {  	s19 =	sand.u32 $0x1FFFFF80, s19  }
0x253: {  	s26 =	simm.s32 $0x9800;
	s19 =	sadd.s32 s2, s19  }
0x254: {  	(v2sf) =	vpush v63, $0xB;
	[tilespmem:s26], [sflag:$0x1] =	stream.strided.gather [hbm4b:s19+s9], $0x1000, s11, s9, $0x38;
	[tilespmem:$0x12C00] =	vst v63  }
0x255: {  	s19 =	spop (v2sf)  }
0x256: {  	s21 =	sshra.s32 s19, $0x1F  }
0x257: {  	s20 =	sshrl.u32 s21, $0x19  }
0x258: {  	s20 =	sadd.s32 s20, s19  }
0x259: {  	s22 =	sand.u32 $0xFFFFFF80, s20  }
0x25a: {  	p1 =	slt.s32 s19, $0x1;
	p2 =	sne.s32 s19, s22  }
0x25b: {  	p0 =	por !p1, !p2  }
0x25c: {  	s21 =	simm.s32 $0x1;
	p0 =	por !p0, !p0  }
0x25d: {  	s20 =	sshrl.u32 s20, $0x7;
	s21 =	simm.s32 @!p0 $0x0  }
0x25e: {  	s20 =	ssub.s32 s20, s21  }
0x25f: {  	s20 =	sshll.u32 s20, $0x7  }
0x260: {  	s20 =	sand.u32 $0x1FFFFF80, s20  }
0x261: {  	s23 =	simm.s32 $0xA800;
	s20 =	sadd.s32 s2, s20  }
0x262: {  	(v2sf) =	vpush v63, $0xC;
	[tilespmem:s23], [sflag:$0x1] =	stream.strided.gather [hbm4b:s20+s9], $0x1000, s11, s9, $0x38;
	[tilespmem:$0x12C00] =	vst v63  }
0x263: {  	s20 =	spop (v2sf)  }
0x264: {  	s24 =	sshra.s32 s20, $0x1F  }
0x265: {  	s21 =	sshrl.u32 s24, $0x19  }
0x266: {  	s21 =	sadd.s32 s21, s20  }
0x267: {  	s25 =	sand.u32 $0xFFFFFF80, s21  }
0x268: {  	p3 =	slt.s32 s20, $0x1;
	p4 =	sne.s32 s20, s25  }
0x269: {  	p0 =	por !p3, !p4  }
0x26a: {  	s22 =	simm.s32 $0x1;
	p0 =	por !p0, !p0  }
0x26b: {  	s21 =	sshrl.u32 s21, $0x7;
	s22 =	simm.s32 @!p0 $0x0  }
0x26c: {  	s21 =	ssub.s32 s21, s22  }
0x26d: {  	(v2sf) =	vpush v63, $0xD;
	s21 =	sshll.u32 s21, $0x7  }
0x26e: {  	s21 =	sand.u32 $0x1FFFFF80, s21  }
0x26f: {  	s26 =	simm.s32 $0xB800;
	s21 =	sadd.s32 s2, s21  }
0x270: {  	[tilespmem:s26], [sflag:$0x1] =	stream.strided.gather [hbm4b:s21+s9], $0x1000, s11, s9, $0x38;
	[tilespmem:$0x12C00] =	vst v63  }
0x271: {  	s21 =	spop (v2sf)  }
0x272: {  	s23 =	sshra.s32 s21, $0x1F  }
0x273: {  	s22 =	sshrl.u32 s23, $0x19  }
0x274: {  	s22 =	sadd.s32 s22, s21  }
0x275: {  	s24 =	sand.u32 $0xFFFFFF80, s22  }
0x276: {  	p5 =	slt.s32 s21, $0x1;
	p6 =	sne.s32 s21, s24  }
0x277: {  	p0 =	por !p5, !p6  }
0x278: {  	s23 =	simm.s32 $0x1;
	p0 =	por !p0, !p0  }
0x279: {  	s22 =	sshrl.u32 s22, $0x7;
	s23 =	simm.s32 @!p0 $0x0  }
0x27a: {  	(v2sf) =	vpush v63, $0xE;
	s22 =	ssub.s32 s22, s23  }
0x27b: {  	s22 =	sshll.u32 s22, $0x7  }
0x27c: {  	s25 =	sand.u32 $0x1FFFFF80, s22;
	s22 =	spop (v2sf)  }
0x27d: {  	s26 =	simm.s32 $0xC800;
	s23 =	sadd.s32 s2, s25;
	s25 =	sshra.s32 s22, $0x1F  }
0x27e: {  	[tilespmem:s26], [sflag:$0x1] =	stream.strided.gather [hbm4b:s23+s9], $0x1000, s11, s9, $0x38;
	[tilespmem:$0x12C00] =	vst v63  }
0x27f: {  	s23 =	sshrl.u32 s25, $0x19  }
0x280: {  	s23 =	sadd.s32 s23, s22  }
0x281: {  	s26 =	sand.u32 $0xFFFFFF80, s23  }
0x282: {  	p1 =	slt.s32 s22, $0x1;
	p2 =	sne.s32 s22, s26  }
0x283: {  	p0 =	por !p1, !p2  }
0x284: {  	s24 =	simm.s32 $0x1;
	p0 =	por !p0, !p0  }
0x285: {  	s23 =	sshrl.u32 s23, $0x7;
	s24 =	simm.s32 @!p0 $0x0  }
0x286: {  	s23 =	ssub.s32 s23, s24  }
0x287: {  	s23 =	sshll.u32 s23, $0x7  }
0x288: {  	s23 =	sand.u32 $0x1FFFFF80, s23  }
0x289: {  	s26 =	simm.s32 $0xD800;
	s25 =	sadd.s32 s2, s23;
	s23 =	spop (v2sf);
	(v2sf) =	vpush v63, $0xF  }
0x28a: {  	[tilespmem:s26], [sflag:$0x1] =	stream.strided.gather [hbm4b:s25+s9], $0x1000, s11, s9, $0x38;
	[tilespmem:$0x12C00] =	vst v63  }
0x28b: {  	s25 =	sshra.s32 s23, $0x1F  }
0x28c: {  	s24 =	sshrl.u32 s25, $0x19  }
0x28d: {  	s24 =	sadd.s32 s24, s23  }
0x28e: {  	s26 =	sand.u32 $0xFFFFFF80, s24  }
0x28f: {  	p3 =	slt.s32 s23, $0x1;
	p4 =	sne.s32 s23, s26  }
0x290: {  	p0 =	por !p3, !p4  }
0x291: {  	s25 =	simm.s32 $0x1;
	p0 =	por !p0, !p0  }
0x292: {  	s24 =	sshrl.u32 s24, $0x7;
	s25 =	simm.s32 @!p0 $0x0  }
0x293: {  	s24 =	ssub.s32 s24, s25  }
0x294: {  	s24 =	sshll.u32 s24, $0x7  }
0x295: {  	s24 =	sand.u32 $0x1FFFFF80, s24  }
0x296: {  	s26 =	simm.s32 $0xE800;
	s24 =	sadd.s32 s2, s24  }
0x297: {  	[tilespmem:s26], [sflag:$0x1] =	stream.strided.gather [hbm4b:s24+s9], $0x1000, s11, s9, $0x38;
	[tilespmem:$0x12C00] =	vst v63  }
0x298: {  	s24 =	spop (v2sf)  }
0x299: {  	s26 =	sshra.s32 s24, $0x1F  }
0x29a: {  	s25 =	sshrl.u32 s26, $0x19  }
0x29b: {  	s25 =	sadd.s32 s25, s24  }
0x29c: {  	s26 =	sand.u32 $0xFFFFFF80, s25  }
0x29d: {  	p5 =	slt.s32 s24, $0x1;
	p6 =	sne.s32 s24, s26  }
0x29e: {  	p0 =	por !p5, !p6  }
0x29f: {  	s26 =	simm.s32 $0x1;
	p0 =	por !p0, !p0  }
0x2a0: {  	s25 =	sshrl.u32 s25, $0x7;
	s26 =	simm.s32 @!p0 $0x0  }
0x2a1: {  	s25 =	ssub.s32 s25, s26  }
0x2a2: {  	s25 =	sshll.u32 s25, $0x7  }
0x2a3: {  	s25 =	sand.u32 $0x1FFFFF80, s25  }
0x2a4: {  	s25 =	sadd.s32 s2, s25  }
0x2a5: {  	[tilespmem:s7], [sflag:$0x1] =	stream.strided.gather [hbm4b:s25+s9], $0x1000, s11, s9, $0x38;
	[tilespmem:$0x12C00] =	vst v63  }
0x2a6: {  	_ =	swait.ge [sflag:s12], $0x1000  }
0x2a7: {  	[sflag:s12] =	ssyncset.done $0x0  }
0x2a8: {  	[sflag:s12] =	ssyncadd.s32 $0xFFFFF000  }
0x2a9: {  	_ =	swait.ge [sflag:s12], $0x1000  }
0x2aa: {  	[sflag:s12] =	ssyncset.done $0x0  }
0x2ab: {  	[sflag:s12] =	ssyncadd.s32 $0xFFFFF000  }
0x2ac: {  	_ =	swait.ge [sflag:s12], $0x1000  }
0x2ad: {  	[sflag:s12] =	ssyncset.done $0x0  }
0x2ae: {  	[sflag:s12] =	ssyncadd.s32 $0xFFFFF000  }
0x2af: {  	_ =	swait.ge [sflag:s12], $0x1000  }
0x2b0: {  	[sflag:s12] =	ssyncset.done $0x0  }
0x2b1: {  	[sflag:s12] =	ssyncadd.s32 $0xFFFFF000  }
0x2b2: {  	_ =	swait.ge [sflag:s12], $0x1000  }
0x2b3: {  	[sflag:s12] =	ssyncset.done $0x0  }
0x2b4: {  	[sflag:s12] =	ssyncadd.s32 $0xFFFFF000  }
0x2b5: {  	_ =	swait.ge [sflag:s12], $0x1000  }
0x2b6: {  	[sflag:s12] =	ssyncset.done $0x0  }
0x2b7: {  	[sflag:s12] =	ssyncadd.s32 $0xFFFFF000  }
0x2b8: {  	_ =	swait.ge [sflag:s12], $0x1000  }
0x2b9: {  	[sflag:s12] =	ssyncset.done $0x0  }
0x2ba: {  	[sflag:s12] =	ssyncadd.s32 $0xFFFFF000  }
0x2bb: {  	_ =	swait.ge [sflag:s12], $0x1000  }
0x2bc: {  	[sflag:s12] =	ssyncset.done $0x0  }
0x2bd: {  	[sflag:s12] =	ssyncadd.s32 $0xFFFFF000  }
0x2be: {  	_ =	swait.ge [sflag:s12], $0x1000  }
0x2bf: {  	[sflag:s12] =	ssyncset.done $0x0  }
0x2c0: {  	[sflag:s12] =	ssyncadd.s32 $0xFFFFF000  }
0x2c1: {  	_ =	swait.ge [sflag:s12], $0x1000  }
0x2c2: {  	[sflag:s12] =	ssyncset.done $0x0  }
0x2c3: {  	[sflag:s12] =	ssyncadd.s32 $0xFFFFF000  }
0x2c4: {  	_ =	swait.ge [sflag:s12], $0x1000  }
0x2c5: {  	[sflag:s12] =	ssyncset.done $0x0  }
0x2c6: {  	[sflag:s12] =	ssyncadd.s32 $0xFFFFF000  }
0x2c7: {  	_ =	swait.ge [sflag:s12], $0x1000  }
0x2c8: {  	[sflag:s12] =	ssyncset.done $0x0  }
0x2c9: {  	[sflag:s12] =	ssyncadd.s32 $0xFFFFF000  }
0x2ca: {  	_ =	swait.ge [sflag:s12], $0x1000  }
0x2cb: {  	[sflag:s12] =	ssyncset.done $0x0  }
0x2cc: {  	[sflag:s12] =	ssyncadd.s32 $0xFFFFF000  }
0x2cd: {  	_ =	swait.ge [sflag:s12], $0x1000  }
0x2ce: {  	[sflag:s12] =	ssyncset.done $0x0  }
0x2cf: {  	[sflag:s12] =	ssyncadd.s32 $0xFFFFF000  }
0x2d0: {  	_ =	swait.ge [sflag:s12], $0x1000  }
0x2d1: {  	s8 =	sand.u32 $0x7F, s8;
	[sflag:s12] =	ssyncset.done $0x0  }
0x2d2: {  	v1 =	vor.u32 s8, v6;
	[sflag:s12] =	ssyncadd.s32 $0xFFFFF000  }
0x2d3: {  	v3 =	vor.u32 s8, v2;
	_ =	swait.ge [sflag:s12], $0x1000  }
0x2d4: {  	v4 =	vld [tilespmem:$0x1FF80]  }
0x2d5: {  	[sflag:s12] =	ssyncset.done $0x0  }
0x2d6: {  	[sflag:s12] =	ssyncadd.s32 $0xFFFFF000  }
0x2d7: {  	v1 =	vld.idx.msk [tilespmem:v1+s13+$0x0], $0xffff  }
0x2d8: {  	s5 =	sand.u32 $0x7F, s5;
	v3 =	vld.idx.msk [tilespmem:v3+s13+$0x0], $0xffff  }
0x2d9: {  	v4 =	vor.u32 s5, v4  }
0x2da: {  	v5 =	vor.u32 s5, v10;
	_ =	sdelay $0x1  }
0x2db: {  	[tilespmem:v6+s31+$0x0] =	vst.idx.msk $0xffff, v1  }
0x2dc: {  	[tilespmem:v2+s31+$0x0] =	vst.idx.msk $0xffff, v3  }
0x2dd: {  	v1 =	vld.idx.msk [tilespmem:v4+s13+$0x0], $0xffff  }
0x2de: {  	s4 =	sand.u32 $0x7F, s4;
	v3 =	vld.idx.msk [tilespmem:v5+s13+$0x0], $0xffff  }
0x2df: {  	v4 =	vor.u32 s4, v13  }
0x2e0: {  	v5 =	vor.u32 s4, v14;
	_ =	sdelay $0x1  }
0x2e1: {  	[tilespmem:v11+s31+$0x0] =	vst.idx.msk $0xffff, v1  }
0x2e2: {  	[tilespmem:v12+s31+$0x0] =	vst.idx.msk $0xffff, v3  }
0x2e3: {  	v1 =	vld.idx.msk [tilespmem:v4+s13+$0x0], $0xffff  }
0x2e4: {  	s8 =	sand.u32 $0x7F, s10;
	v3 =	vld.idx.msk [tilespmem:v5+s13+$0x0], $0xffff  }
0x2e5: {  	v4 =	vor.u32 s8, v17  }
0x2e6: {  	v5 =	vor.u32 s8, v18;
	_ =	sdelay $0x1  }
0x2e7: {  	[tilespmem:v15+s31+$0x0] =	vst.idx.msk $0xffff, v1  }
0x2e8: {  	[tilespmem:v16+s31+$0x0] =	vst.idx.msk $0xffff, v3  }
0x2e9: {  	v1 =	vld.idx.msk [tilespmem:v4+s13+$0x0], $0xffff  }
0x2ea: {  	s3 =	sand.u32 $0x7F, s3;
	v3 =	vld.idx.msk [tilespmem:v5+s13+$0x0], $0xffff  }
0x2eb: {  	v4 =	vor.u32 s3, v21  }
0x2ec: {  	v5 =	vor.u32 s3, v22;
	_ =	sdelay $0x1  }
0x2ed: {  	[tilespmem:v19+s31+$0x0] =	vst.idx.msk $0xffff, v1  }
0x2ee: {  	[tilespmem:v20+s31+$0x0] =	vst.idx.msk $0xffff, v3  }
0x2ef: {  	v1 =	vld.idx.msk [tilespmem:v4+s13+$0x0], $0xffff  }
0x2f0: {  	s10 =	sand.u32 $0x7F, s14;
	v3 =	vld.idx.msk [tilespmem:v5+s13+$0x0], $0xffff  }
0x2f1: {  	v4 =	vor.u32 s10, v25  }
0x2f2: {  	v5 =	vor.u32 s10, v26;
	_ =	sdelay $0x1  }
0x2f3: {  	[tilespmem:v23+s31+$0x0] =	vst.idx.msk $0xffff, v1  }
0x2f4: {  	[tilespmem:v24+s31+$0x0] =	vst.idx.msk $0xffff, v3  }
0x2f5: {  	v1 =	vld.idx.msk [tilespmem:v4+s13+$0x0], $0xffff  }
0x2f6: {  	s4 =	sand.u32 $0x7F, s15;
	v3 =	vld.idx.msk [tilespmem:v5+s13+$0x0], $0xffff  }
0x2f7: {  	v4 =	vor.u32 s4, v29  }
0x2f8: {  	v5 =	vor.u32 s4, v30;
	_ =	sdelay $0x1  }
0x2f9: {  	[tilespmem:v0+s31+$0x0] =	vst.idx.msk $0xffff, v1  }
0x2fa: {  	[tilespmem:v28+s31+$0x0] =	vst.idx.msk $0xffff, v3  }
0x2fb: {  	v1 =	vld.idx.msk [tilespmem:v4+s13+$0x0], $0xffff  }
0x2fc: {  	s5 =	sand.u32 $0x7F, s16;
	v3 =	vld.idx.msk [tilespmem:v5+s13+$0x0], $0xffff  }
0x2fd: {  	v4 =	vor.u32 s5, v33  }
0x2fe: {  	v5 =	vor.u32 s5, v34;
	_ =	sdelay $0x1  }
0x2ff: {  	[tilespmem:v31+s31+$0x0] =	vst.idx.msk $0xffff, v1  }
0x300: {  	[tilespmem:v32+s31+$0x0] =	vst.idx.msk $0xffff, v3  }
0x301: {  	v1 =	vld.idx.msk [tilespmem:v4+s13+$0x0], $0xffff  }
0x302: {  	s7 =	sand.u32 $0x7F, s17;
	v3 =	vld.idx.msk [tilespmem:v5+s13+$0x0], $0xffff  }
0x303: {  	v4 =	vor.u32 s7, v37  }
0x304: {  	v5 =	vor.u32 s7, v38;
	_ =	sdelay $0x1  }
0x305: {  	[tilespmem:v35+s31+$0x0] =	vst.idx.msk $0xffff, v1  }
0x306: {  	[tilespmem:v36+s31+$0x0] =	vst.idx.msk $0xffff, v3  }
0x307: {  	v1 =	vld.idx.msk [tilespmem:v4+s13+$0x0], $0xffff  }
0x308: {  	s8 =	sand.u32 $0x7F, s18;
	v3 =	vld.idx.msk [tilespmem:v5+s13+$0x0], $0xffff  }
0x309: {  	v4 =	vor.u32 s8, v41  }
0x30a: {  	v5 =	vor.u32 s8, v42;
	_ =	sdelay $0x1  }
0x30b: {  	[tilespmem:v39+s31+$0x0] =	vst.idx.msk $0xffff, v1  }
0x30c: {  	[tilespmem:v40+s31+$0x0] =	vst.idx.msk $0xffff, v3  }
0x30d: {  	v1 =	vld.idx.msk [tilespmem:v4+s13+$0x0], $0xffff  }
0x30e: {  	s10 =	sand.u32 $0x7F, s19;
	v3 =	vld.idx.msk [tilespmem:v5+s13+$0x0], $0xffff  }
0x30f: {  	v4 =	vor.u32 s10, v45  }
0x310: {  	v5 =	vor.u32 s10, v46;
	_ =	sdelay $0x1  }
0x311: {  	[tilespmem:v43+s31+$0x0] =	vst.idx.msk $0xffff, v1  }
0x312: {  	[tilespmem:v44+s31+$0x0] =	vst.idx.msk $0xffff, v3  }
0x313: {  	v1 =	vld.idx.msk [tilespmem:v4+s13+$0x0], $0xffff  }
0x314: {  	s4 =	sand.u32 $0x7F, s20;
	v3 =	vld.idx.msk [tilespmem:v5+s13+$0x0], $0xffff  }
0x315: {  	v4 =	vor.u32 s4, v48  }
0x316: {  	v5 =	vor.u32 s4, v49;
	_ =	sdelay $0x1  }
0x317: {  	[tilespmem:v47+s31+$0x0] =	vst.idx.msk $0xffff, v1  }
0x318: {  	[tilespmem:v50+s31+$0x0] =	vst.idx.msk $0xffff, v3  }
0x319: {  	v1 =	vld.idx.msk [tilespmem:v4+s13+$0x0], $0xffff  }
0x31a: {  	s5 =	sand.u32 $0x7F, s21;
	v3 =	vld.idx.msk [tilespmem:v5+s13+$0x0], $0xffff  }
0x31b: {  	v4 =	vor.u32 s5, v53  }
0x31c: {  	v5 =	vor.u32 s5, v55;
	_ =	sdelay $0x1  }
0x31d: {  	[tilespmem:v51+s31+$0x0] =	vst.idx.msk $0xffff, v1  }
0x31e: {  	[tilespmem:v52+s31+$0x0] =	vst.idx.msk $0xffff, v3  }
0x31f: {  	v1 =	vld.idx.msk [tilespmem:v4+s13+$0x0], $0xffff  }
0x320: {  	s7 =	sand.u32 $0x7F, s22;
	v3 =	vld.idx.msk [tilespmem:v5+s13+$0x0], $0xffff  }
0x321: {  	v4 =	vor.u32 s7, v57  }
0x322: {  	v5 =	vor.u32 s7, v58;
	_ =	sdelay $0x1  }
0x323: {  	[tilespmem:v54+s31+$0x0] =	vst.idx.msk $0xffff, v1  }
0x324: {  	[tilespmem:v56+s31+$0x0] =	vst.idx.msk $0xffff, v3  }
0x325: {  	v1 =	vld.idx.msk [tilespmem:v4+s13+$0x0], $0xffff  }
0x326: {  	s8 =	sand.u32 $0x7F, s23;
	v3 =	vld.idx.msk [tilespmem:v5+s13+$0x0], $0xffff  }
0x327: {  	v4 =	vor.u32 s8, v60  }
0x328: {  	v5 =	vor.u32 s8, v62;
	_ =	sdelay $0x1  }
0x329: {  	v0 =	vld [tilespmem:$0x1FFF0];
	[tilespmem:v59+s31+$0x0] =	vst.idx.msk $0xffff, v1  }
0x32a: {  	[tilespmem:v61+s31+$0x0] =	vst.idx.msk $0xffff, v3  }
0x32b: {  	v1 =	vld.idx.msk [tilespmem:v4+s13+$0x0], $0xffff  }
0x32c: {  	s10 =	sand.u32 $0x7F, s24;
	v3 =	vld.idx.msk [tilespmem:v5+s13+$0x0], $0xffff  }
0x32d: {  	v4 =	vor.u32 s10, v8  }
0x32e: {  	v5 =	vor.u32 s10, v0  }
0x32f: {  	v0 =	vld [tilespmem:$0x1FFB0]  }
0x330: {  	[tilespmem:v27+s31+$0x0] =	vst.idx.msk $0xffff, v1  }
0x331: {  	[tilespmem:v7+s31+$0x0] =	vst.idx.msk $0xffff, v3  }
0x332: {  	v1 =	vld.idx.msk [tilespmem:v4+s13+$0x0], $0xffff  }
0x333: {  	v3 =	vld.idx.msk [tilespmem:v5+s13+$0x0], $0xffff;
	_ =	sdelay $0x3  }
0x334: {  	[tilespmem:v0+s31+$0x0] =	vst.idx.msk $0xffff, v1  }
0x335: {  	[tilespmem:v9+s31+$0x0] =	vst.idx.msk $0xffff, v3  }
0x336: {  	v1 =	vld [tilespmem:$0x10800]  }
0x337: {  	v3 =	vld [tilespmem:$0x11800]  }
0x338: {  	v4 =	vld [tilespmem:$0x10880]  }
0x339: {  	v5 =	vld [tilespmem:$0x11880]  }
0x33a: {  	v63 =	vld [tilespmem:$0x10900]  }
0x33b: {  	v6 =	vld [tilespmem:$0x11900]  }
0x33c: {  	v9 =	vmov v7;
	v7 =	vld [tilespmem:$0x11980];
	v1 =	vmul.f32 v3, v1  }
0x33d: {  	v3 =	vld [tilespmem:$0x10980]  }
0x33e: {  	v27 =	vmov v8;
	v8 =	vld [tilespmem:$0x11A00];
	v4 =	vmul.f32 v5, v4;
	v1 =	vadd.f32 $0.0e+00, v1  }
0x33f: {  	v5 =	vld [tilespmem:$0x10A00]  }
0x340: {  	v1 =	vadd.f32 v4, v1;
	v4 =	vmul.f32 v6, v63;
	v6 =	vld [tilespmem:$0x10A80]  }
0x341: {  	v63 =	vld [tilespmem:$0x11A80]  }
0x342: {  	v3 =	vmul.f32 v7, v3;
	v7 =	vld [tilespmem:$0x11B00];
	v1 =	vadd.f32 v4, v1  }
0x343: {  	v4 =	vld [tilespmem:$0x10B00]  }
0x344: {  	v1 =	vadd.f32 v3, v1;
	v3 =	vmul.f32 v8, v5;
	v5 =	vld [tilespmem:$0x10B80]  }
0x345: {  	v8 =	vld [tilespmem:$0x11B80]  }
0x346: {  	v1 =	vadd.f32 v3, v1;
	v3 =	vmul.f32 v63, v6;
	v6 =	vld [tilespmem:$0x10C00]  }
0x347: {  	v63 =	vld [tilespmem:$0x11C00]  }
0x348: {  	v1 =	vadd.f32 v3, v1;
	v3 =	vmul.f32 v7, v4;
	v4 =	vld [tilespmem:$0x10C80]  }
0x349: {  	v7 =	vld [tilespmem:$0x11C80]  }
0x34a: {  	v1 =	vadd.f32 v3, v1;
	v3 =	vmul.f32 v8, v5;
	v5 =	vld [tilespmem:$0x10D00]  }
0x34b: {  	v8 =	vld [tilespmem:$0x11D00]  }
0x34c: {  	v1 =	vadd.f32 v3, v1;
	v3 =	vmul.f32 v63, v6;
	v6 =	vld [tilespmem:$0x10D80]  }
0x34d: {  	v63 =	vld [tilespmem:$0x11D80]  }
0x34e: {  	v1 =	vadd.f32 v3, v1;
	v3 =	vmul.f32 v7, v4;
	v4 =	vld [tilespmem:$0x10E00]  }
0x34f: {  	v7 =	vld [tilespmem:$0x11E00]  }
0x350: {  	v1 =	vadd.f32 v3, v1;
	v3 =	vmul.f32 v8, v5;
	v5 =	vld [tilespmem:$0x10E80]  }
0x351: {  	v8 =	vld [tilespmem:$0x11E80]  }
0x352: {  	v1 =	vadd.f32 v3, v1;
	v3 =	vmul.f32 v63, v6;
	v6 =	vld [tilespmem:$0x10F00]  }
0x353: {  	v63 =	vld [tilespmem:$0x11F00]  }
0x354: {  	v1 =	vadd.f32 v3, v1;
	v3 =	vmul.f32 v7, v4;
	v4 =	vld [tilespmem:$0x10F80]  }
0x355: {  	v7 =	vld [tilespmem:$0x11F80]  }
0x356: {  	v1 =	vadd.f32 v3, v1;
	v3 =	vmul.f32 v8, v5;
	v5 =	vld [tilespmem:$0x11000]  }
0x357: {  	v8 =	vld [tilespmem:$0x12000]  }
0x358: {  	v1 =	vadd.f32 v3, v1;
	v3 =	vmul.f32 v63, v6;
	v6 =	vld [tilespmem:$0x11080]  }
0x359: {  	v63 =	vld [tilespmem:$0x12080]  }
0x35a: {  	v1 =	vadd.f32 v3, v1;
	v3 =	vmul.f32 v7, v4;
	v4 =	vld [tilespmem:$0x11100]  }
0x35b: {  	v7 =	vld [tilespmem:$0x12100]  }
0x35c: {  	v1 =	vadd.f32 v3, v1;
	v3 =	vmul.f32 v8, v5;
	v5 =	vld [tilespmem:$0x11180]  }
0x35d: {  	v8 =	vld [tilespmem:$0x12180]  }
0x35e: {  	v1 =	vadd.f32 v3, v1;
	v3 =	vmul.f32 v63, v6;
	v6 =	vld [tilespmem:$0x11200]  }
0x35f: {  	v63 =	vld [tilespmem:$0x12200]  }
0x360: {  	v1 =	vadd.f32 v3, v1;
	v3 =	vmul.f32 v7, v4;
	v4 =	vld [tilespmem:$0x11280]  }
0x361: {  	v7 =	vld [tilespmem:$0x12280]  }
0x362: {  	v1 =	vadd.f32 v3, v1;
	v3 =	vmul.f32 v8, v5;
	v5 =	vld [tilespmem:$0x11300]  }
0x363: {  	v8 =	vld [tilespmem:$0x12300]  }
0x364: {  	v1 =	vadd.f32 v3, v1;
	v3 =	vmul.f32 v63, v6;
	v6 =	vld [tilespmem:$0x11380]  }
0x365: {  	v63 =	vld [tilespmem:$0x12380]  }
0x366: {  	v1 =	vadd.f32 v3, v1;
	v3 =	vmul.f32 v7, v4;
	v4 =	vld [tilespmem:$0x11400]  }
0x367: {  	v7 =	vld [tilespmem:$0x12400]  }
0x368: {  	v1 =	vadd.f32 v3, v1;
	v3 =	vmul.f32 v8, v5;
	v5 =	vld [tilespmem:$0x11480]  }
0x369: {  	v8 =	vld [tilespmem:$0x12480]  }
0x36a: {  	v1 =	vadd.f32 v3, v1;
	v3 =	vmul.f32 v63, v6;
	v6 =	vld [tilespmem:$0x11500]  }
0x36b: {  	v63 =	vld [tilespmem:$0x12500]  }
0x36c: {  	v1 =	vadd.f32 v3, v1;
	v3 =	vmul.f32 v7, v4;
	v4 =	vld [tilespmem:$0x11580]  }
0x36d: {  	v7 =	vld [tilespmem:$0x12580]  }
0x36e: {  	v1 =	vadd.f32 v3, v1;
	v3 =	vmul.f32 v8, v5;
	v5 =	vld [tilespmem:$0x11600]  }
0x36f: {  	v8 =	vld [tilespmem:$0x12600]  }
0x370: {  	v1 =	vadd.f32 v3, v1;
	v3 =	vmul.f32 v63, v6;
	v6 =	vld [tilespmem:$0x11680]  }
0x371: {  	v63 =	vld [tilespmem:$0x12680]  }
0x372: {  	v1 =	vadd.f32 v3, v1;
	v3 =	vmul.f32 v7, v4;
	v4 =	vld [tilespmem:$0x11700]  }
0x373: {  	v7 =	vld [tilespmem:$0x12700]  }
0x374: {  	v1 =	vadd.f32 v3, v1;
	v3 =	vmul.f32 v8, v5;
	v5 =	vld [tilespmem:$0x11780]  }
0x375: {  	v8 =	vld [tilespmem:$0x12780]  }
0x376: {  	v1 =	vadd.f32 v3, v1;
	v3 =	vmul.f32 v63, v6;
	_ =	sdelay $0x1  }
0x377: {  	v1 =	vadd.f32 v3, v1;
	v3 =	vmul.f32 v7, v4  }
0x378: {  	v4 =	vld [tilespmem:s29+$0x0]  }
0x379: {  	v1 =	vadd.f32 v3, v1;
	v3 =	vmul.f32 v8, v5;
	_ =	sdelay $0x1  }
0x37a: {  	v1 =	vadd.f32 v3, v1  }
0x37b: {  	v3 =	vld [tilespmem:$0x12800]  }
0x37c: {  	v1 =	vsub.f32 v4, v1  }
0x37d: {  	s1 =	sadd.s32 $0x10, s1;
	p0 =	sne.s32 s6, $0x1F  }
.Ltmp0:
0x37e: {  	s14 =	simm.s32 $0x1800;
	s6 =	sadd.s32 $0x1, s6;
	v1 =	vmul.f32 v1, v1;
	(pc) =	sbr.rel @p0 .LBB2_2-.Ltmp0, $4  }
0x37f: {  	s26 =	simm.s32 $0xE800;
	s25 =	simm.s32 $0xD800;
	s17 =	simm.s32 $0x5800  }
0x380: {  	s16 =	simm.s32 $0x4800;
	v2 =	vld [tilespmem:$0x1FFE0];
	s15 =	simm.s32 $0x3800;
	s18 =	simm.s32 $0x6800;
	v1 =	vadd.f32 v1, v3  }
0x381: {  	s19 =	simm.s32 $0x7800;
	s20 =	simm.s32 $0x8800;
	s21 =	simm.s32 $0x9800;
	v6 =	vld [tilespmem:$0x1FFD0]  }
0x382: {  	s22 =	simm.s32 $0xA800;
	s23 =	simm.s32 $0xB800;
	s24 =	simm.s32 $0xC800;
	v8 =	vmov v27;
	v27 =	vld [tilespmem:$0x1FFF0];
	[tilespmem:$0x12800] =	vst v1  }
0x383: {  	s7 =	simm.s32 $0x0;
	s1 =	rddreg [dreg:$0x6];
	s3 =	simm.s32 $0x12800  }
0x384: {  	[hbm4b:s1+s7] =	stream.linear.scatter [tilespmem:s3], [sflag:$0x2], $0x400, $0x38;
	[tilespmem:$0x12C00] =	vst v63  }
0x385: {  	s3 =	simm.s32 $0x2  }
0x386: {  	_ =	swait.ge [sflag:s3], $0x400  }
0x387: {  	s4 =	rddreg [dreg:$0x8]  }
0x388: {  	s29 =	rddreg [dreg:$0x7];
	s4 =	sadd.s32 $0x1, s4  }
0x389: {  	p0 =	sne.s32 s4, s29  }
.Ltmp1:
0x38a: {  	_ = 	snop;
	(pc) =	sbr.rel @p0 .LBB2_1-.Ltmp1, $3  }
0x38b: {  	_ =	sdelay $0x1  }
0x38c: {  	[sflag:s3] =	ssyncset.done $0x0  }
0x38d: {  	[sflag:s3] =	ssyncadd.s32 $0xFFFFFC00  }
0x38e: {  	_ =	sfence.sel $0x180000  }
0x38f: {  	[bflag:$0x0] =	sbarrier.arrive $0xFFFF  }
0x390: {  	_ =	strace $0x90000047  }
0x391: {  	s0 =	stileid.u32;
	[bflag:$0x2] =	sbarrier.arrive $0xFFFF  }
0x392: {  	p0 =	sne.s32 s0, $0x0;
	s0 =	rddreg [dreg:$0x3]  }
0x393: {  	s0 =	sadd.s32 @!p0 $0x100000, s0  }
0x394: {  	[sflag:s0] =	ssyncadd.tile.s32 @!p0 $0x1;
	_ =	shalt  }
.Lfunc_end2:
_tile_overlayer_lowered:
.L_overlay_start_2:
0x395: {  	(tag) =	ssettag $0x2  }
0x396: {  	s0 =	rddreg [dreg:$0x0];
	s2 =	stileid.u32  }
0x397: {  	s1 =	rddreg [dreg:$0x1];
	p0 =	sne.s32 s2, $0x0  }
0x398: {  	s3 =	rddreg [dreg:$0x2];
	[bflag:$0x3] =	sbarrier.arrive $0xFFFF;
	s2 =	simm.s32 @!p0 $0x1C02  }
0x399: {  	[timem:s3], [sflag:s2] =	dma.local @!p0 [hbm:s0], s1  }
0x39a: {  	s0 =	simm.s32 @!p0 $0x2  }
0x39b: {  	_ =	swait.ge @!p0 [sflag:s0], s1  }
0x39c: {  	s1 =	ssub.s32 @!p0 $0x0, s1;
	[sflag:s0] =	ssyncset.done @!p0 $0x0  }
0x39d: {  	[sflag:s0] =	ssyncadd.s32 @!p0 s1  }
0x39e: {  	[bflag:$0x3] =	sbarrier.arrive $0xFFFF  }
0x39f: {  	_ =	shalt  }

</sc_bundles>
